<compile_context>
chip_gen: v7x
topology: tpu7x:2x2x1
jax: 0.10.2.dev20260603
libtpu: 0.0.44.dev20260713+nightly
codegen_flags: <defaults>
</compile_context>

<pallas_src>
import functools

import jax
import jax.numpy as jnp
import numpy as np
from jax import lax
from jax.experimental import pallas as pl
from jax.experimental.pallas import tpu as pltpu
from jax.experimental.pallas import tpu_sc as plsc

H = 128
NH = 16
HD = H // NH
G = 20
EF = 4
K = 16
R_MAX = 10.0

BN = 400
BE = BN * K
BR = 200

SC_NC = 2
SC_NS = 16
SC_NW = SC_NC * SC_NS
SC_CH = 128
TD = 256

_INV_SQRT_HD = 1.0 / float(np.sqrt(HD))
_GS_SPACING = R_MAX / (G - 1)
_GS_COEFF = float(-0.5 / _GS_SPACING**2)

_OFFSETS = np.linspace(0.0, R_MAX, G, dtype=np.float32).reshape(1, G)
_EFC = np.array([[0.0, 1.0, 0.0, -1.0],
                 [0.0, 0.0, 1.0, -1.0],
                 [1.0, -1.0, -1.0, 1.0],
                 [0.0, 0.0, 0.0, 1.0]], dtype=np.float32)
_R_EXP = np.zeros((EF, EF * G), dtype=np.float32)
_T_EXP = np.zeros((G, EF * G), dtype=np.float32)
for _i in range(EF):
    for _j in range(G):
        _R_EXP[_i, _i * G + _j] = 1.0
        _T_EXP[_j, _i * G + _j] = 1.0
_SH = np.zeros((H, NH), dtype=np.float32)
for _c in range(H):
    _SH[_c, _c // HD] = 1.0
_SHT = _SH.T.copy()


def _dot(a, b, precision=lax.Precision.DEFAULT):
    return lax.dot_general(a, b, (((1,), (0,)), ((), ())),
                           preferred_element_type=jnp.float32,
                           precision=precision)


def _ln_relu(pre, g, be):
    mu = jnp.mean(pre, axis=1, keepdims=True)
    var = jnp.mean((pre - mu) ** 2, axis=1, keepdims=True)
    nh = (pre - mu) / jnp.sqrt(var + 1e-5) * g + be
    return jnp.maximum(nh, 0.0)


def _expand_edges(a, bn):
    return jnp.broadcast_to(a[:, None, :], (bn, K, a.shape[1])).reshape(bn * K, a.shape[1])


def _sigmoid(z):
    return 1.0 / (1.0 + jnp.exp(-z))



KNN_CW = 2560


def _knn_body(win_ref, x_blk, bat_blk, xt_blk, batc_blk, nbr_ref, vscr, iscr):
    i = pl.program_id(0)
    j = pl.program_id(1)
    ncj = pl.num_programs(1)
    inf = jnp.float32(np.inf)
    big = jnp.int32(2**30)

    @pl.when(j == 0)
    def _():
        vscr[...] = jnp.full((BR, K), inf, jnp.float32)
        iscr[...] = jnp.full((BR, K), big, jnp.int32)

    s = win_ref[2 * i]
    e = win_ref[2 * i + 1]
    active = (e > j * KNN_CW) & (s < (j + 1) * KNN_CW)

    @pl.when(active)
    def _():
        rows = x_blk[...]
        xt = xt_blk[...]
        rows2 = jnp.sum(rows * rows, axis=1, keepdims=True)
        col2 = jnp.sum(xt * xt, axis=0, keepdims=True)
        d2 = rows2 - 2.0 * _dot(rows, xt, lax.Precision.HIGHEST) + col2
        cols = j * KNN_CW + lax.broadcasted_iota(jnp.int32, (1, KNN_CW), 1)
        rowids = i * BR + lax.broadcasted_iota(jnp.int32, (BR, 1), 0)
        bad = (bat_blk[...] != batc_blk[...]) | (cols == rowids)
        d2 = jnp.where(bad, inf, d2)
        vals = jnp.concatenate([vscr[...], d2], axis=1)
        idxs = jnp.concatenate(
            [iscr[...], jnp.broadcast_to(cols, (BR, KNN_CW))], axis=1)
        vouts, iouts = [], []
        for _k in range(K):
            mn = jnp.min(vals, axis=1, keepdims=True)
            cand = jnp.where(vals == mn, idxs, big)
            pick = jnp.min(cand, axis=1, keepdims=True)
            vouts.append(mn)
            iouts.append(pick)
            vals = jnp.where(idxs == pick, inf, vals)
        vscr[...] = jnp.concatenate(vouts, axis=1)
        iscr[...] = jnp.concatenate(iouts, axis=1)

    @pl.when(j == ncj - 1)
    def _():
        nbr_ref[...] = iscr[...]


def _knn(x, batch, n):
    npad = ((n + KNN_CW - 1) // KNN_CW) * KNN_CW
    xt = jnp.concatenate(
        [x.T, jnp.zeros((3, npad - n), jnp.float32)], axis=1)
    batc = jnp.concatenate(
        [batch.reshape(1, n), jnp.full((1, npad - n), -1, batch.dtype)], axis=1)
    grid = n // BR
    nchunk = npad // KNN_CW
    firsts = batch[::BR]
    lasts = batch[BR - 1::BR]
    starts = jnp.searchsorted(batch, firsts, side='left').astype(jnp.int32)
    ends = jnp.searchsorted(batch, lasts, side='right').astype(jnp.int32)
    win = jnp.stack([starts, ends], axis=1).reshape(2 * grid)
    grid_spec = pltpu.PrefetchScalarGridSpec(
        num_scalar_prefetch=1,
        grid=(grid, nchunk),
        in_specs=[
            pl.BlockSpec((BR, 3), lambda i, j, w: (i, 0)),
            pl.BlockSpec((BR, 1), lambda i, j, w: (i, 0)),
            pl.BlockSpec((3, KNN_CW), lambda i, j, w: (0, j)),
            pl.BlockSpec((1, KNN_CW), lambda i, j, w: (0, j)),
        ],
        out_specs=pl.BlockSpec((BR, K), lambda i, j, w: (i, 0)),
        scratch_shapes=[
            pltpu.VMEM((BR, K), jnp.float32),
            pltpu.VMEM((BR, K), jnp.int32),
        ],
    )
    return pl.pallas_call(
        _knn_body,
        grid_spec=grid_spec,
        out_shape=jax.ShapeDtypeStruct((n, K), jnp.int32),
    )(win, x, batch.reshape(n, 1), xt, batc)



def _sc_gather(table, idx3, ep, d):
    nch = ep // (SC_NW * SC_CH)
    mesh = plsc.VectorSubcoreMesh(core_axis_name="c", subcore_axis_name="s")

    @functools.partial(
        pl.kernel,
        mesh=mesh,
        out_type=jax.ShapeDtypeStruct((ep, d), jnp.float32),
        scratch_types=[
            pltpu.VMEM((nch, SC_CH), jnp.int32),
            pltpu.VMEM((SC_CH, d), jnp.float32),
            pltpu.VMEM((SC_CH, d), jnp.float32),
            pltpu.SemaphoreType.DMA,
            pltpu.SemaphoreType.DMA,
        ],
    )
    def gk(table_hbm, idx_hbm, out_hbm, idx_v, rows_a, rows_b, sem_a, sem_b):
        c = lax.axis_index("c")
        s = lax.axis_index("s")
        wid = s * SC_NC + c
        pltpu.sync_copy(idx_hbm.at[wid], idx_v)
        bufs = ((rows_a, sem_a), (rows_b, sem_b))
        pltpu.async_copy(table_hbm.at[idx_v.at[0]], rows_a, sem_a)

        def body(i, carry):
            for b in range(2):
                j = 2 * i + b
                rv, sm = bufs[b]
                nrv, nsm = bufs[1 - b]

                @pl.when(j + 1 < nch)
                def _():
                    pltpu.async_copy(table_hbm.at[idx_v.at[j + 1]], nrv, nsm)

                pltpu.make_async_copy(table_hbm.at[idx_v.at[j]], rv, sm).wait()
                row0 = (wid * nch + j) * SC_CH
                pltpu.sync_copy(rv, out_hbm.at[pl.ds(row0, SC_CH)])
            return carry

        lax.fori_loop(0, nch // 2, body, 0)

    return gk(table, idx3)



def _x2h_body(h_blk, x_blk, m_blk, g1_blk,
              efc, rexp, texp, off, sh, sht,
              kv_ef, kv_rf, kv_hd, kv_hs, kv_b1, kv_g, kv_be,
              kw2, kb2, vw2, vb2, ewt, ewb,
              qw1, qb1, qg, qbe, qw2, qb2,
              ow1a, ow1b, ob1, og, obe, ow2, ob2,
              hout_ref, xm_ref):
    h = h_blk[...]
    g1 = g1_blk[...]
    hs = g1[:, 0:H]
    xs = g1[:, H:H + 3]
    ms = g1[:, H + 3:H + 4]
    xm_ref[...] = g1[:, H:H + 16]

    xd = _expand_edges(x_blk[...], BN)
    md = _expand_edges(m_blk[...], BN)

    rel = xd - xs
    dist = jnp.sqrt(jnp.sum(rel * rel, axis=1, keepdims=True))
    gs = jnp.exp(_GS_COEFF * (dist - off[...]) ** 2)
    ns = (ms == 1.0).astype(jnp.float32)
    nd = (md == 1.0).astype(jnp.float32)
    efm = efc[...]
    ef = ns * efm[0:1] + nd * efm[1:2] + (ns * nd) * efm[2:3] + efm[3:4]
    rf = _dot(ef, rexp[...]) * _dot(gs, texp[...])

    hd_pre = _dot(h, kv_hd[...])
    pre = (_dot(ef, kv_ef[...]) + _dot(rf, kv_rf[...])
           + _dot(hs, kv_hs[...]) + _expand_edges(hd_pre, BN) + kv_b1[...])
    ak = _ln_relu(pre[:, 0:H], kv_g[:, 0:H], kv_be[:, 0:H])
    av = _ln_relu(pre[:, H:2 * H], kv_g[:, H:2 * H], kv_be[:, H:2 * H])
    kk = _dot(ak, kw2[...]) + kb2[...]
    vv = _dot(av, vw2[...]) + vb2[...]
    e_w = _sigmoid(jnp.sum(rf * ewt[...], axis=1, keepdims=True) + ewb[...])
    vv = vv * e_w

    q = _dot(_ln_relu(_dot(h, qw1[...]) + qb1[...], qg[...], qbe[...]),
             qw2[...]) + qb2[...]
    qe = _expand_edges(q, BN)

    scores = _dot(qe * (kk * _INV_SQRT_HD), sh[...])
    s3 = scores.reshape(BN, K, NH)
    smax = jnp.max(s3, axis=1, keepdims=True)
    ex = jnp.exp(s3 - smax)
    den = jnp.sum(ex, axis=1, keepdims=True)
    alpha = (ex / (den + 1e-16)).reshape(BE, NH)
    af = _dot(alpha, sht[...])
    outn = (af * vv).reshape(BN, K, H).sum(axis=1)

    o_pre = _dot(outn, ow1a[...]) + _dot(h, ow1b[...]) + ob1[...]
    o = _dot(_ln_relu(o_pre, og[...], obe[...]), ow2[...]) + ob2[...]
    hout_ref[...] = o + h



def _h2x_body(h_blk, x_blk, m_blk, g2_blk, xm_blk,
              efc, rexp, texp, off, sh,
              kv_ef, kv_rf, kv_hd, kv_hs, kv_b1, kv_g, kv_be,
              kw2, kb2, vw2, vb2, ewt, ewb,
              qw1, qb1, qg, qbe, qw2, qb2,
              xout_ref):
    h = h_blk[...]
    x = x_blk[...]
    mf = m_blk[...]
    hs = g2_blk[...]
    xm = xm_blk[...]
    xs = xm[:, 0:3]
    ms = xm[:, 3:4]

    xd = _expand_edges(x, BN)
    md = _expand_edges(mf, BN)

    rel = xd - xs
    dist = jnp.sqrt(jnp.sum(rel * rel, axis=1, keepdims=True))
    gs = jnp.exp(_GS_COEFF * (dist - off[...]) ** 2)
    ns = (ms == 1.0).astype(jnp.float32)
    nd = (md == 1.0).astype(jnp.float32)
    efm = efc[...]
    ef = ns * efm[0:1] + nd * efm[1:2] + (ns * nd) * efm[2:3] + efm[3:4]
    rf = _dot(ef, rexp[...]) * _dot(gs, texp[...])

    hd_pre = _dot(h, kv_hd[...])
    pre = (_dot(ef, kv_ef[...]) + _dot(rf, kv_rf[...])
           + _dot(hs, kv_hs[...]) + _expand_edges(hd_pre, BN) + kv_b1[...])
    ak = _ln_relu(pre[:, 0:H], kv_g[:, 0:H], kv_be[:, 0:H])
    av = _ln_relu(pre[:, H:2 * H], kv_g[:, H:2 * H], kv_be[:, H:2 * H])
    kk = _dot(ak, kw2[...]) + kb2[...]
    vv = _dot(av, vw2[...]) + vb2[...]
    e_w = _sigmoid(jnp.sum(rf * ewt[...], axis=1, keepdims=True) + ewb[...])
    vv = vv * e_w

    q = _dot(_ln_relu(_dot(h, qw1[...]) + qb1[...], qg[...], qbe[...]),
             qw2[...]) + qb2[...]
    qe = _expand_edges(q, BN)

    scores = _dot(qe * (kk * _INV_SQRT_HD), sh[...])
    s3 = scores.reshape(BN, K, NH)
    smax = jnp.max(s3, axis=1, keepdims=True)
    ex = jnp.exp(s3 - smax)
    den = jnp.sum(ex, axis=1, keepdims=True)
    alpha = (ex / (den + 1e-16)).reshape(BE, NH)

    w_e = jnp.sum(alpha * vv, axis=1, keepdims=True) * (1.0 / NH)
    delta = (w_e * rel).reshape(BN, K, 3).sum(axis=1)
    xout_ref[...] = x + delta * mf



def _row(v):
    return v.reshape(1, -1)


def _prep_kv(pa, pb):
    w1 = jnp.concatenate([pa['w1'], pb['w1']], axis=1)
    return dict(
        ef=w1[0:EF], rf=w1[EF:EF + EF * G],
        hd=w1[EF + EF * G:EF + EF * G + H], hs=w1[EF + EF * G + H:],
        b1=_row(jnp.concatenate([pa['b1'], pb['b1']])),
        g=_row(jnp.concatenate([pa['g'], pb['g']])),
        be=_row(jnp.concatenate([pa['be'], pb['be']])),
        aw2=pa['w2'], ab2=_row(pa['b2']),
        bw2=pb['w2'], bb2=_row(pb['b2']),
    )


def _prep_mlp(p):
    return (p['w1'], _row(p['b1']), _row(p['g']), _row(p['be']),
            p['w2'], _row(p['b2']))


def _const_ops():
    return (jnp.asarray(_EFC), jnp.asarray(_R_EXP), jnp.asarray(_T_EXP),
            jnp.asarray(_OFFSETS), jnp.asarray(_SH), jnp.asarray(_SHT))


def _full_spec(a):
    return pl.BlockSpec(a.shape, lambda i: tuple(0 for _ in a.shape))


def _x2h_call(h, x, mf, g1, p, n):
    kv = _prep_kv(p['hk'], p['hv'])
    qm = _prep_mlp(p['hq'])
    om = _prep_mlp(p['out'])
    ow1a, ow1b = om[0][0:H], om[0][H:2 * H]
    consts = _const_ops()
    ops = [h, x, mf, g1, *consts,
           kv['ef'], kv['rf'], kv['hd'], kv['hs'], kv['b1'], kv['g'], kv['be'],
           kv['aw2'], kv['ab2'], kv['bw2'], kv['bb2'],
           p['ew_w'].reshape(1, EF * G), p['ew_b'].reshape(1, 1),
           qm[0], qm[1], qm[2], qm[3], qm[4], qm[5],
           ow1a, ow1b, om[1], om[2], om[3], om[4], om[5]]
    in_specs = [
        pl.BlockSpec((BN, H), lambda i: (i, 0)),
        pl.BlockSpec((BN, 3), lambda i: (i, 0)),
        pl.BlockSpec((BN, 1), lambda i: (i, 0)),
        pl.BlockSpec((BE, TD), lambda i: (i, 0)),
    ] + [_full_spec(a) for a in ops[4:]]
    return pl.pallas_call(
        _x2h_body,
        grid=(n // BN,),
        in_specs=in_specs,
        out_specs=[pl.BlockSpec((BN, H), lambda i: (i, 0)),
                   pl.BlockSpec((BE, 16), lambda i: (i, 0))],
        out_shape=[jax.ShapeDtypeStruct((n, H), jnp.float32),
                   jax.ShapeDtypeStruct((n * K, 16), jnp.float32)],
    )(*ops)


def _h2x_call(h, x, mf, g2, xm, p, n):
    kv = _prep_kv(p['xk'], p['xv'])
    qm = _prep_mlp(p['xq'])
    consts = _const_ops()
    ops = [h, x, mf, g2, xm, *consts[:5],
           kv['ef'], kv['rf'], kv['hd'], kv['hs'], kv['b1'], kv['g'], kv['be'],
           kv['aw2'], kv['ab2'], kv['bw2'], kv['bb2'],
           p['ew_w'].reshape(1, EF * G), p['ew_b'].reshape(1, 1),
           qm[0], qm[1], qm[2], qm[3], qm[4], qm[5]]
    in_specs = [
        pl.BlockSpec((BN, H), lambda i: (i, 0)),
        pl.BlockSpec((BN, 3), lambda i: (i, 0)),
        pl.BlockSpec((BN, 1), lambda i: (i, 0)),
        pl.BlockSpec((BE, H), lambda i: (i, 0)),
        pl.BlockSpec((BE, 16), lambda i: (i, 0)),
    ] + [_full_spec(a) for a in ops[5:]]
    return pl.pallas_call(
        _h2x_body,
        grid=(n // BN,),
        in_specs=in_specs,
        out_specs=pl.BlockSpec((BN, 3), lambda i: (i, 0)),
        out_shape=jax.ShapeDtypeStruct((n, 3), jnp.float32),
    )(*ops)



def kernel(h, x, mask_ligand, batch, params):
    n = h.shape[0]
    e = n * K
    ep = ((e + SC_NW * SC_CH - 1) // (SC_NW * SC_CH)) * (SC_NW * SC_CH)
    h = h.astype(jnp.float32)
    x = x.astype(jnp.float32)
    mf = mask_ligand.astype(jnp.float32).reshape(n, 1)

    nbr = _knn(x, batch.astype(jnp.int32), n)
    src = nbr.reshape(e)
    idx3 = jnp.concatenate(
        [src, jnp.zeros((ep - e,), jnp.int32)]).reshape(SC_NW, ep // (SC_NW * SC_CH), SC_CH)

    pad = jnp.zeros((n, TD - H - 4), jnp.float32)
    for p in params:
        table = jnp.concatenate([h, x, mf, pad], axis=1)
        g1 = _sc_gather(table, idx3, ep, TD)
        h, xm = _x2h_call(h, x, mf, g1, p['x2h'], n)
        g2 = _sc_gather(h, idx3, ep, H)
        x = _h2x_call(h, x, mf, g2, xm, p['h2x'], n)
    return (x, h)

# --- scband reference (transcript-rebuilt; emitter-appended) ---
"""Pipeline reference for scband-uni-transformer-o2-two-update-general-68942815036035 (READ-ONLY COPY).

The authoritative reference and input builder live on the scoring server;
editing this copy changes nothing except your own understanding.
"""

import jax, jax.numpy as jnp
import numpy as np

H = 128
NH = 16
G = 20
EF = 4
K = 16
NUM_LAYERS = 2
NUM_BLOCKS = 1
R_MAX = 10.0
N_NODES = 10000


def mk_mlp(key, din, dh, dout):
    k1, k2 = jax.random.split(key)
    return {'w1': jax.random.normal(k1, (din, dh), dtype=jnp.float32) * 0.02,
            'b1': jnp.zeros((dh,), jnp.float32),
            'g': jnp.ones((dh,), jnp.float32),
            'be': jnp.zeros((dh,), jnp.float32),
            'w2': jax.random.normal(k2, (dh, dout), dtype=jnp.float32) * 0.02,
            'b2': jnp.zeros((dout,), jnp.float32)}


def mlp_apply(p, x):
    # Linear -> LayerNorm -> ReLU -> Linear (TargetDiff 2-layer MLP with norm=True)
    hh = x @ p['w1'] + p['b1']
    mu = jnp.mean(hh, axis=-1, keepdims=True)
    var = jnp.mean((hh - mu) ** 2, axis=-1, keepdims=True)
    hh = (hh - mu) / jnp.sqrt(var + 1e-5) * p['g'] + p['be']
    hh = jax.nn.relu(hh)
    return hh @ p['w2'] + p['b2']


def init_params(key):
    kv_dim = 2 * H + EF + 4 * G
    layers = []
    for i in range(NUM_LAYERS):
        key, *ks = jax.random.split(key, 11)
        x2h = {'hk': mk_mlp(ks[0], kv_dim, H, H),
               'hv': mk_mlp(ks[1], kv_dim, H, H),
               'hq': mk_mlp(ks[2], H, H, H),
               'ew_w': jax.random.normal(ks[3], (4 * G, 1), dtype=jnp.float32) * 0.02,
               'ew_b': jnp.zeros((1,), jnp.float32),
               'out': mk_mlp(ks[4], 2 * H, H, H)}
        h2x = {'xk': mk_mlp(ks[5], kv_dim, H, H),
               'xv': mk_mlp(ks[6], kv_dim, H, NH),
               'xq': mk_mlp(ks[7], H, H, H),
               'ew_w': jax.random.normal(ks[8], (4 * G, 1), dtype=jnp.float32) * 0.02,
               'ew_b': jnp.zeros((1,), jnp.float32)}
        layers.append({'x2h': x2h, 'h2x': h2x})
    return layers


def knn_graph(x, batch, k, chunk=2000):
    # batched knn_graph, flow='source_to_target': edge (j, i) for each of the
    # k nearest same-batch neighbors j of node i. Chunked over rows for memory.
    N = x.shape[0]
    x2 = jnp.sum(x * x, axis=-1)
    nbrs = []
    for s in range(0, N, chunk):
        rows = x[s:s + chunk]
        n = rows.shape[0]
        d2 = jnp.sum(rows * rows, -1)[:, None] - 2.0 * (rows @ x.T) + x2[None, :]
        bad = (batch[s:s + n, None] != batch[None, :]) | (jnp.arange(s, s + n)[:, None] == jnp.arange(N)[None, :])
        d2 = jnp.where(bad, jnp.inf, d2)
        _, idx = jax.lax.top_k(-d2, k)
        nbrs.append(idx)
    nbr = jnp.concatenate(nbrs, axis=0)
    src = nbr.reshape(-1)
    dst = jnp.repeat(jnp.arange(N), k)
    return src, dst


def gaussian_smearing(dist):
    offset = jnp.linspace(0.0, R_MAX, G)
    coeff = -0.5 / (offset[1] - offset[0]) ** 2
    return jnp.exp(coeff * (dist.reshape(-1, 1) - offset[None, :]) ** 2)


def outer_product(a, b):
    return (a[:, :, None] * b[:, None, :]).reshape(a.shape[0], -1)


def scatter_softmax(scores, dst, N):
    smax = jax.ops.segment_max(scores, dst, num_segments=N)
    smax = jnp.where(jnp.isfinite(smax), smax, 0.0)
    ex = jnp.exp(scores - smax[dst])
    den = jax.ops.segment_sum(ex, dst, num_segments=N)
    return ex / (den[dst] + 1e-16)


def x2h_layer(p, h, r_feat, edge_feat, src, dst):
    N = h.shape[0]
    kv = jnp.concatenate([edge_feat, r_feat, h[dst], h[src]], axis=-1)
    k = mlp_apply(p['hk'], kv).reshape(-1, NH, H // NH)
    v = mlp_apply(p['hv'], kv)
    e_w = jax.nn.sigmoid(r_feat @ p['ew_w'] + p['ew_b'])
    v = (v * e_w).reshape(-1, NH, H // NH)
    q = mlp_apply(p['hq'], h).reshape(-1, NH, H // NH)
    scores = jnp.sum(q[dst] * (k / np.sqrt(H // NH)), axis=-1)
    alpha = scatter_softmax(scores, dst, N)
    m = alpha[:, :, None] * v
    out = jax.ops.segment_sum(m, dst, num_segments=N).reshape(N, H)
    out = mlp_apply(p['out'], jnp.concatenate([out, h], axis=-1))
    return out + h


def h2x_layer(p, h, rel_x, r_feat, edge_feat, src, dst):
    N = h.shape[0]
    kv = jnp.concatenate([edge_feat, r_feat, h[dst], h[src]], axis=-1)
    k = mlp_apply(p['xk'], kv).reshape(-1, NH, H // NH)
    v = mlp_apply(p['xv'], kv)
    e_w = jax.nn.sigmoid(r_feat @ p['ew_w'] + p['ew_b'])
    v = v * e_w
    v = v[:, :, None] * rel_x[:, None, :]
    q = mlp_apply(p['xq'], h).reshape(-1, NH, H // NH)
    scores = jnp.sum(q[dst] * (k / np.sqrt(H // NH)), axis=-1)
    alpha = scatter_softmax(scores, dst, N)
    m = alpha[:, :, None] * v
    out = jax.ops.segment_sum(m, dst, num_segments=N)
    return jnp.mean(out, axis=1)


def attn_layer(p, h, x, edge_attr, src, dst, mask_ligand):
    rel_x = x[dst] - x[src]
    dist = jnp.linalg.norm(rel_x, axis=-1, keepdims=True)
    # num_x2h = 1
    dist_feat = outer_product(edge_attr, gaussian_smearing(dist))
    h = x2h_layer(p['x2h'], h, dist_feat, edge_attr, src, dst)
    # num_h2x = 1, sync_twoup = False -> use updated h
    dist_feat = outer_product(edge_attr, gaussian_smearing(dist))
    delta_x = h2x_layer(p['h2x'], h, rel_x, dist_feat, edge_attr, src, dst)
    x = x + delta_x * mask_ligand[:, None].astype(x.dtype)
    return h, x


def build_edge_type(src, dst, mask_ligand):
    ns = mask_ligand[src] == 1
    nd = mask_ligand[dst] == 1
    return jnp.stack([ns & nd, ns & (~nd), (~ns) & nd, (~ns) & (~nd)], axis=-1).astype(jnp.float32)


def setup_inputs(seed: int = 0):
    key = jax.random.key(seed)
    k1, k2, k3, k4, k5 = jax.random.split(key, 5)
    h = jax.random.normal(k1, (N_NODES, H), dtype=jnp.float32)
    x = jax.random.normal(k2, (N_NODES, 3), dtype=jnp.float32)
    mask_ligand = jax.random.randint(k3, (N_NODES,), 0, 2)
    batch = jnp.sort(jax.random.randint(k4, (N_NODES,), 0, 8))
    params = init_params(k5)
    return {'h': h, 'x': x, 'mask_ligand': mask_ligand, 'batch': batch, 'params': params}


def reference(h, x, mask_ligand, batch, params):
    for b in range(NUM_BLOCKS):
        src, dst = knn_graph(x, batch, K)
        edge_type = build_edge_type(src, dst, mask_ligand)
        for p in params:
            h, x = attn_layer(p, h, x, edge_type, src, dst, mask_ligand)
    return (x, h)

if __name__ == "__main__":
    import jax
    _d = setup_inputs()
    print(jax.jit(kernel)(*tuple(_d.values())))

</pallas_src>

<mosaic_0001>
#map = affine_map<(d0, d1) -> (0, 0)>
#map1 = affine_map<(d0, d1) -> (0, 0, 0)>
module attributes {stable_mosaic.version = 14 : i64} {
  func.func @gk(%arg0: i32, %arg1: i32, %arg2: memref<10000x256xf32, #tpu.memory_space<hbm>>, %arg3: memref<32x40x128xi32, #tpu.memory_space<hbm>>, %arg4: memref<163840x256xf32, #tpu.memory_space<hbm>>, %arg5: memref<40x128xi32, #tpu.memory_space<vmem>>, %arg6: memref<128x256xf32, #tpu.memory_space<vmem>>, %arg7: memref<128x256xf32, #tpu.memory_space<vmem>>, %arg8: memref<!tpu.dma_semaphore, #tpu.memory_space<semaphore_mem>>, %arg9: memref<!tpu.dma_semaphore, #tpu.memory_space<semaphore_mem>>) attributes {dimension_semantics = [#tpu.dimension_semantics<core_parallel>, #tpu.dimension_semantics<subcore_parallel>], iteration_bounds = array<i64: 2, 16>, scalar_prefetch = 0 : i64, scratch_operands = 5 : i64, tpu.core_type = #tpu.core_type<sc_vector_subcore>, window_params = [{transform_indices = #map}, {transform_indices = #map1}, {transform_indices = #map}]} {
    %mul3A = arith.constant 2 : i32
    %mul3A_0 = arith.muli %arg1, %mul3A : i32
    %add3A = arith.addi %mul3A_0, %arg0 : i32
    "tpu.region"() ({
      %run_scoped3A = tpu.sem_alloc : memref<!tpu.dma_semaphore, #tpu.memory_space<semaphore_mem>>
      %dma_start3A_12 = arith.constant 0 : i32
      %dma_start3A_13 = arith.constant 0 : i32
      %dma_start3A_14 = tpu.memref_slice %arg3[%add3A, %dma_start3A_12, %dma_start3A_13] : memref<32x40x128xi32, #tpu.memory_space<hbm>> -> memref<1x40x128xi32, #tpu.memory_space<hbm>>
      %dma_start3A_15 = tpu.memref_squeeze %dma_start3A_14 : memref<1x40x128xi32, #tpu.memory_space<hbm>> -> memref<40x128xi32, #tpu.memory_space<hbm>>
      %dma_start3A_16 = arith.constant 0 : i32
      %dma_start3A_17 = arith.constant 0 : i32
      %dma_start3A_18 = tpu.memref_slice %arg3[%add3A, %dma_start3A_16, %dma_start3A_17] : memref<32x40x128xi32, #tpu.memory_space<hbm>> -> memref<1x40x128xi32, #tpu.memory_space<hbm>>
      %dma_start3A_19 = tpu.memref_squeeze %dma_start3A_18 : memref<1x40x128xi32, #tpu.memory_space<hbm>> -> memref<40x128xi32, #tpu.memory_space<hbm>>
      tpu.enqueue_dma source(%dma_start3A_19 : memref<40x128xi32, #tpu.memory_space<hbm>>) target(%arg5 : memref<40x128xi32, #tpu.memory_space<vmem>>) target_semaphore(%run_scoped3A : memref<!tpu.dma_semaphore, #tpu.memory_space<semaphore_mem>>)
      %dma_wait3A = arith.constant 0 : i32
      %dma_wait3A_20 = arith.constant 0 : i32
      %dma_wait3A_21 = tpu.memref_slice %arg3[%add3A, %dma_wait3A, %dma_wait3A_20] : memref<32x40x128xi32, #tpu.memory_space<hbm>> -> memref<1x40x128xi32, #tpu.memory_space<hbm>>
      %dma_wait3A_22 = tpu.memref_squeeze %dma_wait3A_21 : memref<1x40x128xi32, #tpu.memory_space<hbm>> -> memref<40x128xi32, #tpu.memory_space<hbm>>
      %dma_wait3A_23 = arith.constant 0 : i32
      %dma_wait3A_24 = arith.constant 0 : i32
      %dma_wait3A_25 = tpu.memref_slice %arg3[%add3A, %dma_wait3A_23, %dma_wait3A_24] : memref<32x40x128xi32, #tpu.memory_space<hbm>> -> memref<1x40x128xi32, #tpu.memory_space<hbm>>
      %dma_wait3A_26 = tpu.memref_squeeze %dma_wait3A_25 : memref<1x40x128xi32, #tpu.memory_space<hbm>> -> memref<40x128xi32, #tpu.memory_space<hbm>>
      tpu.wait_dma2 semaphore(%run_scoped3A : memref<!tpu.dma_semaphore, #tpu.memory_space<semaphore_mem>>) src(%dma_wait3A_26 : memref<40x128xi32, #tpu.memory_space<hbm>>) dst(%arg5 : memref<40x128xi32, #tpu.memory_space<vmem>>)
      tpu.yield
    }) : () -> ()
    %dma_start3A = arith.constant 0 : i32
    %dma_start3A_1 = arith.constant 0 : i32
    %dma_start3A_2 = tpu.memref_slice %arg5[%dma_start3A, %dma_start3A_1] : memref<40x128xi32, #tpu.memory_space<vmem>> -> memref<1x128xi32, #tpu.memory_space<vmem>>
    %dma_start3A_3 = tpu.memref_squeeze %dma_start3A_2 : memref<1x128xi32, #tpu.memory_space<vmem>> -> memref<128xi32, #tpu.memory_space<vmem>>
    %dma_start3A_4 = arith.constant 0 : i32
    %dma_start3A_5 = arith.constant 0 : i32
    %dma_start3A_6 = tpu.memref_slice %arg2[%dma_start3A_4, %dma_start3A_5] : memref<10000x256xf32, #tpu.memory_space<hbm>> -> memref<10000x256xf32, #tpu.memory_space<hbm>>
    tpu.enqueue_indirect_dma source(%dma_start3A_6 : memref<10000x256xf32, #tpu.memory_space<hbm>>) target(%arg6 : memref<128x256xf32, #tpu.memory_space<vmem>>) offsets(%dma_start3A_3 : memref<128xi32, #tpu.memory_space<vmem>>) semaphore(%arg8 : memref<!tpu.dma_semaphore, #tpu.memory_space<semaphore_mem>>)
    %scan3A = arith.constant 0 : i32
    %scan3A_7 = arith.constant 0 : i32
    %scan3A_8 = arith.constant 20 : i32
    %scan3A_9 = arith.addi %scan3A_7, %scan3A_8 : i32
    %scan3A_10 = arith.constant 1 : i32
    scf.for %scan3A_12 = %scan3A_7 to %scan3A_9 step %scan3A_10  : i32 {
      %mul3A_13 = arith.constant 2 : i32
      %mul3A_14 = arith.muli %mul3A_13, %scan3A_12 : i32
      %add3A_15 = arith.constant 0 : i32
      %add3A_16 = arith.addi %mul3A_14, %add3A_15 : i32
      %add3A_17 = arith.constant 1 : i32
      %add3A_18 = arith.addi %add3A_16, %add3A_17 : i32
      %lt3A = arith.constant 40 : i32
      %lt3A_19 = arith.cmpi slt, %add3A_18, %lt3A : i32
      %convert_element_type3A = arith.extui %lt3A_19 : i1 to i32
      %cond3A = arith.constant 0 : i32
      %cond3A_20 = arith.cmpi ne, %convert_element_type3A, %cond3A : i32
      scf.if %cond3A_20 {
        %add3A_53 = arith.constant 1 : i32
        %add3A_54 = arith.addi %add3A_16, %add3A_53 : i32
        %dma_start3A_55 = arith.constant 0 : i32
        %dma_start3A_56 = tpu.memref_slice %arg5[%add3A_54, %dma_start3A_55] : memref<40x128xi32, #tpu.memory_space<vmem>> -> memref<1x128xi32, #tpu.memory_space<vmem>>
        %dma_start3A_57 = tpu.memref_squeeze %dma_start3A_56 : memref<1x128xi32, #tpu.memory_space<vmem>> -> memref<128xi32, #tpu.memory_space<vmem>>
        %dma_start3A_58 = arith.constant 0 : i32
        %dma_start3A_59 = arith.constant 0 : i32
        %dma_start3A_60 = tpu.memref_slice %arg2[%dma_start3A_58, %dma_start3A_59] : memref<10000x256xf32, #tpu.memory_space<hbm>> -> memref<10000x256xf32, #tpu.memory_space<hbm>>
        tpu.enqueue_indirect_dma source(%dma_start3A_60 : memref<10000x256xf32, #tpu.memory_space<hbm>>) target(%arg7 : memref<128x256xf32, #tpu.memory_space<vmem>>) offsets(%dma_start3A_57 : memref<128xi32, #tpu.memory_space<vmem>>) semaphore(%arg9 : memref<!tpu.dma_semaphore, #tpu.memory_space<semaphore_mem>>)
      } else {
      }
      %dma_wait3A = arith.constant 0 : i32
      %dma_wait3A_21 = tpu.memref_slice %arg5[%add3A_16, %dma_wait3A] : memref<40x128xi32, #tpu.memory_space<vmem>> -> memref<1x128xi32, #tpu.memory_space<vmem>>
      %dma_wait3A_22 = tpu.memref_squeeze %dma_wait3A_21 : memref<1x128xi32, #tpu.memory_space<vmem>> -> memref<128xi32, #tpu.memory_space<vmem>>
      %dma_wait3A_23 = arith.constant 0 : i32
      %dma_wait3A_24 = arith.constant 0 : i32
      %dma_wait3A_25 = tpu.memref_slice %arg2[%dma_wait3A_23, %dma_wait3A_24] : memref<10000x256xf32, #tpu.memory_space<hbm>> -> memref<10000x256xf32, #tpu.memory_space<hbm>>
      tpu.wait_indirect_dma semaphore(%arg8 : memref<!tpu.dma_semaphore, #tpu.memory_space<semaphore_mem>>) src(%dma_wait3A_25 : memref<10000x256xf32, #tpu.memory_space<hbm>>) dst(%arg6 : memref<128x256xf32, #tpu.memory_space<vmem>>)
      %mul3A_26 = arith.constant 40 : i32
      %mul3A_27 = arith.muli %add3A, %mul3A_26 : i32
      %add3A_28 = arith.addi %mul3A_27, %add3A_16 : i32
      %mul3A_29 = arith.constant 128 : i32
      %mul3A_30 = arith.muli %add3A_28, %mul3A_29 : i32
      "tpu.region"() ({
        %run_scoped3A = tpu.sem_alloc : memref<!tpu.dma_semaphore, #tpu.memory_space<semaphore_mem>>
        %dma_start3A_53 = arith.constant 0 : i32
        %dma_start3A_54 = tpu.memref_slice %arg4[%mul3A_30, %dma_start3A_53] : memref<163840x256xf32, #tpu.memory_space<hbm>> -> memref<128x256xf32, #tpu.memory_space<hbm>>
        %dma_start3A_55 = arith.constant 0 : i32
        %dma_start3A_56 = tpu.memref_slice %arg4[%mul3A_30, %dma_start3A_55] : memref<163840x256xf32, #tpu.memory_space<hbm>> -> memref<128x256xf32, #tpu.memory_space<hbm>>
        tpu.enqueue_dma source(%arg6 : memref<128x256xf32, #tpu.memory_space<vmem>>) target(%dma_start3A_56 : memref<128x256xf32, #tpu.memory_space<hbm>>) target_semaphore(%run_scoped3A : memref<!tpu.dma_semaphore, #tpu.memory_space<semaphore_mem>>)
        %dma_wait3A_57 = arith.constant 0 : i32
        %dma_wait3A_58 = tpu.memref_slice %arg4[%mul3A_30, %dma_wait3A_57] : memref<163840x256xf32, #tpu.memory_space<hbm>> -> memref<128x256xf32, #tpu.memory_space<hbm>>
        %dma_wait3A_59 = arith.constant 0 : i32
        %dma_wait3A_60 = tpu.memref_slice %arg4[%mul3A_30, %dma_wait3A_59] : memref<163840x256xf32, #tpu.memory_space<hbm>> -> memref<128x256xf32, #tpu.memory_space<hbm>>
        tpu.wait_dma2 semaphore(%run_scoped3A : memref<!tpu.dma_semaphore, #tpu.memory_space<semaphore_mem>>) src(%arg6 : memref<128x256xf32, #tpu.memory_space<vmem>>) dst(%dma_wait3A_60 : memref<128x256xf32, #tpu.memory_space<hbm>>)
        tpu.yield
      }) : () -> ()
      %mul3A_31 = arith.constant 2 : i32
      %mul3A_32 = arith.muli %mul3A_31, %scan3A_12 : i32
      %add3A_33 = arith.constant 1 : i32
      %add3A_34 = arith.addi %mul3A_32, %add3A_33 : i32
      %add3A_35 = arith.constant 1 : i32
      %add3A_36 = arith.addi %add3A_34, %add3A_35 : i32
      %lt3A_37 = arith.constant 40 : i32
      %lt3A_38 = arith.cmpi slt, %add3A_36, %lt3A_37 : i32
      %convert_element_type3A_39 = arith.extui %lt3A_38 : i1 to i32
      %cond3A_40 = arith.constant 0 : i32
      %cond3A_41 = arith.cmpi ne, %convert_element_type3A_39, %cond3A_40 : i32
      scf.if %cond3A_41 {
        %add3A_53 = arith.constant 1 : i32
        %add3A_54 = arith.addi %add3A_34, %add3A_53 : i32
        %dma_start3A_55 = arith.constant 0 : i32
        %dma_start3A_56 = tpu.memref_slice %arg5[%add3A_54, %dma_start3A_55] : memref<40x128xi32, #tpu.memory_space<vmem>> -> memref<1x128xi32, #tpu.memory_space<vmem>>
        %dma_start3A_57 = tpu.memref_squeeze %dma_start3A_56 : memref<1x128xi32, #tpu.memory_space<vmem>> -> memref<128xi32, #tpu.memory_space<vmem>>
        %dma_start3A_58 = arith.constant 0 : i32
        %dma_start3A_59 = arith.constant 0 : i32
        %dma_start3A_60 = tpu.memref_slice %arg2[%dma_start3A_58, %dma_start3A_59] : memref<10000x256xf32, #tpu.memory_space<hbm>> -> memref<10000x256xf32, #tpu.memory_space<hbm>>
        tpu.enqueue_indirect_dma source(%dma_start3A_60 : memref<10000x256xf32, #tpu.memory_space<hbm>>) target(%arg6 : memref<128x256xf32, #tpu.memory_space<vmem>>) offsets(%dma_start3A_57 : memref<128xi32, #tpu.memory_space<vmem>>) semaphore(%arg8 : memref<!tpu.dma_semaphore, #tpu.memory_space<semaphore_mem>>)
      } else {
      }
      %dma_wait3A_42 = arith.constant 0 : i32
      %dma_wait3A_43 = tpu.memref_slice %arg5[%add3A_34, %dma_wait3A_42] : memref<40x128xi32, #tpu.memory_space<vmem>> -> memref<1x128xi32, #tpu.memory_space<vmem>>
      %dma_wait3A_44 = tpu.memref_squeeze %dma_wait3A_43 : memref<1x128xi32, #tpu.memory_space<vmem>> -> memref<128xi32, #tpu.memory_space<vmem>>
      %dma_wait3A_45 = arith.constant 0 : i32
      %dma_wait3A_46 = arith.constant 0 : i32
      %dma_wait3A_47 = tpu.memref_slice %arg2[%dma_wait3A_45, %dma_wait3A_46] : memref<10000x256xf32, #tpu.memory_space<hbm>> -> memref<10000x256xf32, #tpu.memory_space<hbm>>
      tpu.wait_indirect_dma semaphore(%arg9 : memref<!tpu.dma_semaphore, #tpu.memory_space<semaphore_mem>>) src(%dma_wait3A_47 : memref<10000x256xf32, #tpu.memory_space<hbm>>) dst(%arg7 : memref<128x256xf32, #tpu.memory_space<vmem>>)
      %mul3A_48 = arith.constant 40 : i32
      %mul3A_49 = arith.muli %add3A, %mul3A_48 : i32
      %add3A_50 = arith.addi %mul3A_49, %add3A_34 : i32
      %mul3A_51 = arith.constant 128 : i32
      %mul3A_52 = arith.muli %add3A_50, %mul3A_51 : i32
      "tpu.region"() ({
        %run_scoped3A = tpu.sem_alloc : memref<!tpu.dma_semaphore, #tpu.memory_space<semaphore_mem>>
        %dma_start3A_53 = arith.constant 0 : i32
        %dma_start3A_54 = tpu.memref_slice %arg4[%mul3A_52, %dma_start3A_53] : memref<163840x256xf32, #tpu.memory_space<hbm>> -> memref<128x256xf32, #tpu.memory_space<hbm>>
        %dma_start3A_55 = arith.constant 0 : i32
        %dma_start3A_56 = tpu.memref_slice %arg4[%mul3A_52, %dma_start3A_55] : memref<163840x256xf32, #tpu.memory_space<hbm>> -> memref<128x256xf32, #tpu.memory_space<hbm>>
        tpu.enqueue_dma source(%arg7 : memref<128x256xf32, #tpu.memory_space<vmem>>) target(%dma_start3A_56 : memref<128x256xf32, #tpu.memory_space<hbm>>) target_semaphore(%run_scoped3A : memref<!tpu.dma_semaphore, #tpu.memory_space<semaphore_mem>>)
        %dma_wait3A_57 = arith.constant 0 : i32
        %dma_wait3A_58 = tpu.memref_slice %arg4[%mul3A_52, %dma_wait3A_57] : memref<163840x256xf32, #tpu.memory_space<hbm>> -> memref<128x256xf32, #tpu.memory_space<hbm>>
        %dma_wait3A_59 = arith.constant 0 : i32
        %dma_wait3A_60 = tpu.memref_slice %arg4[%mul3A_52, %dma_wait3A_59] : memref<163840x256xf32, #tpu.memory_space<hbm>> -> memref<128x256xf32, #tpu.memory_space<hbm>>
        tpu.wait_dma2 semaphore(%run_scoped3A : memref<!tpu.dma_semaphore, #tpu.memory_space<semaphore_mem>>) src(%arg7 : memref<128x256xf32, #tpu.memory_space<vmem>>) dst(%dma_wait3A_60 : memref<128x256xf32, #tpu.memory_space<hbm>>)
        tpu.yield
      }) : () -> ()
    }
    %scan3A_11 = arith.constant 20 : i32
    return
  }
}

#map = affine_map<(d0, d1) -> (0, 0)>
#map1 = affine_map<(d0, d1) -> (0, 0, 0)>
module attributes {stable_mosaic.version = 14 : i64} {
  func.func @gk(%arg0: i32, %arg1: i32, %arg2: memref<10000x256xf32, #tpu.memory_space<hbm>>, %arg3: memref<32x40x128xi32, #tpu.memory_space<hbm>>, %arg4: memref<163840x256xf32, #tpu.memory_space<hbm>>, %arg5: memref<40x128xi32, #tpu.memory_space<vmem>>, %arg6: memref<128x256xf32, #tpu.memory_space<vmem>>, %arg7: memref<128x256xf32, #tpu.memory_space<vmem>>, %arg8: memref<!tpu.dma_semaphore, #tpu.memory_space<semaphore_mem>>, %arg9: memref<!tpu.dma_semaphore, #tpu.memory_space<semaphore_mem>>) attributes {dimension_semantics = [#tpu.dimension_semantics<core_parallel>, #tpu.dimension_semantics<subcore_parallel>], iteration_bounds = array<i64: 2, 16>, scalar_prefetch = 0 : i64, scratch_operands = 5 : i64, tpu.core_type = #tpu.core_type<sc_vector_subcore>, window_params = [{transform_indices = #map}, {transform_indices = #map1}, {transform_indices = #map}]} {
    %mul3A = arith.constant 2 : i32
    %mul3A_0 = arith.muli %arg1, %mul3A : i32
    %add3A = arith.addi %mul3A_0, %arg0 : i32
    "tpu.region"() ({
      %run_scoped3A = tpu.sem_alloc : memref<!tpu.dma_semaphore, #tpu.memory_space<semaphore_mem>>
      %dma_start3A_12 = arith.constant 0 : i32
      %dma_start3A_13 = arith.constant 0 : i32
      %dma_start3A_14 = tpu.memref_slice %arg3[%add3A, %dma_start3A_12, %dma_start3A_13] : memref<32x40x128xi32, #tpu.memory_space<hbm>> -> memref<1x40x128xi32, #tpu.memory_space<hbm>>
      %dma_start3A_15 = tpu.memref_squeeze %dma_start3A_14 : memref<1x40x128xi32, #tpu.memory_space<hbm>> -> memref<40x128xi32, #tpu.memory_space<hbm>>
      %dma_start3A_16 = arith.constant 0 : i32
      %dma_start3A_17 = arith.constant 0 : i32
      %dma_start3A_18 = tpu.memref_slice %arg3[%add3A, %dma_start3A_16, %dma_start3A_17] : memref<32x40x128xi32, #tpu.memory_space<hbm>> -> memref<1x40x128xi32, #tpu.memory_space<hbm>>
      %dma_start3A_19 = tpu.memref_squeeze %dma_start3A_18 : memref<1x40x128xi32, #tpu.memory_space<hbm>> -> memref<40x128xi32, #tpu.memory_space<hbm>>
      tpu.enqueue_dma source(%dma_start3A_19 : memref<40x128xi32, #tpu.memory_space<hbm>>) target(%arg5 : memref<40x128xi32, #tpu.memory_space<vmem>>) target_semaphore(%run_scoped3A : memref<!tpu.dma_semaphore, #tpu.memory_space<semaphore_mem>>)
      %dma_wait3A = arith.constant 0 : i32
      %dma_wait3A_20 = arith.constant 0 : i32
      %dma_wait3A_21 = tpu.memref_slice %arg3[%add3A, %dma_wait3A, %dma_wait3A_20] : memref<32x40x128xi32, #tpu.memory_space<hbm>> -> memref<1x40x128xi32, #tpu.memory_space<hbm>>
      %dma_wait3A_22 = tpu.memref_squeeze %dma_wait3A_21 : memref<1x40x128xi32, #tpu.memory_space<hbm>> -> memref<40x128xi32, #tpu.memory_space<hbm>>
      %dma_wait3A_23 = arith.constant 0 : i32
      %dma_wait3A_24 = arith.constant 0 : i32
      %dma_wait3A_25 = tpu.memref_slice %arg3[%add3A, %dma_wait3A_23, %dma_wait3A_24] : memref<32x40x128xi32, #tpu.memory_space<hbm>> -> memref<1x40x128xi32, #tpu.memory_space<hbm>>
      %dma_wait3A_26 = tpu.memref_squeeze %dma_wait3A_25 : memref<1x40x128xi32, #tpu.memory_space<hbm>> -> memref<40x128xi32, #tpu.memory_space<hbm>>
      tpu.wait_dma2 semaphore(%run_scoped3A : memref<!tpu.dma_semaphore, #tpu.memory_space<semaphore_mem>>) src(%dma_wait3A_26 : memref<40x128xi32, #tpu.memory_space<hbm>>) dst(%arg5 : memref<40x128xi32, #tpu.memory_space<vmem>>)
      tpu.yield
    }) : () -> ()
    %dma_start3A = arith.constant 0 : i32
    %dma_start3A_1 = arith.constant 0 : i32
    %dma_start3A_2 = tpu.memref_slice %arg5[%dma_start3A, %dma_start3A_1] : memref<40x128xi32, #tpu.memory_space<vmem>> -> memref<1x128xi32, #tpu.memory_space<vmem>>
    %dma_start3A_3 = tpu.memref_squeeze %dma_start3A_2 : memref<1x128xi32, #tpu.memory_space<vmem>> -> memref<128xi32, #tpu.memory_space<vmem>>
    %dma_start3A_4 = arith.constant 0 : i32
    %dma_start3A_5 = arith.constant 0 : i32
    %dma_start3A_6 = tpu.memref_slice %arg2[%dma_start3A_4, %dma_start3A_5] : memref<10000x256xf32, #tpu.memory_space<hbm>> -> memref<10000x256xf32, #tpu.memory_space<hbm>>
    tpu.enqueue_indirect_dma source(%dma_start3A_6 : memref<10000x256xf32, #tpu.memory_space<hbm>>) target(%arg6 : memref<128x256xf32, #tpu.memory_space<vmem>>) offsets(%dma_start3A_3 : memref<128xi32, #tpu.memory_space<vmem>>) semaphore(%arg8 : memref<!tpu.dma_semaphore, #tpu.memory_space<semaphore_mem>>)
    %scan3A = arith.constant 0 : i32
    %scan3A_7 = arith.constant 0 : i32
    %scan3A_8 = arith.constant 20 : i32
    %scan3A_9 = arith.addi %scan3A_7, %scan3A_8 : i32
    %scan3A_10 = arith.constant 1 : i32
    scf.for %scan3A_12 = %scan3A_7 to %scan3A_9 step %scan3A_10  : i32 {
      %mul3A_13 = arith.constant 2 : i32
      %mul3A_14 = arith.muli %mul3A_13, %scan3A_12 : i32
      %add3A_15 = arith.constant 0 : i32
      %add3A_16 = arith.addi %mul3A_14, %add3A_15 : i32
      %add3A_17 = arith.constant 1 : i32
      %add3A_18 = arith.addi %add3A_16, %add3A_17 : i32
      %lt3A = arith.constant 40 : i32
      %lt3A_19 = arith.cmpi slt, %add3A_18, %lt3A : i32
      %convert_element_type3A = arith.extui %lt3A_19 : i1 to i32
      %cond3A = arith.constant 0 : i32
      %cond3A_20 = arith.cmpi ne, %convert_element_type3A, %cond3A : i32
      scf.if %cond3A_20 {
        %add3A_53 = arith.constant 1 : i32
        %add3A_54 = arith.addi %add3A_16, %add3A_53 : i32
        %dma_start3A_55 = arith.constant 0 : i32
        %dma_start3A_56 = tpu.memref_slice %arg5[%add3A_54, %dma_start3A_55] : memref<40x128xi32, #tpu.memory_space<vmem>> -> memref<1x128xi32, #tpu.memory_space<vmem>>
        %dma_start3A_57 = tpu.memref_squeeze %dma_start3A_56 : memref<1x128xi32, #tpu.memory_space<vmem>> -> memref<128xi32, #tpu.memory_space<vmem>>
        %dma_start3A_58 = arith.constant 0 : i32
        %dma_start3A_59 = arith.constant 0 : i32
        %dma_start3A_60 = tpu.memref_slice %arg2[%dma_start3A_58, %dma_start3A_59] : memref<10000x256xf32, #tpu.memory_space<hbm>> -> memref<10000x256xf32, #tpu.memory_space<hbm>>
        tpu.enqueue_indirect_dma source(%dma_start3A_60 : memref<10000x256xf32, #tpu.memory_space<hbm>>) target(%arg7 : memref<128x256xf32, #tpu.memory_space<vmem>>) offsets(%dma_start3A_57 : memref<128xi32, #tpu.memory_space<vmem>>) semaphore(%arg9 : memref<!tpu.dma_semaphore, #tpu.memory_space<semaphore_mem>>)
      } else {
      }
      %dma_wait3A = arith.constant 0 : i32
      %dma_wait3A_21 = tpu.memref_slice %arg5[%add3A_16, %dma_wait3A] : memref<40x128xi32, #tpu.memory_space<vmem>> -> memref<1x128xi32, #tpu.memory_space<vmem>>
      %dma_wait3A_22 = tpu.memref_squeeze %dma_wait3A_21 : memref<1x128xi32, #tpu.memory_space<vmem>> -> memref<128xi32, #tpu.memory_space<vmem>>
      %dma_wait3A_23 = arith.constant 0 : i32
      %dma_wait3A_24 = arith.constant 0 : i32
      %dma_wait3A_25 = tpu.memref_slice %arg2[%dma_wait3A_23, %dma_wait3A_24] : memref<10000x256xf32, #tpu.memory_space<hbm>> -> memref<10000x256xf32, #tpu.memory_space<hbm>>
      tpu.wait_indirect_dma semaphore(%arg8 : memref<!tpu.dma_semaphore, #tpu.memory_space<semaphore_mem>>) src(%dma_wait3A_25 : memref<10000x256xf32, #tpu.memory_space<hbm>>) dst(%arg6 : memref<128x256xf32, #tpu.memory_space<vmem>>)
      %mul3A_26 = arith.constant 40 : i32
      %mul3A_27 = arith.muli %add3A, %mul3A_26 : i32
      %add3A_28 = arith.addi %mul3A_27, %add3A_16 : i32
      %mul3A_29 = arith.constant 128 : i32
      %mul3A_30 = arith.muli %add3A_28, %mul3A_29 : i32
      "tpu.region"() ({
        %run_scoped3A = tpu.sem_alloc : memref<!tpu.dma_semaphore, #tpu.memory_space<semaphore_mem>>
        %dma_start3A_53 = arith.constant 0 : i32
        %dma_start3A_54 = tpu.memref_slice %arg4[%mul3A_30, %dma_start3A_53] : memref<163840x256xf32, #tpu.memory_space<hbm>> -> memref<128x256xf32, #tpu.memory_space<hbm>>
        %dma_start3A_55 = arith.constant 0 : i32
        %dma_start3A_56 = tpu.memref_slice %arg4[%mul3A_30, %dma_start3A_55] : memref<163840x256xf32, #tpu.memory_space<hbm>> -> memref<128x256xf32, #tpu.memory_space<hbm>>
        tpu.enqueue_dma source(%arg6 : memref<128x256xf32, #tpu.memory_space<vmem>>) target(%dma_start3A_56 : memref<128x256xf32, #tpu.memory_space<hbm>>) target_semaphore(%run_scoped3A : memref<!tpu.dma_semaphore, #tpu.memory_space<semaphore_mem>>)
        %dma_wait3A_57 = arith.constant 0 : i32
        %dma_wait3A_58 = tpu.memref_slice %arg4[%mul3A_30, %dma_wait3A_57] : memref<163840x256xf32, #tpu.memory_space<hbm>> -> memref<128x256xf32, #tpu.memory_space<hbm>>
        %dma_wait3A_59 = arith.constant 0 : i32
        %dma_wait3A_60 = tpu.memref_slice %arg4[%mul3A_30, %dma_wait3A_59] : memref<163840x256xf32, #tpu.memory_space<hbm>> -> memref<128x256xf32, #tpu.memory_space<hbm>>
        tpu.wait_dma2 semaphore(%run_scoped3A : memref<!tpu.dma_semaphore, #tpu.memory_space<semaphore_mem>>) src(%arg6 : memref<128x256xf32, #tpu.memory_space<vmem>>) dst(%dma_wait3A_60 : memref<128x256xf32, #tpu.memory_space<hbm>>)
        tpu.yield
      }) : () -> ()
      %mul3A_31 = arith.constant 2 : i32
      %mul3A_32 = arith.muli %mul3A_31, %scan3A_12 : i32
      %add3A_33 = arith.constant 1 : i32
      %add3A_34 = arith.addi %mul3A_32, %add3A_33 : i32
      %add3A_35 = arith.constant 1 : i32
      %add3A_36 = arith.addi %add3A_34, %add3A_35 : i32
      %lt3A_37 = arith.constant 40 : i32
      %lt3A_38 = arith.cmpi slt, %add3A_36, %lt3A_37 : i32
      %convert_element_type3A_39 = arith.extui %lt3A_38 : i1 to i32
      %cond3A_40 = arith.constant 0 : i32
      %cond3A_41 = arith.cmpi ne, %convert_element_type3A_39, %cond3A_40 : i32
      scf.if %cond3A_41 {
        %add3A_53 = arith.constant 1 : i32
        %add3A_54 = arith.addi %add3A_34, %add3A_53 : i32
        %dma_start3A_55 = arith.constant 0 : i32
        %dma_start3A_56 = tpu.memref_slice %arg5[%add3A_54, %dma_start3A_55] : memref<40x128xi32, #tpu.memory_space<vmem>> -> memref<1x128xi32, #tpu.memory_space<vmem>>
        %dma_start3A_57 = tpu.memref_squeeze %dma_start3A_56 : memref<1x128xi32, #tpu.memory_space<vmem>> -> memref<128xi32, #tpu.memory_space<vmem>>
        %dma_start3A_58 = arith.constant 0 : i32
        %dma_start3A_59 = arith.constant 0 : i32
        %dma_start3A_60 = tpu.memref_slice %arg2[%dma_start3A_58, %dma_start3A_59] : memref<10000x256xf32, #tpu.memory_space<hbm>> -> memref<10000x256xf32, #tpu.memory_space<hbm>>
        tpu.enqueue_indirect_dma source(%dma_start3A_60 : memref<10000x256xf32, #tpu.memory_space<hbm>>) target(%arg6 : memref<128x256xf32, #tpu.memory_space<vmem>>) offsets(%dma_start3A_57 : memref<128xi32, #tpu.memory_space<vmem>>) semaphore(%arg8 : memref<!tpu.dma_semaphore, #tpu.memory_space<semaphore_mem>>)
      } else {
      }
      %dma_wait3A_42 = arith.constant 0 : i32
      %dma_wait3A_43 = tpu.memref_slice %arg5[%add3A_34, %dma_wait3A_42] : memref<40x128xi32, #tpu.memory_space<vmem>> -> memref<1x128xi32, #tpu.memory_space<vmem>>
      %dma_wait3A_44 = tpu.memref_squeeze %dma_wait3A_43 : memref<1x128xi32, #tpu.memory_space<vmem>> -> memref<128xi32, #tpu.memory_space<vmem>>
      %dma_wait3A_45 = arith.constant 0 : i32
      %dma_wait3A_46 = arith.constant 0 : i32
      %dma_wait3A_47 = tpu.memref_slice %arg2[%dma_wait3A_45, %dma_wait3A_46] : memref<10000x256xf32, #tpu.memory_space<hbm>> -> memref<10000x256xf32, #tpu.memory_space<hbm>>
      tpu.wait_indirect_dma semaphore(%arg9 : memref<!tpu.dma_semaphore, #tpu.memory_space<semaphore_mem>>) src(%dma_wait3A_47 : memref<10000x256xf32, #tpu.memory_space<hbm>>) dst(%arg7 : memref<128x256xf32, #tpu.memory_space<vmem>>)
      %mul3A_48 = arith.constant 40 : i32
      %mul3A_49 = arith.muli %add3A, %mul3A_48 : i32
      %add3A_50 = arith.addi %mul3A_49, %add3A_34 : i32
      %mul3A_51 = arith.constant 128 : i32
      %mul3A_52 = arith.muli %add3A_50, %mul3A_51 : i32
      "tpu.region"() ({
        %run_scoped3A = tpu.sem_alloc : memref<!tpu.dma_semaphore, #tpu.memory_space<semaphore_mem>>
        %dma_start3A_53 = arith.constant 0 : i32
        %dma_start3A_54 = tpu.memref_slice %arg4[%mul3A_52, %dma_start3A_53] : memref<163840x256xf32, #tpu.memory_space<hbm>> -> memref<128x256xf32, #tpu.memory_space<hbm>>
        %dma_start3A_55 = arith.constant 0 : i32
        %dma_start3A_56 = tpu.memref_slice %arg4[%mul3A_52, %dma_start3A_55] : memref<163840x256xf32, #tpu.memory_space<hbm>> -> memref<128x256xf32, #tpu.memory_space<hbm>>
        tpu.enqueue_dma source(%arg7 : memref<128x256xf32, #tpu.memory_space<vmem>>) target(%dma_start3A_56 : memref<128x256xf32, #tpu.memory_space<hbm>>) target_semaphore(%run_scoped3A : memref<!tpu.dma_semaphore, #tpu.memory_space<semaphore_mem>>)
        %dma_wait3A_57 = arith.constant 0 : i32
        %dma_wait3A_58 = tpu.memref_slice %arg4[%mul3A_52, %dma_wait3A_57] : memref<163840x256xf32, #tpu.memory_space<hbm>> -> memref<128x256xf32, #tpu.memory_space<hbm>>
        %dma_wait3A_59 = arith.constant 0 : i32
        %dma_wait3A_60 = tpu.memref_slice %arg4[%mul3A_52, %dma_wait3A_59] : memref<163840x256xf32, #tpu.memory_space<hbm>> -> memref<128x256xf32, #tpu.memory_space<hbm>>
        tpu.wait_dma2 semaphore(%run_scoped3A : memref<!tpu.dma_semaphore, #tpu.memory_space<semaphore_mem>>) src(%arg7 : memref<128x256xf32, #tpu.memory_space<vmem>>) dst(%dma_wait3A_60 : memref<128x256xf32, #tpu.memory_space<hbm>>)
        tpu.yield
      }) : () -> ()
    }
    %scan3A_11 = arith.constant 20 : i32
    return
  }
}

#map = affine_map<(d0, d1) -> (0, 0)>
#map1 = affine_map<(d0, d1) -> (0, 0, 0)>
module attributes {stable_mosaic.version = 14 : i64} {
  func.func @gk(%arg0: i32, %arg1: i32, %arg2: memref<10000x128xf32, #tpu.memory_space<hbm>>, %arg3: memref<32x40x128xi32, #tpu.memory_space<hbm>>, %arg4: memref<163840x128xf32, #tpu.memory_space<hbm>>, %arg5: memref<40x128xi32, #tpu.memory_space<vmem>>, %arg6: memref<128x128xf32, #tpu.memory_space<vmem>>, %arg7: memref<128x128xf32, #tpu.memory_space<vmem>>, %arg8: memref<!tpu.dma_semaphore, #tpu.memory_space<semaphore_mem>>, %arg9: memref<!tpu.dma_semaphore, #tpu.memory_space<semaphore_mem>>) attributes {dimension_semantics = [#tpu.dimension_semantics<core_parallel>, #tpu.dimension_semantics<subcore_parallel>], iteration_bounds = array<i64: 2, 16>, scalar_prefetch = 0 : i64, scratch_operands = 5 : i64, tpu.core_type = #tpu.core_type<sc_vector_subcore>, window_params = [{transform_indices = #map}, {transform_indices = #map1}, {transform_indices = #map}]} {
    %mul3A = arith.constant 2 : i32
    %mul3A_0 = arith.muli %arg1, %mul3A : i32
    %add3A = arith.addi %mul3A_0, %arg0 : i32
    "tpu.region"() ({
      %run_scoped3A = tpu.sem_alloc : memref<!tpu.dma_semaphore, #tpu.memory_space<semaphore_mem>>
      %dma_start3A_12 = arith.constant 0 : i32
      %dma_start3A_13 = arith.constant 0 : i32
      %dma_start3A_14 = tpu.memref_slice %arg3[%add3A, %dma_start3A_12, %dma_start3A_13] : memref<32x40x128xi32, #tpu.memory_space<hbm>> -> memref<1x40x128xi32, #tpu.memory_space<hbm>>
      %dma_start3A_15 = tpu.memref_squeeze %dma_start3A_14 : memref<1x40x128xi32, #tpu.memory_space<hbm>> -> memref<40x128xi32, #tpu.memory_space<hbm>>
      %dma_start3A_16 = arith.constant 0 : i32
      %dma_start3A_17 = arith.constant 0 : i32
      %dma_start3A_18 = tpu.memref_slice %arg3[%add3A, %dma_start3A_16, %dma_start3A_17] : memref<32x40x128xi32, #tpu.memory_space<hbm>> -> memref<1x40x128xi32, #tpu.memory_space<hbm>>
      %dma_start3A_19 = tpu.memref_squeeze %dma_start3A_18 : memref<1x40x128xi32, #tpu.memory_space<hbm>> -> memref<40x128xi32, #tpu.memory_space<hbm>>
      tpu.enqueue_dma source(%dma_start3A_19 : memref<40x128xi32, #tpu.memory_space<hbm>>) target(%arg5 : memref<40x128xi32, #tpu.memory_space<vmem>>) target_semaphore(%run_scoped3A : memref<!tpu.dma_semaphore, #tpu.memory_space<semaphore_mem>>)
      %dma_wait3A = arith.constant 0 : i32
      %dma_wait3A_20 = arith.constant 0 : i32
      %dma_wait3A_21 = tpu.memref_slice %arg3[%add3A, %dma_wait3A, %dma_wait3A_20] : memref<32x40x128xi32, #tpu.memory_space<hbm>> -> memref<1x40x128xi32, #tpu.memory_space<hbm>>
      %dma_wait3A_22 = tpu.memref_squeeze %dma_wait3A_21 : memref<1x40x128xi32, #tpu.memory_space<hbm>> -> memref<40x128xi32, #tpu.memory_space<hbm>>
      %dma_wait3A_23 = arith.constant 0 : i32
      %dma_wait3A_24 = arith.constant 0 : i32
      %dma_wait3A_25 = tpu.memref_slice %arg3[%add3A, %dma_wait3A_23, %dma_wait3A_24] : memref<32x40x128xi32, #tpu.memory_space<hbm>> -> memref<1x40x128xi32, #tpu.memory_space<hbm>>
      %dma_wait3A_26 = tpu.memref_squeeze %dma_wait3A_25 : memref<1x40x128xi32, #tpu.memory_space<hbm>> -> memref<40x128xi32, #tpu.memory_space<hbm>>
      tpu.wait_dma2 semaphore(%run_scoped3A : memref<!tpu.dma_semaphore, #tpu.memory_space<semaphore_mem>>) src(%dma_wait3A_26 : memref<40x128xi32, #tpu.memory_space<hbm>>) dst(%arg5 : memref<40x128xi32, #tpu.memory_space<vmem>>)
      tpu.yield
    }) : () -> ()
    %dma_start3A = arith.constant 0 : i32
    %dma_start3A_1 = arith.constant 0 : i32
    %dma_start3A_2 = tpu.memref_slice %arg5[%dma_start3A, %dma_start3A_1] : memref<40x128xi32, #tpu.memory_space<vmem>> -> memref<1x128xi32, #tpu.memory_space<vmem>>
    %dma_start3A_3 = tpu.memref_squeeze %dma_start3A_2 : memref<1x128xi32, #tpu.memory_space<vmem>> -> memref<128xi32, #tpu.memory_space<vmem>>
    %dma_start3A_4 = arith.constant 0 : i32
    %dma_start3A_5 = arith.constant 0 : i32
    %dma_start3A_6 = tpu.memref_slice %arg2[%dma_start3A_4, %dma_start3A_5] : memref<10000x128xf32, #tpu.memory_space<hbm>> -> memref<10000x128xf32, #tpu.memory_space<hbm>>
    tpu.enqueue_indirect_dma source(%dma_start3A_6 : memref<10000x128xf32, #tpu.memory_space<hbm>>) target(%arg6 : memref<128x128xf32, #tpu.memory_space<vmem>>) offsets(%dma_start3A_3 : memref<128xi32, #tpu.memory_space<vmem>>) semaphore(%arg8 : memref<!tpu.dma_semaphore, #tpu.memory_space<semaphore_mem>>)
    %scan3A = arith.constant 0 : i32
    %scan3A_7 = arith.constant 0 : i32
    %scan3A_8 = arith.constant 20 : i32
    %scan3A_9 = arith.addi %scan3A_7, %scan3A_8 : i32
    %scan3A_10 = arith.constant 1 : i32
    scf.for %scan3A_12 = %scan3A_7 to %scan3A_9 step %scan3A_10  : i32 {
      %mul3A_13 = arith.constant 2 : i32
      %mul3A_14 = arith.muli %mul3A_13, %scan3A_12 : i32
      %add3A_15 = arith.constant 0 : i32
      %add3A_16 = arith.addi %mul3A_14, %add3A_15 : i32
      %add3A_17 = arith.constant 1 : i32
      %add3A_18 = arith.addi %add3A_16, %add3A_17 : i32
      %lt3A = arith.constant 40 : i32
      %lt3A_19 = arith.cmpi slt, %add3A_18, %lt3A : i32
      %convert_element_type3A = arith.extui %lt3A_19 : i1 to i32
      %cond3A = arith.constant 0 : i32
      %cond3A_20 = arith.cmpi ne, %convert_element_type3A, %cond3A : i32
      scf.if %cond3A_20 {
        %add3A_53 = arith.constant 1 : i32
        %add3A_54 = arith.addi %add3A_16, %add3A_53 : i32
        %dma_start3A_55 = arith.constant 0 : i32
        %dma_start3A_56 = tpu.memref_slice %arg5[%add3A_54, %dma_start3A_55] : memref<40x128xi32, #tpu.memory_space<vmem>> -> memref<1x128xi32, #tpu.memory_space<vmem>>
        %dma_start3A_57 = tpu.memref_squeeze %dma_start3A_56 : memref<1x128xi32, #tpu.memory_space<vmem>> -> memref<128xi32, #tpu.memory_space<vmem>>
        %dma_start3A_58 = arith.constant 0 : i32
        %dma_start3A_59 = arith.constant 0 : i32
        %dma_start3A_60 = tpu.memref_slice %arg2[%dma_start3A_58, %dma_start3A_59] : memref<10000x128xf32, #tpu.memory_space<hbm>> -> memref<10000x128xf32, #tpu.memory_space<hbm>>
        tpu.enqueue_indirect_dma source(%dma_start3A_60 : memref<10000x128xf32, #tpu.memory_space<hbm>>) target(%arg7 : memref<128x128xf32, #tpu.memory_space<vmem>>) offsets(%dma_start3A_57 : memref<128xi32, #tpu.memory_space<vmem>>) semaphore(%arg9 : memref<!tpu.dma_semaphore, #tpu.memory_space<semaphore_mem>>)
      } else {
      }
      %dma_wait3A = arith.constant 0 : i32
      %dma_wait3A_21 = tpu.memref_slice %arg5[%add3A_16, %dma_wait3A] : memref<40x128xi32, #tpu.memory_space<vmem>> -> memref<1x128xi32, #tpu.memory_space<vmem>>
      %dma_wait3A_22 = tpu.memref_squeeze %dma_wait3A_21 : memref<1x128xi32, #tpu.memory_space<vmem>> -> memref<128xi32, #tpu.memory_space<vmem>>
      %dma_wait3A_23 = arith.constant 0 : i32
      %dma_wait3A_24 = arith.constant 0 : i32
      %dma_wait3A_25 = tpu.memref_slice %arg2[%dma_wait3A_23, %dma_wait3A_24] : memref<10000x128xf32, #tpu.memory_space<hbm>> -> memref<10000x128xf32, #tpu.memory_space<hbm>>
      tpu.wait_indirect_dma semaphore(%arg8 : memref<!tpu.dma_semaphore, #tpu.memory_space<semaphore_mem>>) src(%dma_wait3A_25 : memref<10000x128xf32, #tpu.memory_space<hbm>>) dst(%arg6 : memref<128x128xf32, #tpu.memory_space<vmem>>)
      %mul3A_26 = arith.constant 40 : i32
      %mul3A_27 = arith.muli %add3A, %mul3A_26 : i32
      %add3A_28 = arith.addi %mul3A_27, %add3A_16 : i32
      %mul3A_29 = arith.constant 128 : i32
      %mul3A_30 = arith.muli %add3A_28, %mul3A_29 : i32
      "tpu.region"() ({
        %run_scoped3A = tpu.sem_alloc : memref<!tpu.dma_semaphore, #tpu.memory_space<semaphore_mem>>
        %dma_start3A_53 = arith.constant 0 : i32
        %dma_start3A_54 = tpu.memref_slice %arg4[%mul3A_30, %dma_start3A_53] : memref<163840x128xf32, #tpu.memory_space<hbm>> -> memref<128x128xf32, #tpu.memory_space<hbm>>
        %dma_start3A_55 = arith.constant 0 : i32
        %dma_start3A_56 = tpu.memref_slice %arg4[%mul3A_30, %dma_start3A_55] : memref<163840x128xf32, #tpu.memory_space<hbm>> -> memref<128x128xf32, #tpu.memory_space<hbm>>
        tpu.enqueue_dma source(%arg6 : memref<128x128xf32, #tpu.memory_space<vmem>>) target(%dma_start3A_56 : memref<128x128xf32, #tpu.memory_space<hbm>>) target_semaphore(%run_scoped3A : memref<!tpu.dma_semaphore, #tpu.memory_space<semaphore_mem>>)
        %dma_wait3A_57 = arith.constant 0 : i32
        %dma_wait3A_58 = tpu.memref_slice %arg4[%mul3A_30, %dma_wait3A_57] : memref<163840x128xf32, #tpu.memory_space<hbm>> -> memref<128x128xf32, #tpu.memory_space<hbm>>
        %dma_wait3A_59 = arith.constant 0 : i32
        %dma_wait3A_60 = tpu.memref_slice %arg4[%mul3A_30, %dma_wait3A_59] : memref<163840x128xf32, #tpu.memory_space<hbm>> -> memref<128x128xf32, #tpu.memory_space<hbm>>
        tpu.wait_dma2 semaphore(%run_scoped3A : memref<!tpu.dma_semaphore, #tpu.memory_space<semaphore_mem>>) src(%arg6 : memref<128x128xf32, #tpu.memory_space<vmem>>) dst(%dma_wait3A_60 : memref<128x128xf32, #tpu.memory_space<hbm>>)
        tpu.yield
      }) : () -> ()
      %mul3A_31 = arith.constant 2 : i32
      %mul3A_32 = arith.muli %mul3A_31, %scan3A_12 : i32
      %add3A_33 = arith.constant 1 : i32
      %add3A_34 = arith.addi %mul3A_32, %add3A_33 : i32
      %add3A_35 = arith.constant 1 : i32
      %add3A_36 = arith.addi %add3A_34, %add3A_35 : i32
      %lt3A_37 = arith.constant 40 : i32
      %lt3A_38 = arith.cmpi slt, %add3A_36, %lt3A_37 : i32
      %convert_element_type3A_39 = arith.extui %lt3A_38 : i1 to i32
      %cond3A_40 = arith.constant 0 : i32
      %cond3A_41 = arith.cmpi ne, %convert_element_type3A_39, %cond3A_40 : i32
      scf.if %cond3A_41 {
        %add3A_53 = arith.constant 1 : i32
        %add3A_54 = arith.addi %add3A_34, %add3A_53 : i32
        %dma_start3A_55 = arith.constant 0 : i32
        %dma_start3A_56 = tpu.memref_slice %arg5[%add3A_54, %dma_start3A_55] : memref<40x128xi32, #tpu.memory_space<vmem>> -> memref<1x128xi32, #tpu.memory_space<vmem>>
        %dma_start3A_57 = tpu.memref_squeeze %dma_start3A_56 : memref<1x128xi32, #tpu.memory_space<vmem>> -> memref<128xi32, #tpu.memory_space<vmem>>
        %dma_start3A_58 = arith.constant 0 : i32
        %dma_start3A_59 = arith.constant 0 : i32
        %dma_start3A_60 = tpu.memref_slice %arg2[%dma_start3A_58, %dma_start3A_59] : memref<10000x128xf32, #tpu.memory_space<hbm>> -> memref<10000x128xf32, #tpu.memory_space<hbm>>
        tpu.enqueue_indirect_dma source(%dma_start3A_60 : memref<10000x128xf32, #tpu.memory_space<hbm>>) target(%arg6 : memref<128x128xf32, #tpu.memory_space<vmem>>) offsets(%dma_start3A_57 : memref<128xi32, #tpu.memory_space<vmem>>) semaphore(%arg8 : memref<!tpu.dma_semaphore, #tpu.memory_space<semaphore_mem>>)
      } else {
      }
      %dma_wait3A_42 = arith.constant 0 : i32
      %dma_wait3A_43 = tpu.memref_slice %arg5[%add3A_34, %dma_wait3A_42] : memref<40x128xi32, #tpu.memory_space<vmem>> -> memref<1x128xi32, #tpu.memory_space<vmem>>
      %dma_wait3A_44 = tpu.memref_squeeze %dma_wait3A_43 : memref<1x128xi32, #tpu.memory_space<vmem>> -> memref<128xi32, #tpu.memory_space<vmem>>
      %dma_wait3A_45 = arith.constant 0 : i32
      %dma_wait3A_46 = arith.constant 0 : i32
      %dma_wait3A_47 = tpu.memref_slice %arg2[%dma_wait3A_45, %dma_wait3A_46] : memref<10000x128xf32, #tpu.memory_space<hbm>> -> memref<10000x128xf32, #tpu.memory_space<hbm>>
      tpu.wait_indirect_dma semaphore(%arg9 : memref<!tpu.dma_semaphore, #tpu.memory_space<semaphore_mem>>) src(%dma_wait3A_47 : memref<10000x128xf32, #tpu.memory_space<hbm>>) dst(%arg7 : memref<128x128xf32, #tpu.memory_space<vmem>>)
      %mul3A_48 = arith.constant 40 : i32
      %mul3A_49 = arith.muli %add3A, %mul3A_48 : i32
      %add3A_50 = arith.addi %mul3A_49, %add3A_34 : i32
      %mul3A_51 = arith.constant 128 : i32
      %mul3A_52 = arith.muli %add3A_50, %mul3A_51 : i32
      "tpu.region"() ({
        %run_scoped3A = tpu.sem_alloc : memref<!tpu.dma_semaphore, #tpu.memory_space<semaphore_mem>>
        %dma_start3A_53 = arith.constant 0 : i32
        %dma_start3A_54 = tpu.memref_slice %arg4[%mul3A_52, %dma_start3A_53] : memref<163840x128xf32, #tpu.memory_space<hbm>> -> memref<128x128xf32, #tpu.memory_space<hbm>>
        %dma_start3A_55 = arith.constant 0 : i32
        %dma_start3A_56 = tpu.memref_slice %arg4[%mul3A_52, %dma_start3A_55] : memref<163840x128xf32, #tpu.memory_space<hbm>> -> memref<128x128xf32, #tpu.memory_space<hbm>>
        tpu.enqueue_dma source(%arg7 : memref<128x128xf32, #tpu.memory_space<vmem>>) target(%dma_start3A_56 : memref<128x128xf32, #tpu.memory_space<hbm>>) target_semaphore(%run_scoped3A : memref<!tpu.dma_semaphore, #tpu.memory_space<semaphore_mem>>)
        %dma_wait3A_57 = arith.constant 0 : i32
        %dma_wait3A_58 = tpu.memref_slice %arg4[%mul3A_52, %dma_wait3A_57] : memref<163840x128xf32, #tpu.memory_space<hbm>> -> memref<128x128xf32, #tpu.memory_space<hbm>>
        %dma_wait3A_59 = arith.constant 0 : i32
        %dma_wait3A_60 = tpu.memref_slice %arg4[%mul3A_52, %dma_wait3A_59] : memref<163840x128xf32, #tpu.memory_space<hbm>> -> memref<128x128xf32, #tpu.memory_space<hbm>>
        tpu.wait_dma2 semaphore(%run_scoped3A : memref<!tpu.dma_semaphore, #tpu.memory_space<semaphore_mem>>) src(%arg7 : memref<128x128xf32, #tpu.memory_space<vmem>>) dst(%dma_wait3A_60 : memref<128x128xf32, #tpu.memory_space<hbm>>)
        tpu.yield
      }) : () -> ()
    }
    %scan3A_11 = arith.constant 20 : i32
    return
  }
}

#map = affine_map<(d0, d1) -> (0, 0)>
#map1 = affine_map<(d0, d1) -> (0, 0, 0)>
module attributes {stable_mosaic.version = 14 : i64} {
  func.func @gk(%arg0: i32, %arg1: i32, %arg2: memref<10000x128xf32, #tpu.memory_space<hbm>>, %arg3: memref<32x40x128xi32, #tpu.memory_space<hbm>>, %arg4: memref<163840x128xf32, #tpu.memory_space<hbm>>, %arg5: memref<40x128xi32, #tpu.memory_space<vmem>>, %arg6: memref<128x128xf32, #tpu.memory_space<vmem>>, %arg7: memref<128x128xf32, #tpu.memory_space<vmem>>, %arg8: memref<!tpu.dma_semaphore, #tpu.memory_space<semaphore_mem>>, %arg9: memref<!tpu.dma_semaphore, #tpu.memory_space<semaphore_mem>>) attributes {dimension_semantics = [#tpu.dimension_semantics<core_parallel>, #tpu.dimension_semantics<subcore_parallel>], iteration_bounds = array<i64: 2, 16>, scalar_prefetch = 0 : i64, scratch_operands = 5 : i64, tpu.core_type = #tpu.core_type<sc_vector_subcore>, window_params = [{transform_indices = #map}, {transform_indices = #map1}, {transform_indices = #map}]} {
    %mul3A = arith.constant 2 : i32
    %mul3A_0 = arith.muli %arg1, %mul3A : i32
    %add3A = arith.addi %mul3A_0, %arg0 : i32
    "tpu.region"() ({
      %run_scoped3A = tpu.sem_alloc : memref<!tpu.dma_semaphore, #tpu.memory_space<semaphore_mem>>
      %dma_start3A_12 = arith.constant 0 : i32
      %dma_start3A_13 = arith.constant 0 : i32
      %dma_start3A_14 = tpu.memref_slice %arg3[%add3A, %dma_start3A_12, %dma_start3A_13] : memref<32x40x128xi32, #tpu.memory_space<hbm>> -> memref<1x40x128xi32, #tpu.memory_space<hbm>>
      %dma_start3A_15 = tpu.memref_squeeze %dma_start3A_14 : memref<1x40x128xi32, #tpu.memory_space<hbm>> -> memref<40x128xi32, #tpu.memory_space<hbm>>
      %dma_start3A_16 = arith.constant 0 : i32
      %dma_start3A_17 = arith.constant 0 : i32
      %dma_start3A_18 = tpu.memref_slice %arg3[%add3A, %dma_start3A_16, %dma_start3A_17] : memref<32x40x128xi32, #tpu.memory_space<hbm>> -> memref<1x40x128xi32, #tpu.memory_space<hbm>>
      %dma_start3A_19 = tpu.memref_squeeze %dma_start3A_18 : memref<1x40x128xi32, #tpu.memory_space<hbm>> -> memref<40x128xi32, #tpu.memory_space<hbm>>
      tpu.enqueue_dma source(%dma_start3A_19 : memref<40x128xi32, #tpu.memory_space<hbm>>) target(%arg5 : memref<40x128xi32, #tpu.memory_space<vmem>>) target_semaphore(%run_scoped3A : memref<!tpu.dma_semaphore, #tpu.memory_space<semaphore_mem>>)
      %dma_wait3A = arith.constant 0 : i32
      %dma_wait3A_20 = arith.constant 0 : i32
      %dma_wait3A_21 = tpu.memref_slice %arg3[%add3A, %dma_wait3A, %dma_wait3A_20] : memref<32x40x128xi32, #tpu.memory_space<hbm>> -> memref<1x40x128xi32, #tpu.memory_space<hbm>>
      %dma_wait3A_22 = tpu.memref_squeeze %dma_wait3A_21 : memref<1x40x128xi32, #tpu.memory_space<hbm>> -> memref<40x128xi32, #tpu.memory_space<hbm>>
      %dma_wait3A_23 = arith.constant 0 : i32
      %dma_wait3A_24 = arith.constant 0 : i32
      %dma_wait3A_25 = tpu.memref_slice %arg3[%add3A, %dma_wait3A_23, %dma_wait3A_24] : memref<32x40x128xi32, #tpu.memory_space<hbm>> -> memref<1x40x128xi32, #tpu.memory_space<hbm>>
      %dma_wait3A_26 = tpu.memref_squeeze %dma_wait3A_25 : memref<1x40x128xi32, #tpu.memory_space<hbm>> -> memref<40x128xi32, #tpu.memory_space<hbm>>
      tpu.wait_dma2 semaphore(%run_scoped3A : memref<!tpu.dma_semaphore, #tpu.memory_space<semaphore_mem>>) src(%dma_wait3A_26 : memref<40x128xi32, #tpu.memory_space<hbm>>) dst(%arg5 : memref<40x128xi32, #tpu.memory_space<vmem>>)
      tpu.yield
    }) : () -> ()
    %dma_start3A = arith.constant 0 : i32
    %dma_start3A_1 = arith.constant 0 : i32
    %dma_start3A_2 = tpu.memref_slice %arg5[%dma_start3A, %dma_start3A_1] : memref<40x128xi32, #tpu.memory_space<vmem>> -> memref<1x128xi32, #tpu.memory_space<vmem>>
    %dma_start3A_3 = tpu.memref_squeeze %dma_start3A_2 : memref<1x128xi32, #tpu.memory_space<vmem>> -> memref<128xi32, #tpu.memory_space<vmem>>
    %dma_start3A_4 = arith.constant 0 : i32
    %dma_start3A_5 = arith.constant 0 : i32
    %dma_start3A_6 = tpu.memref_slice %arg2[%dma_start3A_4, %dma_start3A_5] : memref<10000x128xf32, #tpu.memory_space<hbm>> -> memref<10000x128xf32, #tpu.memory_space<hbm>>
    tpu.enqueue_indirect_dma source(%dma_start3A_6 : memref<10000x128xf32, #tpu.memory_space<hbm>>) target(%arg6 : memref<128x128xf32, #tpu.memory_space<vmem>>) offsets(%dma_start3A_3 : memref<128xi32, #tpu.memory_space<vmem>>) semaphore(%arg8 : memref<!tpu.dma_semaphore, #tpu.memory_space<semaphore_mem>>)
    %scan3A = arith.constant 0 : i32
    %scan3A_7 = arith.constant 0 : i32
    %scan3A_8 = arith.constant 20 : i32
    %scan3A_9 = arith.addi %scan3A_7, %scan3A_8 : i32
    %scan3A_10 = arith.constant 1 : i32
    scf.for %scan3A_12 = %scan3A_7 to %scan3A_9 step %scan3A_10  : i32 {
      %mul3A_13 = arith.constant 2 : i32
      %mul3A_14 = arith.muli %mul3A_13, %scan3A_12 : i32
      %add3A_15 = arith.constant 0 : i32
      %add3A_16 = arith.addi %mul3A_14, %add3A_15 : i32
      %add3A_17 = arith.constant 1 : i32
      %add3A_18 = arith.addi %add3A_16, %add3A_17 : i32
      %lt3A = arith.constant 40 : i32
      %lt3A_19 = arith.cmpi slt, %add3A_18, %lt3A : i32
      %convert_element_type3A = arith.extui %lt3A_19 : i1 to i32
      %cond3A = arith.constant 0 : i32
      %cond3A_20 = arith.cmpi ne, %convert_element_type3A, %cond3A : i32
      scf.if %cond3A_20 {
        %add3A_53 = arith.constant 1 : i32
        %add3A_54 = arith.addi %add3A_16, %add3A_53 : i32
        %dma_start3A_55 = arith.constant 0 : i32
        %dma_start3A_56 = tpu.memref_slice %arg5[%add3A_54, %dma_start3A_55] : memref<40x128xi32, #tpu.memory_space<vmem>> -> memref<1x128xi32, #tpu.memory_space<vmem>>
        %dma_start3A_57 = tpu.memref_squeeze %dma_start3A_56 : memref<1x128xi32, #tpu.memory_space<vmem>> -> memref<128xi32, #tpu.memory_space<vmem>>
        %dma_start3A_58 = arith.constant 0 : i32
        %dma_start3A_59 = arith.constant 0 : i32
        %dma_start3A_60 = tpu.memref_slice %arg2[%dma_start3A_58, %dma_start3A_59] : memref<10000x128xf32, #tpu.memory_space<hbm>> -> memref<10000x128xf32, #tpu.memory_space<hbm>>
        tpu.enqueue_indirect_dma source(%dma_start3A_60 : memref<10000x128xf32, #tpu.memory_space<hbm>>) target(%arg7 : memref<128x128xf32, #tpu.memory_space<vmem>>) offsets(%dma_start3A_57 : memref<128xi32, #tpu.memory_space<vmem>>) semaphore(%arg9 : memref<!tpu.dma_semaphore, #tpu.memory_space<semaphore_mem>>)
      } else {
      }
      %dma_wait3A = arith.constant 0 : i32
      %dma_wait3A_21 = tpu.memref_slice %arg5[%add3A_16, %dma_wait3A] : memref<40x128xi32, #tpu.memory_space<vmem>> -> memref<1x128xi32, #tpu.memory_space<vmem>>
      %dma_wait3A_22 = tpu.memref_squeeze %dma_wait3A_21 : memref<1x128xi32, #tpu.memory_space<vmem>> -> memref<128xi32, #tpu.memory_space<vmem>>
      %dma_wait3A_23 = arith.constant 0 : i32
      %dma_wait3A_24 = arith.constant 0 : i32
      %dma_wait3A_25 = tpu.memref_slice %arg2[%dma_wait3A_23, %dma_wait3A_24] : memref<10000x128xf32, #tpu.memory_space<hbm>> -> memref<10000x128xf32, #tpu.memory_space<hbm>>
      tpu.wait_indirect_dma semaphore(%arg8 : memref<!tpu.dma_semaphore, #tpu.memory_space<semaphore_mem>>) src(%dma_wait3A_25 : memref<10000x128xf32, #tpu.memory_space<hbm>>) dst(%arg6 : memref<128x128xf32, #tpu.memory_space<vmem>>)
      %mul3A_26 = arith.constant 40 : i32
      %mul3A_27 = arith.muli %add3A, %mul3A_26 : i32
      %add3A_28 = arith.addi %mul3A_27, %add3A_16 : i32
      %mul3A_29 = arith.constant 128 : i32
      %mul3A_30 = arith.muli %add3A_28, %mul3A_29 : i32
      "tpu.region"() ({
        %run_scoped3A = tpu.sem_alloc : memref<!tpu.dma_semaphore, #tpu.memory_space<semaphore_mem>>
        %dma_start3A_53 = arith.constant 0 : i32
        %dma_start3A_54 = tpu.memref_slice %arg4[%mul3A_30, %dma_start3A_53] : memref<163840x128xf32, #tpu.memory_space<hbm>> -> memref<128x128xf32, #tpu.memory_space<hbm>>
        %dma_start3A_55 = arith.constant 0 : i32
        %dma_start3A_56 = tpu.memref_slice %arg4[%mul3A_30, %dma_start3A_55] : memref<163840x128xf32, #tpu.memory_space<hbm>> -> memref<128x128xf32, #tpu.memory_space<hbm>>
        tpu.enqueue_dma source(%arg6 : memref<128x128xf32, #tpu.memory_space<vmem>>) target(%dma_start3A_56 : memref<128x128xf32, #tpu.memory_space<hbm>>) target_semaphore(%run_scoped3A : memref<!tpu.dma_semaphore, #tpu.memory_space<semaphore_mem>>)
        %dma_wait3A_57 = arith.constant 0 : i32
        %dma_wait3A_58 = tpu.memref_slice %arg4[%mul3A_30, %dma_wait3A_57] : memref<163840x128xf32, #tpu.memory_space<hbm>> -> memref<128x128xf32, #tpu.memory_space<hbm>>
        %dma_wait3A_59 = arith.constant 0 : i32
        %dma_wait3A_60 = tpu.memref_slice %arg4[%mul3A_30, %dma_wait3A_59] : memref<163840x128xf32, #tpu.memory_space<hbm>> -> memref<128x128xf32, #tpu.memory_space<hbm>>
        tpu.wait_dma2 semaphore(%run_scoped3A : memref<!tpu.dma_semaphore, #tpu.memory_space<semaphore_mem>>) src(%arg6 : memref<128x128xf32, #tpu.memory_space<vmem>>) dst(%dma_wait3A_60 : memref<128x128xf32, #tpu.memory_space<hbm>>)
        tpu.yield
      }) : () -> ()
      %mul3A_31 = arith.constant 2 : i32
      %mul3A_32 = arith.muli %mul3A_31, %scan3A_12 : i32
      %add3A_33 = arith.constant 1 : i32
      %add3A_34 = arith.addi %mul3A_32, %add3A_33 : i32
      %add3A_35 = arith.constant 1 : i32
      %add3A_36 = arith.addi %add3A_34, %add3A_35 : i32
      %lt3A_37 = arith.constant 40 : i32
      %lt3A_38 = arith.cmpi slt, %add3A_36, %lt3A_37 : i32
      %convert_element_type3A_39 = arith.extui %lt3A_38 : i1 to i32
      %cond3A_40 = arith.constant 0 : i32
      %cond3A_41 = arith.cmpi ne, %convert_element_type3A_39, %cond3A_40 : i32
      scf.if %cond3A_41 {
        %add3A_53 = arith.constant 1 : i32
        %add3A_54 = arith.addi %add3A_34, %add3A_53 : i32
        %dma_start3A_55 = arith.constant 0 : i32
        %dma_start3A_56 = tpu.memref_slice %arg5[%add3A_54, %dma_start3A_55] : memref<40x128xi32, #tpu.memory_space<vmem>> -> memref<1x128xi32, #tpu.memory_space<vmem>>
        %dma_start3A_57 = tpu.memref_squeeze %dma_start3A_56 : memref<1x128xi32, #tpu.memory_space<vmem>> -> memref<128xi32, #tpu.memory_space<vmem>>
        %dma_start3A_58 = arith.constant 0 : i32
        %dma_start3A_59 = arith.constant 0 : i32
        %dma_start3A_60 = tpu.memref_slice %arg2[%dma_start3A_58, %dma_start3A_59] : memref<10000x128xf32, #tpu.memory_space<hbm>> -> memref<10000x128xf32, #tpu.memory_space<hbm>>
        tpu.enqueue_indirect_dma source(%dma_start3A_60 : memref<10000x128xf32, #tpu.memory_space<hbm>>) target(%arg6 : memref<128x128xf32, #tpu.memory_space<vmem>>) offsets(%dma_start3A_57 : memref<128xi32, #tpu.memory_space<vmem>>) semaphore(%arg8 : memref<!tpu.dma_semaphore, #tpu.memory_space<semaphore_mem>>)
      } else {
      }
      %dma_wait3A_42 = arith.constant 0 : i32
      %dma_wait3A_43 = tpu.memref_slice %arg5[%add3A_34, %dma_wait3A_42] : memref<40x128xi32, #tpu.memory_space<vmem>> -> memref<1x128xi32, #tpu.memory_space<vmem>>
      %dma_wait3A_44 = tpu.memref_squeeze %dma_wait3A_43 : memref<1x128xi32, #tpu.memory_space<vmem>> -> memref<128xi32, #tpu.memory_space<vmem>>
      %dma_wait3A_45 = arith.constant 0 : i32
      %dma_wait3A_46 = arith.constant 0 : i32
      %dma_wait3A_47 = tpu.memref_slice %arg2[%dma_wait3A_45, %dma_wait3A_46] : memref<10000x128xf32, #tpu.memory_space<hbm>> -> memref<10000x128xf32, #tpu.memory_space<hbm>>
      tpu.wait_indirect_dma semaphore(%arg9 : memref<!tpu.dma_semaphore, #tpu.memory_space<semaphore_mem>>) src(%dma_wait3A_47 : memref<10000x128xf32, #tpu.memory_space<hbm>>) dst(%arg7 : memref<128x128xf32, #tpu.memory_space<vmem>>)
      %mul3A_48 = arith.constant 40 : i32
      %mul3A_49 = arith.muli %add3A, %mul3A_48 : i32
      %add3A_50 = arith.addi %mul3A_49, %add3A_34 : i32
      %mul3A_51 = arith.constant 128 : i32
      %mul3A_52 = arith.muli %add3A_50, %mul3A_51 : i32
      "tpu.region"() ({
        %run_scoped3A = tpu.sem_alloc : memref<!tpu.dma_semaphore, #tpu.memory_space<semaphore_mem>>
        %dma_start3A_53 = arith.constant 0 : i32
        %dma_start3A_54 = tpu.memref_slice %arg4[%mul3A_52, %dma_start3A_53] : memref<163840x128xf32, #tpu.memory_space<hbm>> -> memref<128x128xf32, #tpu.memory_space<hbm>>
        %dma_start3A_55 = arith.constant 0 : i32
        %dma_start3A_56 = tpu.memref_slice %arg4[%mul3A_52, %dma_start3A_55] : memref<163840x128xf32, #tpu.memory_space<hbm>> -> memref<128x128xf32, #tpu.memory_space<hbm>>
        tpu.enqueue_dma source(%arg7 : memref<128x128xf32, #tpu.memory_space<vmem>>) target(%dma_start3A_56 : memref<128x128xf32, #tpu.memory_space<hbm>>) target_semaphore(%run_scoped3A : memref<!tpu.dma_semaphore, #tpu.memory_space<semaphore_mem>>)
        %dma_wait3A_57 = arith.constant 0 : i32
        %dma_wait3A_58 = tpu.memref_slice %arg4[%mul3A_52, %dma_wait3A_57] : memref<163840x128xf32, #tpu.memory_space<hbm>> -> memref<128x128xf32, #tpu.memory_space<hbm>>
        %dma_wait3A_59 = arith.constant 0 : i32
        %dma_wait3A_60 = tpu.memref_slice %arg4[%mul3A_52, %dma_wait3A_59] : memref<163840x128xf32, #tpu.memory_space<hbm>> -> memref<128x128xf32, #tpu.memory_space<hbm>>
        tpu.wait_dma2 semaphore(%run_scoped3A : memref<!tpu.dma_semaphore, #tpu.memory_space<semaphore_mem>>) src(%arg7 : memref<128x128xf32, #tpu.memory_space<vmem>>) dst(%dma_wait3A_60 : memref<128x128xf32, #tpu.memory_space<hbm>>)
        tpu.yield
      }) : () -> ()
    }
    %scan3A_11 = arith.constant 20 : i32
    return
  }
}

module attributes {stable_mosaic.version = 14 : i64} {
  func.func @_knn_body(%arg0: i32, %arg1: i32, %arg2: memref<100xi32, #tpu.memory_space<smem>>, %arg3: memref<200x3xf32, #tpu.memory_space<vmem>>, %arg4: memref<200x1xi32, #tpu.memory_space<vmem>>, %arg5: memref<3x2560xf32, #tpu.memory_space<vmem>>, %arg6: memref<1x2560xi32, #tpu.memory_space<vmem>>, %arg7: memref<200x16xi32, #tpu.memory_space<vmem>>, %arg8: memref<200x16xf32, #tpu.memory_space<vmem>>, %arg9: memref<200x16xi32, #tpu.memory_space<vmem>>) attributes {dimension_semantics = [#tpu.dimension_semantics<arbitrary>, #tpu.dimension_semantics<arbitrary>], iteration_bounds = array<i64: 50, 4>, scalar_prefetch = 1 : i64, scratch_operands = 2 : i64, tpu.core_type = #tpu.core_type<tc>, window_params = [{transform_indices = @transform_0, window_bounds = array<i64: 200, 3>}, {transform_indices = @transform_1, window_bounds = array<i64: 200, 1>}, {transform_indices = @transform_2, window_bounds = array<i64: 3, 2560>}, {transform_indices = @transform_3, window_bounds = array<i64: 1, 2560>}, {transform_indices = @transform_4, window_bounds = array<i64: 200, 16>}]} {
    %eq3A = arith.constant 0 : i32
    %eq3A_0 = arith.cmpi eq, %arg1, %eq3A : i32
    %convert_element_type3A = arith.extui %eq3A_0 : i1 to i32
    %cond3A = arith.constant 0x7F800000 : f32
    %cond3A_1 = arith.constant 1073741824 : i32
    %cond3A_2 = arith.constant 0 : i32
    %cond3A_3 = arith.cmpi ne, %convert_element_type3A, %cond3A_2 : i32
    scf.if %cond3A_3 {
      %broadcast_in_dim3A = vector.broadcast %cond3A : f32 to vector<200x16xf32>
      %swap3A = arith.constant 0 : index
      %swap3A_27 = arith.constant 0 : index
      %swap3A_28 = vector.load %arg8[%swap3A, %swap3A_27] : memref<200x16xf32, #tpu.memory_space<vmem>>, vector<200x16xf32>
      tpu.vector_store %arg8[%swap3A, %swap3A_27], %broadcast_in_dim3A {strides = array<i32>} : memref<200x16xf32, #tpu.memory_space<vmem>>, vector<200x16xf32>,
      %broadcast_in_dim3A_29 = vector.broadcast %cond3A_1 : i32 to vector<200x16xi32>
      %swap3A_30 = arith.constant 0 : index
      %swap3A_31 = arith.constant 0 : index
      %swap3A_32 = vector.load %arg9[%swap3A_30, %swap3A_31] : memref<200x16xi32, #tpu.memory_space<vmem>>, vector<200x16xi32>
      tpu.vector_store %arg9[%swap3A_30, %swap3A_31], %broadcast_in_dim3A_29 {strides = array<i32>} : memref<200x16xi32, #tpu.memory_space<vmem>>, vector<200x16xi32>,
    } else {
    }
    %mul3A = arith.constant 2 : i32
    %mul3A_4 = arith.muli %mul3A, %arg0 : i32
    %get3A = arith.index_cast %mul3A_4 : i32 to index
    %get3A_5 = memref.load %arg2[%get3A] : memref<100xi32, #tpu.memory_space<smem>>
    %mul3A_6 = arith.constant 2 : i32
    %mul3A_7 = arith.muli %mul3A_6, %arg0 : i32
    %add3A = arith.constant 1 : i32
    %add3A_8 = arith.addi %mul3A_7, %add3A : i32
    %get3A_9 = arith.index_cast %add3A_8 : i32 to index
    %get3A_10 = memref.load %arg2[%get3A_9] : memref<100xi32, #tpu.memory_space<smem>>
    %mul3A_11 = arith.constant 2560 : i32
    %mul3A_12 = arith.muli %arg1, %mul3A_11 : i32
    %gt3A = arith.cmpi sgt, %get3A_10, %mul3A_12 : i32
    %add3A_13 = arith.constant 1 : i32
    %add3A_14 = arith.addi %arg1, %add3A_13 : i32
    %mul3A_15 = arith.constant 2560 : i32
    %mul3A_16 = arith.muli %add3A_14, %mul3A_15 : i32
    %lt3A = arith.cmpi slt, %get3A_5, %mul3A_16 : i32
    %and3A = arith.andi %gt3A, %lt3A : i1
    %convert_element_type3A_17 = arith.extui %and3A : i1 to i32
    %cond3A_18 = arith.constant 0x7F800000 : f32
    %cond3A_19 = arith.constant 1073741824 : i32
    %cond3A_20 = arith.constant 0 : i32
    %cond3A_21 = arith.cmpi ne, %convert_element_type3A_17, %cond3A_20 : i32
    scf.if %cond3A_21 {
      %get3A_27 = arith.constant 0 : index
      %get3A_28 = arith.constant 0 : index
      %get3A_29 = vector.load %arg3[%get3A_27, %get3A_28] : memref<200x3xf32, #tpu.memory_space<vmem>>, vector<200x3xf32>
      %get3A_30 = arith.constant 0 : index
      %get3A_31 = arith.constant 0 : index
      %get3A_32 = vector.load %arg5[%get3A_30, %get3A_31] : memref<3x2560xf32, #tpu.memory_space<vmem>>, vector<3x2560xf32>
      %mul3A_33 = arith.mulf %get3A_29, %get3A_29 : vector<200x3xf32>
      %reduce_sum3A = arith.constant dense<0.000000e+00> : vector<200xf32>
      %reduce_sum3A_34 = vector.multi_reduction <add>, %mul3A_33, %reduce_sum3A [1] : vector<200x3xf32> to vector<200xf32>
      %broadcast_in_dim3A = vector.shape_cast %reduce_sum3A_34 : vector<200xf32> to vector<200x1xf32>
      %mul3A_35 = arith.mulf %get3A_32, %get3A_32 : vector<3x2560xf32>
      %reduce_sum3A_36 = arith.constant dense<0.000000e+00> : vector<2560xf32>
      %reduce_sum3A_37 = vector.multi_reduction <add>, %mul3A_35, %reduce_sum3A_36 [0] : vector<3x2560xf32> to vector<2560xf32>
      %broadcast_in_dim3A_38 = vector.shape_cast %reduce_sum3A_37 : vector<2560xf32> to vector<1x2560xf32>
      %dot_general3A = arith.constant dense<0.000000e+00> : vector<200x2560xf32>
      %dot_general3A_39 = tpu.matmul %get3A_29, %get3A_32, %dot_general3A {dimension_numbers = #tpu.dot_dimension_numbers<[1], [0], [0], [1], [0, 0, 1, 1], [], []>, precision = #tpu.contract_precision<fp32>, transpose_lhs_hint = false} : vector<200x3xf32>, vector<3x2560xf32>, vector<200x2560xf32> -> vector<200x2560xf32>
      %mul3A_40 = arith.constant 2.000000e+00 : f32
      %mul3A_41 = vector.broadcast %mul3A_40 : f32 to vector<200x2560xf32>
      %mul3A_42 = arith.mulf %mul3A_41, %dot_general3A_39 : vector<200x2560xf32>
      %sub3A = vector.broadcast %broadcast_in_dim3A : vector<200x1xf32> to vector<200x2560xf32>
      %sub3A_43 = arith.subf %sub3A, %mul3A_42 : vector<200x2560xf32>
      %add3A_44 = vector.broadcast %broadcast_in_dim3A_38 : vector<1x2560xf32> to vector<200x2560xf32>
      %add3A_45 = arith.addf %sub3A_43, %add3A_44 : vector<200x2560xf32>
      %mul3A_46 = arith.constant 2560 : i32
      %mul3A_47 = arith.muli %arg1, %mul3A_46 : i32
      %iota3A = tpu.iota {dimensions = array<i32: 1>} : vector<1x2560xi32>
      %add3A_48 = vector.broadcast %mul3A_47 : i32 to vector<1x2560xi32>
      %add3A_49 = arith.addi %add3A_48, %iota3A : vector<1x2560xi32>
      %mul3A_50 = arith.constant 200 : i32
      %mul3A_51 = arith.muli %arg0, %mul3A_50 : i32
      %iota3A_52 = tpu.iota {dimensions = array<i32: 0>} : vector<200x1xi32>
      %add3A_53 = vector.broadcast %mul3A_51 : i32 to vector<200x1xi32>
      %add3A_54 = arith.addi %add3A_53, %iota3A_52 : vector<200x1xi32>
      %get3A_55 = arith.constant 0 : index
      %get3A_56 = arith.constant 0 : index
      %get3A_57 = vector.load %arg4[%get3A_55, %get3A_56] : memref<200x1xi32, #tpu.memory_space<vmem>>, vector<200x1xi32>
      %get3A_58 = arith.constant 0 : index
      %get3A_59 = arith.constant 0 : index
      %get3A_60 = vector.load %arg6[%get3A_58, %get3A_59] : memref<1x2560xi32, #tpu.memory_space<vmem>>, vector<1x2560xi32>
      %ne3A = vector.broadcast %get3A_57 : vector<200x1xi32> to vector<200x2560xi32>
      %ne3A_61 = vector.broadcast %get3A_60 : vector<1x2560xi32> to vector<200x2560xi32>
      %ne3A_62 = arith.cmpi ne, %ne3A, %ne3A_61 : vector<200x2560xi32>
      %eq3A_63 = vector.broadcast %add3A_49 : vector<1x2560xi32> to vector<200x2560xi32>
      %eq3A_64 = vector.broadcast %add3A_54 : vector<200x1xi32> to vector<200x2560xi32>
      %eq3A_65 = arith.cmpi eq, %eq3A_63, %eq3A_64 : vector<200x2560xi32>
      %or3A = arith.ori %ne3A_62, %eq3A_65 : vector<200x2560xi1>
      %broadcast_in_dim3A_66 = vector.broadcast %cond3A_18 : f32 to vector<200x2560xf32>
      %select_n3A = arith.select %or3A, %broadcast_in_dim3A_66, %add3A_45 : vector<200x2560xi1>, vector<200x2560xf32>
      %get3A_67 = arith.constant 0 : index
      %get3A_68 = arith.constant 0 : index
      %get3A_69 = vector.load %arg8[%get3A_67, %get3A_68] : memref<200x16xf32, #tpu.memory_space<vmem>>, vector<200x16xf32>
      %concatenate3A = tpu.concatenate %get3A_69, %select_n3A in 1 : vector<200x16xf32>, vector<200x2560xf32> -> vector<200x2576xf32>
      %get3A_70 = arith.constant 0 : index
      %get3A_71 = arith.constant 0 : index
      %get3A_72 = vector.load %arg9[%get3A_70, %get3A_71] : memref<200x16xi32, #tpu.memory_space<vmem>>, vector<200x16xi32>
      %broadcast_in_dim3A_73 = vector.shape_cast %add3A_49 : vector<1x2560xi32> to vector<1x2560xi32>
      %broadcast_in_dim3A_74 = vector.broadcast %broadcast_in_dim3A_73 : vector<1x2560xi32> to vector<200x2560xi32>
      %concatenate3A_75 = tpu.concatenate %get3A_72, %broadcast_in_dim3A_74 in 1 : vector<200x16xi32>, vector<200x2560xi32> -> vector<200x2576xi32>
      %reduce_min3A = arith.constant dense<0x7F800000> : vector<200xf32>
      %reduce_min3A_76 = vector.multi_reduction <minimumf>, %concatenate3A, %reduce_min3A [1] : vector<200x2576xf32> to vector<200xf32>
      %broadcast_in_dim3A_77 = vector.shape_cast %reduce_min3A_76 : vector<200xf32> to vector<200x1xf32>
      %eq3A_78 = vector.broadcast %broadcast_in_dim3A_77 : vector<200x1xf32> to vector<200x2576xf32>
      %eq3A_79 = arith.cmpf oeq, %concatenate3A, %eq3A_78 : vector<200x2576xf32>
      %broadcast_in_dim3A_80 = vector.broadcast %cond3A_19 : i32 to vector<200x2576xi32>
      %select_n3A_81 = arith.select %eq3A_79, %concatenate3A_75, %broadcast_in_dim3A_80 : vector<200x2576xi1>, vector<200x2576xi32>
      %reduce_min3A_82 = arith.constant dense<2147483647> : vector<200xi32>
      %reduce_min3A_83 = vector.multi_reduction <minsi>, %select_n3A_81, %reduce_min3A_82 [1] : vector<200x2576xi32> to vector<200xi32>
      %broadcast_in_dim3A_84 = vector.shape_cast %reduce_min3A_83 : vector<200xi32> to vector<200x1xi32>
      %eq3A_85 = vector.broadcast %broadcast_in_dim3A_84 : vector<200x1xi32> to vector<200x2576xi32>
      %eq3A_86 = arith.cmpi eq, %concatenate3A_75, %eq3A_85 : vector<200x2576xi32>
      %broadcast_in_dim3A_87 = vector.broadcast %cond3A_18 : f32 to vector<200x2576xf32>
      %select_n3A_88 = arith.select %eq3A_86, %broadcast_in_dim3A_87, %concatenate3A : vector<200x2576xi1>, vector<200x2576xf32>
      %reduce_min3A_89 = arith.constant dense<0x7F800000> : vector<200xf32>
      %reduce_min3A_90 = vector.multi_reduction <minimumf>, %select_n3A_88, %reduce_min3A_89 [1] : vector<200x2576xf32> to vector<200xf32>
      %broadcast_in_dim3A_91 = vector.shape_cast %reduce_min3A_90 : vector<200xf32> to vector<200x1xf32>
      %eq3A_92 = vector.broadcast %broadcast_in_dim3A_91 : vector<200x1xf32> to vector<200x2576xf32>
      %eq3A_93 = arith.cmpf oeq, %select_n3A_88, %eq3A_92 : vector<200x2576xf32>
      %broadcast_in_dim3A_94 = vector.broadcast %cond3A_19 : i32 to vector<200x2576xi32>
      %select_n3A_95 = arith.select %eq3A_93, %concatenate3A_75, %broadcast_in_dim3A_94 : vector<200x2576xi1>, vector<200x2576xi32>
      %reduce_min3A_96 = arith.constant dense<2147483647> : vector<200xi32>
      %reduce_min3A_97 = vector.multi_reduction <minsi>, %select_n3A_95, %reduce_min3A_96 [1] : vector<200x2576xi32> to vector<200xi32>
      %broadcast_in_dim3A_98 = vector.shape_cast %reduce_min3A_97 : vector<200xi32> to vector<200x1xi32>
      %eq3A_99 = vector.broadcast %broadcast_in_dim3A_98 : vector<200x1xi32> to vector<200x2576xi32>
      %eq3A_100 = arith.cmpi eq, %concatenate3A_75, %eq3A_99 : vector<200x2576xi32>
      %broadcast_in_dim3A_101 = vector.broadcast %cond3A_18 : f32 to vector<200x2576xf32>
      %select_n3A_102 = arith.select %eq3A_100, %broadcast_in_dim3A_101, %select_n3A_88 : vector<200x2576xi1>, vector<200x2576xf32>
      %reduce_min3A_103 = arith.constant dense<0x7F800000> : vector<200xf32>
      %reduce_min3A_104 = vector.multi_reduction <minimumf>, %select_n3A_102, %reduce_min3A_103 [1] : vector<200x2576xf32> to vector<200xf32>
      %broadcast_in_dim3A_105 = vector.shape_cast %reduce_min3A_104 : vector<200xf32> to vector<200x1xf32>
      %eq3A_106 = vector.broadcast %broadcast_in_dim3A_105 : vector<200x1xf32> to vector<200x2576xf32>
      %eq3A_107 = arith.cmpf oeq, %select_n3A_102, %eq3A_106 : vector<200x2576xf32>
      %broadcast_in_dim3A_108 = vector.broadcast %cond3A_19 : i32 to vector<200x2576xi32>
      %select_n3A_109 = arith.select %eq3A_107, %concatenate3A_75, %broadcast_in_dim3A_108 : vector<200x2576xi1>, vector<200x2576xi32>
      %reduce_min3A_110 = arith.constant dense<2147483647> : vector<200xi32>
      %reduce_min3A_111 = vector.multi_reduction <minsi>, %select_n3A_109, %reduce_min3A_110 [1] : vector<200x2576xi32> to vector<200xi32>
      %broadcast_in_dim3A_112 = vector.shape_cast %reduce_min3A_111 : vector<200xi32> to vector<200x1xi32>
      %eq3A_113 = vector.broadcast %broadcast_in_dim3A_112 : vector<200x1xi32> to vector<200x2576xi32>
      %eq3A_114 = arith.cmpi eq, %concatenate3A_75, %eq3A_113 : vector<200x2576xi32>
      %broadcast_in_dim3A_115 = vector.broadcast %cond3A_18 : f32 to vector<200x2576xf32>
      %select_n3A_116 = arith.select %eq3A_114, %broadcast_in_dim3A_115, %select_n3A_102 : vector<200x2576xi1>, vector<200x2576xf32>
      %reduce_min3A_117 = arith.constant dense<0x7F800000> : vector<200xf32>
      %reduce_min3A_118 = vector.multi_reduction <minimumf>, %select_n3A_116, %reduce_min3A_117 [1] : vector<200x2576xf32> to vector<200xf32>
      %broadcast_in_dim3A_119 = vector.shape_cast %reduce_min3A_118 : vector<200xf32> to vector<200x1xf32>
      %eq3A_120 = vector.broadcast %broadcast_in_dim3A_119 : vector<200x1xf32> to vector<200x2576xf32>
      %eq3A_121 = arith.cmpf oeq, %select_n3A_116, %eq3A_120 : vector<200x2576xf32>
      %broadcast_in_dim3A_122 = vector.broadcast %cond3A_19 : i32 to vector<200x2576xi32>
      %select_n3A_123 = arith.select %eq3A_121, %concatenate3A_75, %broadcast_in_dim3A_122 : vector<200x2576xi1>, vector<200x2576xi32>
      %reduce_min3A_124 = arith.constant dense<2147483647> : vector<200xi32>
      %reduce_min3A_125 = vector.multi_reduction <minsi>, %select_n3A_123, %reduce_min3A_124 [1] : vector<200x2576xi32> to vector<200xi32>
      %broadcast_in_dim3A_126 = vector.shape_cast %reduce_min3A_125 : vector<200xi32> to vector<200x1xi32>
      %eq3A_127 = vector.broadcast %broadcast_in_dim3A_126 : vector<200x1xi32> to vector<200x2576xi32>
      %eq3A_128 = arith.cmpi eq, %concatenate3A_75, %eq3A_127 : vector<200x2576xi32>
      %broadcast_in_dim3A_129 = vector.broadcast %cond3A_18 : f32 to vector<200x2576xf32>
      %select_n3A_130 = arith.select %eq3A_128, %broadcast_in_dim3A_129, %select_n3A_116 : vector<200x2576xi1>, vector<200x2576xf32>
      %reduce_min3A_131 = arith.constant dense<0x7F800000> : vector<200xf32>
      %reduce_min3A_132 = vector.multi_reduction <minimumf>, %select_n3A_130, %reduce_min3A_131 [1] : vector<200x2576xf32> to vector<200xf32>
      %broadcast_in_dim3A_133 = vector.shape_cast %reduce_min3A_132 : vector<200xf32> to vector<200x1xf32>
      %eq3A_134 = vector.broadcast %broadcast_in_dim3A_133 : vector<200x1xf32> to vector<200x2576xf32>
      %eq3A_135 = arith.cmpf oeq, %select_n3A_130, %eq3A_134 : vector<200x2576xf32>
      %broadcast_in_dim3A_136 = vector.broadcast %cond3A_19 : i32 to vector<200x2576xi32>
      %select_n3A_137 = arith.select %eq3A_135, %concatenate3A_75, %broadcast_in_dim3A_136 : vector<200x2576xi1>, vector<200x2576xi32>
      %reduce_min3A_138 = arith.constant dense<2147483647> : vector<200xi32>
      %reduce_min3A_139 = vector.multi_reduction <minsi>, %select_n3A_137, %reduce_min3A_138 [1] : vector<200x2576xi32> to vector<200xi32>
      %broadcast_in_dim3A_140 = vector.shape_cast %reduce_min3A_139 : vector<200xi32> to vector<200x1xi32>
      %eq3A_141 = vector.broadcast %broadcast_in_dim3A_140 : vector<200x1xi32> to vector<200x2576xi32>
      %eq3A_142 = arith.cmpi eq, %concatenate3A_75, %eq3A_141 : vector<200x2576xi32>
      %broadcast_in_dim3A_143 = vector.broadcast %cond3A_18 : f32 to vector<200x2576xf32>
      %select_n3A_144 = arith.select %eq3A_142, %broadcast_in_dim3A_143, %select_n3A_130 : vector<200x2576xi1>, vector<200x2576xf32>
      %reduce_min3A_145 = arith.constant dense<0x7F800000> : vector<200xf32>
      %reduce_min3A_146 = vector.multi_reduction <minimumf>, %select_n3A_144, %reduce_min3A_145 [1] : vector<200x2576xf32> to vector<200xf32>
      %broadcast_in_dim3A_147 = vector.shape_cast %reduce_min3A_146 : vector<200xf32> to vector<200x1xf32>
      %eq3A_148 = vector.broadcast %broadcast_in_dim3A_147 : vector<200x1xf32> to vector<200x2576xf32>
      %eq3A_149 = arith.cmpf oeq, %select_n3A_144, %eq3A_148 : vector<200x2576xf32>
      %broadcast_in_dim3A_150 = vector.broadcast %cond3A_19 : i32 to vector<200x2576xi32>
      %select_n3A_151 = arith.select %eq3A_149, %concatenate3A_75, %broadcast_in_dim3A_150 : vector<200x2576xi1>, vector<200x2576xi32>
      %reduce_min3A_152 = arith.constant dense<2147483647> : vector<200xi32>
      %reduce_min3A_153 = vector.multi_reduction <minsi>, %select_n3A_151, %reduce_min3A_152 [1] : vector<200x2576xi32> to vector<200xi32>
      %broadcast_in_dim3A_154 = vector.shape_cast %reduce_min3A_153 : vector<200xi32> to vector<200x1xi32>
      %eq3A_155 = vector.broadcast %broadcast_in_dim3A_154 : vector<200x1xi32> to vector<200x2576xi32>
      %eq3A_156 = arith.cmpi eq, %concatenate3A_75, %eq3A_155 : vector<200x2576xi32>
      %broadcast_in_dim3A_157 = vector.broadcast %cond3A_18 : f32 to vector<200x2576xf32>
      %select_n3A_158 = arith.select %eq3A_156, %broadcast_in_dim3A_157, %select_n3A_144 : vector<200x2576xi1>, vector<200x2576xf32>
      %reduce_min3A_159 = arith.constant dense<0x7F800000> : vector<200xf32>
      %reduce_min3A_160 = vector.multi_reduction <minimumf>, %select_n3A_158, %reduce_min3A_159 [1] : vector<200x2576xf32> to vector<200xf32>
      %broadcast_in_dim3A_161 = vector.shape_cast %reduce_min3A_160 : vector<200xf32> to vector<200x1xf32>
      %eq3A_162 = vector.broadcast %broadcast_in_dim3A_161 : vector<200x1xf32> to vector<200x2576xf32>
      %eq3A_163 = arith.cmpf oeq, %select_n3A_158, %eq3A_162 : vector<200x2576xf32>
      %broadcast_in_dim3A_164 = vector.broadcast %cond3A_19 : i32 to vector<200x2576xi32>
      %select_n3A_165 = arith.select %eq3A_163, %concatenate3A_75, %broadcast_in_dim3A_164 : vector<200x2576xi1>, vector<200x2576xi32>
      %reduce_min3A_166 = arith.constant dense<2147483647> : vector<200xi32>
      %reduce_min3A_167 = vector.multi_reduction <minsi>, %select_n3A_165, %reduce_min3A_166 [1] : vector<200x2576xi32> to vector<200xi32>
      %broadcast_in_dim3A_168 = vector.shape_cast %reduce_min3A_167 : vector<200xi32> to vector<200x1xi32>
      %eq3A_169 = vector.broadcast %broadcast_in_dim3A_168 : vector<200x1xi32> to vector<200x2576xi32>
      %eq3A_170 = arith.cmpi eq, %concatenate3A_75, %eq3A_169 : vector<200x2576xi32>
      %broadcast_in_dim3A_171 = vector.broadcast %cond3A_18 : f32 to vector<200x2576xf32>
      %select_n3A_172 = arith.select %eq3A_170, %broadcast_in_dim3A_171, %select_n3A_158 : vector<200x2576xi1>, vector<200x2576xf32>
      %reduce_min3A_173 = arith.constant dense<0x7F800000> : vector<200xf32>
      %reduce_min3A_174 = vector.multi_reduction <minimumf>, %select_n3A_172, %reduce_min3A_173 [1] : vector<200x2576xf32> to vector<200xf32>
      %broadcast_in_dim3A_175 = vector.shape_cast %reduce_min3A_174 : vector<200xf32> to vector<200x1xf32>
      %eq3A_176 = vector.broadcast %broadcast_in_dim3A_175 : vector<200x1xf32> to vector<200x2576xf32>
      %eq3A_177 = arith.cmpf oeq, %select_n3A_172, %eq3A_176 : vector<200x2576xf32>
      %broadcast_in_dim3A_178 = vector.broadcast %cond3A_19 : i32 to vector<200x2576xi32>
      %select_n3A_179 = arith.select %eq3A_177, %concatenate3A_75, %broadcast_in_dim3A_178 : vector<200x2576xi1>, vector<200x2576xi32>
      %reduce_min3A_180 = arith.constant dense<2147483647> : vector<200xi32>
      %reduce_min3A_181 = vector.multi_reduction <minsi>, %select_n3A_179, %reduce_min3A_180 [1] : vector<200x2576xi32> to vector<200xi32>
      %broadcast_in_dim3A_182 = vector.shape_cast %reduce_min3A_181 : vector<200xi32> to vector<200x1xi32>
      %eq3A_183 = vector.broadcast %broadcast_in_dim3A_182 : vector<200x1xi32> to vector<200x2576xi32>
      %eq3A_184 = arith.cmpi eq, %concatenate3A_75, %eq3A_183 : vector<200x2576xi32>
      %broadcast_in_dim3A_185 = vector.broadcast %cond3A_18 : f32 to vector<200x2576xf32>
      %select_n3A_186 = arith.select %eq3A_184, %broadcast_in_dim3A_185, %select_n3A_172 : vector<200x2576xi1>, vector<200x2576xf32>
      %reduce_min3A_187 = arith.constant dense<0x7F800000> : vector<200xf32>
      %reduce_min3A_188 = vector.multi_reduction <minimumf>, %select_n3A_186, %reduce_min3A_187 [1] : vector<200x2576xf32> to vector<200xf32>
      %broadcast_in_dim3A_189 = vector.shape_cast %reduce_min3A_188 : vector<200xf32> to vector<200x1xf32>
      %eq3A_190 = vector.broadcast %broadcast_in_dim3A_189 : vector<200x1xf32> to vector<200x2576xf32>
      %eq3A_191 = arith.cmpf oeq, %select_n3A_186, %eq3A_190 : vector<200x2576xf32>
      %broadcast_in_dim3A_192 = vector.broadcast %cond3A_19 : i32 to vector<200x2576xi32>
      %select_n3A_193 = arith.select %eq3A_191, %concatenate3A_75, %broadcast_in_dim3A_192 : vector<200x2576xi1>, vector<200x2576xi32>
      %reduce_min3A_194 = arith.constant dense<2147483647> : vector<200xi32>
      %reduce_min3A_195 = vector.multi_reduction <minsi>, %select_n3A_193, %reduce_min3A_194 [1] : vector<200x2576xi32> to vector<200xi32>
      %broadcast_in_dim3A_196 = vector.shape_cast %reduce_min3A_195 : vector<200xi32> to vector<200x1xi32>
      %eq3A_197 = vector.broadcast %broadcast_in_dim3A_196 : vector<200x1xi32> to vector<200x2576xi32>
      %eq3A_198 = arith.cmpi eq, %concatenate3A_75, %eq3A_197 : vector<200x2576xi32>
      %broadcast_in_dim3A_199 = vector.broadcast %cond3A_18 : f32 to vector<200x2576xf32>
      %select_n3A_200 = arith.select %eq3A_198, %broadcast_in_dim3A_199, %select_n3A_186 : vector<200x2576xi1>, vector<200x2576xf32>
      %reduce_min3A_201 = arith.constant dense<0x7F800000> : vector<200xf32>
      %reduce_min3A_202 = vector.multi_reduction <minimumf>, %select_n3A_200, %reduce_min3A_201 [1] : vector<200x2576xf32> to vector<200xf32>
      %broadcast_in_dim3A_203 = vector.shape_cast %reduce_min3A_202 : vector<200xf32> to vector<200x1xf32>
      %eq3A_204 = vector.broadcast %broadcast_in_dim3A_203 : vector<200x1xf32> to vector<200x2576xf32>
      %eq3A_205 = arith.cmpf oeq, %select_n3A_200, %eq3A_204 : vector<200x2576xf32>
      %broadcast_in_dim3A_206 = vector.broadcast %cond3A_19 : i32 to vector<200x2576xi32>
      %select_n3A_207 = arith.select %eq3A_205, %concatenate3A_75, %broadcast_in_dim3A_206 : vector<200x2576xi1>, vector<200x2576xi32>
      %reduce_min3A_208 = arith.constant dense<2147483647> : vector<200xi32>
      %reduce_min3A_209 = vector.multi_reduction <minsi>, %select_n3A_207, %reduce_min3A_208 [1] : vector<200x2576xi32> to vector<200xi32>
      %broadcast_in_dim3A_210 = vector.shape_cast %reduce_min3A_209 : vector<200xi32> to vector<200x1xi32>
      %eq3A_211 = vector.broadcast %broadcast_in_dim3A_210 : vector<200x1xi32> to vector<200x2576xi32>
      %eq3A_212 = arith.cmpi eq, %concatenate3A_75, %eq3A_211 : vector<200x2576xi32>
      %broadcast_in_dim3A_213 = vector.broadcast %cond3A_18 : f32 to vector<200x2576xf32>
      %select_n3A_214 = arith.select %eq3A_212, %broadcast_in_dim3A_213, %select_n3A_200 : vector<200x2576xi1>, vector<200x2576xf32>
      %reduce_min3A_215 = arith.constant dense<0x7F800000> : vector<200xf32>
      %reduce_min3A_216 = vector.multi_reduction <minimumf>, %select_n3A_214, %reduce_min3A_215 [1] : vector<200x2576xf32> to vector<200xf32>
      %broadcast_in_dim3A_217 = vector.shape_cast %reduce_min3A_216 : vector<200xf32> to vector<200x1xf32>
      %eq3A_218 = vector.broadcast %broadcast_in_dim3A_217 : vector<200x1xf32> to vector<200x2576xf32>
      %eq3A_219 = arith.cmpf oeq, %select_n3A_214, %eq3A_218 : vector<200x2576xf32>
      %broadcast_in_dim3A_220 = vector.broadcast %cond3A_19 : i32 to vector<200x2576xi32>
      %select_n3A_221 = arith.select %eq3A_219, %concatenate3A_75, %broadcast_in_dim3A_220 : vector<200x2576xi1>, vector<200x2576xi32>
      %reduce_min3A_222 = arith.constant dense<2147483647> : vector<200xi32>
      %reduce_min3A_223 = vector.multi_reduction <minsi>, %select_n3A_221, %reduce_min3A_222 [1] : vector<200x2576xi32> to vector<200xi32>
      %broadcast_in_dim3A_224 = vector.shape_cast %reduce_min3A_223 : vector<200xi32> to vector<200x1xi32>
      %eq3A_225 = vector.broadcast %broadcast_in_dim3A_224 : vector<200x1xi32> to vector<200x2576xi32>
      %eq3A_226 = arith.cmpi eq, %concatenate3A_75, %eq3A_225 : vector<200x2576xi32>
      %broadcast_in_dim3A_227 = vector.broadcast %cond3A_18 : f32 to vector<200x2576xf32>
      %select_n3A_228 = arith.select %eq3A_226, %broadcast_in_dim3A_227, %select_n3A_214 : vector<200x2576xi1>, vector<200x2576xf32>
      %reduce_min3A_229 = arith.constant dense<0x7F800000> : vector<200xf32>
      %reduce_min3A_230 = vector.multi_reduction <minimumf>, %select_n3A_228, %reduce_min3A_229 [1] : vector<200x2576xf32> to vector<200xf32>
      %broadcast_in_dim3A_231 = vector.shape_cast %reduce_min3A_230 : vector<200xf32> to vector<200x1xf32>
      %eq3A_232 = vector.broadcast %broadcast_in_dim3A_231 : vector<200x1xf32> to vector<200x2576xf32>
      %eq3A_233 = arith.cmpf oeq, %select_n3A_228, %eq3A_232 : vector<200x2576xf32>
      %broadcast_in_dim3A_234 = vector.broadcast %cond3A_19 : i32 to vector<200x2576xi32>
      %select_n3A_235 = arith.select %eq3A_233, %concatenate3A_75, %broadcast_in_dim3A_234 : vector<200x2576xi1>, vector<200x2576xi32>
      %reduce_min3A_236 = arith.constant dense<2147483647> : vector<200xi32>
      %reduce_min3A_237 = vector.multi_reduction <minsi>, %select_n3A_235, %reduce_min3A_236 [1] : vector<200x2576xi32> to vector<200xi32>
      %broadcast_in_dim3A_238 = vector.shape_cast %reduce_min3A_237 : vector<200xi32> to vector<200x1xi32>
      %eq3A_239 = vector.broadcast %broadcast_in_dim3A_238 : vector<200x1xi32> to vector<200x2576xi32>
      %eq3A_240 = arith.cmpi eq, %concatenate3A_75, %eq3A_239 : vector<200x2576xi32>
      %broadcast_in_dim3A_241 = vector.broadcast %cond3A_18 : f32 to vector<200x2576xf32>
      %select_n3A_242 = arith.select %eq3A_240, %broadcast_in_dim3A_241, %select_n3A_228 : vector<200x2576xi1>, vector<200x2576xf32>
      %reduce_min3A_243 = arith.constant dense<0x7F800000> : vector<200xf32>
      %reduce_min3A_244 = vector.multi_reduction <minimumf>, %select_n3A_242, %reduce_min3A_243 [1] : vector<200x2576xf32> to vector<200xf32>
      %broadcast_in_dim3A_245 = vector.shape_cast %reduce_min3A_244 : vector<200xf32> to vector<200x1xf32>
      %eq3A_246 = vector.broadcast %broadcast_in_dim3A_245 : vector<200x1xf32> to vector<200x2576xf32>
      %eq3A_247 = arith.cmpf oeq, %select_n3A_242, %eq3A_246 : vector<200x2576xf32>
      %broadcast_in_dim3A_248 = vector.broadcast %cond3A_19 : i32 to vector<200x2576xi32>
      %select_n3A_249 = arith.select %eq3A_247, %concatenate3A_75, %broadcast_in_dim3A_248 : vector<200x2576xi1>, vector<200x2576xi32>
      %reduce_min3A_250 = arith.constant dense<2147483647> : vector<200xi32>
      %reduce_min3A_251 = vector.multi_reduction <minsi>, %select_n3A_249, %reduce_min3A_250 [1] : vector<200x2576xi32> to vector<200xi32>
      %broadcast_in_dim3A_252 = vector.shape_cast %reduce_min3A_251 : vector<200xi32> to vector<200x1xi32>
      %eq3A_253 = vector.broadcast %broadcast_in_dim3A_252 : vector<200x1xi32> to vector<200x2576xi32>
      %eq3A_254 = arith.cmpi eq, %concatenate3A_75, %eq3A_253 : vector<200x2576xi32>
      %broadcast_in_dim3A_255 = vector.broadcast %cond3A_18 : f32 to vector<200x2576xf32>
      %select_n3A_256 = arith.select %eq3A_254, %broadcast_in_dim3A_255, %select_n3A_242 : vector<200x2576xi1>, vector<200x2576xf32>
      %reduce_min3A_257 = arith.constant dense<0x7F800000> : vector<200xf32>
      %reduce_min3A_258 = vector.multi_reduction <minimumf>, %select_n3A_256, %reduce_min3A_257 [1] : vector<200x2576xf32> to vector<200xf32>
      %broadcast_in_dim3A_259 = vector.shape_cast %reduce_min3A_258 : vector<200xf32> to vector<200x1xf32>
      %eq3A_260 = vector.broadcast %broadcast_in_dim3A_259 : vector<200x1xf32> to vector<200x2576xf32>
      %eq3A_261 = arith.cmpf oeq, %select_n3A_256, %eq3A_260 : vector<200x2576xf32>
      %broadcast_in_dim3A_262 = vector.broadcast %cond3A_19 : i32 to vector<200x2576xi32>
      %select_n3A_263 = arith.select %eq3A_261, %concatenate3A_75, %broadcast_in_dim3A_262 : vector<200x2576xi1>, vector<200x2576xi32>
      %reduce_min3A_264 = arith.constant dense<2147483647> : vector<200xi32>
      %reduce_min3A_265 = vector.multi_reduction <minsi>, %select_n3A_263, %reduce_min3A_264 [1] : vector<200x2576xi32> to vector<200xi32>
      %broadcast_in_dim3A_266 = vector.shape_cast %reduce_min3A_265 : vector<200xi32> to vector<200x1xi32>
      %eq3A_267 = vector.broadcast %broadcast_in_dim3A_266 : vector<200x1xi32> to vector<200x2576xi32>
      %eq3A_268 = arith.cmpi eq, %concatenate3A_75, %eq3A_267 : vector<200x2576xi32>
      %broadcast_in_dim3A_269 = vector.broadcast %cond3A_18 : f32 to vector<200x2576xf32>
      %select_n3A_270 = arith.select %eq3A_268, %broadcast_in_dim3A_269, %select_n3A_256 : vector<200x2576xi1>, vector<200x2576xf32>
      %reduce_min3A_271 = arith.constant dense<0x7F800000> : vector<200xf32>
      %reduce_min3A_272 = vector.multi_reduction <minimumf>, %select_n3A_270, %reduce_min3A_271 [1] : vector<200x2576xf32> to vector<200xf32>
      %broadcast_in_dim3A_273 = vector.shape_cast %reduce_min3A_272 : vector<200xf32> to vector<200x1xf32>
      %eq3A_274 = vector.broadcast %broadcast_in_dim3A_273 : vector<200x1xf32> to vector<200x2576xf32>
      %eq3A_275 = arith.cmpf oeq, %select_n3A_270, %eq3A_274 : vector<200x2576xf32>
      %broadcast_in_dim3A_276 = vector.broadcast %cond3A_19 : i32 to vector<200x2576xi32>
      %select_n3A_277 = arith.select %eq3A_275, %concatenate3A_75, %broadcast_in_dim3A_276 : vector<200x2576xi1>, vector<200x2576xi32>
      %reduce_min3A_278 = arith.constant dense<2147483647> : vector<200xi32>
      %reduce_min3A_279 = vector.multi_reduction <minsi>, %select_n3A_277, %reduce_min3A_278 [1] : vector<200x2576xi32> to vector<200xi32>
      %broadcast_in_dim3A_280 = vector.shape_cast %reduce_min3A_279 : vector<200xi32> to vector<200x1xi32>
      %eq3A_281 = vector.broadcast %broadcast_in_dim3A_280 : vector<200x1xi32> to vector<200x2576xi32>
      %eq3A_282 = arith.cmpi eq, %concatenate3A_75, %eq3A_281 : vector<200x2576xi32>
      %broadcast_in_dim3A_283 = vector.broadcast %cond3A_18 : f32 to vector<200x2576xf32>
      %select_n3A_284 = arith.select %eq3A_282, %broadcast_in_dim3A_283, %select_n3A_270 : vector<200x2576xi1>, vector<200x2576xf32>
      %reduce_min3A_285 = arith.constant dense<0x7F800000> : vector<200xf32>
      %reduce_min3A_286 = vector.multi_reduction <minimumf>, %select_n3A_284, %reduce_min3A_285 [1] : vector<200x2576xf32> to vector<200xf32>
      %broadcast_in_dim3A_287 = vector.shape_cast %reduce_min3A_286 : vector<200xf32> to vector<200x1xf32>
      %eq3A_288 = vector.broadcast %broadcast_in_dim3A_287 : vector<200x1xf32> to vector<200x2576xf32>
      %eq3A_289 = arith.cmpf oeq, %select_n3A_284, %eq3A_288 : vector<200x2576xf32>
      %broadcast_in_dim3A_290 = vector.broadcast %cond3A_19 : i32 to vector<200x2576xi32>
      %select_n3A_291 = arith.select %eq3A_289, %concatenate3A_75, %broadcast_in_dim3A_290 : vector<200x2576xi1>, vector<200x2576xi32>
      %reduce_min3A_292 = arith.constant dense<2147483647> : vector<200xi32>
      %reduce_min3A_293 = vector.multi_reduction <minsi>, %select_n3A_291, %reduce_min3A_292 [1] : vector<200x2576xi32> to vector<200xi32>
      %broadcast_in_dim3A_294 = vector.shape_cast %reduce_min3A_293 : vector<200xi32> to vector<200x1xi32>
      %concatenate3A_295 = tpu.concatenate %broadcast_in_dim3A_77, %broadcast_in_dim3A_91, %broadcast_in_dim3A_105, %broadcast_in_dim3A_119, %broadcast_in_dim3A_133, %broadcast_in_dim3A_147, %broadcast_in_dim3A_161, %broadcast_in_dim3A_175, %broadcast_in_dim3A_189, %broadcast_in_dim3A_203, %broadcast_in_dim3A_217, %broadcast_in_dim3A_231, %broadcast_in_dim3A_245, %broadcast_in_dim3A_259, %broadcast_in_dim3A_273, %broadcast_in_dim3A_287 in 1 : vector<200x1xf32>, vector<200x1xf32>, vector<200x1xf32>, vector<200x1xf32>, vector<200x1xf32>, vector<200x1xf32>, vector<200x1xf32>, vector<200x1xf32>, vector<200x1xf32>, vector<200x1xf32>, vector<200x1xf32>, vector<200x1xf32>, vector<200x1xf32>, vector<200x1xf32>, vector<200x1xf32>, vector<200x1xf32> -> vector<200x16xf32>
      %swap3A = arith.constant 0 : index
      %swap3A_296 = arith.constant 0 : index
      %swap3A_297 = vector.load %arg8[%swap3A, %swap3A_296] : memref<200x16xf32, #tpu.memory_space<vmem>>, vector<200x16xf32>
      tpu.vector_store %arg8[%swap3A, %swap3A_296], %concatenate3A_295 {strides = array<i32>} : memref<200x16xf32, #tpu.memory_space<vmem>>, vector<200x16xf32>,
      %concatenate3A_298 = tpu.concatenate %broadcast_in_dim3A_84, %broadcast_in_dim3A_98, %broadcast_in_dim3A_112, %broadcast_in_dim3A_126, %broadcast_in_dim3A_140, %broadcast_in_dim3A_154, %broadcast_in_dim3A_168, %broadcast_in_dim3A_182, %broadcast_in_dim3A_196, %broadcast_in_dim3A_210, %broadcast_in_dim3A_224, %broadcast_in_dim3A_238, %broadcast_in_dim3A_252, %broadcast_in_dim3A_266, %broadcast_in_dim3A_280, %broadcast_in_dim3A_294 in 1 : vector<200x1xi32>, vector<200x1xi32>, vector<200x1xi32>, vector<200x1xi32>, vector<200x1xi32>, vector<200x1xi32>, vector<200x1xi32>, vector<200x1xi32>, vector<200x1xi32>, vector<200x1xi32>, vector<200x1xi32>, vector<200x1xi32>, vector<200x1xi32>, vector<200x1xi32>, vector<200x1xi32>, vector<200x1xi32> -> vector<200x16xi32>
      %swap3A_299 = arith.constant 0 : index
      %swap3A_300 = arith.constant 0 : index
      %swap3A_301 = vector.load %arg9[%swap3A_299, %swap3A_300] : memref<200x16xi32, #tpu.memory_space<vmem>>, vector<200x16xi32>
      tpu.vector_store %arg9[%swap3A_299, %swap3A_300], %concatenate3A_298 {strides = array<i32>} : memref<200x16xi32, #tpu.memory_space<vmem>>, vector<200x16xi32>,
    } else {
    }
    %eq3A_22 = arith.constant 3 : i32
    %eq3A_23 = arith.cmpi eq, %arg1, %eq3A_22 : i32
    %convert_element_type3A_24 = arith.extui %eq3A_23 : i1 to i32
    %cond3A_25 = arith.constant 0 : i32
    %cond3A_26 = arith.cmpi ne, %convert_element_type3A_24, %cond3A_25 : i32
    scf.if %cond3A_26 {
      %get3A_27 = arith.constant 0 : index
      %get3A_28 = arith.constant 0 : index
      %get3A_29 = vector.load %arg9[%get3A_27, %get3A_28] : memref<200x16xi32, #tpu.memory_space<vmem>>, vector<200x16xi32>
      %swap3A = arith.constant 0 : index
      %swap3A_30 = arith.constant 0 : index
      %swap3A_31 = vector.load %arg7[%swap3A, %swap3A_30] : memref<200x16xi32, #tpu.memory_space<vmem>>, vector<200x16xi32>
      tpu.vector_store %arg7[%swap3A, %swap3A_30], %get3A_29 {strides = array<i32>} : memref<200x16xi32, #tpu.memory_space<vmem>>, vector<200x16xi32>,
    } else {
    }
    return
  }
  func.func @transform_0(%arg0: i32, %arg1: i32, %arg2: memref<100xi32, #tpu.memory_space<smem>>) -> (i32, i32) {
    %c0_i32 = arith.constant 0 : i32
    %c0_i32_0 = arith.constant 0 : i32
    return %arg0, %c0_i32 : i32, i32
  }
  func.func @transform_1(%arg0: i32, %arg1: i32, %arg2: memref<100xi32, #tpu.memory_space<smem>>) -> (i32, i32) {
    %c0_i32 = arith.constant 0 : i32
    %c0_i32_0 = arith.constant 0 : i32
    return %arg0, %c0_i32 : i32, i32
  }
  func.func @transform_2(%arg0: i32, %arg1: i32, %arg2: memref<100xi32, #tpu.memory_space<smem>>) -> (i32, i32) {
    %c0_i32 = arith.constant 0 : i32
    %c0_i32_0 = arith.constant 0 : i32
    return %c0_i32, %arg1 : i32, i32
  }
  func.func @transform_3(%arg0: i32, %arg1: i32, %arg2: memref<100xi32, #tpu.memory_space<smem>>) -> (i32, i32) {
    %c0_i32 = arith.constant 0 : i32
    %c0_i32_0 = arith.constant 0 : i32
    return %c0_i32, %arg1 : i32, i32
  }
  func.func @transform_4(%arg0: i32, %arg1: i32, %arg2: memref<100xi32, #tpu.memory_space<smem>>) -> (i32, i32) {
    %c0_i32 = arith.constant 0 : i32
    %c0_i32_0 = arith.constant 0 : i32
    return %arg0, %c0_i32 : i32, i32
  }
}

module attributes {stable_mosaic.version = 14 : i64} {
  func.func @_x2h_body(%arg0: i32, %arg1: memref<400x128xf32, #tpu.memory_space<vmem>>, %arg2: memref<400x3xf32, #tpu.memory_space<vmem>>, %arg3: memref<400x1xf32, #tpu.memory_space<vmem>>, %arg4: memref<6400x256xf32, #tpu.memory_space<vmem>>, %arg5: memref<4x4xf32, #tpu.memory_space<vmem>>, %arg6: memref<4x80xf32, #tpu.memory_space<vmem>>, %arg7: memref<20x80xf32, #tpu.memory_space<vmem>>, %arg8: memref<1x20xf32, #tpu.memory_space<vmem>>, %arg9: memref<128x16xf32, #tpu.memory_space<vmem>>, %arg10: memref<16x128xf32, #tpu.memory_space<vmem>>, %arg11: memref<4x256xf32, #tpu.memory_space<vmem>>, %arg12: memref<80x256xf32, #tpu.memory_space<vmem>>, %arg13: memref<128x256xf32, #tpu.memory_space<vmem>>, %arg14: memref<128x256xf32, #tpu.memory_space<vmem>>, %arg15: memref<1x256xf32, #tpu.memory_space<vmem>>, %arg16: memref<1x256xf32, #tpu.memory_space<vmem>>, %arg17: memref<1x256xf32, #tpu.memory_space<vmem>>, %arg18: memref<128x128xf32, #tpu.memory_space<vmem>>, %arg19: memref<1x128xf32, #tpu.memory_space<vmem>>, %arg20: memref<128x128xf32, #tpu.memory_space<vmem>>, %arg21: memref<1x128xf32, #tpu.memory_space<vmem>>, %arg22: memref<1x80xf32, #tpu.memory_space<vmem>>, %arg23: memref<1x1xf32, #tpu.memory_space<vmem>>, %arg24: memref<128x128xf32, #tpu.memory_space<vmem>>, %arg25: memref<1x128xf32, #tpu.memory_space<vmem>>, %arg26: memref<1x128xf32, #tpu.memory_space<vmem>>, %arg27: memref<1x128xf32, #tpu.memory_space<vmem>>, %arg28: memref<128x128xf32, #tpu.memory_space<vmem>>, %arg29: memref<1x128xf32, #tpu.memory_space<vmem>>, %arg30: memref<128x128xf32, #tpu.memory_space<vmem>>, %arg31: memref<128x128xf32, #tpu.memory_space<vmem>>, %arg32: memref<1x128xf32, #tpu.memory_space<vmem>>, %arg33: memref<1x128xf32, #tpu.memory_space<vmem>>, %arg34: memref<1x128xf32, #tpu.memory_space<vmem>>, %arg35: memref<128x128xf32, #tpu.memory_space<vmem>>, %arg36: memref<1x128xf32, #tpu.memory_space<vmem>>, %arg37: memref<400x128xf32, #tpu.memory_space<vmem>>, %arg38: memref<6400x16xf32, #tpu.memory_space<vmem>>) attributes {dimension_semantics = [#tpu.dimension_semantics<arbitrary>], iteration_bounds = array<i64: 25>, scalar_prefetch = 0 : i64, scratch_operands = 0 : i64, tpu.core_type = #tpu.core_type<tc>, window_params = [{transform_indices = @transform_0, window_bounds = array<i64: 400, 128>}, {transform_indices = @transform_1, window_bounds = array<i64: 400, 3>}, {transform_indices = @transform_2, window_bounds = array<i64: 400, 1>}, {transform_indices = @transform_3, window_bounds = array<i64: 6400, 256>}, {pipeline_mode = #tpu.pipeline_mode<synchronous>, transform_indices = @transform_4, window_bounds = array<i64: 4, 4>}, {pipeline_mode = #tpu.pipeline_mode<synchronous>, transform_indices = @transform_5, window_bounds = array<i64: 4, 80>}, {pipeline_mode = #tpu.pipeline_mode<synchronous>, transform_indices = @transform_6, window_bounds = array<i64: 20, 80>}, {pipeline_mode = #tpu.pipeline_mode<synchronous>, transform_indices = @transform_7, window_bounds = array<i64: 1, 20>}, {pipeline_mode = #tpu.pipeline_mode<synchronous>, transform_indices = @transform_8, window_bounds = array<i64: 128, 16>}, {pipeline_mode = #tpu.pipeline_mode<synchronous>, transform_indices = @transform_9, window_bounds = array<i64: 16, 128>}, {pipeline_mode = #tpu.pipeline_mode<synchronous>, transform_indices = @transform_10, window_bounds = array<i64: 4, 256>}, {pipeline_mode = #tpu.pipeline_mode<synchronous>, transform_indices = @transform_11, window_bounds = array<i64: 80, 256>}, {pipeline_mode = #tpu.pipeline_mode<synchronous>, transform_indices = @transform_12, window_bounds = array<i64: 128, 256>}, {pipeline_mode = #tpu.pipeline_mode<synchronous>, transform_indices = @transform_13, window_bounds = array<i64: 128, 256>}, {pipeline_mode = #tpu.pipeline_mode<synchronous>, transform_indices = @transform_14, window_bounds = array<i64: 1, 256>}, {pipeline_mode = #tpu.pipeline_mode<synchronous>, transform_indices = @transform_15, window_bounds = array<i64: 1, 256>}, {pipeline_mode = #tpu.pipeline_mode<synchronous>, transform_indices = @transform_16, window_bounds = array<i64: 1, 256>}, {pipeline_mode = #tpu.pipeline_mode<synchronous>, transform_indices = @transform_17, window_bounds = array<i64: 128, 128>}, {pipeline_mode = #tpu.pipeline_mode<synchronous>, transform_indices = @transform_18, window_bounds = array<i64: 1, 128>}, {pipeline_mode = #tpu.pipeline_mode<synchronous>, transform_indices = @transform_19, window_bounds = array<i64: 128, 128>}, {pipeline_mode = #tpu.pipeline_mode<synchronous>, transform_indices = @transform_20, window_bounds = array<i64: 1, 128>}, {pipeline_mode = #tpu.pipeline_mode<synchronous>, transform_indices = @transform_21, window_bounds = array<i64: 1, 80>}, {pipeline_mode = #tpu.pipeline_mode<synchronous>, transform_indices = @transform_22, window_bounds = array<i64: 1, 1>}, {pipeline_mode = #tpu.pipeline_mode<synchronous>, transform_indices = @transform_23, window_bounds = array<i64: 128, 128>}, {pipeline_mode = #tpu.pipeline_mode<synchronous>, transform_indices = @transform_24, window_bounds = array<i64: 1, 128>}, {pipeline_mode = #tpu.pipeline_mode<synchronous>, transform_indices = @transform_25, window_bounds = array<i64: 1, 128>}, {pipeline_mode = #tpu.pipeline_mode<synchronous>, transform_indices = @transform_26, window_bounds = array<i64: 1, 128>}, {pipeline_mode = #tpu.pipeline_mode<synchronous>, transform_indices = @transform_27, window_bounds = array<i64: 128, 128>}, {pipeline_mode = #tpu.pipeline_mode<synchronous>, transform_indices = @transform_28, window_bounds = array<i64: 1, 128>}, {pipeline_mode = #tpu.pipeline_mode<synchronous>, transform_indices = @transform_29, window_bounds = array<i64: 128, 128>}, {pipeline_mode = #tpu.pipeline_mode<synchronous>, transform_indices = @transform_30, window_bounds = array<i64: 128, 128>}, {pipeline_mode = #tpu.pipeline_mode<synchronous>, transform_indices = @transform_31, window_bounds = array<i64: 1, 128>}, {pipeline_mode = #tpu.pipeline_mode<synchronous>, transform_indices = @transform_32, window_bounds = array<i64: 1, 128>}, {pipeline_mode = #tpu.pipeline_mode<synchronous>, transform_indices = @transform_33, window_bounds = array<i64: 1, 128>}, {pipeline_mode = #tpu.pipeline_mode<synchronous>, transform_indices = @transform_34, window_bounds = array<i64: 128, 128>}, {pipeline_mode = #tpu.pipeline_mode<synchronous>, transform_indices = @transform_35, window_bounds = array<i64: 1, 128>}, {transform_indices = @transform_36, window_bounds = array<i64: 400, 128>}, {transform_indices = @transform_37, window_bounds = array<i64: 6400, 16>}]} {
    %get3A = arith.constant 0 : index
    %get3A_0 = arith.constant 0 : index
    %get3A_1 = vector.load %arg1[%get3A, %get3A_0] : memref<400x128xf32, #tpu.memory_space<vmem>>, vector<400x128xf32>
    %get3A_2 = arith.constant 0 : index
    %get3A_3 = arith.constant 0 : index
    %get3A_4 = vector.load %arg4[%get3A_2, %get3A_3] : memref<6400x256xf32, #tpu.memory_space<vmem>>, vector<6400x256xf32>
    %slice3A = vector.extract_strided_slice %get3A_4 {offsets = [0, 0], sizes = [6400, 128], strides = [1, 1]} : vector<6400x256xf32> to vector<6400x128xf32>
    %slice3A_5 = vector.extract_strided_slice %get3A_4 {offsets = [0, 128], sizes = [6400, 3], strides = [1, 1]} : vector<6400x256xf32> to vector<6400x3xf32>
    %slice3A_6 = vector.extract_strided_slice %get3A_4 {offsets = [0, 131], sizes = [6400, 1], strides = [1, 1]} : vector<6400x256xf32> to vector<6400x1xf32>
    %slice3A_7 = vector.extract_strided_slice %get3A_4 {offsets = [0, 128], sizes = [6400, 16], strides = [1, 1]} : vector<6400x256xf32> to vector<6400x16xf32>
    %swap3A = arith.constant 0 : index
    %swap3A_8 = arith.constant 0 : index
    %swap3A_9 = vector.load %arg38[%swap3A, %swap3A_8] : memref<6400x16xf32, #tpu.memory_space<vmem>>, vector<6400x16xf32>
    tpu.vector_store %arg38[%swap3A, %swap3A_8], %slice3A_7 {strides = array<i32>} : memref<6400x16xf32, #tpu.memory_space<vmem>>, vector<6400x16xf32>,
    %get3A_10 = arith.constant 0 : index
    %get3A_11 = arith.constant 0 : index
    %get3A_12 = vector.load %arg2[%get3A_10, %get3A_11] : memref<400x3xf32, #tpu.memory_space<vmem>>, vector<400x3xf32>
    %broadcast_in_dim3A = vector.shape_cast %get3A_12 : vector<400x3xf32> to vector<400x1x3xf32>
    %broadcast_in_dim3A_13 = vector.shape_cast %broadcast_in_dim3A : vector<400x1x3xf32> to vector<400x1x3xf32>
    %broadcast_in_dim3A_14 = vector.broadcast %broadcast_in_dim3A_13 : vector<400x1x3xf32> to vector<400x16x3xf32>
    %reshape3A = vector.shape_cast %broadcast_in_dim3A_14 : vector<400x16x3xf32> to vector<6400x3xf32>
    %get3A_15 = arith.constant 0 : index
    %get3A_16 = arith.constant 0 : index
    %get3A_17 = vector.load %arg3[%get3A_15, %get3A_16] : memref<400x1xf32, #tpu.memory_space<vmem>>, vector<400x1xf32>
    %broadcast_in_dim3A_18 = vector.shape_cast %get3A_17 : vector<400x1xf32> to vector<400x1x1xf32>
    %broadcast_in_dim3A_19 = vector.shape_cast %broadcast_in_dim3A_18 : vector<400x1x1xf32> to vector<400x1x1xf32>
    %broadcast_in_dim3A_20 = vector.broadcast %broadcast_in_dim3A_19 : vector<400x1x1xf32> to vector<400x16x1xf32>
    %reshape3A_21 = vector.shape_cast %broadcast_in_dim3A_20 : vector<400x16x1xf32> to vector<6400x1xf32>
    %sub3A = arith.subf %reshape3A, %slice3A_5 : vector<6400x3xf32>
    %mul3A = arith.mulf %sub3A, %sub3A : vector<6400x3xf32>
    %reduce_sum3A = arith.constant dense<0.000000e+00> : vector<6400xf32>
    %reduce_sum3A_22 = vector.multi_reduction <add>, %mul3A, %reduce_sum3A [1] : vector<6400x3xf32> to vector<6400xf32>
    %broadcast_in_dim3A_23 = vector.shape_cast %reduce_sum3A_22 : vector<6400xf32> to vector<6400x1xf32>
    %sqrt3A = math.sqrt %broadcast_in_dim3A_23 : vector<6400x1xf32>
    %get3A_24 = arith.constant 0 : index
    %get3A_25 = arith.constant 0 : index
    %get3A_26 = vector.load %arg8[%get3A_24, %get3A_25] : memref<1x20xf32, #tpu.memory_space<vmem>>, vector<1x20xf32>
    %sub3A_27 = vector.broadcast %sqrt3A : vector<6400x1xf32> to vector<6400x20xf32>
    %sub3A_28 = vector.broadcast %get3A_26 : vector<1x20xf32> to vector<6400x20xf32>
    %sub3A_29 = arith.subf %sub3A_27, %sub3A_28 : vector<6400x20xf32>
    %integer_pow3A = arith.mulf %sub3A_29, %sub3A_29 : vector<6400x20xf32>
    %mul3A_30 = arith.constant -1.805000e+00 : f32
    %mul3A_31 = vector.broadcast %mul3A_30 : f32 to vector<6400x20xf32>
    %mul3A_32 = arith.mulf %mul3A_31, %integer_pow3A : vector<6400x20xf32>
    %exp3A = math.exp %mul3A_32 : vector<6400x20xf32>
    %eq3A = arith.constant 1.000000e+00 : f32
    %eq3A_33 = vector.broadcast %eq3A : f32 to vector<6400x1xf32>
    %eq3A_34 = arith.cmpf oeq, %slice3A_6, %eq3A_33 : vector<6400x1xf32>
    %convert_element_type3A = arith.extui %eq3A_34 : vector<6400x1xi1> to vector<6400x1xi32>
    %convert_element_type3A_35 = arith.sitofp %convert_element_type3A : vector<6400x1xi32> to vector<6400x1xf32>
    %eq3A_36 = arith.constant 1.000000e+00 : f32
    %eq3A_37 = vector.broadcast %eq3A_36 : f32 to vector<6400x1xf32>
    %eq3A_38 = arith.cmpf oeq, %reshape3A_21, %eq3A_37 : vector<6400x1xf32>
    %convert_element_type3A_39 = arith.extui %eq3A_38 : vector<6400x1xi1> to vector<6400x1xi32>
    %convert_element_type3A_40 = arith.sitofp %convert_element_type3A_39 : vector<6400x1xi32> to vector<6400x1xf32>
    %get3A_41 = arith.constant 0 : index
    %get3A_42 = arith.constant 0 : index
    %get3A_43 = vector.load %arg5[%get3A_41, %get3A_42] : memref<4x4xf32, #tpu.memory_space<vmem>>, vector<4x4xf32>
    %slice3A_44 = vector.extract_strided_slice %get3A_43 {offsets = [0, 0], sizes = [1, 4], strides = [1, 1]} : vector<4x4xf32> to vector<1x4xf32>
    %mul3A_45 = vector.broadcast %convert_element_type3A_35 : vector<6400x1xf32> to vector<6400x4xf32>
    %mul3A_46 = vector.broadcast %slice3A_44 : vector<1x4xf32> to vector<6400x4xf32>
    %mul3A_47 = arith.mulf %mul3A_45, %mul3A_46 : vector<6400x4xf32>
    %slice3A_48 = vector.extract_strided_slice %get3A_43 {offsets = [1, 0], sizes = [1, 4], strides = [1, 1]} : vector<4x4xf32> to vector<1x4xf32>
    %mul3A_49 = vector.broadcast %convert_element_type3A_40 : vector<6400x1xf32> to vector<6400x4xf32>
    %mul3A_50 = vector.broadcast %slice3A_48 : vector<1x4xf32> to vector<6400x4xf32>
    %mul3A_51 = arith.mulf %mul3A_49, %mul3A_50 : vector<6400x4xf32>
    %add3A = arith.addf %mul3A_47, %mul3A_51 : vector<6400x4xf32>
    %mul3A_52 = arith.mulf %convert_element_type3A_35, %convert_element_type3A_40 : vector<6400x1xf32>
    %slice3A_53 = vector.extract_strided_slice %get3A_43 {offsets = [2, 0], sizes = [1, 4], strides = [1, 1]} : vector<4x4xf32> to vector<1x4xf32>
    %mul3A_54 = vector.broadcast %mul3A_52 : vector<6400x1xf32> to vector<6400x4xf32>
    %mul3A_55 = vector.broadcast %slice3A_53 : vector<1x4xf32> to vector<6400x4xf32>
    %mul3A_56 = arith.mulf %mul3A_54, %mul3A_55 : vector<6400x4xf32>
    %add3A_57 = arith.addf %add3A, %mul3A_56 : vector<6400x4xf32>
    %slice3A_58 = vector.extract_strided_slice %get3A_43 {offsets = [3, 0], sizes = [1, 4], strides = [1, 1]} : vector<4x4xf32> to vector<1x4xf32>
    %add3A_59 = vector.broadcast %slice3A_58 : vector<1x4xf32> to vector<6400x4xf32>
    %add3A_60 = arith.addf %add3A_57, %add3A_59 : vector<6400x4xf32>
    %get3A_61 = arith.constant 0 : index
    %get3A_62 = arith.constant 0 : index
    %get3A_63 = vector.load %arg6[%get3A_61, %get3A_62] : memref<4x80xf32, #tpu.memory_space<vmem>>, vector<4x80xf32>
    %dot_general3A = arith.constant dense<0.000000e+00> : vector<6400x80xf32>
    %dot_general3A_64 = tpu.matmul %add3A_60, %get3A_63, %dot_general3A {dimension_numbers = #tpu.dot_dimension_numbers<[1], [0], [0], [1], [0, 0, 1, 1], [], []>, transpose_lhs_hint = false} : vector<6400x4xf32>, vector<4x80xf32>, vector<6400x80xf32> -> vector<6400x80xf32>
    %get3A_65 = arith.constant 0 : index
    %get3A_66 = arith.constant 0 : index
    %get3A_67 = vector.load %arg7[%get3A_65, %get3A_66] : memref<20x80xf32, #tpu.memory_space<vmem>>, vector<20x80xf32>
    %dot_general3A_68 = arith.constant dense<0.000000e+00> : vector<6400x80xf32>
    %dot_general3A_69 = tpu.matmul %exp3A, %get3A_67, %dot_general3A_68 {dimension_numbers = #tpu.dot_dimension_numbers<[1], [0], [0], [1], [0, 0, 1, 1], [], []>, transpose_lhs_hint = false} : vector<6400x20xf32>, vector<20x80xf32>, vector<6400x80xf32> -> vector<6400x80xf32>
    %mul3A_70 = arith.mulf %dot_general3A_64, %dot_general3A_69 : vector<6400x80xf32>
    %get3A_71 = arith.constant 0 : index
    %get3A_72 = arith.constant 0 : index
    %get3A_73 = vector.load %arg13[%get3A_71, %get3A_72] : memref<128x256xf32, #tpu.memory_space<vmem>>, vector<128x256xf32>
    %dot_general3A_74 = arith.constant dense<0.000000e+00> : vector<400x256xf32>
    %dot_general3A_75 = tpu.matmul %get3A_1, %get3A_73, %dot_general3A_74 {dimension_numbers = #tpu.dot_dimension_numbers<[1], [0], [0], [1], [0, 0, 1, 1], [], []>, transpose_lhs_hint = false} : vector<400x128xf32>, vector<128x256xf32>, vector<400x256xf32> -> vector<400x256xf32>
    %get3A_76 = arith.constant 0 : index
    %get3A_77 = arith.constant 0 : index
    %get3A_78 = vector.load %arg11[%get3A_76, %get3A_77] : memref<4x256xf32, #tpu.memory_space<vmem>>, vector<4x256xf32>
    %dot_general3A_79 = arith.constant dense<0.000000e+00> : vector<6400x256xf32>
    %dot_general3A_80 = tpu.matmul %add3A_60, %get3A_78, %dot_general3A_79 {dimension_numbers = #tpu.dot_dimension_numbers<[1], [0], [0], [1], [0, 0, 1, 1], [], []>, transpose_lhs_hint = false} : vector<6400x4xf32>, vector<4x256xf32>, vector<6400x256xf32> -> vector<6400x256xf32>
    %get3A_81 = arith.constant 0 : index
    %get3A_82 = arith.constant 0 : index
    %get3A_83 = vector.load %arg12[%get3A_81, %get3A_82] : memref<80x256xf32, #tpu.memory_space<vmem>>, vector<80x256xf32>
    %dot_general3A_84 = arith.constant dense<0.000000e+00> : vector<6400x256xf32>
    %dot_general3A_85 = tpu.matmul %mul3A_70, %get3A_83, %dot_general3A_84 {dimension_numbers = #tpu.dot_dimension_numbers<[1], [0], [0], [1], [0, 0, 1, 1], [], []>, transpose_lhs_hint = false} : vector<6400x80xf32>, vector<80x256xf32>, vector<6400x256xf32> -> vector<6400x256xf32>
    %add3A_86 = arith.addf %dot_general3A_80, %dot_general3A_85 : vector<6400x256xf32>
    %get3A_87 = arith.constant 0 : index
    %get3A_88 = arith.constant 0 : index
    %get3A_89 = vector.load %arg14[%get3A_87, %get3A_88] : memref<128x256xf32, #tpu.memory_space<vmem>>, vector<128x256xf32>
    %dot_general3A_90 = arith.constant dense<0.000000e+00> : vector<6400x256xf32>
    %dot_general3A_91 = tpu.matmul %slice3A, %get3A_89, %dot_general3A_90 {dimension_numbers = #tpu.dot_dimension_numbers<[1], [0], [0], [1], [0, 0, 1, 1], [], []>, transpose_lhs_hint = false} : vector<6400x128xf32>, vector<128x256xf32>, vector<6400x256xf32> -> vector<6400x256xf32>
    %add3A_92 = arith.addf %add3A_86, %dot_general3A_91 : vector<6400x256xf32>
    %broadcast_in_dim3A_93 = vector.shape_cast %dot_general3A_75 : vector<400x256xf32> to vector<400x1x256xf32>
    %broadcast_in_dim3A_94 = vector.shape_cast %broadcast_in_dim3A_93 : vector<400x1x256xf32> to vector<400x1x256xf32>
    %broadcast_in_dim3A_95 = vector.broadcast %broadcast_in_dim3A_94 : vector<400x1x256xf32> to vector<400x16x256xf32>
    %reshape3A_96 = vector.shape_cast %broadcast_in_dim3A_95 : vector<400x16x256xf32> to vector<6400x256xf32>
    %add3A_97 = arith.addf %add3A_92, %reshape3A_96 : vector<6400x256xf32>
    %get3A_98 = arith.constant 0 : index
    %get3A_99 = arith.constant 0 : index
    %get3A_100 = vector.load %arg15[%get3A_98, %get3A_99] : memref<1x256xf32, #tpu.memory_space<vmem>>, vector<1x256xf32>
    %add3A_101 = vector.broadcast %get3A_100 : vector<1x256xf32> to vector<6400x256xf32>
    %add3A_102 = arith.addf %add3A_97, %add3A_101 : vector<6400x256xf32>
    %slice3A_103 = vector.extract_strided_slice %add3A_102 {offsets = [0, 0], sizes = [6400, 128], strides = [1, 1]} : vector<6400x256xf32> to vector<6400x128xf32>
    %get3A_104 = arith.constant 0 : index
    %get3A_105 = arith.constant 0 : index
    %get3A_106 = vector.load %arg16[%get3A_104, %get3A_105] : memref<1x256xf32, #tpu.memory_space<vmem>>, vector<1x128xf32>
    %get3A_107 = arith.constant 0 : index
    %get3A_108 = arith.constant 0 : index
    %get3A_109 = vector.load %arg17[%get3A_107, %get3A_108] : memref<1x256xf32, #tpu.memory_space<vmem>>, vector<1x128xf32>
    %reduce_sum3A_110 = arith.constant dense<0.000000e+00> : vector<6400xf32>
    %reduce_sum3A_111 = vector.multi_reduction <add>, %slice3A_103, %reduce_sum3A_110 [1] : vector<6400x128xf32> to vector<6400xf32>
    %broadcast_in_dim3A_112 = vector.shape_cast %reduce_sum3A_111 : vector<6400xf32> to vector<6400x1xf32>
    %div3A = arith.constant 1.280000e+02 : f32
    %div3A_113 = vector.broadcast %div3A : f32 to vector<6400x1xf32>
    %div3A_114 = arith.divf %broadcast_in_dim3A_112, %div3A_113 : vector<6400x1xf32>
    %sub3A_115 = vector.broadcast %div3A_114 : vector<6400x1xf32> to vector<6400x128xf32>
    %sub3A_116 = arith.subf %slice3A_103, %sub3A_115 : vector<6400x128xf32>
    %integer_pow3A_117 = arith.mulf %sub3A_116, %sub3A_116 : vector<6400x128xf32>
    %reduce_sum3A_118 = arith.constant dense<0.000000e+00> : vector<6400xf32>
    %reduce_sum3A_119 = vector.multi_reduction <add>, %integer_pow3A_117, %reduce_sum3A_118 [1] : vector<6400x128xf32> to vector<6400xf32>
    %broadcast_in_dim3A_120 = vector.shape_cast %reduce_sum3A_119 : vector<6400xf32> to vector<6400x1xf32>
    %div3A_121 = arith.constant 1.280000e+02 : f32
    %div3A_122 = vector.broadcast %div3A_121 : f32 to vector<6400x1xf32>
    %div3A_123 = arith.divf %broadcast_in_dim3A_120, %div3A_122 : vector<6400x1xf32>
    %sub3A_124 = vector.broadcast %div3A_114 : vector<6400x1xf32> to vector<6400x128xf32>
    %sub3A_125 = arith.subf %slice3A_103, %sub3A_124 : vector<6400x128xf32>
    %add3A_126 = arith.constant 9.99999974E-6 : f32
    %add3A_127 = vector.broadcast %add3A_126 : f32 to vector<6400x1xf32>
    %add3A_128 = arith.addf %div3A_123, %add3A_127 : vector<6400x1xf32>
    %sqrt3A_129 = math.sqrt %add3A_128 : vector<6400x1xf32>
    %div3A_130 = vector.broadcast %sqrt3A_129 : vector<6400x1xf32> to vector<6400x128xf32>
    %div3A_131 = arith.divf %sub3A_125, %div3A_130 : vector<6400x128xf32>
    %mul3A_132 = vector.broadcast %get3A_106 : vector<1x128xf32> to vector<6400x128xf32>
    %mul3A_133 = arith.mulf %div3A_131, %mul3A_132 : vector<6400x128xf32>
    %add3A_134 = vector.broadcast %get3A_109 : vector<1x128xf32> to vector<6400x128xf32>
    %add3A_135 = arith.addf %mul3A_133, %add3A_134 : vector<6400x128xf32>
    %max3A = arith.constant 0.000000e+00 : f32
    %max3A_136 = vector.broadcast %max3A : f32 to vector<6400x128xf32>
    %max3A_137 = arith.maximumf %add3A_135, %max3A_136 : vector<6400x128xf32>
    %slice3A_138 = vector.extract_strided_slice %add3A_102 {offsets = [0, 128], sizes = [6400, 128], strides = [1, 1]} : vector<6400x256xf32> to vector<6400x128xf32>
    %get3A_139 = arith.constant 0 : index
    %get3A_140 = arith.constant 128 : index
    %get3A_141 = vector.load %arg16[%get3A_139, %get3A_140] : memref<1x256xf32, #tpu.memory_space<vmem>>, vector<1x128xf32>
    %get3A_142 = arith.constant 0 : index
    %get3A_143 = arith.constant 128 : index
    %get3A_144 = vector.load %arg17[%get3A_142, %get3A_143] : memref<1x256xf32, #tpu.memory_space<vmem>>, vector<1x128xf32>
    %reduce_sum3A_145 = arith.constant dense<0.000000e+00> : vector<6400xf32>
    %reduce_sum3A_146 = vector.multi_reduction <add>, %slice3A_138, %reduce_sum3A_145 [1] : vector<6400x128xf32> to vector<6400xf32>
    %broadcast_in_dim3A_147 = vector.shape_cast %reduce_sum3A_146 : vector<6400xf32> to vector<6400x1xf32>
    %div3A_148 = arith.constant 1.280000e+02 : f32
    %div3A_149 = vector.broadcast %div3A_148 : f32 to vector<6400x1xf32>
    %div3A_150 = arith.divf %broadcast_in_dim3A_147, %div3A_149 : vector<6400x1xf32>
    %sub3A_151 = vector.broadcast %div3A_150 : vector<6400x1xf32> to vector<6400x128xf32>
    %sub3A_152 = arith.subf %slice3A_138, %sub3A_151 : vector<6400x128xf32>
    %integer_pow3A_153 = arith.mulf %sub3A_152, %sub3A_152 : vector<6400x128xf32>
    %reduce_sum3A_154 = arith.constant dense<0.000000e+00> : vector<6400xf32>
    %reduce_sum3A_155 = vector.multi_reduction <add>, %integer_pow3A_153, %reduce_sum3A_154 [1] : vector<6400x128xf32> to vector<6400xf32>
    %broadcast_in_dim3A_156 = vector.shape_cast %reduce_sum3A_155 : vector<6400xf32> to vector<6400x1xf32>
    %div3A_157 = arith.constant 1.280000e+02 : f32
    %div3A_158 = vector.broadcast %div3A_157 : f32 to vector<6400x1xf32>
    %div3A_159 = arith.divf %broadcast_in_dim3A_156, %div3A_158 : vector<6400x1xf32>
    %sub3A_160 = vector.broadcast %div3A_150 : vector<6400x1xf32> to vector<6400x128xf32>
    %sub3A_161 = arith.subf %slice3A_138, %sub3A_160 : vector<6400x128xf32>
    %add3A_162 = arith.constant 9.99999974E-6 : f32
    %add3A_163 = vector.broadcast %add3A_162 : f32 to vector<6400x1xf32>
    %add3A_164 = arith.addf %div3A_159, %add3A_163 : vector<6400x1xf32>
    %sqrt3A_165 = math.sqrt %add3A_164 : vector<6400x1xf32>
    %div3A_166 = vector.broadcast %sqrt3A_165 : vector<6400x1xf32> to vector<6400x128xf32>
    %div3A_167 = arith.divf %sub3A_161, %div3A_166 : vector<6400x128xf32>
    %mul3A_168 = vector.broadcast %get3A_141 : vector<1x128xf32> to vector<6400x128xf32>
    %mul3A_169 = arith.mulf %div3A_167, %mul3A_168 : vector<6400x128xf32>
    %add3A_170 = vector.broadcast %get3A_144 : vector<1x128xf32> to vector<6400x128xf32>
    %add3A_171 = arith.addf %mul3A_169, %add3A_170 : vector<6400x128xf32>
    %max3A_172 = arith.constant 0.000000e+00 : f32
    %max3A_173 = vector.broadcast %max3A_172 : f32 to vector<6400x128xf32>
    %max3A_174 = arith.maximumf %add3A_171, %max3A_173 : vector<6400x128xf32>
    %get3A_175 = arith.constant 0 : index
    %get3A_176 = arith.constant 0 : index
    %get3A_177 = vector.load %arg18[%get3A_175, %get3A_176] : memref<128x128xf32, #tpu.memory_space<vmem>>, vector<128x128xf32>
    %dot_general3A_178 = arith.constant dense<0.000000e+00> : vector<6400x128xf32>
    %dot_general3A_179 = tpu.matmul %max3A_137, %get3A_177, %dot_general3A_178 {dimension_numbers = #tpu.dot_dimension_numbers<[1], [0], [0], [1], [0, 0, 1, 1], [], []>, transpose_lhs_hint = false} : vector<6400x128xf32>, vector<128x128xf32>, vector<6400x128xf32> -> vector<6400x128xf32>
    %get3A_180 = arith.constant 0 : index
    %get3A_181 = arith.constant 0 : index
    %get3A_182 = vector.load %arg19[%get3A_180, %get3A_181] : memref<1x128xf32, #tpu.memory_space<vmem>>, vector<1x128xf32>
    %add3A_183 = vector.broadcast %get3A_182 : vector<1x128xf32> to vector<6400x128xf32>
    %add3A_184 = arith.addf %dot_general3A_179, %add3A_183 : vector<6400x128xf32>
    %get3A_185 = arith.constant 0 : index
    %get3A_186 = arith.constant 0 : index
    %get3A_187 = vector.load %arg20[%get3A_185, %get3A_186] : memref<128x128xf32, #tpu.memory_space<vmem>>, vector<128x128xf32>
    %dot_general3A_188 = arith.constant dense<0.000000e+00> : vector<6400x128xf32>
    %dot_general3A_189 = tpu.matmul %max3A_174, %get3A_187, %dot_general3A_188 {dimension_numbers = #tpu.dot_dimension_numbers<[1], [0], [0], [1], [0, 0, 1, 1], [], []>, transpose_lhs_hint = false} : vector<6400x128xf32>, vector<128x128xf32>, vector<6400x128xf32> -> vector<6400x128xf32>
    %get3A_190 = arith.constant 0 : index
    %get3A_191 = arith.constant 0 : index
    %get3A_192 = vector.load %arg21[%get3A_190, %get3A_191] : memref<1x128xf32, #tpu.memory_space<vmem>>, vector<1x128xf32>
    %add3A_193 = vector.broadcast %get3A_192 : vector<1x128xf32> to vector<6400x128xf32>
    %add3A_194 = arith.addf %dot_general3A_189, %add3A_193 : vector<6400x128xf32>
    %get3A_195 = arith.constant 0 : index
    %get3A_196 = arith.constant 0 : index
    %get3A_197 = vector.load %arg22[%get3A_195, %get3A_196] : memref<1x80xf32, #tpu.memory_space<vmem>>, vector<1x80xf32>
    %mul3A_198 = vector.broadcast %get3A_197 : vector<1x80xf32> to vector<6400x80xf32>
    %mul3A_199 = arith.mulf %mul3A_70, %mul3A_198 : vector<6400x80xf32>
    %reduce_sum3A_200 = arith.constant dense<0.000000e+00> : vector<6400xf32>
    %reduce_sum3A_201 = vector.multi_reduction <add>, %mul3A_199, %reduce_sum3A_200 [1] : vector<6400x80xf32> to vector<6400xf32>
    %broadcast_in_dim3A_202 = vector.shape_cast %reduce_sum3A_201 : vector<6400xf32> to vector<6400x1xf32>
    %get3A_203 = arith.constant 0 : index
    %get3A_204 = arith.constant 0 : index
    %get3A_205 = vector.load %arg23[%get3A_203, %get3A_204] : memref<1x1xf32, #tpu.memory_space<vmem>>, vector<1x1xf32>
    %add3A_206 = vector.broadcast %get3A_205 : vector<1x1xf32> to vector<6400x1xf32>
    %add3A_207 = arith.addf %broadcast_in_dim3A_202, %add3A_206 : vector<6400x1xf32>
    %neg3A = arith.constant 0.000000e+00 : f32
    %neg3A_208 = vector.broadcast %neg3A : f32 to vector<6400x1xf32>
    %neg3A_209 = arith.subf %neg3A_208, %add3A_207 : vector<6400x1xf32>
    %exp3A_210 = math.exp %neg3A_209 : vector<6400x1xf32>
    %add3A_211 = arith.constant 1.000000e+00 : f32
    %add3A_212 = vector.broadcast %add3A_211 : f32 to vector<6400x1xf32>
    %add3A_213 = arith.addf %add3A_212, %exp3A_210 : vector<6400x1xf32>
    %div3A_214 = arith.constant 1.000000e+00 : f32
    %div3A_215 = vector.broadcast %div3A_214 : f32 to vector<6400x1xf32>
    %div3A_216 = arith.divf %div3A_215, %add3A_213 : vector<6400x1xf32>
    %mul3A_217 = vector.broadcast %div3A_216 : vector<6400x1xf32> to vector<6400x128xf32>
    %mul3A_218 = arith.mulf %add3A_194, %mul3A_217 : vector<6400x128xf32>
    %get3A_219 = arith.constant 0 : index
    %get3A_220 = arith.constant 0 : index
    %get3A_221 = vector.load %arg24[%get3A_219, %get3A_220] : memref<128x128xf32, #tpu.memory_space<vmem>>, vector<128x128xf32>
    %dot_general3A_222 = arith.constant dense<0.000000e+00> : vector<400x128xf32>
    %dot_general3A_223 = tpu.matmul %get3A_1, %get3A_221, %dot_general3A_222 {dimension_numbers = #tpu.dot_dimension_numbers<[1], [0], [0], [1], [0, 0, 1, 1], [], []>, transpose_lhs_hint = false} : vector<400x128xf32>, vector<128x128xf32>, vector<400x128xf32> -> vector<400x128xf32>
    %get3A_224 = arith.constant 0 : index
    %get3A_225 = arith.constant 0 : index
    %get3A_226 = vector.load %arg25[%get3A_224, %get3A_225] : memref<1x128xf32, #tpu.memory_space<vmem>>, vector<1x128xf32>
    %add3A_227 = vector.broadcast %get3A_226 : vector<1x128xf32> to vector<400x128xf32>
    %add3A_228 = arith.addf %dot_general3A_223, %add3A_227 : vector<400x128xf32>
    %get3A_229 = arith.constant 0 : index
    %get3A_230 = arith.constant 0 : index
    %get3A_231 = vector.load %arg26[%get3A_229, %get3A_230] : memref<1x128xf32, #tpu.memory_space<vmem>>, vector<1x128xf32>
    %get3A_232 = arith.constant 0 : index
    %get3A_233 = arith.constant 0 : index
    %get3A_234 = vector.load %arg27[%get3A_232, %get3A_233] : memref<1x128xf32, #tpu.memory_space<vmem>>, vector<1x128xf32>
    %reduce_sum3A_235 = arith.constant dense<0.000000e+00> : vector<400xf32>
    %reduce_sum3A_236 = vector.multi_reduction <add>, %add3A_228, %reduce_sum3A_235 [1] : vector<400x128xf32> to vector<400xf32>
    %broadcast_in_dim3A_237 = vector.shape_cast %reduce_sum3A_236 : vector<400xf32> to vector<400x1xf32>
    %div3A_238 = arith.constant 1.280000e+02 : f32
    %div3A_239 = vector.broadcast %div3A_238 : f32 to vector<400x1xf32>
    %div3A_240 = arith.divf %broadcast_in_dim3A_237, %div3A_239 : vector<400x1xf32>
    %sub3A_241 = vector.broadcast %div3A_240 : vector<400x1xf32> to vector<400x128xf32>
    %sub3A_242 = arith.subf %add3A_228, %sub3A_241 : vector<400x128xf32>
    %integer_pow3A_243 = arith.mulf %sub3A_242, %sub3A_242 : vector<400x128xf32>
    %reduce_sum3A_244 = arith.constant dense<0.000000e+00> : vector<400xf32>
    %reduce_sum3A_245 = vector.multi_reduction <add>, %integer_pow3A_243, %reduce_sum3A_244 [1] : vector<400x128xf32> to vector<400xf32>
    %broadcast_in_dim3A_246 = vector.shape_cast %reduce_sum3A_245 : vector<400xf32> to vector<400x1xf32>
    %div3A_247 = arith.constant 1.280000e+02 : f32
    %div3A_248 = vector.broadcast %div3A_247 : f32 to vector<400x1xf32>
    %div3A_249 = arith.divf %broadcast_in_dim3A_246, %div3A_248 : vector<400x1xf32>
    %sub3A_250 = vector.broadcast %div3A_240 : vector<400x1xf32> to vector<400x128xf32>
    %sub3A_251 = arith.subf %add3A_228, %sub3A_250 : vector<400x128xf32>
    %add3A_252 = arith.constant 9.99999974E-6 : f32
    %add3A_253 = vector.broadcast %add3A_252 : f32 to vector<400x1xf32>
    %add3A_254 = arith.addf %div3A_249, %add3A_253 : vector<400x1xf32>
    %sqrt3A_255 = math.sqrt %add3A_254 : vector<400x1xf32>
    %div3A_256 = vector.broadcast %sqrt3A_255 : vector<400x1xf32> to vector<400x128xf32>
    %div3A_257 = arith.divf %sub3A_251, %div3A_256 : vector<400x128xf32>
    %mul3A_258 = vector.broadcast %get3A_231 : vector<1x128xf32> to vector<400x128xf32>
    %mul3A_259 = arith.mulf %div3A_257, %mul3A_258 : vector<400x128xf32>
    %add3A_260 = vector.broadcast %get3A_234 : vector<1x128xf32> to vector<400x128xf32>
    %add3A_261 = arith.addf %mul3A_259, %add3A_260 : vector<400x128xf32>
    %max3A_262 = arith.constant 0.000000e+00 : f32
    %max3A_263 = vector.broadcast %max3A_262 : f32 to vector<400x128xf32>
    %max3A_264 = arith.maximumf %add3A_261, %max3A_263 : vector<400x128xf32>
    %get3A_265 = arith.constant 0 : index
    %get3A_266 = arith.constant 0 : index
    %get3A_267 = vector.load %arg28[%get3A_265, %get3A_266] : memref<128x128xf32, #tpu.memory_space<vmem>>, vector<128x128xf32>
    %dot_general3A_268 = arith.constant dense<0.000000e+00> : vector<400x128xf32>
    %dot_general3A_269 = tpu.matmul %max3A_264, %get3A_267, %dot_general3A_268 {dimension_numbers = #tpu.dot_dimension_numbers<[1], [0], [0], [1], [0, 0, 1, 1], [], []>, transpose_lhs_hint = false} : vector<400x128xf32>, vector<128x128xf32>, vector<400x128xf32> -> vector<400x128xf32>
    %get3A_270 = arith.constant 0 : index
    %get3A_271 = arith.constant 0 : index
    %get3A_272 = vector.load %arg29[%get3A_270, %get3A_271] : memref<1x128xf32, #tpu.memory_space<vmem>>, vector<1x128xf32>
    %add3A_273 = vector.broadcast %get3A_272 : vector<1x128xf32> to vector<400x128xf32>
    %add3A_274 = arith.addf %dot_general3A_269, %add3A_273 : vector<400x128xf32>
    %broadcast_in_dim3A_275 = vector.shape_cast %add3A_274 : vector<400x128xf32> to vector<400x1x128xf32>
    %broadcast_in_dim3A_276 = vector.shape_cast %broadcast_in_dim3A_275 : vector<400x1x128xf32> to vector<400x1x128xf32>
    %broadcast_in_dim3A_277 = vector.broadcast %broadcast_in_dim3A_276 : vector<400x1x128xf32> to vector<400x16x128xf32>
    %reshape3A_278 = vector.shape_cast %broadcast_in_dim3A_277 : vector<400x16x128xf32> to vector<6400x128xf32>
    %mul3A_279 = arith.constant 0.353553385 : f32
    %mul3A_280 = vector.broadcast %mul3A_279 : f32 to vector<6400x128xf32>
    %mul3A_281 = arith.mulf %add3A_184, %mul3A_280 : vector<6400x128xf32>
    %mul3A_282 = arith.mulf %reshape3A_278, %mul3A_281 : vector<6400x128xf32>
    %get3A_283 = arith.constant 0 : index
    %get3A_284 = arith.constant 0 : index
    %get3A_285 = vector.load %arg9[%get3A_283, %get3A_284] : memref<128x16xf32, #tpu.memory_space<vmem>>, vector<128x16xf32>
    %dot_general3A_286 = arith.constant dense<0.000000e+00> : vector<6400x16xf32>
    %dot_general3A_287 = tpu.matmul %mul3A_282, %get3A_285, %dot_general3A_286 {dimension_numbers = #tpu.dot_dimension_numbers<[1], [0], [0], [1], [0, 0, 1, 1], [], []>, transpose_lhs_hint = false} : vector<6400x128xf32>, vector<128x16xf32>, vector<6400x16xf32> -> vector<6400x16xf32>
    %reshape3A_288 = vector.shape_cast %dot_general3A_287 : vector<6400x16xf32> to vector<400x16x16xf32>
    %reduce_max3A = arith.constant dense<0xFF800000> : vector<400x16xf32>
    %reduce_max3A_289 = vector.multi_reduction <maximumf>, %reshape3A_288, %reduce_max3A [1] : vector<400x16x16xf32> to vector<400x16xf32>
    %broadcast_in_dim3A_290 = vector.shape_cast %reduce_max3A_289 : vector<400x16xf32> to vector<400x1x16xf32>
    %sub3A_291 = vector.broadcast %broadcast_in_dim3A_290 : vector<400x1x16xf32> to vector<400x16x16xf32>
    %sub3A_292 = arith.subf %reshape3A_288, %sub3A_291 : vector<400x16x16xf32>
    %exp3A_293 = math.exp %sub3A_292 : vector<400x16x16xf32>
    %reduce_sum3A_294 = arith.constant dense<0.000000e+00> : vector<400x16xf32>
    %reduce_sum3A_295 = vector.multi_reduction <add>, %exp3A_293, %reduce_sum3A_294 [1] : vector<400x16x16xf32> to vector<400x16xf32>
    %broadcast_in_dim3A_296 = vector.shape_cast %reduce_sum3A_295 : vector<400x16xf32> to vector<400x1x16xf32>
    %add3A_297 = arith.constant 1.000000e-16 : f32
    %add3A_298 = vector.broadcast %add3A_297 : f32 to vector<400x1x16xf32>
    %add3A_299 = arith.addf %broadcast_in_dim3A_296, %add3A_298 : vector<400x1x16xf32>
    %div3A_300 = vector.broadcast %add3A_299 : vector<400x1x16xf32> to vector<400x16x16xf32>
    %div3A_301 = arith.divf %exp3A_293, %div3A_300 : vector<400x16x16xf32>
    %reshape3A_302 = vector.shape_cast %div3A_301 : vector<400x16x16xf32> to vector<6400x16xf32>
    %get3A_303 = arith.constant 0 : index
    %get3A_304 = arith.constant 0 : index
    %get3A_305 = vector.load %arg10[%get3A_303, %get3A_304] : memref<16x128xf32, #tpu.memory_space<vmem>>, vector<16x128xf32>
    %dot_general3A_306 = arith.constant dense<0.000000e+00> : vector<6400x128xf32>
    %dot_general3A_307 = tpu.matmul %reshape3A_302, %get3A_305, %dot_general3A_306 {dimension_numbers = #tpu.dot_dimension_numbers<[1], [0], [0], [1], [0, 0, 1, 1], [], []>, transpose_lhs_hint = false} : vector<6400x16xf32>, vector<16x128xf32>, vector<6400x128xf32> -> vector<6400x128xf32>
    %mul3A_308 = arith.mulf %dot_general3A_307, %mul3A_218 : vector<6400x128xf32>
    %reshape3A_309 = vector.shape_cast %mul3A_308 : vector<6400x128xf32> to vector<400x16x128xf32>
    %reduce_sum3A_310 = arith.constant dense<0.000000e+00> : vector<400x128xf32>
    %reduce_sum3A_311 = vector.multi_reduction <add>, %reshape3A_309, %reduce_sum3A_310 [1] : vector<400x16x128xf32> to vector<400x128xf32>
    %get3A_312 = arith.constant 0 : index
    %get3A_313 = arith.constant 0 : index
    %get3A_314 = vector.load %arg30[%get3A_312, %get3A_313] : memref<128x128xf32, #tpu.memory_space<vmem>>, vector<128x128xf32>
    %dot_general3A_315 = arith.constant dense<0.000000e+00> : vector<400x128xf32>
    %dot_general3A_316 = tpu.matmul %reduce_sum3A_311, %get3A_314, %dot_general3A_315 {dimension_numbers = #tpu.dot_dimension_numbers<[1], [0], [0], [1], [0, 0, 1, 1], [], []>, transpose_lhs_hint = false} : vector<400x128xf32>, vector<128x128xf32>, vector<400x128xf32> -> vector<400x128xf32>
    %get3A_317 = arith.constant 0 : index
    %get3A_318 = arith.constant 0 : index
    %get3A_319 = vector.load %arg31[%get3A_317, %get3A_318] : memref<128x128xf32, #tpu.memory_space<vmem>>, vector<128x128xf32>
    %dot_general3A_320 = arith.constant dense<0.000000e+00> : vector<400x128xf32>
    %dot_general3A_321 = tpu.matmul %get3A_1, %get3A_319, %dot_general3A_320 {dimension_numbers = #tpu.dot_dimension_numbers<[1], [0], [0], [1], [0, 0, 1, 1], [], []>, transpose_lhs_hint = false} : vector<400x128xf32>, vector<128x128xf32>, vector<400x128xf32> -> vector<400x128xf32>
    %add3A_322 = arith.addf %dot_general3A_316, %dot_general3A_321 : vector<400x128xf32>
    %get3A_323 = arith.constant 0 : index
    %get3A_324 = arith.constant 0 : index
    %get3A_325 = vector.load %arg32[%get3A_323, %get3A_324] : memref<1x128xf32, #tpu.memory_space<vmem>>, vector<1x128xf32>
    %add3A_326 = vector.broadcast %get3A_325 : vector<1x128xf32> to vector<400x128xf32>
    %add3A_327 = arith.addf %add3A_322, %add3A_326 : vector<400x128xf32>
    %get3A_328 = arith.constant 0 : index
    %get3A_329 = arith.constant 0 : index
    %get3A_330 = vector.load %arg33[%get3A_328, %get3A_329] : memref<1x128xf32, #tpu.memory_space<vmem>>, vector<1x128xf32>
    %get3A_331 = arith.constant 0 : index
    %get3A_332 = arith.constant 0 : index
    %get3A_333 = vector.load %arg34[%get3A_331, %get3A_332] : memref<1x128xf32, #tpu.memory_space<vmem>>, vector<1x128xf32>
    %reduce_sum3A_334 = arith.constant dense<0.000000e+00> : vector<400xf32>
    %reduce_sum3A_335 = vector.multi_reduction <add>, %add3A_327, %reduce_sum3A_334 [1] : vector<400x128xf32> to vector<400xf32>
    %broadcast_in_dim3A_336 = vector.shape_cast %reduce_sum3A_335 : vector<400xf32> to vector<400x1xf32>
    %div3A_337 = arith.constant 1.280000e+02 : f32
    %div3A_338 = vector.broadcast %div3A_337 : f32 to vector<400x1xf32>
    %div3A_339 = arith.divf %broadcast_in_dim3A_336, %div3A_338 : vector<400x1xf32>
    %sub3A_340 = vector.broadcast %div3A_339 : vector<400x1xf32> to vector<400x128xf32>
    %sub3A_341 = arith.subf %add3A_327, %sub3A_340 : vector<400x128xf32>
    %integer_pow3A_342 = arith.mulf %sub3A_341, %sub3A_341 : vector<400x128xf32>
    %reduce_sum3A_343 = arith.constant dense<0.000000e+00> : vector<400xf32>
    %reduce_sum3A_344 = vector.multi_reduction <add>, %integer_pow3A_342, %reduce_sum3A_343 [1] : vector<400x128xf32> to vector<400xf32>
    %broadcast_in_dim3A_345 = vector.shape_cast %reduce_sum3A_344 : vector<400xf32> to vector<400x1xf32>
    %div3A_346 = arith.constant 1.280000e+02 : f32
    %div3A_347 = vector.broadcast %div3A_346 : f32 to vector<400x1xf32>
    %div3A_348 = arith.divf %broadcast_in_dim3A_345, %div3A_347 : vector<400x1xf32>
    %sub3A_349 = vector.broadcast %div3A_339 : vector<400x1xf32> to vector<400x128xf32>
    %sub3A_350 = arith.subf %add3A_327, %sub3A_349 : vector<400x128xf32>
    %add3A_351 = arith.constant 9.99999974E-6 : f32
    %add3A_352 = vector.broadcast %add3A_351 : f32 to vector<400x1xf32>
    %add3A_353 = arith.addf %div3A_348, %add3A_352 : vector<400x1xf32>
    %sqrt3A_354 = math.sqrt %add3A_353 : vector<400x1xf32>
    %div3A_355 = vector.broadcast %sqrt3A_354 : vector<400x1xf32> to vector<400x128xf32>
    %div3A_356 = arith.divf %sub3A_350, %div3A_355 : vector<400x128xf32>
    %mul3A_357 = vector.broadcast %get3A_330 : vector<1x128xf32> to vector<400x128xf32>
    %mul3A_358 = arith.mulf %div3A_356, %mul3A_357 : vector<400x128xf32>
    %add3A_359 = vector.broadcast %get3A_333 : vector<1x128xf32> to vector<400x128xf32>
    %add3A_360 = arith.addf %mul3A_358, %add3A_359 : vector<400x128xf32>
    %max3A_361 = arith.constant 0.000000e+00 : f32
    %max3A_362 = vector.broadcast %max3A_361 : f32 to vector<400x128xf32>
    %max3A_363 = arith.maximumf %add3A_360, %max3A_362 : vector<400x128xf32>
    %get3A_364 = arith.constant 0 : index
    %get3A_365 = arith.constant 0 : index
    %get3A_366 = vector.load %arg35[%get3A_364, %get3A_365] : memref<128x128xf32, #tpu.memory_space<vmem>>, vector<128x128xf32>
    %dot_general3A_367 = arith.constant dense<0.000000e+00> : vector<400x128xf32>
    %dot_general3A_368 = tpu.matmul %max3A_363, %get3A_366, %dot_general3A_367 {dimension_numbers = #tpu.dot_dimension_numbers<[1], [0], [0], [1], [0, 0, 1, 1], [], []>, transpose_lhs_hint = false} : vector<400x128xf32>, vector<128x128xf32>, vector<400x128xf32> -> vector<400x128xf32>
    %get3A_369 = arith.constant 0 : index
    %get3A_370 = arith.constant 0 : index
    %get3A_371 = vector.load %arg36[%get3A_369, %get3A_370] : memref<1x128xf32, #tpu.memory_space<vmem>>, vector<1x128xf32>
    %add3A_372 = vector.broadcast %get3A_371 : vector<1x128xf32> to vector<400x128xf32>
    %add3A_373 = arith.addf %dot_general3A_368, %add3A_372 : vector<400x128xf32>
    %add3A_374 = arith.addf %add3A_373, %get3A_1 : vector<400x128xf32>
    %swap3A_375 = arith.constant 0 : index
    %swap3A_376 = arith.constant 0 : index
    %swap3A_377 = vector.load %arg37[%swap3A_375, %swap3A_376] : memref<400x128xf32, #tpu.memory_space<vmem>>, vector<400x128xf32>
    tpu.vector_store %arg37[%swap3A_375, %swap3A_376], %add3A_374 {strides = array<i32>} : memref<400x128xf32, #tpu.memory_space<vmem>>, vector<400x128xf32>,
    return
  }
  func.func @transform_0(%arg0: i32) -> (i32, i32) {
    %c0_i32 = arith.constant 0 : i32
    %c0_i32_0 = arith.constant 0 : i32
    return %arg0, %c0_i32 : i32, i32
  }
  func.func @transform_1(%arg0: i32) -> (i32, i32) {
    %c0_i32 = arith.constant 0 : i32
    %c0_i32_0 = arith.constant 0 : i32
    return %arg0, %c0_i32 : i32, i32
  }
  func.func @transform_2(%arg0: i32) -> (i32, i32) {
    %c0_i32 = arith.constant 0 : i32
    %c0_i32_0 = arith.constant 0 : i32
    return %arg0, %c0_i32 : i32, i32
  }
  func.func @transform_3(%arg0: i32) -> (i32, i32) {
    %c0_i32 = arith.constant 0 : i32
    %c0_i32_0 = arith.constant 0 : i32
    return %arg0, %c0_i32 : i32, i32
  }
  func.func @transform_4(%arg0: i32) -> (i32, i32) {
    %c0_i32 = arith.constant 0 : i32
    %c0_i32_0 = arith.constant 0 : i32
    %c0_i32_1 = arith.constant 0 : i32
    return %c0_i32, %c0_i32_0 : i32, i32
  }
  func.func @transform_5(%arg0: i32) -> (i32, i32) {
    %c0_i32 = arith.constant 0 : i32
    %c0_i32_0 = arith.constant 0 : i32
    %c0_i32_1 = arith.constant 0 : i32
    return %c0_i32, %c0_i32_0 : i32, i32
  }
  func.func @transform_6(%arg0: i32) -> (i32, i32) {
    %c0_i32 = arith.constant 0 : i32
    %c0_i32_0 = arith.constant 0 : i32
    %c0_i32_1 = arith.constant 0 : i32
    return %c0_i32, %c0_i32_0 : i32, i32
  }
  func.func @transform_7(%arg0: i32) -> (i32, i32) {
    %c0_i32 = arith.constant 0 : i32
    %c0_i32_0 = arith.constant 0 : i32
    %c0_i32_1 = arith.constant 0 : i32
    return %c0_i32, %c0_i32_0 : i32, i32
  }
  func.func @transform_8(%arg0: i32) -> (i32, i32) {
    %c0_i32 = arith.constant 0 : i32
    %c0_i32_0 = arith.constant 0 : i32
    %c0_i32_1 = arith.constant 0 : i32
    return %c0_i32, %c0_i32_0 : i32, i32
  }
  func.func @transform_9(%arg0: i32) -> (i32, i32) {
    %c0_i32 = arith.constant 0 : i32
    %c0_i32_0 = arith.constant 0 : i32
    %c0_i32_1 = arith.constant 0 : i32
    return %c0_i32, %c0_i32_0 : i32, i32
  }
  func.func @transform_10(%arg0: i32) -> (i32, i32) {
    %c0_i32 = arith.constant 0 : i32
    %c0_i32_0 = arith.constant 0 : i32
    %c0_i32_1 = arith.constant 0 : i32
    return %c0_i32, %c0_i32_0 : i32, i32
  }
  func.func @transform_11(%arg0: i32) -> (i32, i32) {
    %c0_i32 = arith.constant 0 : i32
    %c0_i32_0 = arith.constant 0 : i32
    %c0_i32_1 = arith.constant 0 : i32
    return %c0_i32, %c0_i32_0 : i32, i32
  }
  func.func @transform_12(%arg0: i32) -> (i32, i32) {
    %c0_i32 = arith.constant 0 : i32
    %c0_i32_0 = arith.constant 0 : i32
    %c0_i32_1 = arith.constant 0 : i32
    return %c0_i32, %c0_i32_0 : i32, i32
  }
  func.func @transform_13(%arg0: i32) -> (i32, i32) {
    %c0_i32 = arith.constant 0 : i32
    %c0_i32_0 = arith.constant 0 : i32
    %c0_i32_1 = arith.constant 0 : i32
    return %c0_i32, %c0_i32_0 : i32, i32
  }
  func.func @transform_14(%arg0: i32) -> (i32, i32) {
    %c0_i32 = arith.constant 0 : i32
    %c0_i32_0 = arith.constant 0 : i32
    %c0_i32_1 = arith.constant 0 : i32
    return %c0_i32, %c0_i32_0 : i32, i32
  }
  func.func @transform_15(%arg0: i32) -> (i32, i32) {
    %c0_i32 = arith.constant 0 : i32
    %c0_i32_0 = arith.constant 0 : i32
    %c0_i32_1 = arith.constant 0 : i32
    return %c0_i32, %c0_i32_0 : i32, i32
  }
  func.func @transform_16(%arg0: i32) -> (i32, i32) {
    %c0_i32 = arith.constant 0 : i32
    %c0_i32_0 = arith.constant 0 : i32
    %c0_i32_1 = arith.constant 0 : i32
    return %c0_i32, %c0_i32_0 : i32, i32
  }
  func.func @transform_17(%arg0: i32) -> (i32, i32) {
    %c0_i32 = arith.constant 0 : i32
    %c0_i32_0 = arith.constant 0 : i32
    %c0_i32_1 = arith.constant 0 : i32
    return %c0_i32, %c0_i32_0 : i32, i32
  }
  func.func @transform_18(%arg0: i32) -> (i32, i32) {
    %c0_i32 = arith.constant 0 : i32
    %c0_i32_0 = arith.constant 0 : i32
    %c0_i32_1 = arith.constant 0 : i32
    return %c0_i32, %c0_i32_0 : i32, i32
  }
  func.func @transform_19(%arg0: i32) -> (i32, i32) {
    %c0_i32 = arith.constant 0 : i32
    %c0_i32_0 = arith.constant 0 : i32
    %c0_i32_1 = arith.constant 0 : i32
    return %c0_i32, %c0_i32_0 : i32, i32
  }
  func.func @transform_20(%arg0: i32) -> (i32, i32) {
    %c0_i32 = arith.constant 0 : i32
    %c0_i32_0 = arith.constant 0 : i32
    %c0_i32_1 = arith.constant 0 : i32
    return %c0_i32, %c0_i32_0 : i32, i32
  }
  func.func @transform_21(%arg0: i32) -> (i32, i32) {
    %c0_i32 = arith.constant 0 : i32
    %c0_i32_0 = arith.constant 0 : i32
    %c0_i32_1 = arith.constant 0 : i32
    return %c0_i32, %c0_i32_0 : i32, i32
  }
  func.func @transform_22(%arg0: i32) -> (i32, i32) {
    %c0_i32 = arith.constant 0 : i32
    %c0_i32_0 = arith.constant 0 : i32
    %c0_i32_1 = arith.constant 0 : i32
    return %c0_i32, %c0_i32_0 : i32, i32
  }
  func.func @transform_23(%arg0: i32) -> (i32, i32) {
    %c0_i32 = arith.constant 0 : i32
    %c0_i32_0 = arith.constant 0 : i32
    %c0_i32_1 = arith.constant 0 : i32
    return %c0_i32, %c0_i32_0 : i32, i32
  }
  func.func @transform_24(%arg0: i32) -> (i32, i32) {
    %c0_i32 = arith.constant 0 : i32
    %c0_i32_0 = arith.constant 0 : i32
    %c0_i32_1 = arith.constant 0 : i32
    return %c0_i32, %c0_i32_0 : i32, i32
  }
  func.func @transform_25(%arg0: i32) -> (i32, i32) {
    %c0_i32 = arith.constant 0 : i32
    %c0_i32_0 = arith.constant 0 : i32
    %c0_i32_1 = arith.constant 0 : i32
    return %c0_i32, %c0_i32_0 : i32, i32
  }
  func.func @transform_26(%arg0: i32) -> (i32, i32) {
    %c0_i32 = arith.constant 0 : i32
    %c0_i32_0 = arith.constant 0 : i32
    %c0_i32_1 = arith.constant 0 : i32
    return %c0_i32, %c0_i32_0 : i32, i32
  }
  func.func @transform_27(%arg0: i32) -> (i32, i32) {
    %c0_i32 = arith.constant 0 : i32
    %c0_i32_0 = arith.constant 0 : i32
    %c0_i32_1 = arith.constant 0 : i32
    return %c0_i32, %c0_i32_0 : i32, i32
  }
  func.func @transform_28(%arg0: i32) -> (i32, i32) {
    %c0_i32 = arith.constant 0 : i32
    %c0_i32_0 = arith.constant 0 : i32
    %c0_i32_1 = arith.constant 0 : i32
    return %c0_i32, %c0_i32_0 : i32, i32
  }
  func.func @transform_29(%arg0: i32) -> (i32, i32) {
    %c0_i32 = arith.constant 0 : i32
    %c0_i32_0 = arith.constant 0 : i32
    %c0_i32_1 = arith.constant 0 : i32
    return %c0_i32, %c0_i32_0 : i32, i32
  }
  func.func @transform_30(%arg0: i32) -> (i32, i32) {
    %c0_i32 = arith.constant 0 : i32
    %c0_i32_0 = arith.constant 0 : i32
    %c0_i32_1 = arith.constant 0 : i32
    return %c0_i32, %c0_i32_0 : i32, i32
  }
  func.func @transform_31(%arg0: i32) -> (i32, i32) {
    %c0_i32 = arith.constant 0 : i32
    %c0_i32_0 = arith.constant 0 : i32
    %c0_i32_1 = arith.constant 0 : i32
    return %c0_i32, %c0_i32_0 : i32, i32
  }
  func.func @transform_32(%arg0: i32) -> (i32, i32) {
    %c0_i32 = arith.constant 0 : i32
    %c0_i32_0 = arith.constant 0 : i32
    %c0_i32_1 = arith.constant 0 : i32
    return %c0_i32, %c0_i32_0 : i32, i32
  }
  func.func @transform_33(%arg0: i32) -> (i32, i32) {
    %c0_i32 = arith.constant 0 : i32
    %c0_i32_0 = arith.constant 0 : i32
    %c0_i32_1 = arith.constant 0 : i32
    return %c0_i32, %c0_i32_0 : i32, i32
  }
  func.func @transform_34(%arg0: i32) -> (i32, i32) {
    %c0_i32 = arith.constant 0 : i32
    %c0_i32_0 = arith.constant 0 : i32
    %c0_i32_1 = arith.constant 0 : i32
    return %c0_i32, %c0_i32_0 : i32, i32
  }
  func.func @transform_35(%arg0: i32) -> (i32, i32) {
    %c0_i32 = arith.constant 0 : i32
    %c0_i32_0 = arith.constant 0 : i32
    %c0_i32_1 = arith.constant 0 : i32
    return %c0_i32, %c0_i32_0 : i32, i32
  }
  func.func @transform_36(%arg0: i32) -> (i32, i32) {
    %c0_i32 = arith.constant 0 : i32
    %c0_i32_0 = arith.constant 0 : i32
    return %arg0, %c0_i32 : i32, i32
  }
  func.func @transform_37(%arg0: i32) -> (i32, i32) {
    %c0_i32 = arith.constant 0 : i32
    %c0_i32_0 = arith.constant 0 : i32
    return %arg0, %c0_i32 : i32, i32
  }
}

module attributes {stable_mosaic.version = 14 : i64} {
  func.func @_h2x_body(%arg0: i32, %arg1: memref<400x128xf32, #tpu.memory_space<vmem>>, %arg2: memref<400x3xf32, #tpu.memory_space<vmem>>, %arg3: memref<400x1xf32, #tpu.memory_space<vmem>>, %arg4: memref<6400x128xf32, #tpu.memory_space<vmem>>, %arg5: memref<6400x16xf32, #tpu.memory_space<vmem>>, %arg6: memref<4x4xf32, #tpu.memory_space<vmem>>, %arg7: memref<4x80xf32, #tpu.memory_space<vmem>>, %arg8: memref<20x80xf32, #tpu.memory_space<vmem>>, %arg9: memref<1x20xf32, #tpu.memory_space<vmem>>, %arg10: memref<128x16xf32, #tpu.memory_space<vmem>>, %arg11: memref<4x256xf32, #tpu.memory_space<vmem>>, %arg12: memref<80x256xf32, #tpu.memory_space<vmem>>, %arg13: memref<128x256xf32, #tpu.memory_space<vmem>>, %arg14: memref<128x256xf32, #tpu.memory_space<vmem>>, %arg15: memref<1x256xf32, #tpu.memory_space<vmem>>, %arg16: memref<1x256xf32, #tpu.memory_space<vmem>>, %arg17: memref<1x256xf32, #tpu.memory_space<vmem>>, %arg18: memref<128x128xf32, #tpu.memory_space<vmem>>, %arg19: memref<1x128xf32, #tpu.memory_space<vmem>>, %arg20: memref<128x16xf32, #tpu.memory_space<vmem>>, %arg21: memref<1x16xf32, #tpu.memory_space<vmem>>, %arg22: memref<1x80xf32, #tpu.memory_space<vmem>>, %arg23: memref<1x1xf32, #tpu.memory_space<vmem>>, %arg24: memref<128x128xf32, #tpu.memory_space<vmem>>, %arg25: memref<1x128xf32, #tpu.memory_space<vmem>>, %arg26: memref<1x128xf32, #tpu.memory_space<vmem>>, %arg27: memref<1x128xf32, #tpu.memory_space<vmem>>, %arg28: memref<128x128xf32, #tpu.memory_space<vmem>>, %arg29: memref<1x128xf32, #tpu.memory_space<vmem>>, %arg30: memref<400x3xf32, #tpu.memory_space<vmem>>) attributes {dimension_semantics = [#tpu.dimension_semantics<arbitrary>], iteration_bounds = array<i64: 25>, scalar_prefetch = 0 : i64, scratch_operands = 0 : i64, tpu.core_type = #tpu.core_type<tc>, window_params = [{transform_indices = @transform_0, window_bounds = array<i64: 400, 128>}, {transform_indices = @transform_1, window_bounds = array<i64: 400, 3>}, {transform_indices = @transform_2, window_bounds = array<i64: 400, 1>}, {transform_indices = @transform_3, window_bounds = array<i64: 6400, 128>}, {transform_indices = @transform_4, window_bounds = array<i64: 6400, 16>}, {pipeline_mode = #tpu.pipeline_mode<synchronous>, transform_indices = @transform_5, window_bounds = array<i64: 4, 4>}, {pipeline_mode = #tpu.pipeline_mode<synchronous>, transform_indices = @transform_6, window_bounds = array<i64: 4, 80>}, {pipeline_mode = #tpu.pipeline_mode<synchronous>, transform_indices = @transform_7, window_bounds = array<i64: 20, 80>}, {pipeline_mode = #tpu.pipeline_mode<synchronous>, transform_indices = @transform_8, window_bounds = array<i64: 1, 20>}, {pipeline_mode = #tpu.pipeline_mode<synchronous>, transform_indices = @transform_9, window_bounds = array<i64: 128, 16>}, {pipeline_mode = #tpu.pipeline_mode<synchronous>, transform_indices = @transform_10, window_bounds = array<i64: 4, 256>}, {pipeline_mode = #tpu.pipeline_mode<synchronous>, transform_indices = @transform_11, window_bounds = array<i64: 80, 256>}, {pipeline_mode = #tpu.pipeline_mode<synchronous>, transform_indices = @transform_12, window_bounds = array<i64: 128, 256>}, {pipeline_mode = #tpu.pipeline_mode<synchronous>, transform_indices = @transform_13, window_bounds = array<i64: 128, 256>}, {pipeline_mode = #tpu.pipeline_mode<synchronous>, transform_indices = @transform_14, window_bounds = array<i64: 1, 256>}, {pipeline_mode = #tpu.pipeline_mode<synchronous>, transform_indices = @transform_15, window_bounds = array<i64: 1, 256>}, {pipeline_mode = #tpu.pipeline_mode<synchronous>, transform_indices = @transform_16, window_bounds = array<i64: 1, 256>}, {pipeline_mode = #tpu.pipeline_mode<synchronous>, transform_indices = @transform_17, window_bounds = array<i64: 128, 128>}, {pipeline_mode = #tpu.pipeline_mode<synchronous>, transform_indices = @transform_18, window_bounds = array<i64: 1, 128>}, {pipeline_mode = #tpu.pipeline_mode<synchronous>, transform_indices = @transform_19, window_bounds = array<i64: 128, 16>}, {pipeline_mode = #tpu.pipeline_mode<synchronous>, transform_indices = @transform_20, window_bounds = array<i64: 1, 16>}, {pipeline_mode = #tpu.pipeline_mode<synchronous>, transform_indices = @transform_21, window_bounds = array<i64: 1, 80>}, {pipeline_mode = #tpu.pipeline_mode<synchronous>, transform_indices = @transform_22, window_bounds = array<i64: 1, 1>}, {pipeline_mode = #tpu.pipeline_mode<synchronous>, transform_indices = @transform_23, window_bounds = array<i64: 128, 128>}, {pipeline_mode = #tpu.pipeline_mode<synchronous>, transform_indices = @transform_24, window_bounds = array<i64: 1, 128>}, {pipeline_mode = #tpu.pipeline_mode<synchronous>, transform_indices = @transform_25, window_bounds = array<i64: 1, 128>}, {pipeline_mode = #tpu.pipeline_mode<synchronous>, transform_indices = @transform_26, window_bounds = array<i64: 1, 128>}, {pipeline_mode = #tpu.pipeline_mode<synchronous>, transform_indices = @transform_27, window_bounds = array<i64: 128, 128>}, {pipeline_mode = #tpu.pipeline_mode<synchronous>, transform_indices = @transform_28, window_bounds = array<i64: 1, 128>}, {transform_indices = @transform_29, window_bounds = array<i64: 400, 3>}]} {
    %get3A = arith.constant 0 : index
    %get3A_0 = arith.constant 0 : index
    %get3A_1 = vector.load %arg1[%get3A, %get3A_0] : memref<400x128xf32, #tpu.memory_space<vmem>>, vector<400x128xf32>
    %get3A_2 = arith.constant 0 : index
    %get3A_3 = arith.constant 0 : index
    %get3A_4 = vector.load %arg2[%get3A_2, %get3A_3] : memref<400x3xf32, #tpu.memory_space<vmem>>, vector<400x3xf32>
    %get3A_5 = arith.constant 0 : index
    %get3A_6 = arith.constant 0 : index
    %get3A_7 = vector.load %arg3[%get3A_5, %get3A_6] : memref<400x1xf32, #tpu.memory_space<vmem>>, vector<400x1xf32>
    %get3A_8 = arith.constant 0 : index
    %get3A_9 = arith.constant 0 : index
    %get3A_10 = vector.load %arg4[%get3A_8, %get3A_9] : memref<6400x128xf32, #tpu.memory_space<vmem>>, vector<6400x128xf32>
    %get3A_11 = arith.constant 0 : index
    %get3A_12 = arith.constant 0 : index
    %get3A_13 = vector.load %arg5[%get3A_11, %get3A_12] : memref<6400x16xf32, #tpu.memory_space<vmem>>, vector<6400x16xf32>
    %slice3A = vector.extract_strided_slice %get3A_13 {offsets = [0, 0], sizes = [6400, 3], strides = [1, 1]} : vector<6400x16xf32> to vector<6400x3xf32>
    %slice3A_14 = vector.extract_strided_slice %get3A_13 {offsets = [0, 3], sizes = [6400, 1], strides = [1, 1]} : vector<6400x16xf32> to vector<6400x1xf32>
    %broadcast_in_dim3A = vector.shape_cast %get3A_4 : vector<400x3xf32> to vector<400x1x3xf32>
    %broadcast_in_dim3A_15 = vector.shape_cast %broadcast_in_dim3A : vector<400x1x3xf32> to vector<400x1x3xf32>
    %broadcast_in_dim3A_16 = vector.broadcast %broadcast_in_dim3A_15 : vector<400x1x3xf32> to vector<400x16x3xf32>
    %reshape3A = vector.shape_cast %broadcast_in_dim3A_16 : vector<400x16x3xf32> to vector<6400x3xf32>
    %broadcast_in_dim3A_17 = vector.shape_cast %get3A_7 : vector<400x1xf32> to vector<400x1x1xf32>
    %broadcast_in_dim3A_18 = vector.shape_cast %broadcast_in_dim3A_17 : vector<400x1x1xf32> to vector<400x1x1xf32>
    %broadcast_in_dim3A_19 = vector.broadcast %broadcast_in_dim3A_18 : vector<400x1x1xf32> to vector<400x16x1xf32>
    %reshape3A_20 = vector.shape_cast %broadcast_in_dim3A_19 : vector<400x16x1xf32> to vector<6400x1xf32>
    %sub3A = arith.subf %reshape3A, %slice3A : vector<6400x3xf32>
    %mul3A = arith.mulf %sub3A, %sub3A : vector<6400x3xf32>
    %reduce_sum3A = arith.constant dense<0.000000e+00> : vector<6400xf32>
    %reduce_sum3A_21 = vector.multi_reduction <add>, %mul3A, %reduce_sum3A [1] : vector<6400x3xf32> to vector<6400xf32>
    %broadcast_in_dim3A_22 = vector.shape_cast %reduce_sum3A_21 : vector<6400xf32> to vector<6400x1xf32>
    %sqrt3A = math.sqrt %broadcast_in_dim3A_22 : vector<6400x1xf32>
    %get3A_23 = arith.constant 0 : index
    %get3A_24 = arith.constant 0 : index
    %get3A_25 = vector.load %arg9[%get3A_23, %get3A_24] : memref<1x20xf32, #tpu.memory_space<vmem>>, vector<1x20xf32>
    %sub3A_26 = vector.broadcast %sqrt3A : vector<6400x1xf32> to vector<6400x20xf32>
    %sub3A_27 = vector.broadcast %get3A_25 : vector<1x20xf32> to vector<6400x20xf32>
    %sub3A_28 = arith.subf %sub3A_26, %sub3A_27 : vector<6400x20xf32>
    %integer_pow3A = arith.mulf %sub3A_28, %sub3A_28 : vector<6400x20xf32>
    %mul3A_29 = arith.constant -1.805000e+00 : f32
    %mul3A_30 = vector.broadcast %mul3A_29 : f32 to vector<6400x20xf32>
    %mul3A_31 = arith.mulf %mul3A_30, %integer_pow3A : vector<6400x20xf32>
    %exp3A = math.exp %mul3A_31 : vector<6400x20xf32>
    %eq3A = arith.constant 1.000000e+00 : f32
    %eq3A_32 = vector.broadcast %eq3A : f32 to vector<6400x1xf32>
    %eq3A_33 = arith.cmpf oeq, %slice3A_14, %eq3A_32 : vector<6400x1xf32>
    %convert_element_type3A = arith.extui %eq3A_33 : vector<6400x1xi1> to vector<6400x1xi32>
    %convert_element_type3A_34 = arith.sitofp %convert_element_type3A : vector<6400x1xi32> to vector<6400x1xf32>
    %eq3A_35 = arith.constant 1.000000e+00 : f32
    %eq3A_36 = vector.broadcast %eq3A_35 : f32 to vector<6400x1xf32>
    %eq3A_37 = arith.cmpf oeq, %reshape3A_20, %eq3A_36 : vector<6400x1xf32>
    %convert_element_type3A_38 = arith.extui %eq3A_37 : vector<6400x1xi1> to vector<6400x1xi32>
    %convert_element_type3A_39 = arith.sitofp %convert_element_type3A_38 : vector<6400x1xi32> to vector<6400x1xf32>
    %get3A_40 = arith.constant 0 : index
    %get3A_41 = arith.constant 0 : index
    %get3A_42 = vector.load %arg6[%get3A_40, %get3A_41] : memref<4x4xf32, #tpu.memory_space<vmem>>, vector<4x4xf32>
    %slice3A_43 = vector.extract_strided_slice %get3A_42 {offsets = [0, 0], sizes = [1, 4], strides = [1, 1]} : vector<4x4xf32> to vector<1x4xf32>
    %mul3A_44 = vector.broadcast %convert_element_type3A_34 : vector<6400x1xf32> to vector<6400x4xf32>
    %mul3A_45 = vector.broadcast %slice3A_43 : vector<1x4xf32> to vector<6400x4xf32>
    %mul3A_46 = arith.mulf %mul3A_44, %mul3A_45 : vector<6400x4xf32>
    %slice3A_47 = vector.extract_strided_slice %get3A_42 {offsets = [1, 0], sizes = [1, 4], strides = [1, 1]} : vector<4x4xf32> to vector<1x4xf32>
    %mul3A_48 = vector.broadcast %convert_element_type3A_39 : vector<6400x1xf32> to vector<6400x4xf32>
    %mul3A_49 = vector.broadcast %slice3A_47 : vector<1x4xf32> to vector<6400x4xf32>
    %mul3A_50 = arith.mulf %mul3A_48, %mul3A_49 : vector<6400x4xf32>
    %add3A = arith.addf %mul3A_46, %mul3A_50 : vector<6400x4xf32>
    %mul3A_51 = arith.mulf %convert_element_type3A_34, %convert_element_type3A_39 : vector<6400x1xf32>
    %slice3A_52 = vector.extract_strided_slice %get3A_42 {offsets = [2, 0], sizes = [1, 4], strides = [1, 1]} : vector<4x4xf32> to vector<1x4xf32>
    %mul3A_53 = vector.broadcast %mul3A_51 : vector<6400x1xf32> to vector<6400x4xf32>
    %mul3A_54 = vector.broadcast %slice3A_52 : vector<1x4xf32> to vector<6400x4xf32>
    %mul3A_55 = arith.mulf %mul3A_53, %mul3A_54 : vector<6400x4xf32>
    %add3A_56 = arith.addf %add3A, %mul3A_55 : vector<6400x4xf32>
    %slice3A_57 = vector.extract_strided_slice %get3A_42 {offsets = [3, 0], sizes = [1, 4], strides = [1, 1]} : vector<4x4xf32> to vector<1x4xf32>
    %add3A_58 = vector.broadcast %slice3A_57 : vector<1x4xf32> to vector<6400x4xf32>
    %add3A_59 = arith.addf %add3A_56, %add3A_58 : vector<6400x4xf32>
    %get3A_60 = arith.constant 0 : index
    %get3A_61 = arith.constant 0 : index
    %get3A_62 = vector.load %arg7[%get3A_60, %get3A_61] : memref<4x80xf32, #tpu.memory_space<vmem>>, vector<4x80xf32>
    %dot_general3A = arith.constant dense<0.000000e+00> : vector<6400x80xf32>
    %dot_general3A_63 = tpu.matmul %add3A_59, %get3A_62, %dot_general3A {dimension_numbers = #tpu.dot_dimension_numbers<[1], [0], [0], [1], [0, 0, 1, 1], [], []>, transpose_lhs_hint = false} : vector<6400x4xf32>, vector<4x80xf32>, vector<6400x80xf32> -> vector<6400x80xf32>
    %get3A_64 = arith.constant 0 : index
    %get3A_65 = arith.constant 0 : index
    %get3A_66 = vector.load %arg8[%get3A_64, %get3A_65] : memref<20x80xf32, #tpu.memory_space<vmem>>, vector<20x80xf32>
    %dot_general3A_67 = arith.constant dense<0.000000e+00> : vector<6400x80xf32>
    %dot_general3A_68 = tpu.matmul %exp3A, %get3A_66, %dot_general3A_67 {dimension_numbers = #tpu.dot_dimension_numbers<[1], [0], [0], [1], [0, 0, 1, 1], [], []>, transpose_lhs_hint = false} : vector<6400x20xf32>, vector<20x80xf32>, vector<6400x80xf32> -> vector<6400x80xf32>
    %mul3A_69 = arith.mulf %dot_general3A_63, %dot_general3A_68 : vector<6400x80xf32>
    %get3A_70 = arith.constant 0 : index
    %get3A_71 = arith.constant 0 : index
    %get3A_72 = vector.load %arg13[%get3A_70, %get3A_71] : memref<128x256xf32, #tpu.memory_space<vmem>>, vector<128x256xf32>
    %dot_general3A_73 = arith.constant dense<0.000000e+00> : vector<400x256xf32>
    %dot_general3A_74 = tpu.matmul %get3A_1, %get3A_72, %dot_general3A_73 {dimension_numbers = #tpu.dot_dimension_numbers<[1], [0], [0], [1], [0, 0, 1, 1], [], []>, transpose_lhs_hint = false} : vector<400x128xf32>, vector<128x256xf32>, vector<400x256xf32> -> vector<400x256xf32>
    %get3A_75 = arith.constant 0 : index
    %get3A_76 = arith.constant 0 : index
    %get3A_77 = vector.load %arg11[%get3A_75, %get3A_76] : memref<4x256xf32, #tpu.memory_space<vmem>>, vector<4x256xf32>
    %dot_general3A_78 = arith.constant dense<0.000000e+00> : vector<6400x256xf32>
    %dot_general3A_79 = tpu.matmul %add3A_59, %get3A_77, %dot_general3A_78 {dimension_numbers = #tpu.dot_dimension_numbers<[1], [0], [0], [1], [0, 0, 1, 1], [], []>, transpose_lhs_hint = false} : vector<6400x4xf32>, vector<4x256xf32>, vector<6400x256xf32> -> vector<6400x256xf32>
    %get3A_80 = arith.constant 0 : index
    %get3A_81 = arith.constant 0 : index
    %get3A_82 = vector.load %arg12[%get3A_80, %get3A_81] : memref<80x256xf32, #tpu.memory_space<vmem>>, vector<80x256xf32>
    %dot_general3A_83 = arith.constant dense<0.000000e+00> : vector<6400x256xf32>
    %dot_general3A_84 = tpu.matmul %mul3A_69, %get3A_82, %dot_general3A_83 {dimension_numbers = #tpu.dot_dimension_numbers<[1], [0], [0], [1], [0, 0, 1, 1], [], []>, transpose_lhs_hint = false} : vector<6400x80xf32>, vector<80x256xf32>, vector<6400x256xf32> -> vector<6400x256xf32>
    %add3A_85 = arith.addf %dot_general3A_79, %dot_general3A_84 : vector<6400x256xf32>
    %get3A_86 = arith.constant 0 : index
    %get3A_87 = arith.constant 0 : index
    %get3A_88 = vector.load %arg14[%get3A_86, %get3A_87] : memref<128x256xf32, #tpu.memory_space<vmem>>, vector<128x256xf32>
    %dot_general3A_89 = arith.constant dense<0.000000e+00> : vector<6400x256xf32>
    %dot_general3A_90 = tpu.matmul %get3A_10, %get3A_88, %dot_general3A_89 {dimension_numbers = #tpu.dot_dimension_numbers<[1], [0], [0], [1], [0, 0, 1, 1], [], []>, transpose_lhs_hint = false} : vector<6400x128xf32>, vector<128x256xf32>, vector<6400x256xf32> -> vector<6400x256xf32>
    %add3A_91 = arith.addf %add3A_85, %dot_general3A_90 : vector<6400x256xf32>
    %broadcast_in_dim3A_92 = vector.shape_cast %dot_general3A_74 : vector<400x256xf32> to vector<400x1x256xf32>
    %broadcast_in_dim3A_93 = vector.shape_cast %broadcast_in_dim3A_92 : vector<400x1x256xf32> to vector<400x1x256xf32>
    %broadcast_in_dim3A_94 = vector.broadcast %broadcast_in_dim3A_93 : vector<400x1x256xf32> to vector<400x16x256xf32>
    %reshape3A_95 = vector.shape_cast %broadcast_in_dim3A_94 : vector<400x16x256xf32> to vector<6400x256xf32>
    %add3A_96 = arith.addf %add3A_91, %reshape3A_95 : vector<6400x256xf32>
    %get3A_97 = arith.constant 0 : index
    %get3A_98 = arith.constant 0 : index
    %get3A_99 = vector.load %arg15[%get3A_97, %get3A_98] : memref<1x256xf32, #tpu.memory_space<vmem>>, vector<1x256xf32>
    %add3A_100 = vector.broadcast %get3A_99 : vector<1x256xf32> to vector<6400x256xf32>
    %add3A_101 = arith.addf %add3A_96, %add3A_100 : vector<6400x256xf32>
    %slice3A_102 = vector.extract_strided_slice %add3A_101 {offsets = [0, 0], sizes = [6400, 128], strides = [1, 1]} : vector<6400x256xf32> to vector<6400x128xf32>
    %get3A_103 = arith.constant 0 : index
    %get3A_104 = arith.constant 0 : index
    %get3A_105 = vector.load %arg16[%get3A_103, %get3A_104] : memref<1x256xf32, #tpu.memory_space<vmem>>, vector<1x128xf32>
    %get3A_106 = arith.constant 0 : index
    %get3A_107 = arith.constant 0 : index
    %get3A_108 = vector.load %arg17[%get3A_106, %get3A_107] : memref<1x256xf32, #tpu.memory_space<vmem>>, vector<1x128xf32>
    %reduce_sum3A_109 = arith.constant dense<0.000000e+00> : vector<6400xf32>
    %reduce_sum3A_110 = vector.multi_reduction <add>, %slice3A_102, %reduce_sum3A_109 [1] : vector<6400x128xf32> to vector<6400xf32>
    %broadcast_in_dim3A_111 = vector.shape_cast %reduce_sum3A_110 : vector<6400xf32> to vector<6400x1xf32>
    %div3A = arith.constant 1.280000e+02 : f32
    %div3A_112 = vector.broadcast %div3A : f32 to vector<6400x1xf32>
    %div3A_113 = arith.divf %broadcast_in_dim3A_111, %div3A_112 : vector<6400x1xf32>
    %sub3A_114 = vector.broadcast %div3A_113 : vector<6400x1xf32> to vector<6400x128xf32>
    %sub3A_115 = arith.subf %slice3A_102, %sub3A_114 : vector<6400x128xf32>
    %integer_pow3A_116 = arith.mulf %sub3A_115, %sub3A_115 : vector<6400x128xf32>
    %reduce_sum3A_117 = arith.constant dense<0.000000e+00> : vector<6400xf32>
    %reduce_sum3A_118 = vector.multi_reduction <add>, %integer_pow3A_116, %reduce_sum3A_117 [1] : vector<6400x128xf32> to vector<6400xf32>
    %broadcast_in_dim3A_119 = vector.shape_cast %reduce_sum3A_118 : vector<6400xf32> to vector<6400x1xf32>
    %div3A_120 = arith.constant 1.280000e+02 : f32
    %div3A_121 = vector.broadcast %div3A_120 : f32 to vector<6400x1xf32>
    %div3A_122 = arith.divf %broadcast_in_dim3A_119, %div3A_121 : vector<6400x1xf32>
    %sub3A_123 = vector.broadcast %div3A_113 : vector<6400x1xf32> to vector<6400x128xf32>
    %sub3A_124 = arith.subf %slice3A_102, %sub3A_123 : vector<6400x128xf32>
    %add3A_125 = arith.constant 9.99999974E-6 : f32
    %add3A_126 = vector.broadcast %add3A_125 : f32 to vector<6400x1xf32>
    %add3A_127 = arith.addf %div3A_122, %add3A_126 : vector<6400x1xf32>
    %sqrt3A_128 = math.sqrt %add3A_127 : vector<6400x1xf32>
    %div3A_129 = vector.broadcast %sqrt3A_128 : vector<6400x1xf32> to vector<6400x128xf32>
    %div3A_130 = arith.divf %sub3A_124, %div3A_129 : vector<6400x128xf32>
    %mul3A_131 = vector.broadcast %get3A_105 : vector<1x128xf32> to vector<6400x128xf32>
    %mul3A_132 = arith.mulf %div3A_130, %mul3A_131 : vector<6400x128xf32>
    %add3A_133 = vector.broadcast %get3A_108 : vector<1x128xf32> to vector<6400x128xf32>
    %add3A_134 = arith.addf %mul3A_132, %add3A_133 : vector<6400x128xf32>
    %max3A = arith.constant 0.000000e+00 : f32
    %max3A_135 = vector.broadcast %max3A : f32 to vector<6400x128xf32>
    %max3A_136 = arith.maximumf %add3A_134, %max3A_135 : vector<6400x128xf32>
    %slice3A_137 = vector.extract_strided_slice %add3A_101 {offsets = [0, 128], sizes = [6400, 128], strides = [1, 1]} : vector<6400x256xf32> to vector<6400x128xf32>
    %get3A_138 = arith.constant 0 : index
    %get3A_139 = arith.constant 128 : index
    %get3A_140 = vector.load %arg16[%get3A_138, %get3A_139] : memref<1x256xf32, #tpu.memory_space<vmem>>, vector<1x128xf32>
    %get3A_141 = arith.constant 0 : index
    %get3A_142 = arith.constant 128 : index
    %get3A_143 = vector.load %arg17[%get3A_141, %get3A_142] : memref<1x256xf32, #tpu.memory_space<vmem>>, vector<1x128xf32>
    %reduce_sum3A_144 = arith.constant dense<0.000000e+00> : vector<6400xf32>
    %reduce_sum3A_145 = vector.multi_reduction <add>, %slice3A_137, %reduce_sum3A_144 [1] : vector<6400x128xf32> to vector<6400xf32>
    %broadcast_in_dim3A_146 = vector.shape_cast %reduce_sum3A_145 : vector<6400xf32> to vector<6400x1xf32>
    %div3A_147 = arith.constant 1.280000e+02 : f32
    %div3A_148 = vector.broadcast %div3A_147 : f32 to vector<6400x1xf32>
    %div3A_149 = arith.divf %broadcast_in_dim3A_146, %div3A_148 : vector<6400x1xf32>
    %sub3A_150 = vector.broadcast %div3A_149 : vector<6400x1xf32> to vector<6400x128xf32>
    %sub3A_151 = arith.subf %slice3A_137, %sub3A_150 : vector<6400x128xf32>
    %integer_pow3A_152 = arith.mulf %sub3A_151, %sub3A_151 : vector<6400x128xf32>
    %reduce_sum3A_153 = arith.constant dense<0.000000e+00> : vector<6400xf32>
    %reduce_sum3A_154 = vector.multi_reduction <add>, %integer_pow3A_152, %reduce_sum3A_153 [1] : vector<6400x128xf32> to vector<6400xf32>
    %broadcast_in_dim3A_155 = vector.shape_cast %reduce_sum3A_154 : vector<6400xf32> to vector<6400x1xf32>
    %div3A_156 = arith.constant 1.280000e+02 : f32
    %div3A_157 = vector.broadcast %div3A_156 : f32 to vector<6400x1xf32>
    %div3A_158 = arith.divf %broadcast_in_dim3A_155, %div3A_157 : vector<6400x1xf32>
    %sub3A_159 = vector.broadcast %div3A_149 : vector<6400x1xf32> to vector<6400x128xf32>
    %sub3A_160 = arith.subf %slice3A_137, %sub3A_159 : vector<6400x128xf32>
    %add3A_161 = arith.constant 9.99999974E-6 : f32
    %add3A_162 = vector.broadcast %add3A_161 : f32 to vector<6400x1xf32>
    %add3A_163 = arith.addf %div3A_158, %add3A_162 : vector<6400x1xf32>
    %sqrt3A_164 = math.sqrt %add3A_163 : vector<6400x1xf32>
    %div3A_165 = vector.broadcast %sqrt3A_164 : vector<6400x1xf32> to vector<6400x128xf32>
    %div3A_166 = arith.divf %sub3A_160, %div3A_165 : vector<6400x128xf32>
    %mul3A_167 = vector.broadcast %get3A_140 : vector<1x128xf32> to vector<6400x128xf32>
    %mul3A_168 = arith.mulf %div3A_166, %mul3A_167 : vector<6400x128xf32>
    %add3A_169 = vector.broadcast %get3A_143 : vector<1x128xf32> to vector<6400x128xf32>
    %add3A_170 = arith.addf %mul3A_168, %add3A_169 : vector<6400x128xf32>
    %max3A_171 = arith.constant 0.000000e+00 : f32
    %max3A_172 = vector.broadcast %max3A_171 : f32 to vector<6400x128xf32>
    %max3A_173 = arith.maximumf %add3A_170, %max3A_172 : vector<6400x128xf32>
    %get3A_174 = arith.constant 0 : index
    %get3A_175 = arith.constant 0 : index
    %get3A_176 = vector.load %arg18[%get3A_174, %get3A_175] : memref<128x128xf32, #tpu.memory_space<vmem>>, vector<128x128xf32>
    %dot_general3A_177 = arith.constant dense<0.000000e+00> : vector<6400x128xf32>
    %dot_general3A_178 = tpu.matmul %max3A_136, %get3A_176, %dot_general3A_177 {dimension_numbers = #tpu.dot_dimension_numbers<[1], [0], [0], [1], [0, 0, 1, 1], [], []>, transpose_lhs_hint = false} : vector<6400x128xf32>, vector<128x128xf32>, vector<6400x128xf32> -> vector<6400x128xf32>
    %get3A_179 = arith.constant 0 : index
    %get3A_180 = arith.constant 0 : index
    %get3A_181 = vector.load %arg19[%get3A_179, %get3A_180] : memref<1x128xf32, #tpu.memory_space<vmem>>, vector<1x128xf32>
    %add3A_182 = vector.broadcast %get3A_181 : vector<1x128xf32> to vector<6400x128xf32>
    %add3A_183 = arith.addf %dot_general3A_178, %add3A_182 : vector<6400x128xf32>
    %get3A_184 = arith.constant 0 : index
    %get3A_185 = arith.constant 0 : index
    %get3A_186 = vector.load %arg20[%get3A_184, %get3A_185] : memref<128x16xf32, #tpu.memory_space<vmem>>, vector<128x16xf32>
    %dot_general3A_187 = arith.constant dense<0.000000e+00> : vector<6400x16xf32>
    %dot_general3A_188 = tpu.matmul %max3A_173, %get3A_186, %dot_general3A_187 {dimension_numbers = #tpu.dot_dimension_numbers<[1], [0], [0], [1], [0, 0, 1, 1], [], []>, transpose_lhs_hint = false} : vector<6400x128xf32>, vector<128x16xf32>, vector<6400x16xf32> -> vector<6400x16xf32>
    %get3A_189 = arith.constant 0 : index
    %get3A_190 = arith.constant 0 : index
    %get3A_191 = vector.load %arg21[%get3A_189, %get3A_190] : memref<1x16xf32, #tpu.memory_space<vmem>>, vector<1x16xf32>
    %add3A_192 = vector.broadcast %get3A_191 : vector<1x16xf32> to vector<6400x16xf32>
    %add3A_193 = arith.addf %dot_general3A_188, %add3A_192 : vector<6400x16xf32>
    %get3A_194 = arith.constant 0 : index
    %get3A_195 = arith.constant 0 : index
    %get3A_196 = vector.load %arg22[%get3A_194, %get3A_195] : memref<1x80xf32, #tpu.memory_space<vmem>>, vector<1x80xf32>
    %mul3A_197 = vector.broadcast %get3A_196 : vector<1x80xf32> to vector<6400x80xf32>
    %mul3A_198 = arith.mulf %mul3A_69, %mul3A_197 : vector<6400x80xf32>
    %reduce_sum3A_199 = arith.constant dense<0.000000e+00> : vector<6400xf32>
    %reduce_sum3A_200 = vector.multi_reduction <add>, %mul3A_198, %reduce_sum3A_199 [1] : vector<6400x80xf32> to vector<6400xf32>
    %broadcast_in_dim3A_201 = vector.shape_cast %reduce_sum3A_200 : vector<6400xf32> to vector<6400x1xf32>
    %get3A_202 = arith.constant 0 : index
    %get3A_203 = arith.constant 0 : index
    %get3A_204 = vector.load %arg23[%get3A_202, %get3A_203] : memref<1x1xf32, #tpu.memory_space<vmem>>, vector<1x1xf32>
    %add3A_205 = vector.broadcast %get3A_204 : vector<1x1xf32> to vector<6400x1xf32>
    %add3A_206 = arith.addf %broadcast_in_dim3A_201, %add3A_205 : vector<6400x1xf32>
    %neg3A = arith.constant 0.000000e+00 : f32
    %neg3A_207 = vector.broadcast %neg3A : f32 to vector<6400x1xf32>
    %neg3A_208 = arith.subf %neg3A_207, %add3A_206 : vector<6400x1xf32>
    %exp3A_209 = math.exp %neg3A_208 : vector<6400x1xf32>
    %add3A_210 = arith.constant 1.000000e+00 : f32
    %add3A_211 = vector.broadcast %add3A_210 : f32 to vector<6400x1xf32>
    %add3A_212 = arith.addf %add3A_211, %exp3A_209 : vector<6400x1xf32>
    %div3A_213 = arith.constant 1.000000e+00 : f32
    %div3A_214 = vector.broadcast %div3A_213 : f32 to vector<6400x1xf32>
    %div3A_215 = arith.divf %div3A_214, %add3A_212 : vector<6400x1xf32>
    %mul3A_216 = vector.broadcast %div3A_215 : vector<6400x1xf32> to vector<6400x16xf32>
    %mul3A_217 = arith.mulf %add3A_193, %mul3A_216 : vector<6400x16xf32>
    %get3A_218 = arith.constant 0 : index
    %get3A_219 = arith.constant 0 : index
    %get3A_220 = vector.load %arg24[%get3A_218, %get3A_219] : memref<128x128xf32, #tpu.memory_space<vmem>>, vector<128x128xf32>
    %dot_general3A_221 = arith.constant dense<0.000000e+00> : vector<400x128xf32>
    %dot_general3A_222 = tpu.matmul %get3A_1, %get3A_220, %dot_general3A_221 {dimension_numbers = #tpu.dot_dimension_numbers<[1], [0], [0], [1], [0, 0, 1, 1], [], []>, transpose_lhs_hint = false} : vector<400x128xf32>, vector<128x128xf32>, vector<400x128xf32> -> vector<400x128xf32>
    %get3A_223 = arith.constant 0 : index
    %get3A_224 = arith.constant 0 : index
    %get3A_225 = vector.load %arg25[%get3A_223, %get3A_224] : memref<1x128xf32, #tpu.memory_space<vmem>>, vector<1x128xf32>
    %add3A_226 = vector.broadcast %get3A_225 : vector<1x128xf32> to vector<400x128xf32>
    %add3A_227 = arith.addf %dot_general3A_222, %add3A_226 : vector<400x128xf32>
    %get3A_228 = arith.constant 0 : index
    %get3A_229 = arith.constant 0 : index
    %get3A_230 = vector.load %arg26[%get3A_228, %get3A_229] : memref<1x128xf32, #tpu.memory_space<vmem>>, vector<1x128xf32>
    %get3A_231 = arith.constant 0 : index
    %get3A_232 = arith.constant 0 : index
    %get3A_233 = vector.load %arg27[%get3A_231, %get3A_232] : memref<1x128xf32, #tpu.memory_space<vmem>>, vector<1x128xf32>
    %reduce_sum3A_234 = arith.constant dense<0.000000e+00> : vector<400xf32>
    %reduce_sum3A_235 = vector.multi_reduction <add>, %add3A_227, %reduce_sum3A_234 [1] : vector<400x128xf32> to vector<400xf32>
    %broadcast_in_dim3A_236 = vector.shape_cast %reduce_sum3A_235 : vector<400xf32> to vector<400x1xf32>
    %div3A_237 = arith.constant 1.280000e+02 : f32
    %div3A_238 = vector.broadcast %div3A_237 : f32 to vector<400x1xf32>
    %div3A_239 = arith.divf %broadcast_in_dim3A_236, %div3A_238 : vector<400x1xf32>
    %sub3A_240 = vector.broadcast %div3A_239 : vector<400x1xf32> to vector<400x128xf32>
    %sub3A_241 = arith.subf %add3A_227, %sub3A_240 : vector<400x128xf32>
    %integer_pow3A_242 = arith.mulf %sub3A_241, %sub3A_241 : vector<400x128xf32>
    %reduce_sum3A_243 = arith.constant dense<0.000000e+00> : vector<400xf32>
    %reduce_sum3A_244 = vector.multi_reduction <add>, %integer_pow3A_242, %reduce_sum3A_243 [1] : vector<400x128xf32> to vector<400xf32>
    %broadcast_in_dim3A_245 = vector.shape_cast %reduce_sum3A_244 : vector<400xf32> to vector<400x1xf32>
    %div3A_246 = arith.constant 1.280000e+02 : f32
    %div3A_247 = vector.broadcast %div3A_246 : f32 to vector<400x1xf32>
    %div3A_248 = arith.divf %broadcast_in_dim3A_245, %div3A_247 : vector<400x1xf32>
    %sub3A_249 = vector.broadcast %div3A_239 : vector<400x1xf32> to vector<400x128xf32>
    %sub3A_250 = arith.subf %add3A_227, %sub3A_249 : vector<400x128xf32>
    %add3A_251 = arith.constant 9.99999974E-6 : f32
    %add3A_252 = vector.broadcast %add3A_251 : f32 to vector<400x1xf32>
    %add3A_253 = arith.addf %div3A_248, %add3A_252 : vector<400x1xf32>
    %sqrt3A_254 = math.sqrt %add3A_253 : vector<400x1xf32>
    %div3A_255 = vector.broadcast %sqrt3A_254 : vector<400x1xf32> to vector<400x128xf32>
    %div3A_256 = arith.divf %sub3A_250, %div3A_255 : vector<400x128xf32>
    %mul3A_257 = vector.broadcast %get3A_230 : vector<1x128xf32> to vector<400x128xf32>
    %mul3A_258 = arith.mulf %div3A_256, %mul3A_257 : vector<400x128xf32>
    %add3A_259 = vector.broadcast %get3A_233 : vector<1x128xf32> to vector<400x128xf32>
    %add3A_260 = arith.addf %mul3A_258, %add3A_259 : vector<400x128xf32>
    %max3A_261 = arith.constant 0.000000e+00 : f32
    %max3A_262 = vector.broadcast %max3A_261 : f32 to vector<400x128xf32>
    %max3A_263 = arith.maximumf %add3A_260, %max3A_262 : vector<400x128xf32>
    %get3A_264 = arith.constant 0 : index
    %get3A_265 = arith.constant 0 : index
    %get3A_266 = vector.load %arg28[%get3A_264, %get3A_265] : memref<128x128xf32, #tpu.memory_space<vmem>>, vector<128x128xf32>
    %dot_general3A_267 = arith.constant dense<0.000000e+00> : vector<400x128xf32>
    %dot_general3A_268 = tpu.matmul %max3A_263, %get3A_266, %dot_general3A_267 {dimension_numbers = #tpu.dot_dimension_numbers<[1], [0], [0], [1], [0, 0, 1, 1], [], []>, transpose_lhs_hint = false} : vector<400x128xf32>, vector<128x128xf32>, vector<400x128xf32> -> vector<400x128xf32>
    %get3A_269 = arith.constant 0 : index
    %get3A_270 = arith.constant 0 : index
    %get3A_271 = vector.load %arg29[%get3A_269, %get3A_270] : memref<1x128xf32, #tpu.memory_space<vmem>>, vector<1x128xf32>
    %add3A_272 = vector.broadcast %get3A_271 : vector<1x128xf32> to vector<400x128xf32>
    %add3A_273 = arith.addf %dot_general3A_268, %add3A_272 : vector<400x128xf32>
    %broadcast_in_dim3A_274 = vector.shape_cast %add3A_273 : vector<400x128xf32> to vector<400x1x128xf32>
    %broadcast_in_dim3A_275 = vector.shape_cast %broadcast_in_dim3A_274 : vector<400x1x128xf32> to vector<400x1x128xf32>
    %broadcast_in_dim3A_276 = vector.broadcast %broadcast_in_dim3A_275 : vector<400x1x128xf32> to vector<400x16x128xf32>
    %reshape3A_277 = vector.shape_cast %broadcast_in_dim3A_276 : vector<400x16x128xf32> to vector<6400x128xf32>
    %mul3A_278 = arith.constant 0.353553385 : f32
    %mul3A_279 = vector.broadcast %mul3A_278 : f32 to vector<6400x128xf32>
    %mul3A_280 = arith.mulf %add3A_183, %mul3A_279 : vector<6400x128xf32>
    %mul3A_281 = arith.mulf %reshape3A_277, %mul3A_280 : vector<6400x128xf32>
    %get3A_282 = arith.constant 0 : index
    %get3A_283 = arith.constant 0 : index
    %get3A_284 = vector.load %arg10[%get3A_282, %get3A_283] : memref<128x16xf32, #tpu.memory_space<vmem>>, vector<128x16xf32>
    %dot_general3A_285 = arith.constant dense<0.000000e+00> : vector<6400x16xf32>
    %dot_general3A_286 = tpu.matmul %mul3A_281, %get3A_284, %dot_general3A_285 {dimension_numbers = #tpu.dot_dimension_numbers<[1], [0], [0], [1], [0, 0, 1, 1], [], []>, transpose_lhs_hint = false} : vector<6400x128xf32>, vector<128x16xf32>, vector<6400x16xf32> -> vector<6400x16xf32>
    %reshape3A_287 = vector.shape_cast %dot_general3A_286 : vector<6400x16xf32> to vector<400x16x16xf32>
    %reduce_max3A = arith.constant dense<0xFF800000> : vector<400x16xf32>
    %reduce_max3A_288 = vector.multi_reduction <maximumf>, %reshape3A_287, %reduce_max3A [1] : vector<400x16x16xf32> to vector<400x16xf32>
    %broadcast_in_dim3A_289 = vector.shape_cast %reduce_max3A_288 : vector<400x16xf32> to vector<400x1x16xf32>
    %sub3A_290 = vector.broadcast %broadcast_in_dim3A_289 : vector<400x1x16xf32> to vector<400x16x16xf32>
    %sub3A_291 = arith.subf %reshape3A_287, %sub3A_290 : vector<400x16x16xf32>
    %exp3A_292 = math.exp %sub3A_291 : vector<400x16x16xf32>
    %reduce_sum3A_293 = arith.constant dense<0.000000e+00> : vector<400x16xf32>
    %reduce_sum3A_294 = vector.multi_reduction <add>, %exp3A_292, %reduce_sum3A_293 [1] : vector<400x16x16xf32> to vector<400x16xf32>
    %broadcast_in_dim3A_295 = vector.shape_cast %reduce_sum3A_294 : vector<400x16xf32> to vector<400x1x16xf32>
    %add3A_296 = arith.constant 1.000000e-16 : f32
    %add3A_297 = vector.broadcast %add3A_296 : f32 to vector<400x1x16xf32>
    %add3A_298 = arith.addf %broadcast_in_dim3A_295, %add3A_297 : vector<400x1x16xf32>
    %div3A_299 = vector.broadcast %add3A_298 : vector<400x1x16xf32> to vector<400x16x16xf32>
    %div3A_300 = arith.divf %exp3A_292, %div3A_299 : vector<400x16x16xf32>
    %reshape3A_301 = vector.shape_cast %div3A_300 : vector<400x16x16xf32> to vector<6400x16xf32>
    %mul3A_302 = arith.mulf %reshape3A_301, %mul3A_217 : vector<6400x16xf32>
    %reduce_sum3A_303 = arith.constant dense<0.000000e+00> : vector<6400xf32>
    %reduce_sum3A_304 = vector.multi_reduction <add>, %mul3A_302, %reduce_sum3A_303 [1] : vector<6400x16xf32> to vector<6400xf32>
    %broadcast_in_dim3A_305 = vector.shape_cast %reduce_sum3A_304 : vector<6400xf32> to vector<6400x1xf32>
    %mul3A_306 = arith.constant 6.250000e-02 : f32
    %mul3A_307 = vector.broadcast %mul3A_306 : f32 to vector<6400x1xf32>
    %mul3A_308 = arith.mulf %broadcast_in_dim3A_305, %mul3A_307 : vector<6400x1xf32>
    %mul3A_309 = vector.broadcast %mul3A_308 : vector<6400x1xf32> to vector<6400x3xf32>
    %mul3A_310 = arith.mulf %mul3A_309, %sub3A : vector<6400x3xf32>
    %reshape3A_311 = vector.shape_cast %mul3A_310 : vector<6400x3xf32> to vector<400x16x3xf32>
    %reduce_sum3A_312 = arith.constant dense<0.000000e+00> : vector<400x3xf32>
    %reduce_sum3A_313 = vector.multi_reduction <add>, %reshape3A_311, %reduce_sum3A_312 [1] : vector<400x16x3xf32> to vector<400x3xf32>
    %mul3A_314 = vector.broadcast %get3A_7 : vector<400x1xf32> to vector<400x3xf32>
    %mul3A_315 = arith.mulf %reduce_sum3A_313, %mul3A_314 : vector<400x3xf32>
    %add3A_316 = arith.addf %get3A_4, %mul3A_315 : vector<400x3xf32>
    %swap3A = arith.constant 0 : index
    %swap3A_317 = arith.constant 0 : index
    %swap3A_318 = vector.load %arg30[%swap3A, %swap3A_317] : memref<400x3xf32, #tpu.memory_space<vmem>>, vector<400x3xf32>
    tpu.vector_store %arg30[%swap3A, %swap3A_317], %add3A_316 {strides = array<i32>} : memref<400x3xf32, #tpu.memory_space<vmem>>, vector<400x3xf32>,
    return
  }
  func.func @transform_0(%arg0: i32) -> (i32, i32) {
    %c0_i32 = arith.constant 0 : i32
    %c0_i32_0 = arith.constant 0 : i32
    return %arg0, %c0_i32 : i32, i32
  }
  func.func @transform_1(%arg0: i32) -> (i32, i32) {
    %c0_i32 = arith.constant 0 : i32
    %c0_i32_0 = arith.constant 0 : i32
    return %arg0, %c0_i32 : i32, i32
  }
  func.func @transform_2(%arg0: i32) -> (i32, i32) {
    %c0_i32 = arith.constant 0 : i32
    %c0_i32_0 = arith.constant 0 : i32
    return %arg0, %c0_i32 : i32, i32
  }
  func.func @transform_3(%arg0: i32) -> (i32, i32) {
    %c0_i32 = arith.constant 0 : i32
    %c0_i32_0 = arith.constant 0 : i32
    return %arg0, %c0_i32 : i32, i32
  }
  func.func @transform_4(%arg0: i32) -> (i32, i32) {
    %c0_i32 = arith.constant 0 : i32
    %c0_i32_0 = arith.constant 0 : i32
    return %arg0, %c0_i32 : i32, i32
  }
  func.func @transform_5(%arg0: i32) -> (i32, i32) {
    %c0_i32 = arith.constant 0 : i32
    %c0_i32_0 = arith.constant 0 : i32
    %c0_i32_1 = arith.constant 0 : i32
    return %c0_i32, %c0_i32_0 : i32, i32
  }
  func.func @transform_6(%arg0: i32) -> (i32, i32) {
    %c0_i32 = arith.constant 0 : i32
    %c0_i32_0 = arith.constant 0 : i32
    %c0_i32_1 = arith.constant 0 : i32
    return %c0_i32, %c0_i32_0 : i32, i32
  }
  func.func @transform_7(%arg0: i32) -> (i32, i32) {
    %c0_i32 = arith.constant 0 : i32
    %c0_i32_0 = arith.constant 0 : i32
    %c0_i32_1 = arith.constant 0 : i32
    return %c0_i32, %c0_i32_0 : i32, i32
  }
  func.func @transform_8(%arg0: i32) -> (i32, i32) {
    %c0_i32 = arith.constant 0 : i32
    %c0_i32_0 = arith.constant 0 : i32
    %c0_i32_1 = arith.constant 0 : i32
    return %c0_i32, %c0_i32_0 : i32, i32
  }
  func.func @transform_9(%arg0: i32) -> (i32, i32) {
    %c0_i32 = arith.constant 0 : i32
    %c0_i32_0 = arith.constant 0 : i32
    %c0_i32_1 = arith.constant 0 : i32
    return %c0_i32, %c0_i32_0 : i32, i32
  }
  func.func @transform_10(%arg0: i32) -> (i32, i32) {
    %c0_i32 = arith.constant 0 : i32
    %c0_i32_0 = arith.constant 0 : i32
    %c0_i32_1 = arith.constant 0 : i32
    return %c0_i32, %c0_i32_0 : i32, i32
  }
  func.func @transform_11(%arg0: i32) -> (i32, i32) {
    %c0_i32 = arith.constant 0 : i32
    %c0_i32_0 = arith.constant 0 : i32
    %c0_i32_1 = arith.constant 0 : i32
    return %c0_i32, %c0_i32_0 : i32, i32
  }
  func.func @transform_12(%arg0: i32) -> (i32, i32) {
    %c0_i32 = arith.constant 0 : i32
    %c0_i32_0 = arith.constant 0 : i32
    %c0_i32_1 = arith.constant 0 : i32
    return %c0_i32, %c0_i32_0 : i32, i32
  }
  func.func @transform_13(%arg0: i32) -> (i32, i32) {
    %c0_i32 = arith.constant 0 : i32
    %c0_i32_0 = arith.constant 0 : i32
    %c0_i32_1 = arith.constant 0 : i32
    return %c0_i32, %c0_i32_0 : i32, i32
  }
  func.func @transform_14(%arg0: i32) -> (i32, i32) {
    %c0_i32 = arith.constant 0 : i32
    %c0_i32_0 = arith.constant 0 : i32
    %c0_i32_1 = arith.constant 0 : i32
    return %c0_i32, %c0_i32_0 : i32, i32
  }
  func.func @transform_15(%arg0: i32) -> (i32, i32) {
    %c0_i32 = arith.constant 0 : i32
    %c0_i32_0 = arith.constant 0 : i32
    %c0_i32_1 = arith.constant 0 : i32
    return %c0_i32, %c0_i32_0 : i32, i32
  }
  func.func @transform_16(%arg0: i32) -> (i32, i32) {
    %c0_i32 = arith.constant 0 : i32
    %c0_i32_0 = arith.constant 0 : i32
    %c0_i32_1 = arith.constant 0 : i32
    return %c0_i32, %c0_i32_0 : i32, i32
  }
  func.func @transform_17(%arg0: i32) -> (i32, i32) {
    %c0_i32 = arith.constant 0 : i32
    %c0_i32_0 = arith.constant 0 : i32
    %c0_i32_1 = arith.constant 0 : i32
    return %c0_i32, %c0_i32_0 : i32, i32
  }
  func.func @transform_18(%arg0: i32) -> (i32, i32) {
    %c0_i32 = arith.constant 0 : i32
    %c0_i32_0 = arith.constant 0 : i32
    %c0_i32_1 = arith.constant 0 : i32
    return %c0_i32, %c0_i32_0 : i32, i32
  }
  func.func @transform_19(%arg0: i32) -> (i32, i32) {
    %c0_i32 = arith.constant 0 : i32
    %c0_i32_0 = arith.constant 0 : i32
    %c0_i32_1 = arith.constant 0 : i32
    return %c0_i32, %c0_i32_0 : i32, i32
  }
  func.func @transform_20(%arg0: i32) -> (i32, i32) {
    %c0_i32 = arith.constant 0 : i32
    %c0_i32_0 = arith.constant 0 : i32
    %c0_i32_1 = arith.constant 0 : i32
    return %c0_i32, %c0_i32_0 : i32, i32
  }
  func.func @transform_21(%arg0: i32) -> (i32, i32) {
    %c0_i32 = arith.constant 0 : i32
    %c0_i32_0 = arith.constant 0 : i32
    %c0_i32_1 = arith.constant 0 : i32
    return %c0_i32, %c0_i32_0 : i32, i32
  }
  func.func @transform_22(%arg0: i32) -> (i32, i32) {
    %c0_i32 = arith.constant 0 : i32
    %c0_i32_0 = arith.constant 0 : i32
    %c0_i32_1 = arith.constant 0 : i32
    return %c0_i32, %c0_i32_0 : i32, i32
  }
  func.func @transform_23(%arg0: i32) -> (i32, i32) {
    %c0_i32 = arith.constant 0 : i32
    %c0_i32_0 = arith.constant 0 : i32
    %c0_i32_1 = arith.constant 0 : i32
    return %c0_i32, %c0_i32_0 : i32, i32
  }
  func.func @transform_24(%arg0: i32) -> (i32, i32) {
    %c0_i32 = arith.constant 0 : i32
    %c0_i32_0 = arith.constant 0 : i32
    %c0_i32_1 = arith.constant 0 : i32
    return %c0_i32, %c0_i32_0 : i32, i32
  }
  func.func @transform_25(%arg0: i32) -> (i32, i32) {
    %c0_i32 = arith.constant 0 : i32
    %c0_i32_0 = arith.constant 0 : i32
    %c0_i32_1 = arith.constant 0 : i32
    return %c0_i32, %c0_i32_0 : i32, i32
  }
  func.func @transform_26(%arg0: i32) -> (i32, i32) {
    %c0_i32 = arith.constant 0 : i32
    %c0_i32_0 = arith.constant 0 : i32
    %c0_i32_1 = arith.constant 0 : i32
    return %c0_i32, %c0_i32_0 : i32, i32
  }
  func.func @transform_27(%arg0: i32) -> (i32, i32) {
    %c0_i32 = arith.constant 0 : i32
    %c0_i32_0 = arith.constant 0 : i32
    %c0_i32_1 = arith.constant 0 : i32
    return %c0_i32, %c0_i32_0 : i32, i32
  }
  func.func @transform_28(%arg0: i32) -> (i32, i32) {
    %c0_i32 = arith.constant 0 : i32
    %c0_i32_0 = arith.constant 0 : i32
    %c0_i32_1 = arith.constant 0 : i32
    return %c0_i32, %c0_i32_0 : i32, i32
  }
  func.func @transform_29(%arg0: i32) -> (i32, i32) {
    %c0_i32 = arith.constant 0 : i32
    %c0_i32_0 = arith.constant 0 : i32
    return %arg0, %c0_i32 : i32, i32
  }
}

module attributes {stable_mosaic.version = 14 : i64} {
  func.func @_x2h_body(%arg0: i32, %arg1: memref<400x128xf32, #tpu.memory_space<vmem>>, %arg2: memref<400x3xf32, #tpu.memory_space<vmem>>, %arg3: memref<400x1xf32, #tpu.memory_space<vmem>>, %arg4: memref<6400x256xf32, #tpu.memory_space<vmem>>, %arg5: memref<4x4xf32, #tpu.memory_space<vmem>>, %arg6: memref<4x80xf32, #tpu.memory_space<vmem>>, %arg7: memref<20x80xf32, #tpu.memory_space<vmem>>, %arg8: memref<1x20xf32, #tpu.memory_space<vmem>>, %arg9: memref<128x16xf32, #tpu.memory_space<vmem>>, %arg10: memref<16x128xf32, #tpu.memory_space<vmem>>, %arg11: memref<4x256xf32, #tpu.memory_space<vmem>>, %arg12: memref<80x256xf32, #tpu.memory_space<vmem>>, %arg13: memref<128x256xf32, #tpu.memory_space<vmem>>, %arg14: memref<128x256xf32, #tpu.memory_space<vmem>>, %arg15: memref<1x256xf32, #tpu.memory_space<vmem>>, %arg16: memref<1x256xf32, #tpu.memory_space<vmem>>, %arg17: memref<1x256xf32, #tpu.memory_space<vmem>>, %arg18: memref<128x128xf32, #tpu.memory_space<vmem>>, %arg19: memref<1x128xf32, #tpu.memory_space<vmem>>, %arg20: memref<128x128xf32, #tpu.memory_space<vmem>>, %arg21: memref<1x128xf32, #tpu.memory_space<vmem>>, %arg22: memref<1x80xf32, #tpu.memory_space<vmem>>, %arg23: memref<1x1xf32, #tpu.memory_space<vmem>>, %arg24: memref<128x128xf32, #tpu.memory_space<vmem>>, %arg25: memref<1x128xf32, #tpu.memory_space<vmem>>, %arg26: memref<1x128xf32, #tpu.memory_space<vmem>>, %arg27: memref<1x128xf32, #tpu.memory_space<vmem>>, %arg28: memref<128x128xf32, #tpu.memory_space<vmem>>, %arg29: memref<1x128xf32, #tpu.memory_space<vmem>>, %arg30: memref<128x128xf32, #tpu.memory_space<vmem>>, %arg31: memref<128x128xf32, #tpu.memory_space<vmem>>, %arg32: memref<1x128xf32, #tpu.memory_space<vmem>>, %arg33: memref<1x128xf32, #tpu.memory_space<vmem>>, %arg34: memref<1x128xf32, #tpu.memory_space<vmem>>, %arg35: memref<128x128xf32, #tpu.memory_space<vmem>>, %arg36: memref<1x128xf32, #tpu.memory_space<vmem>>, %arg37: memref<400x128xf32, #tpu.memory_space<vmem>>, %arg38: memref<6400x16xf32, #tpu.memory_space<vmem>>) attributes {dimension_semantics = [#tpu.dimension_semantics<arbitrary>], iteration_bounds = array<i64: 25>, scalar_prefetch = 0 : i64, scratch_operands = 0 : i64, tpu.core_type = #tpu.core_type<tc>, window_params = [{transform_indices = @transform_0, window_bounds = array<i64: 400, 128>}, {transform_indices = @transform_1, window_bounds = array<i64: 400, 3>}, {transform_indices = @transform_2, window_bounds = array<i64: 400, 1>}, {transform_indices = @transform_3, window_bounds = array<i64: 6400, 256>}, {pipeline_mode = #tpu.pipeline_mode<synchronous>, transform_indices = @transform_4, window_bounds = array<i64: 4, 4>}, {pipeline_mode = #tpu.pipeline_mode<synchronous>, transform_indices = @transform_5, window_bounds = array<i64: 4, 80>}, {pipeline_mode = #tpu.pipeline_mode<synchronous>, transform_indices = @transform_6, window_bounds = array<i64: 20, 80>}, {pipeline_mode = #tpu.pipeline_mode<synchronous>, transform_indices = @transform_7, window_bounds = array<i64: 1, 20>}, {pipeline_mode = #tpu.pipeline_mode<synchronous>, transform_indices = @transform_8, window_bounds = array<i64: 128, 16>}, {pipeline_mode = #tpu.pipeline_mode<synchronous>, transform_indices = @transform_9, window_bounds = array<i64: 16, 128>}, {pipeline_mode = #tpu.pipeline_mode<synchronous>, transform_indices = @transform_10, window_bounds = array<i64: 4, 256>}, {pipeline_mode = #tpu.pipeline_mode<synchronous>, transform_indices = @transform_11, window_bounds = array<i64: 80, 256>}, {pipeline_mode = #tpu.pipeline_mode<synchronous>, transform_indices = @transform_12, window_bounds = array<i64: 128, 256>}, {pipeline_mode = #tpu.pipeline_mode<synchronous>, transform_indices = @transform_13, window_bounds = array<i64: 128, 256>}, {pipeline_mode = #tpu.pipeline_mode<synchronous>, transform_indices = @transform_14, window_bounds = array<i64: 1, 256>}, {pipeline_mode = #tpu.pipeline_mode<synchronous>, transform_indices = @transform_15, window_bounds = array<i64: 1, 256>}, {pipeline_mode = #tpu.pipeline_mode<synchronous>, transform_indices = @transform_16, window_bounds = array<i64: 1, 256>}, {pipeline_mode = #tpu.pipeline_mode<synchronous>, transform_indices = @transform_17, window_bounds = array<i64: 128, 128>}, {pipeline_mode = #tpu.pipeline_mode<synchronous>, transform_indices = @transform_18, window_bounds = array<i64: 1, 128>}, {pipeline_mode = #tpu.pipeline_mode<synchronous>, transform_indices = @transform_19, window_bounds = array<i64: 128, 128>}, {pipeline_mode = #tpu.pipeline_mode<synchronous>, transform_indices = @transform_20, window_bounds = array<i64: 1, 128>}, {pipeline_mode = #tpu.pipeline_mode<synchronous>, transform_indices = @transform_21, window_bounds = array<i64: 1, 80>}, {pipeline_mode = #tpu.pipeline_mode<synchronous>, transform_indices = @transform_22, window_bounds = array<i64: 1, 1>}, {pipeline_mode = #tpu.pipeline_mode<synchronous>, transform_indices = @transform_23, window_bounds = array<i64: 128, 128>}, {pipeline_mode = #tpu.pipeline_mode<synchronous>, transform_indices = @transform_24, window_bounds = array<i64: 1, 128>}, {pipeline_mode = #tpu.pipeline_mode<synchronous>, transform_indices = @transform_25, window_bounds = array<i64: 1, 128>}, {pipeline_mode = #tpu.pipeline_mode<synchronous>, transform_indices = @transform_26, window_bounds = array<i64: 1, 128>}, {pipeline_mode = #tpu.pipeline_mode<synchronous>, transform_indices = @transform_27, window_bounds = array<i64: 128, 128>}, {pipeline_mode = #tpu.pipeline_mode<synchronous>, transform_indices = @transform_28, window_bounds = array<i64: 1, 128>}, {pipeline_mode = #tpu.pipeline_mode<synchronous>, transform_indices = @transform_29, window_bounds = array<i64: 128, 128>}, {pipeline_mode = #tpu.pipeline_mode<synchronous>, transform_indices = @transform_30, window_bounds = array<i64: 128, 128>}, {pipeline_mode = #tpu.pipeline_mode<synchronous>, transform_indices = @transform_31, window_bounds = array<i64: 1, 128>}, {pipeline_mode = #tpu.pipeline_mode<synchronous>, transform_indices = @transform_32, window_bounds = array<i64: 1, 128>}, {pipeline_mode = #tpu.pipeline_mode<synchronous>, transform_indices = @transform_33, window_bounds = array<i64: 1, 128>}, {pipeline_mode = #tpu.pipeline_mode<synchronous>, transform_indices = @transform_34, window_bounds = array<i64: 128, 128>}, {pipeline_mode = #tpu.pipeline_mode<synchronous>, transform_indices = @transform_35, window_bounds = array<i64: 1, 128>}, {transform_indices = @transform_36, window_bounds = array<i64: 400, 128>}, {transform_indices = @transform_37, window_bounds = array<i64: 6400, 16>}]} {
    %get3A = arith.constant 0 : index
    %get3A_0 = arith.constant 0 : index
    %get3A_1 = vector.load %arg1[%get3A, %get3A_0] : memref<400x128xf32, #tpu.memory_space<vmem>>, vector<400x128xf32>
    %get3A_2 = arith.constant 0 : index
    %get3A_3 = arith.constant 0 : index
    %get3A_4 = vector.load %arg4[%get3A_2, %get3A_3] : memref<6400x256xf32, #tpu.memory_space<vmem>>, vector<6400x256xf32>
    %slice3A = vector.extract_strided_slice %get3A_4 {offsets = [0, 0], sizes = [6400, 128], strides = [1, 1]} : vector<6400x256xf32> to vector<6400x128xf32>
    %slice3A_5 = vector.extract_strided_slice %get3A_4 {offsets = [0, 128], sizes = [6400, 3], strides = [1, 1]} : vector<6400x256xf32> to vector<6400x3xf32>
    %slice3A_6 = vector.extract_strided_slice %get3A_4 {offsets = [0, 131], sizes = [6400, 1], strides = [1, 1]} : vector<6400x256xf32> to vector<6400x1xf32>
    %slice3A_7 = vector.extract_strided_slice %get3A_4 {offsets = [0, 128], sizes = [6400, 16], strides = [1, 1]} : vector<6400x256xf32> to vector<6400x16xf32>
    %swap3A = arith.constant 0 : index
    %swap3A_8 = arith.constant 0 : index
    %swap3A_9 = vector.load %arg38[%swap3A, %swap3A_8] : memref<6400x16xf32, #tpu.memory_space<vmem>>, vector<6400x16xf32>
    tpu.vector_store %arg38[%swap3A, %swap3A_8], %slice3A_7 {strides = array<i32>} : memref<6400x16xf32, #tpu.memory_space<vmem>>, vector<6400x16xf32>,
    %get3A_10 = arith.constant 0 : index
    %get3A_11 = arith.constant 0 : index
    %get3A_12 = vector.load %arg2[%get3A_10, %get3A_11] : memref<400x3xf32, #tpu.memory_space<vmem>>, vector<400x3xf32>
    %broadcast_in_dim3A = vector.shape_cast %get3A_12 : vector<400x3xf32> to vector<400x1x3xf32>
    %broadcast_in_dim3A_13 = vector.shape_cast %broadcast_in_dim3A : vector<400x1x3xf32> to vector<400x1x3xf32>
    %broadcast_in_dim3A_14 = vector.broadcast %broadcast_in_dim3A_13 : vector<400x1x3xf32> to vector<400x16x3xf32>
    %reshape3A = vector.shape_cast %broadcast_in_dim3A_14 : vector<400x16x3xf32> to vector<6400x3xf32>
    %get3A_15 = arith.constant 0 : index
    %get3A_16 = arith.constant 0 : index
    %get3A_17 = vector.load %arg3[%get3A_15, %get3A_16] : memref<400x1xf32, #tpu.memory_space<vmem>>, vector<400x1xf32>
    %broadcast_in_dim3A_18 = vector.shape_cast %get3A_17 : vector<400x1xf32> to vector<400x1x1xf32>
    %broadcast_in_dim3A_19 = vector.shape_cast %broadcast_in_dim3A_18 : vector<400x1x1xf32> to vector<400x1x1xf32>
    %broadcast_in_dim3A_20 = vector.broadcast %broadcast_in_dim3A_19 : vector<400x1x1xf32> to vector<400x16x1xf32>
    %reshape3A_21 = vector.shape_cast %broadcast_in_dim3A_20 : vector<400x16x1xf32> to vector<6400x1xf32>
    %sub3A = arith.subf %reshape3A, %slice3A_5 : vector<6400x3xf32>
    %mul3A = arith.mulf %sub3A, %sub3A : vector<6400x3xf32>
    %reduce_sum3A = arith.constant dense<0.000000e+00> : vector<6400xf32>
    %reduce_sum3A_22 = vector.multi_reduction <add>, %mul3A, %reduce_sum3A [1] : vector<6400x3xf32> to vector<6400xf32>
    %broadcast_in_dim3A_23 = vector.shape_cast %reduce_sum3A_22 : vector<6400xf32> to vector<6400x1xf32>
    %sqrt3A = math.sqrt %broadcast_in_dim3A_23 : vector<6400x1xf32>
    %get3A_24 = arith.constant 0 : index
    %get3A_25 = arith.constant 0 : index
    %get3A_26 = vector.load %arg8[%get3A_24, %get3A_25] : memref<1x20xf32, #tpu.memory_space<vmem>>, vector<1x20xf32>
    %sub3A_27 = vector.broadcast %sqrt3A : vector<6400x1xf32> to vector<6400x20xf32>
    %sub3A_28 = vector.broadcast %get3A_26 : vector<1x20xf32> to vector<6400x20xf32>
    %sub3A_29 = arith.subf %sub3A_27, %sub3A_28 : vector<6400x20xf32>
    %integer_pow3A = arith.mulf %sub3A_29, %sub3A_29 : vector<6400x20xf32>
    %mul3A_30 = arith.constant -1.805000e+00 : f32
    %mul3A_31 = vector.broadcast %mul3A_30 : f32 to vector<6400x20xf32>
    %mul3A_32 = arith.mulf %mul3A_31, %integer_pow3A : vector<6400x20xf32>
    %exp3A = math.exp %mul3A_32 : vector<6400x20xf32>
    %eq3A = arith.constant 1.000000e+00 : f32
    %eq3A_33 = vector.broadcast %eq3A : f32 to vector<6400x1xf32>
    %eq3A_34 = arith.cmpf oeq, %slice3A_6, %eq3A_33 : vector<6400x1xf32>
    %convert_element_type3A = arith.extui %eq3A_34 : vector<6400x1xi1> to vector<6400x1xi32>
    %convert_element_type3A_35 = arith.sitofp %convert_element_type3A : vector<6400x1xi32> to vector<6400x1xf32>
    %eq3A_36 = arith.constant 1.000000e+00 : f32
    %eq3A_37 = vector.broadcast %eq3A_36 : f32 to vector<6400x1xf32>
    %eq3A_38 = arith.cmpf oeq, %reshape3A_21, %eq3A_37 : vector<6400x1xf32>
    %convert_element_type3A_39 = arith.extui %eq3A_38 : vector<6400x1xi1> to vector<6400x1xi32>
    %convert_element_type3A_40 = arith.sitofp %convert_element_type3A_39 : vector<6400x1xi32> to vector<6400x1xf32>
    %get3A_41 = arith.constant 0 : index
    %get3A_42 = arith.constant 0 : index
    %get3A_43 = vector.load %arg5[%get3A_41, %get3A_42] : memref<4x4xf32, #tpu.memory_space<vmem>>, vector<4x4xf32>
    %slice3A_44 = vector.extract_strided_slice %get3A_43 {offsets = [0, 0], sizes = [1, 4], strides = [1, 1]} : vector<4x4xf32> to vector<1x4xf32>
    %mul3A_45 = vector.broadcast %convert_element_type3A_35 : vector<6400x1xf32> to vector<6400x4xf32>
    %mul3A_46 = vector.broadcast %slice3A_44 : vector<1x4xf32> to vector<6400x4xf32>
    %mul3A_47 = arith.mulf %mul3A_45, %mul3A_46 : vector<6400x4xf32>
    %slice3A_48 = vector.extract_strided_slice %get3A_43 {offsets = [1, 0], sizes = [1, 4], strides = [1, 1]} : vector<4x4xf32> to vector<1x4xf32>
    %mul3A_49 = vector.broadcast %convert_element_type3A_40 : vector<6400x1xf32> to vector<6400x4xf32>
    %mul3A_50 = vector.broadcast %slice3A_48 : vector<1x4xf32> to vector<6400x4xf32>
    %mul3A_51 = arith.mulf %mul3A_49, %mul3A_50 : vector<6400x4xf32>
    %add3A = arith.addf %mul3A_47, %mul3A_51 : vector<6400x4xf32>
    %mul3A_52 = arith.mulf %convert_element_type3A_35, %convert_element_type3A_40 : vector<6400x1xf32>
    %slice3A_53 = vector.extract_strided_slice %get3A_43 {offsets = [2, 0], sizes = [1, 4], strides = [1, 1]} : vector<4x4xf32> to vector<1x4xf32>
    %mul3A_54 = vector.broadcast %mul3A_52 : vector<6400x1xf32> to vector<6400x4xf32>
    %mul3A_55 = vector.broadcast %slice3A_53 : vector<1x4xf32> to vector<6400x4xf32>
    %mul3A_56 = arith.mulf %mul3A_54, %mul3A_55 : vector<6400x4xf32>
    %add3A_57 = arith.addf %add3A, %mul3A_56 : vector<6400x4xf32>
    %slice3A_58 = vector.extract_strided_slice %get3A_43 {offsets = [3, 0], sizes = [1, 4], strides = [1, 1]} : vector<4x4xf32> to vector<1x4xf32>
    %add3A_59 = vector.broadcast %slice3A_58 : vector<1x4xf32> to vector<6400x4xf32>
    %add3A_60 = arith.addf %add3A_57, %add3A_59 : vector<6400x4xf32>
    %get3A_61 = arith.constant 0 : index
    %get3A_62 = arith.constant 0 : index
    %get3A_63 = vector.load %arg6[%get3A_61, %get3A_62] : memref<4x80xf32, #tpu.memory_space<vmem>>, vector<4x80xf32>
    %dot_general3A = arith.constant dense<0.000000e+00> : vector<6400x80xf32>
    %dot_general3A_64 = tpu.matmul %add3A_60, %get3A_63, %dot_general3A {dimension_numbers = #tpu.dot_dimension_numbers<[1], [0], [0], [1], [0, 0, 1, 1], [], []>, transpose_lhs_hint = false} : vector<6400x4xf32>, vector<4x80xf32>, vector<6400x80xf32> -> vector<6400x80xf32>
    %get3A_65 = arith.constant 0 : index
    %get3A_66 = arith.constant 0 : index
    %get3A_67 = vector.load %arg7[%get3A_65, %get3A_66] : memref<20x80xf32, #tpu.memory_space<vmem>>, vector<20x80xf32>
    %dot_general3A_68 = arith.constant dense<0.000000e+00> : vector<6400x80xf32>
    %dot_general3A_69 = tpu.matmul %exp3A, %get3A_67, %dot_general3A_68 {dimension_numbers = #tpu.dot_dimension_numbers<[1], [0], [0], [1], [0, 0, 1, 1], [], []>, transpose_lhs_hint = false} : vector<6400x20xf32>, vector<20x80xf32>, vector<6400x80xf32> -> vector<6400x80xf32>
    %mul3A_70 = arith.mulf %dot_general3A_64, %dot_general3A_69 : vector<6400x80xf32>
    %get3A_71 = arith.constant 0 : index
    %get3A_72 = arith.constant 0 : index
    %get3A_73 = vector.load %arg13[%get3A_71, %get3A_72] : memref<128x256xf32, #tpu.memory_space<vmem>>, vector<128x256xf32>
    %dot_general3A_74 = arith.constant dense<0.000000e+00> : vector<400x256xf32>
    %dot_general3A_75 = tpu.matmul %get3A_1, %get3A_73, %dot_general3A_74 {dimension_numbers = #tpu.dot_dimension_numbers<[1], [0], [0], [1], [0, 0, 1, 1], [], []>, transpose_lhs_hint = false} : vector<400x128xf32>, vector<128x256xf32>, vector<400x256xf32> -> vector<400x256xf32>
    %get3A_76 = arith.constant 0 : index
    %get3A_77 = arith.constant 0 : index
    %get3A_78 = vector.load %arg11[%get3A_76, %get3A_77] : memref<4x256xf32, #tpu.memory_space<vmem>>, vector<4x256xf32>
    %dot_general3A_79 = arith.constant dense<0.000000e+00> : vector<6400x256xf32>
    %dot_general3A_80 = tpu.matmul %add3A_60, %get3A_78, %dot_general3A_79 {dimension_numbers = #tpu.dot_dimension_numbers<[1], [0], [0], [1], [0, 0, 1, 1], [], []>, transpose_lhs_hint = false} : vector<6400x4xf32>, vector<4x256xf32>, vector<6400x256xf32> -> vector<6400x256xf32>
    %get3A_81 = arith.constant 0 : index
    %get3A_82 = arith.constant 0 : index
    %get3A_83 = vector.load %arg12[%get3A_81, %get3A_82] : memref<80x256xf32, #tpu.memory_space<vmem>>, vector<80x256xf32>
    %dot_general3A_84 = arith.constant dense<0.000000e+00> : vector<6400x256xf32>
    %dot_general3A_85 = tpu.matmul %mul3A_70, %get3A_83, %dot_general3A_84 {dimension_numbers = #tpu.dot_dimension_numbers<[1], [0], [0], [1], [0, 0, 1, 1], [], []>, transpose_lhs_hint = false} : vector<6400x80xf32>, vector<80x256xf32>, vector<6400x256xf32> -> vector<6400x256xf32>
    %add3A_86 = arith.addf %dot_general3A_80, %dot_general3A_85 : vector<6400x256xf32>
    %get3A_87 = arith.constant 0 : index
    %get3A_88 = arith.constant 0 : index
    %get3A_89 = vector.load %arg14[%get3A_87, %get3A_88] : memref<128x256xf32, #tpu.memory_space<vmem>>, vector<128x256xf32>
    %dot_general3A_90 = arith.constant dense<0.000000e+00> : vector<6400x256xf32>
    %dot_general3A_91 = tpu.matmul %slice3A, %get3A_89, %dot_general3A_90 {dimension_numbers = #tpu.dot_dimension_numbers<[1], [0], [0], [1], [0, 0, 1, 1], [], []>, transpose_lhs_hint = false} : vector<6400x128xf32>, vector<128x256xf32>, vector<6400x256xf32> -> vector<6400x256xf32>
    %add3A_92 = arith.addf %add3A_86, %dot_general3A_91 : vector<6400x256xf32>
    %broadcast_in_dim3A_93 = vector.shape_cast %dot_general3A_75 : vector<400x256xf32> to vector<400x1x256xf32>
    %broadcast_in_dim3A_94 = vector.shape_cast %broadcast_in_dim3A_93 : vector<400x1x256xf32> to vector<400x1x256xf32>
    %broadcast_in_dim3A_95 = vector.broadcast %broadcast_in_dim3A_94 : vector<400x1x256xf32> to vector<400x16x256xf32>
    %reshape3A_96 = vector.shape_cast %broadcast_in_dim3A_95 : vector<400x16x256xf32> to vector<6400x256xf32>
    %add3A_97 = arith.addf %add3A_92, %reshape3A_96 : vector<6400x256xf32>
    %get3A_98 = arith.constant 0 : index
    %get3A_99 = arith.constant 0 : index
    %get3A_100 = vector.load %arg15[%get3A_98, %get3A_99] : memref<1x256xf32, #tpu.memory_space<vmem>>, vector<1x256xf32>
    %add3A_101 = vector.broadcast %get3A_100 : vector<1x256xf32> to vector<6400x256xf32>
    %add3A_102 = arith.addf %add3A_97, %add3A_101 : vector<6400x256xf32>
    %slice3A_103 = vector.extract_strided_slice %add3A_102 {offsets = [0, 0], sizes = [6400, 128], strides = [1, 1]} : vector<6400x256xf32> to vector<6400x128xf32>
    %get3A_104 = arith.constant 0 : index
    %get3A_105 = arith.constant 0 : index
    %get3A_106 = vector.load %arg16[%get3A_104, %get3A_105] : memref<1x256xf32, #tpu.memory_space<vmem>>, vector<1x128xf32>
    %get3A_107 = arith.constant 0 : index
    %get3A_108 = arith.constant 0 : index
    %get3A_109 = vector.load %arg17[%get3A_107, %get3A_108] : memref<1x256xf32, #tpu.memory_space<vmem>>, vector<1x128xf32>
    %reduce_sum3A_110 = arith.constant dense<0.000000e+00> : vector<6400xf32>
    %reduce_sum3A_111 = vector.multi_reduction <add>, %slice3A_103, %reduce_sum3A_110 [1] : vector<6400x128xf32> to vector<6400xf32>
    %broadcast_in_dim3A_112 = vector.shape_cast %reduce_sum3A_111 : vector<6400xf32> to vector<6400x1xf32>
    %div3A = arith.constant 1.280000e+02 : f32
    %div3A_113 = vector.broadcast %div3A : f32 to vector<6400x1xf32>
    %div3A_114 = arith.divf %broadcast_in_dim3A_112, %div3A_113 : vector<6400x1xf32>
    %sub3A_115 = vector.broadcast %div3A_114 : vector<6400x1xf32> to vector<6400x128xf32>
    %sub3A_116 = arith.subf %slice3A_103, %sub3A_115 : vector<6400x128xf32>
    %integer_pow3A_117 = arith.mulf %sub3A_116, %sub3A_116 : vector<6400x128xf32>
    %reduce_sum3A_118 = arith.constant dense<0.000000e+00> : vector<6400xf32>
    %reduce_sum3A_119 = vector.multi_reduction <add>, %integer_pow3A_117, %reduce_sum3A_118 [1] : vector<6400x128xf32> to vector<6400xf32>
    %broadcast_in_dim3A_120 = vector.shape_cast %reduce_sum3A_119 : vector<6400xf32> to vector<6400x1xf32>
    %div3A_121 = arith.constant 1.280000e+02 : f32
    %div3A_122 = vector.broadcast %div3A_121 : f32 to vector<6400x1xf32>
    %div3A_123 = arith.divf %broadcast_in_dim3A_120, %div3A_122 : vector<6400x1xf32>
    %sub3A_124 = vector.broadcast %div3A_114 : vector<6400x1xf32> to vector<6400x128xf32>
    %sub3A_125 = arith.subf %slice3A_103, %sub3A_124 : vector<6400x128xf32>
    %add3A_126 = arith.constant 9.99999974E-6 : f32
    %add3A_127 = vector.broadcast %add3A_126 : f32 to vector<6400x1xf32>
    %add3A_128 = arith.addf %div3A_123, %add3A_127 : vector<6400x1xf32>
    %sqrt3A_129 = math.sqrt %add3A_128 : vector<6400x1xf32>
    %div3A_130 = vector.broadcast %sqrt3A_129 : vector<6400x1xf32> to vector<6400x128xf32>
    %div3A_131 = arith.divf %sub3A_125, %div3A_130 : vector<6400x128xf32>
    %mul3A_132 = vector.broadcast %get3A_106 : vector<1x128xf32> to vector<6400x128xf32>
    %mul3A_133 = arith.mulf %div3A_131, %mul3A_132 : vector<6400x128xf32>
    %add3A_134 = vector.broadcast %get3A_109 : vector<1x128xf32> to vector<6400x128xf32>
    %add3A_135 = arith.addf %mul3A_133, %add3A_134 : vector<6400x128xf32>
    %max3A = arith.constant 0.000000e+00 : f32
    %max3A_136 = vector.broadcast %max3A : f32 to vector<6400x128xf32>
    %max3A_137 = arith.maximumf %add3A_135, %max3A_136 : vector<6400x128xf32>
    %slice3A_138 = vector.extract_strided_slice %add3A_102 {offsets = [0, 128], sizes = [6400, 128], strides = [1, 1]} : vector<6400x256xf32> to vector<6400x128xf32>
    %get3A_139 = arith.constant 0 : index
    %get3A_140 = arith.constant 128 : index
    %get3A_141 = vector.load %arg16[%get3A_139, %get3A_140] : memref<1x256xf32, #tpu.memory_space<vmem>>, vector<1x128xf32>
    %get3A_142 = arith.constant 0 : index
    %get3A_143 = arith.constant 128 : index
    %get3A_144 = vector.load %arg17[%get3A_142, %get3A_143] : memref<1x256xf32, #tpu.memory_space<vmem>>, vector<1x128xf32>
    %reduce_sum3A_145 = arith.constant dense<0.000000e+00> : vector<6400xf32>
    %reduce_sum3A_146 = vector.multi_reduction <add>, %slice3A_138, %reduce_sum3A_145 [1] : vector<6400x128xf32> to vector<6400xf32>
    %broadcast_in_dim3A_147 = vector.shape_cast %reduce_sum3A_146 : vector<6400xf32> to vector<6400x1xf32>
    %div3A_148 = arith.constant 1.280000e+02 : f32
    %div3A_149 = vector.broadcast %div3A_148 : f32 to vector<6400x1xf32>
    %div3A_150 = arith.divf %broadcast_in_dim3A_147, %div3A_149 : vector<6400x1xf32>
    %sub3A_151 = vector.broadcast %div3A_150 : vector<6400x1xf32> to vector<6400x128xf32>
    %sub3A_152 = arith.subf %slice3A_138, %sub3A_151 : vector<6400x128xf32>
    %integer_pow3A_153 = arith.mulf %sub3A_152, %sub3A_152 : vector<6400x128xf32>
    %reduce_sum3A_154 = arith.constant dense<0.000000e+00> : vector<6400xf32>
    %reduce_sum3A_155 = vector.multi_reduction <add>, %integer_pow3A_153, %reduce_sum3A_154 [1] : vector<6400x128xf32> to vector<6400xf32>
    %broadcast_in_dim3A_156 = vector.shape_cast %reduce_sum3A_155 : vector<6400xf32> to vector<6400x1xf32>
    %div3A_157 = arith.constant 1.280000e+02 : f32
    %div3A_158 = vector.broadcast %div3A_157 : f32 to vector<6400x1xf32>
    %div3A_159 = arith.divf %broadcast_in_dim3A_156, %div3A_158 : vector<6400x1xf32>
    %sub3A_160 = vector.broadcast %div3A_150 : vector<6400x1xf32> to vector<6400x128xf32>
    %sub3A_161 = arith.subf %slice3A_138, %sub3A_160 : vector<6400x128xf32>
    %add3A_162 = arith.constant 9.99999974E-6 : f32
    %add3A_163 = vector.broadcast %add3A_162 : f32 to vector<6400x1xf32>
    %add3A_164 = arith.addf %div3A_159, %add3A_163 : vector<6400x1xf32>
    %sqrt3A_165 = math.sqrt %add3A_164 : vector<6400x1xf32>
    %div3A_166 = vector.broadcast %sqrt3A_165 : vector<6400x1xf32> to vector<6400x128xf32>
    %div3A_167 = arith.divf %sub3A_161, %div3A_166 : vector<6400x128xf32>
    %mul3A_168 = vector.broadcast %get3A_141 : vector<1x128xf32> to vector<6400x128xf32>
    %mul3A_169 = arith.mulf %div3A_167, %mul3A_168 : vector<6400x128xf32>
    %add3A_170 = vector.broadcast %get3A_144 : vector<1x128xf32> to vector<6400x128xf32>
    %add3A_171 = arith.addf %mul3A_169, %add3A_170 : vector<6400x128xf32>
    %max3A_172 = arith.constant 0.000000e+00 : f32
    %max3A_173 = vector.broadcast %max3A_172 : f32 to vector<6400x128xf32>
    %max3A_174 = arith.maximumf %add3A_171, %max3A_173 : vector<6400x128xf32>
    %get3A_175 = arith.constant 0 : index
    %get3A_176 = arith.constant 0 : index
    %get3A_177 = vector.load %arg18[%get3A_175, %get3A_176] : memref<128x128xf32, #tpu.memory_space<vmem>>, vector<128x128xf32>
    %dot_general3A_178 = arith.constant dense<0.000000e+00> : vector<6400x128xf32>
    %dot_general3A_179 = tpu.matmul %max3A_137, %get3A_177, %dot_general3A_178 {dimension_numbers = #tpu.dot_dimension_numbers<[1], [0], [0], [1], [0, 0, 1, 1], [], []>, transpose_lhs_hint = false} : vector<6400x128xf32>, vector<128x128xf32>, vector<6400x128xf32> -> vector<6400x128xf32>
    %get3A_180 = arith.constant 0 : index
    %get3A_181 = arith.constant 0 : index
    %get3A_182 = vector.load %arg19[%get3A_180, %get3A_181] : memref<1x128xf32, #tpu.memory_space<vmem>>, vector<1x128xf32>
    %add3A_183 = vector.broadcast %get3A_182 : vector<1x128xf32> to vector<6400x128xf32>
    %add3A_184 = arith.addf %dot_general3A_179, %add3A_183 : vector<6400x128xf32>
    %get3A_185 = arith.constant 0 : index
    %get3A_186 = arith.constant 0 : index
    %get3A_187 = vector.load %arg20[%get3A_185, %get3A_186] : memref<128x128xf32, #tpu.memory_space<vmem>>, vector<128x128xf32>
    %dot_general3A_188 = arith.constant dense<0.000000e+00> : vector<6400x128xf32>
    %dot_general3A_189 = tpu.matmul %max3A_174, %get3A_187, %dot_general3A_188 {dimension_numbers = #tpu.dot_dimension_numbers<[1], [0], [0], [1], [0, 0, 1, 1], [], []>, transpose_lhs_hint = false} : vector<6400x128xf32>, vector<128x128xf32>, vector<6400x128xf32> -> vector<6400x128xf32>
    %get3A_190 = arith.constant 0 : index
    %get3A_191 = arith.constant 0 : index
    %get3A_192 = vector.load %arg21[%get3A_190, %get3A_191] : memref<1x128xf32, #tpu.memory_space<vmem>>, vector<1x128xf32>
    %add3A_193 = vector.broadcast %get3A_192 : vector<1x128xf32> to vector<6400x128xf32>
    %add3A_194 = arith.addf %dot_general3A_189, %add3A_193 : vector<6400x128xf32>
    %get3A_195 = arith.constant 0 : index
    %get3A_196 = arith.constant 0 : index
    %get3A_197 = vector.load %arg22[%get3A_195, %get3A_196] : memref<1x80xf32, #tpu.memory_space<vmem>>, vector<1x80xf32>
    %mul3A_198 = vector.broadcast %get3A_197 : vector<1x80xf32> to vector<6400x80xf32>
    %mul3A_199 = arith.mulf %mul3A_70, %mul3A_198 : vector<6400x80xf32>
    %reduce_sum3A_200 = arith.constant dense<0.000000e+00> : vector<6400xf32>
    %reduce_sum3A_201 = vector.multi_reduction <add>, %mul3A_199, %reduce_sum3A_200 [1] : vector<6400x80xf32> to vector<6400xf32>
    %broadcast_in_dim3A_202 = vector.shape_cast %reduce_sum3A_201 : vector<6400xf32> to vector<6400x1xf32>
    %get3A_203 = arith.constant 0 : index
    %get3A_204 = arith.constant 0 : index
    %get3A_205 = vector.load %arg23[%get3A_203, %get3A_204] : memref<1x1xf32, #tpu.memory_space<vmem>>, vector<1x1xf32>
    %add3A_206 = vector.broadcast %get3A_205 : vector<1x1xf32> to vector<6400x1xf32>
    %add3A_207 = arith.addf %broadcast_in_dim3A_202, %add3A_206 : vector<6400x1xf32>
    %neg3A = arith.constant 0.000000e+00 : f32
    %neg3A_208 = vector.broadcast %neg3A : f32 to vector<6400x1xf32>
    %neg3A_209 = arith.subf %neg3A_208, %add3A_207 : vector<6400x1xf32>
    %exp3A_210 = math.exp %neg3A_209 : vector<6400x1xf32>
    %add3A_211 = arith.constant 1.000000e+00 : f32
    %add3A_212 = vector.broadcast %add3A_211 : f32 to vector<6400x1xf32>
    %add3A_213 = arith.addf %add3A_212, %exp3A_210 : vector<6400x1xf32>
    %div3A_214 = arith.constant 1.000000e+00 : f32
    %div3A_215 = vector.broadcast %div3A_214 : f32 to vector<6400x1xf32>
    %div3A_216 = arith.divf %div3A_215, %add3A_213 : vector<6400x1xf32>
    %mul3A_217 = vector.broadcast %div3A_216 : vector<6400x1xf32> to vector<6400x128xf32>
    %mul3A_218 = arith.mulf %add3A_194, %mul3A_217 : vector<6400x128xf32>
    %get3A_219 = arith.constant 0 : index
    %get3A_220 = arith.constant 0 : index
    %get3A_221 = vector.load %arg24[%get3A_219, %get3A_220] : memref<128x128xf32, #tpu.memory_space<vmem>>, vector<128x128xf32>
    %dot_general3A_222 = arith.constant dense<0.000000e+00> : vector<400x128xf32>
    %dot_general3A_223 = tpu.matmul %get3A_1, %get3A_221, %dot_general3A_222 {dimension_numbers = #tpu.dot_dimension_numbers<[1], [0], [0], [1], [0, 0, 1, 1], [], []>, transpose_lhs_hint = false} : vector<400x128xf32>, vector<128x128xf32>, vector<400x128xf32> -> vector<400x128xf32>
    %get3A_224 = arith.constant 0 : index
    %get3A_225 = arith.constant 0 : index
    %get3A_226 = vector.load %arg25[%get3A_224, %get3A_225] : memref<1x128xf32, #tpu.memory_space<vmem>>, vector<1x128xf32>
    %add3A_227 = vector.broadcast %get3A_226 : vector<1x128xf32> to vector<400x128xf32>
    %add3A_228 = arith.addf %dot_general3A_223, %add3A_227 : vector<400x128xf32>
    %get3A_229 = arith.constant 0 : index
    %get3A_230 = arith.constant 0 : index
    %get3A_231 = vector.load %arg26[%get3A_229, %get3A_230] : memref<1x128xf32, #tpu.memory_space<vmem>>, vector<1x128xf32>
    %get3A_232 = arith.constant 0 : index
    %get3A_233 = arith.constant 0 : index
    %get3A_234 = vector.load %arg27[%get3A_232, %get3A_233] : memref<1x128xf32, #tpu.memory_space<vmem>>, vector<1x128xf32>
    %reduce_sum3A_235 = arith.constant dense<0.000000e+00> : vector<400xf32>
    %reduce_sum3A_236 = vector.multi_reduction <add>, %add3A_228, %reduce_sum3A_235 [1] : vector<400x128xf32> to vector<400xf32>
    %broadcast_in_dim3A_237 = vector.shape_cast %reduce_sum3A_236 : vector<400xf32> to vector<400x1xf32>
    %div3A_238 = arith.constant 1.280000e+02 : f32
    %div3A_239 = vector.broadcast %div3A_238 : f32 to vector<400x1xf32>
    %div3A_240 = arith.divf %broadcast_in_dim3A_237, %div3A_239 : vector<400x1xf32>
    %sub3A_241 = vector.broadcast %div3A_240 : vector<400x1xf32> to vector<400x128xf32>
    %sub3A_242 = arith.subf %add3A_228, %sub3A_241 : vector<400x128xf32>
    %integer_pow3A_243 = arith.mulf %sub3A_242, %sub3A_242 : vector<400x128xf32>
    %reduce_sum3A_244 = arith.constant dense<0.000000e+00> : vector<400xf32>
    %reduce_sum3A_245 = vector.multi_reduction <add>, %integer_pow3A_243, %reduce_sum3A_244 [1] : vector<400x128xf32> to vector<400xf32>
    %broadcast_in_dim3A_246 = vector.shape_cast %reduce_sum3A_245 : vector<400xf32> to vector<400x1xf32>
    %div3A_247 = arith.constant 1.280000e+02 : f32
    %div3A_248 = vector.broadcast %div3A_247 : f32 to vector<400x1xf32>
    %div3A_249 = arith.divf %broadcast_in_dim3A_246, %div3A_248 : vector<400x1xf32>
    %sub3A_250 = vector.broadcast %div3A_240 : vector<400x1xf32> to vector<400x128xf32>
    %sub3A_251 = arith.subf %add3A_228, %sub3A_250 : vector<400x128xf32>
    %add3A_252 = arith.constant 9.99999974E-6 : f32
    %add3A_253 = vector.broadcast %add3A_252 : f32 to vector<400x1xf32>
    %add3A_254 = arith.addf %div3A_249, %add3A_253 : vector<400x1xf32>
    %sqrt3A_255 = math.sqrt %add3A_254 : vector<400x1xf32>
    %div3A_256 = vector.broadcast %sqrt3A_255 : vector<400x1xf32> to vector<400x128xf32>
    %div3A_257 = arith.divf %sub3A_251, %div3A_256 : vector<400x128xf32>
    %mul3A_258 = vector.broadcast %get3A_231 : vector<1x128xf32> to vector<400x128xf32>
    %mul3A_259 = arith.mulf %div3A_257, %mul3A_258 : vector<400x128xf32>
    %add3A_260 = vector.broadcast %get3A_234 : vector<1x128xf32> to vector<400x128xf32>
    %add3A_261 = arith.addf %mul3A_259, %add3A_260 : vector<400x128xf32>
    %max3A_262 = arith.constant 0.000000e+00 : f32
    %max3A_263 = vector.broadcast %max3A_262 : f32 to vector<400x128xf32>
    %max3A_264 = arith.maximumf %add3A_261, %max3A_263 : vector<400x128xf32>
    %get3A_265 = arith.constant 0 : index
    %get3A_266 = arith.constant 0 : index
    %get3A_267 = vector.load %arg28[%get3A_265, %get3A_266] : memref<128x128xf32, #tpu.memory_space<vmem>>, vector<128x128xf32>
    %dot_general3A_268 = arith.constant dense<0.000000e+00> : vector<400x128xf32>
    %dot_general3A_269 = tpu.matmul %max3A_264, %get3A_267, %dot_general3A_268 {dimension_numbers = #tpu.dot_dimension_numbers<[1], [0], [0], [1], [0, 0, 1, 1], [], []>, transpose_lhs_hint = false} : vector<400x128xf32>, vector<128x128xf32>, vector<400x128xf32> -> vector<400x128xf32>
    %get3A_270 = arith.constant 0 : index
    %get3A_271 = arith.constant 0 : index
    %get3A_272 = vector.load %arg29[%get3A_270, %get3A_271] : memref<1x128xf32, #tpu.memory_space<vmem>>, vector<1x128xf32>
    %add3A_273 = vector.broadcast %get3A_272 : vector<1x128xf32> to vector<400x128xf32>
    %add3A_274 = arith.addf %dot_general3A_269, %add3A_273 : vector<400x128xf32>
    %broadcast_in_dim3A_275 = vector.shape_cast %add3A_274 : vector<400x128xf32> to vector<400x1x128xf32>
    %broadcast_in_dim3A_276 = vector.shape_cast %broadcast_in_dim3A_275 : vector<400x1x128xf32> to vector<400x1x128xf32>
    %broadcast_in_dim3A_277 = vector.broadcast %broadcast_in_dim3A_276 : vector<400x1x128xf32> to vector<400x16x128xf32>
    %reshape3A_278 = vector.shape_cast %broadcast_in_dim3A_277 : vector<400x16x128xf32> to vector<6400x128xf32>
    %mul3A_279 = arith.constant 0.353553385 : f32
    %mul3A_280 = vector.broadcast %mul3A_279 : f32 to vector<6400x128xf32>
    %mul3A_281 = arith.mulf %add3A_184, %mul3A_280 : vector<6400x128xf32>
    %mul3A_282 = arith.mulf %reshape3A_278, %mul3A_281 : vector<6400x128xf32>
    %get3A_283 = arith.constant 0 : index
    %get3A_284 = arith.constant 0 : index
    %get3A_285 = vector.load %arg9[%get3A_283, %get3A_284] : memref<128x16xf32, #tpu.memory_space<vmem>>, vector<128x16xf32>
    %dot_general3A_286 = arith.constant dense<0.000000e+00> : vector<6400x16xf32>
    %dot_general3A_287 = tpu.matmul %mul3A_282, %get3A_285, %dot_general3A_286 {dimension_numbers = #tpu.dot_dimension_numbers<[1], [0], [0], [1], [0, 0, 1, 1], [], []>, transpose_lhs_hint = false} : vector<6400x128xf32>, vector<128x16xf32>, vector<6400x16xf32> -> vector<6400x16xf32>
    %reshape3A_288 = vector.shape_cast %dot_general3A_287 : vector<6400x16xf32> to vector<400x16x16xf32>
    %reduce_max3A = arith.constant dense<0xFF800000> : vector<400x16xf32>
    %reduce_max3A_289 = vector.multi_reduction <maximumf>, %reshape3A_288, %reduce_max3A [1] : vector<400x16x16xf32> to vector<400x16xf32>
    %broadcast_in_dim3A_290 = vector.shape_cast %reduce_max3A_289 : vector<400x16xf32> to vector<400x1x16xf32>
    %sub3A_291 = vector.broadcast %broadcast_in_dim3A_290 : vector<400x1x16xf32> to vector<400x16x16xf32>
    %sub3A_292 = arith.subf %reshape3A_288, %sub3A_291 : vector<400x16x16xf32>
    %exp3A_293 = math.exp %sub3A_292 : vector<400x16x16xf32>
    %reduce_sum3A_294 = arith.constant dense<0.000000e+00> : vector<400x16xf32>
    %reduce_sum3A_295 = vector.multi_reduction <add>, %exp3A_293, %reduce_sum3A_294 [1] : vector<400x16x16xf32> to vector<400x16xf32>
    %broadcast_in_dim3A_296 = vector.shape_cast %reduce_sum3A_295 : vector<400x16xf32> to vector<400x1x16xf32>
    %add3A_297 = arith.constant 1.000000e-16 : f32
    %add3A_298 = vector.broadcast %add3A_297 : f32 to vector<400x1x16xf32>
    %add3A_299 = arith.addf %broadcast_in_dim3A_296, %add3A_298 : vector<400x1x16xf32>
    %div3A_300 = vector.broadcast %add3A_299 : vector<400x1x16xf32> to vector<400x16x16xf32>
    %div3A_301 = arith.divf %exp3A_293, %div3A_300 : vector<400x16x16xf32>
    %reshape3A_302 = vector.shape_cast %div3A_301 : vector<400x16x16xf32> to vector<6400x16xf32>
    %get3A_303 = arith.constant 0 : index
    %get3A_304 = arith.constant 0 : index
    %get3A_305 = vector.load %arg10[%get3A_303, %get3A_304] : memref<16x128xf32, #tpu.memory_space<vmem>>, vector<16x128xf32>
    %dot_general3A_306 = arith.constant dense<0.000000e+00> : vector<6400x128xf32>
    %dot_general3A_307 = tpu.matmul %reshape3A_302, %get3A_305, %dot_general3A_306 {dimension_numbers = #tpu.dot_dimension_numbers<[1], [0], [0], [1], [0, 0, 1, 1], [], []>, transpose_lhs_hint = false} : vector<6400x16xf32>, vector<16x128xf32>, vector<6400x128xf32> -> vector<6400x128xf32>
    %mul3A_308 = arith.mulf %dot_general3A_307, %mul3A_218 : vector<6400x128xf32>
    %reshape3A_309 = vector.shape_cast %mul3A_308 : vector<6400x128xf32> to vector<400x16x128xf32>
    %reduce_sum3A_310 = arith.constant dense<0.000000e+00> : vector<400x128xf32>
    %reduce_sum3A_311 = vector.multi_reduction <add>, %reshape3A_309, %reduce_sum3A_310 [1] : vector<400x16x128xf32> to vector<400x128xf32>
    %get3A_312 = arith.constant 0 : index
    %get3A_313 = arith.constant 0 : index
    %get3A_314 = vector.load %arg30[%get3A_312, %get3A_313] : memref<128x128xf32, #tpu.memory_space<vmem>>, vector<128x128xf32>
    %dot_general3A_315 = arith.constant dense<0.000000e+00> : vector<400x128xf32>
    %dot_general3A_316 = tpu.matmul %reduce_sum3A_311, %get3A_314, %dot_general3A_315 {dimension_numbers = #tpu.dot_dimension_numbers<[1], [0], [0], [1], [0, 0, 1, 1], [], []>, transpose_lhs_hint = false} : vector<400x128xf32>, vector<128x128xf32>, vector<400x128xf32> -> vector<400x128xf32>
    %get3A_317 = arith.constant 0 : index
    %get3A_318 = arith.constant 0 : index
    %get3A_319 = vector.load %arg31[%get3A_317, %get3A_318] : memref<128x128xf32, #tpu.memory_space<vmem>>, vector<128x128xf32>
    %dot_general3A_320 = arith.constant dense<0.000000e+00> : vector<400x128xf32>
    %dot_general3A_321 = tpu.matmul %get3A_1, %get3A_319, %dot_general3A_320 {dimension_numbers = #tpu.dot_dimension_numbers<[1], [0], [0], [1], [0, 0, 1, 1], [], []>, transpose_lhs_hint = false} : vector<400x128xf32>, vector<128x128xf32>, vector<400x128xf32> -> vector<400x128xf32>
    %add3A_322 = arith.addf %dot_general3A_316, %dot_general3A_321 : vector<400x128xf32>
    %get3A_323 = arith.constant 0 : index
    %get3A_324 = arith.constant 0 : index
    %get3A_325 = vector.load %arg32[%get3A_323, %get3A_324] : memref<1x128xf32, #tpu.memory_space<vmem>>, vector<1x128xf32>
    %add3A_326 = vector.broadcast %get3A_325 : vector<1x128xf32> to vector<400x128xf32>
    %add3A_327 = arith.addf %add3A_322, %add3A_326 : vector<400x128xf32>
    %get3A_328 = arith.constant 0 : index
    %get3A_329 = arith.constant 0 : index
    %get3A_330 = vector.load %arg33[%get3A_328, %get3A_329] : memref<1x128xf32, #tpu.memory_space<vmem>>, vector<1x128xf32>
    %get3A_331 = arith.constant 0 : index
    %get3A_332 = arith.constant 0 : index
    %get3A_333 = vector.load %arg34[%get3A_331, %get3A_332] : memref<1x128xf32, #tpu.memory_space<vmem>>, vector<1x128xf32>
    %reduce_sum3A_334 = arith.constant dense<0.000000e+00> : vector<400xf32>
    %reduce_sum3A_335 = vector.multi_reduction <add>, %add3A_327, %reduce_sum3A_334 [1] : vector<400x128xf32> to vector<400xf32>
    %broadcast_in_dim3A_336 = vector.shape_cast %reduce_sum3A_335 : vector<400xf32> to vector<400x1xf32>
    %div3A_337 = arith.constant 1.280000e+02 : f32
    %div3A_338 = vector.broadcast %div3A_337 : f32 to vector<400x1xf32>
    %div3A_339 = arith.divf %broadcast_in_dim3A_336, %div3A_338 : vector<400x1xf32>
    %sub3A_340 = vector.broadcast %div3A_339 : vector<400x1xf32> to vector<400x128xf32>
    %sub3A_341 = arith.subf %add3A_327, %sub3A_340 : vector<400x128xf32>
    %integer_pow3A_342 = arith.mulf %sub3A_341, %sub3A_341 : vector<400x128xf32>
    %reduce_sum3A_343 = arith.constant dense<0.000000e+00> : vector<400xf32>
    %reduce_sum3A_344 = vector.multi_reduction <add>, %integer_pow3A_342, %reduce_sum3A_343 [1] : vector<400x128xf32> to vector<400xf32>
    %broadcast_in_dim3A_345 = vector.shape_cast %reduce_sum3A_344 : vector<400xf32> to vector<400x1xf32>
    %div3A_346 = arith.constant 1.280000e+02 : f32
    %div3A_347 = vector.broadcast %div3A_346 : f32 to vector<400x1xf32>
    %div3A_348 = arith.divf %broadcast_in_dim3A_345, %div3A_347 : vector<400x1xf32>
    %sub3A_349 = vector.broadcast %div3A_339 : vector<400x1xf32> to vector<400x128xf32>
    %sub3A_350 = arith.subf %add3A_327, %sub3A_349 : vector<400x128xf32>
    %add3A_351 = arith.constant 9.99999974E-6 : f32
    %add3A_352 = vector.broadcast %add3A_351 : f32 to vector<400x1xf32>
    %add3A_353 = arith.addf %div3A_348, %add3A_352 : vector<400x1xf32>
    %sqrt3A_354 = math.sqrt %add3A_353 : vector<400x1xf32>
    %div3A_355 = vector.broadcast %sqrt3A_354 : vector<400x1xf32> to vector<400x128xf32>
    %div3A_356 = arith.divf %sub3A_350, %div3A_355 : vector<400x128xf32>
    %mul3A_357 = vector.broadcast %get3A_330 : vector<1x128xf32> to vector<400x128xf32>
    %mul3A_358 = arith.mulf %div3A_356, %mul3A_357 : vector<400x128xf32>
    %add3A_359 = vector.broadcast %get3A_333 : vector<1x128xf32> to vector<400x128xf32>
    %add3A_360 = arith.addf %mul3A_358, %add3A_359 : vector<400x128xf32>
    %max3A_361 = arith.constant 0.000000e+00 : f32
    %max3A_362 = vector.broadcast %max3A_361 : f32 to vector<400x128xf32>
    %max3A_363 = arith.maximumf %add3A_360, %max3A_362 : vector<400x128xf32>
    %get3A_364 = arith.constant 0 : index
    %get3A_365 = arith.constant 0 : index
    %get3A_366 = vector.load %arg35[%get3A_364, %get3A_365] : memref<128x128xf32, #tpu.memory_space<vmem>>, vector<128x128xf32>
    %dot_general3A_367 = arith.constant dense<0.000000e+00> : vector<400x128xf32>
    %dot_general3A_368 = tpu.matmul %max3A_363, %get3A_366, %dot_general3A_367 {dimension_numbers = #tpu.dot_dimension_numbers<[1], [0], [0], [1], [0, 0, 1, 1], [], []>, transpose_lhs_hint = false} : vector<400x128xf32>, vector<128x128xf32>, vector<400x128xf32> -> vector<400x128xf32>
    %get3A_369 = arith.constant 0 : index
    %get3A_370 = arith.constant 0 : index
    %get3A_371 = vector.load %arg36[%get3A_369, %get3A_370] : memref<1x128xf32, #tpu.memory_space<vmem>>, vector<1x128xf32>
    %add3A_372 = vector.broadcast %get3A_371 : vector<1x128xf32> to vector<400x128xf32>
    %add3A_373 = arith.addf %dot_general3A_368, %add3A_372 : vector<400x128xf32>
    %add3A_374 = arith.addf %add3A_373, %get3A_1 : vector<400x128xf32>
    %swap3A_375 = arith.constant 0 : index
    %swap3A_376 = arith.constant 0 : index
    %swap3A_377 = vector.load %arg37[%swap3A_375, %swap3A_376] : memref<400x128xf32, #tpu.memory_space<vmem>>, vector<400x128xf32>
    tpu.vector_store %arg37[%swap3A_375, %swap3A_376], %add3A_374 {strides = array<i32>} : memref<400x128xf32, #tpu.memory_space<vmem>>, vector<400x128xf32>,
    return
  }
  func.func @transform_0(%arg0: i32) -> (i32, i32) {
    %c0_i32 = arith.constant 0 : i32
    %c0_i32_0 = arith.constant 0 : i32
    return %arg0, %c0_i32 : i32, i32
  }
  func.func @transform_1(%arg0: i32) -> (i32, i32) {
    %c0_i32 = arith.constant 0 : i32
    %c0_i32_0 = arith.constant 0 : i32
    return %arg0, %c0_i32 : i32, i32
  }
  func.func @transform_2(%arg0: i32) -> (i32, i32) {
    %c0_i32 = arith.constant 0 : i32
    %c0_i32_0 = arith.constant 0 : i32
    return %arg0, %c0_i32 : i32, i32
  }
  func.func @transform_3(%arg0: i32) -> (i32, i32) {
    %c0_i32 = arith.constant 0 : i32
    %c0_i32_0 = arith.constant 0 : i32
    return %arg0, %c0_i32 : i32, i32
  }
  func.func @transform_4(%arg0: i32) -> (i32, i32) {
    %c0_i32 = arith.constant 0 : i32
    %c0_i32_0 = arith.constant 0 : i32
    %c0_i32_1 = arith.constant 0 : i32
    return %c0_i32, %c0_i32_0 : i32, i32
  }
  func.func @transform_5(%arg0: i32) -> (i32, i32) {
    %c0_i32 = arith.constant 0 : i32
    %c0_i32_0 = arith.constant 0 : i32
    %c0_i32_1 = arith.constant 0 : i32
    return %c0_i32, %c0_i32_0 : i32, i32
  }
  func.func @transform_6(%arg0: i32) -> (i32, i32) {
    %c0_i32 = arith.constant 0 : i32
    %c0_i32_0 = arith.constant 0 : i32
    %c0_i32_1 = arith.constant 0 : i32
    return %c0_i32, %c0_i32_0 : i32, i32
  }
  func.func @transform_7(%arg0: i32) -> (i32, i32) {
    %c0_i32 = arith.constant 0 : i32
    %c0_i32_0 = arith.constant 0 : i32
    %c0_i32_1 = arith.constant 0 : i32
    return %c0_i32, %c0_i32_0 : i32, i32
  }
  func.func @transform_8(%arg0: i32) -> (i32, i32) {
    %c0_i32 = arith.constant 0 : i32
    %c0_i32_0 = arith.constant 0 : i32
    %c0_i32_1 = arith.constant 0 : i32
    return %c0_i32, %c0_i32_0 : i32, i32
  }
  func.func @transform_9(%arg0: i32) -> (i32, i32) {
    %c0_i32 = arith.constant 0 : i32
    %c0_i32_0 = arith.constant 0 : i32
    %c0_i32_1 = arith.constant 0 : i32
    return %c0_i32, %c0_i32_0 : i32, i32
  }
  func.func @transform_10(%arg0: i32) -> (i32, i32) {
    %c0_i32 = arith.constant 0 : i32
    %c0_i32_0 = arith.constant 0 : i32
    %c0_i32_1 = arith.constant 0 : i32
    return %c0_i32, %c0_i32_0 : i32, i32
  }
  func.func @transform_11(%arg0: i32) -> (i32, i32) {
    %c0_i32 = arith.constant 0 : i32
    %c0_i32_0 = arith.constant 0 : i32
    %c0_i32_1 = arith.constant 0 : i32
    return %c0_i32, %c0_i32_0 : i32, i32
  }
  func.func @transform_12(%arg0: i32) -> (i32, i32) {
    %c0_i32 = arith.constant 0 : i32
    %c0_i32_0 = arith.constant 0 : i32
    %c0_i32_1 = arith.constant 0 : i32
    return %c0_i32, %c0_i32_0 : i32, i32
  }
  func.func @transform_13(%arg0: i32) -> (i32, i32) {
    %c0_i32 = arith.constant 0 : i32
    %c0_i32_0 = arith.constant 0 : i32
    %c0_i32_1 = arith.constant 0 : i32
    return %c0_i32, %c0_i32_0 : i32, i32
  }
  func.func @transform_14(%arg0: i32) -> (i32, i32) {
    %c0_i32 = arith.constant 0 : i32
    %c0_i32_0 = arith.constant 0 : i32
    %c0_i32_1 = arith.constant 0 : i32
    return %c0_i32, %c0_i32_0 : i32, i32
  }
  func.func @transform_15(%arg0: i32) -> (i32, i32) {
    %c0_i32 = arith.constant 0 : i32
    %c0_i32_0 = arith.constant 0 : i32
    %c0_i32_1 = arith.constant 0 : i32
    return %c0_i32, %c0_i32_0 : i32, i32
  }
  func.func @transform_16(%arg0: i32) -> (i32, i32) {
    %c0_i32 = arith.constant 0 : i32
    %c0_i32_0 = arith.constant 0 : i32
    %c0_i32_1 = arith.constant 0 : i32
    return %c0_i32, %c0_i32_0 : i32, i32
  }
  func.func @transform_17(%arg0: i32) -> (i32, i32) {
    %c0_i32 = arith.constant 0 : i32
    %c0_i32_0 = arith.constant 0 : i32
    %c0_i32_1 = arith.constant 0 : i32
    return %c0_i32, %c0_i32_0 : i32, i32
  }
  func.func @transform_18(%arg0: i32) -> (i32, i32) {
    %c0_i32 = arith.constant 0 : i32
    %c0_i32_0 = arith.constant 0 : i32
    %c0_i32_1 = arith.constant 0 : i32
    return %c0_i32, %c0_i32_0 : i32, i32
  }
  func.func @transform_19(%arg0: i32) -> (i32, i32) {
    %c0_i32 = arith.constant 0 : i32
    %c0_i32_0 = arith.constant 0 : i32
    %c0_i32_1 = arith.constant 0 : i32
    return %c0_i32, %c0_i32_0 : i32, i32
  }
  func.func @transform_20(%arg0: i32) -> (i32, i32) {
    %c0_i32 = arith.constant 0 : i32
    %c0_i32_0 = arith.constant 0 : i32
    %c0_i32_1 = arith.constant 0 : i32
    return %c0_i32, %c0_i32_0 : i32, i32
  }
  func.func @transform_21(%arg0: i32) -> (i32, i32) {
    %c0_i32 = arith.constant 0 : i32
    %c0_i32_0 = arith.constant 0 : i32
    %c0_i32_1 = arith.constant 0 : i32
    return %c0_i32, %c0_i32_0 : i32, i32
  }
  func.func @transform_22(%arg0: i32) -> (i32, i32) {
    %c0_i32 = arith.constant 0 : i32
    %c0_i32_0 = arith.constant 0 : i32
    %c0_i32_1 = arith.constant 0 : i32
    return %c0_i32, %c0_i32_0 : i32, i32
  }
  func.func @transform_23(%arg0: i32) -> (i32, i32) {
    %c0_i32 = arith.constant 0 : i32
    %c0_i32_0 = arith.constant 0 : i32
    %c0_i32_1 = arith.constant 0 : i32
    return %c0_i32, %c0_i32_0 : i32, i32
  }
  func.func @transform_24(%arg0: i32) -> (i32, i32) {
    %c0_i32 = arith.constant 0 : i32
    %c0_i32_0 = arith.constant 0 : i32
    %c0_i32_1 = arith.constant 0 : i32
    return %c0_i32, %c0_i32_0 : i32, i32
  }
  func.func @transform_25(%arg0: i32) -> (i32, i32) {
    %c0_i32 = arith.constant 0 : i32
    %c0_i32_0 = arith.constant 0 : i32
    %c0_i32_1 = arith.constant 0 : i32
    return %c0_i32, %c0_i32_0 : i32, i32
  }
  func.func @transform_26(%arg0: i32) -> (i32, i32) {
    %c0_i32 = arith.constant 0 : i32
    %c0_i32_0 = arith.constant 0 : i32
    %c0_i32_1 = arith.constant 0 : i32
    return %c0_i32, %c0_i32_0 : i32, i32
  }
  func.func @transform_27(%arg0: i32) -> (i32, i32) {
    %c0_i32 = arith.constant 0 : i32
    %c0_i32_0 = arith.constant 0 : i32
    %c0_i32_1 = arith.constant 0 : i32
    return %c0_i32, %c0_i32_0 : i32, i32
  }
  func.func @transform_28(%arg0: i32) -> (i32, i32) {
    %c0_i32 = arith.constant 0 : i32
    %c0_i32_0 = arith.constant 0 : i32
    %c0_i32_1 = arith.constant 0 : i32
    return %c0_i32, %c0_i32_0 : i32, i32
  }
  func.func @transform_29(%arg0: i32) -> (i32, i32) {
    %c0_i32 = arith.constant 0 : i32
    %c0_i32_0 = arith.constant 0 : i32
    %c0_i32_1 = arith.constant 0 : i32
    return %c0_i32, %c0_i32_0 : i32, i32
  }
  func.func @transform_30(%arg0: i32) -> (i32, i32) {
    %c0_i32 = arith.constant 0 : i32
    %c0_i32_0 = arith.constant 0 : i32
    %c0_i32_1 = arith.constant 0 : i32
    return %c0_i32, %c0_i32_0 : i32, i32
  }
  func.func @transform_31(%arg0: i32) -> (i32, i32) {
    %c0_i32 = arith.constant 0 : i32
    %c0_i32_0 = arith.constant 0 : i32
    %c0_i32_1 = arith.constant 0 : i32
    return %c0_i32, %c0_i32_0 : i32, i32
  }
  func.func @transform_32(%arg0: i32) -> (i32, i32) {
    %c0_i32 = arith.constant 0 : i32
    %c0_i32_0 = arith.constant 0 : i32
    %c0_i32_1 = arith.constant 0 : i32
    return %c0_i32, %c0_i32_0 : i32, i32
  }
  func.func @transform_33(%arg0: i32) -> (i32, i32) {
    %c0_i32 = arith.constant 0 : i32
    %c0_i32_0 = arith.constant 0 : i32
    %c0_i32_1 = arith.constant 0 : i32
    return %c0_i32, %c0_i32_0 : i32, i32
  }
  func.func @transform_34(%arg0: i32) -> (i32, i32) {
    %c0_i32 = arith.constant 0 : i32
    %c0_i32_0 = arith.constant 0 : i32
    %c0_i32_1 = arith.constant 0 : i32
    return %c0_i32, %c0_i32_0 : i32, i32
  }
  func.func @transform_35(%arg0: i32) -> (i32, i32) {
    %c0_i32 = arith.constant 0 : i32
    %c0_i32_0 = arith.constant 0 : i32
    %c0_i32_1 = arith.constant 0 : i32
    return %c0_i32, %c0_i32_0 : i32, i32
  }
  func.func @transform_36(%arg0: i32) -> (i32, i32) {
    %c0_i32 = arith.constant 0 : i32
    %c0_i32_0 = arith.constant 0 : i32
    return %arg0, %c0_i32 : i32, i32
  }
  func.func @transform_37(%arg0: i32) -> (i32, i32) {
    %c0_i32 = arith.constant 0 : i32
    %c0_i32_0 = arith.constant 0 : i32
    return %arg0, %c0_i32 : i32, i32
  }
}

</mosaic_0001>

<sc_bundles>
// kernel: kernel.11.cloned.1.call-start
scs
__scs_entry_jumppad:
0x0: {  	(pc) =	sbr.rel $0x88, $3  }
0x1: {  	(tag) =	ssettag $0x0;
	lr =	simm.s32 $0x1  }
0x2: {  	[smem:$0x3F41] =	sst lr;
	_ =	strace $0xD0000000  }
0x3: {  	_ = 	snop  }
0x4: {  	_ = 	snop  }
0x5: {  	_ = 	snop  }
0x6: {  	_ = 	snop  }
0x7: {  	_ = 	snop  }
__scs_overlays_trampoline_lowered:
0x8: {  	[smem:$0x3F50] =	sst s0  }
0x9: {  	[smem:$0x3F51] =	sst s1  }
0xa: {  	[smem:$0x3F52] =	sst s2  }
0xb: {  	[smem:$0x3F53] =	sst s3  }
0xc: {  	[smem:$0x3F54] =	sst s4  }
0xd: {  	[smem:$0x3F55] =	sst s5  }
0xe: {  	[smem:$0x3F56] =	sst s6  }
0xf: {  	[smem:$0x3F57] =	sst s7  }
0x10: {  	[smem:$0x3F58] =	sst s8  }
0x11: {  	[smem:$0x3F59] =	sst s9;
	s0 =	simm.s32 @!p0 $0x0  }
0x12: {  	s1 =	sld [smem:$0x3F3F];
	s0 =	simm.s32 @p0 $0x1  }
0x13: {  	[smem:$0x3F5A] =	sst s0;
	s0 =	simm.s32 @!p1 $0x0  }
0x14: {  	s2 =	sld [smem:$0x3F3E];
	s0 =	simm.s32 @p1 $0x1  }
0x15: {  	[smem:$0x3F5B] =	sst s0;
	s0 =	simm.s32 @!p2 $0x0  }
0x16: {  	s3 =	sld [smem:$0x3FDB];
	s0 =	simm.s32 @p2 $0x1  }
0x17: {  	s4 =	simm.s32 $0x1BF5;
	[smem:$0x3F5D] =	sst s0  }
0x18: {  	s0 =	sld [smem:$0x3F40];
	_ =	swait.ge [sflag:s4], $0x0  }
0x19: {  	s7 =	sld [smem:$0x3F41]  }
0x1a: {  	s8 =	sadd.s32 $0xFFFFE003, lr  }
0x1b: {  	s9 =	sadd.s32 $0xFFFFFEF7, lr;
	s5 =	simm.s32 $0xFFFFFFFF;
	p2 =	slt.u32 s8, $0xFFFFF086  }
0x1c: {  	p1 =	slt.u32 s9, $0xF7A;
	s5 =	simm.s32 @!p2 $0x0  }
0x1d: {  	s5 =	simm.s32 @p1 $0x1;
	p0 =	seq.s32 s7, s2  }
0x1e: {  	s7 =	smul.u32 @!p0 $0xF7A, s2;
	p2 =	seq.s32 @!p0 s5, $0x0  }
0x1f: {  	s9 =	smul.u32 $0xF7A, s1;
	s8 =	simm.s32 @!p0 $0x1BF5;
	p2 =	por !p2, p0  }
0x20: {  	[sflag:s8] =	ssyncset.s32 @!p0 $0xFFFFF086;
	s6 =	sadd.s32 @!p0 s3, s7;
	s7 =	simm.s32 @!p0 $0x108  }
0x21: {  	s3 =	sadd.s32 s3, s9;
	s6 =	sadd.s32 @!p0 $0x88, s6;
	s7 =	simm.s32 @p2 $0x1082  }
0x22: {  	[simem:s7], [sflag:s8] =	dma.local @!p0 [hbm:s6], $0xF7A  }
0x23: {  	s9 =	sor.u32 $0xD0000000, s2;
	s6 =	simm.s32 $0x108;
	_ =	swait.ge @!p0 [sflag:s8], $0x0  }
0x24: {  	s3 =	sadd.s32 $0x88, s3;
	s6 =	simm.s32 @!p1 $0x1082;
	[sflag:s4] =	ssyncset.s32 $0xFFFFF086  }
0x25: {  	[simem:s6], [sflag:s4] =	dma.local [hbm:s3], $0xF7A  }
0x26: {  	[smem:$0x3F41] =	sst s1;
	(tag) =	ssettag s2;
	_ =	strace s9  }
0x27: {  	s1 =	sld [smem:$0x3F51]  }
0x28: {  	s2 =	sld [smem:$0x3F52]  }
0x29: {  	s4 =	sld [smem:$0x3F54]  }
0x2a: {  	p0 =	seq.s32 s5, $0x0;
	s5 =	sld [smem:$0x3F55]  }
0x2b: {  	s6 =	sld [smem:$0x3F56]  }
0x2c: {  	s7 =	sld [smem:$0x3F57]  }
0x2d: {  	s3 =	simm.s32 $0x108;
	s8 =	sld [smem:$0x3F58]  }
0x2e: {  	s3 =	simm.s32 @!p0 $0x1082;
	s9 =	sld [smem:$0x3F59]  }
0x2f: {  	lr =	sadd.s32 s0, s3;
	s0 =	sld [smem:$0x3F50]  }
0x30: {  	s3 =	sld [smem:$0x3F53]  }
0x31: {  	[smem:$0x3F5C] =	sst s10  }
0x32: {  	s10 =	sld [smem:$0x3F5A];
	_ =	sdelay $0x3  }
0x33: {  	p0 =	seq.s32 s10, $0x1;
	s10 =	sld [smem:$0x3F5C];
	_ =	sdelay $0x3  }
0x34: {  	[smem:$0x3F5C] =	sst s10  }
0x35: {  	s10 =	sld [smem:$0x3F5B];
	_ =	sdelay $0x3  }
0x36: {  	p1 =	seq.s32 s10, $0x1;
	s10 =	sld [smem:$0x3F5C];
	_ =	sdelay $0x3  }
0x37: {  	[smem:$0x3F5C] =	sst s10  }
0x38: {  	s10 =	sld [smem:$0x3F5D]  }
0x39: {  	_ = 	snop;
	(pc) =	sbr.ind lr, $3  }
0x3a: {  	_ = 	snop  }
0x3b: {  	_ = 	snop  }
0x3c: {  	p2 =	seq.s32 s10, $0x1;
	s10 =	sld [smem:$0x3F5C]  }
0x3d: {  	_ =	shalt  }
0x3e: {  	_ =	shalt  }
0x3f: {  	_ =	shalt  }
0x40: {  	_ =	shalt  }
0x41: {  	_ =	shalt  }
0x42: {  	_ =	shalt  }
0x43: {  	_ =	shalt  }
0x44: {  	_ =	shalt  }
0x45: {  	_ =	shalt  }
0x46: {  	_ =	shalt  }
0x47: {  	_ =	shalt  }
0x48: {  	_ =	shalt  }
0x49: {  	_ =	shalt  }
0x4a: {  	_ =	shalt  }
0x4b: {  	_ =	shalt  }
0x4c: {  	_ =	shalt  }
0x4d: {  	_ =	shalt  }
0x4e: {  	_ =	shalt  }
0x4f: {  	_ =	shalt  }
0x50: {  	_ =	shalt  }
0x51: {  	_ =	shalt  }
0x52: {  	_ =	shalt  }
0x53: {  	_ =	shalt  }
0x54: {  	_ =	shalt  }
0x55: {  	_ =	shalt  }
0x56: {  	_ =	shalt  }
0x57: {  	_ =	shalt  }
0x58: {  	_ =	shalt  }
0x59: {  	_ =	shalt  }
0x5a: {  	_ =	shalt  }
0x5b: {  	_ =	shalt  }
0x5c: {  	_ =	shalt  }
0x5d: {  	_ =	shalt  }
0x5e: {  	_ =	shalt  }
0x5f: {  	_ =	shalt  }
0x60: {  	_ =	shalt  }
0x61: {  	_ =	shalt  }
0x62: {  	_ =	shalt  }
0x63: {  	_ =	shalt  }
0x64: {  	_ =	shalt  }
0x65: {  	_ =	shalt  }
0x66: {  	_ =	shalt  }
0x67: {  	_ =	shalt  }
0x68: {  	_ =	shalt  }
0x69: {  	_ =	shalt  }
0x6a: {  	_ =	shalt  }
0x6b: {  	_ =	shalt  }
0x6c: {  	_ =	shalt  }
0x6d: {  	_ =	shalt  }
0x6e: {  	_ =	shalt  }
0x6f: {  	_ =	shalt  }
0x70: {  	_ =	shalt  }
0x71: {  	_ =	shalt  }
0x72: {  	_ =	shalt  }
0x73: {  	_ =	shalt  }
0x74: {  	_ =	shalt  }
0x75: {  	_ =	shalt  }
0x76: {  	_ =	shalt  }
0x77: {  	_ =	shalt  }
0x78: {  	_ =	shalt  }
0x79: {  	_ =	shalt  }
0x7a: {  	_ =	shalt  }
0x7b: {  	_ =	shalt  }
0x7c: {  	_ =	shalt  }
0x7d: {  	_ =	shalt  }
0x7e: {  	_ =	shalt  }
0x7f: {  	_ =	shalt  }
0x80: {  	_ =	shalt  }
0x81: {  	_ =	shalt  }
0x82: {  	_ =	shalt  }
0x83: {  	_ =	shalt  }
0x84: {  	_ =	shalt  }
0x85: {  	_ =	shalt  }
0x86: {  	_ =	shalt  }
0x87: {  	_ =	shalt  }
.Lfunc_end0:
.L_simem_size_0:
called_computation_lowered:
.L_overlay_start_0:
0x88: {  	s2 =	sld [smem:$0x3FD9]  }
0x89: {  	s3 =	sld [smem:$0x3FFE];
	_ =	sdelay $0x1  }
0x8a: {  	s1 =	srdreg.scid  }
0x8b: {  	s0 =	sand.u32 $0x1, s1  }
0x8c: {  	s16 =	sshll.u32 s0, $0xA;
	s2 =	sadd.s32 s3, s2  }
0x8d: {  	s2 =	sadd.s32 s2, s16  }
0x8e: {  	[smem:$0x3F68] =	sst s2  }
0x8f: {  	_ = 	snop  }
0x90: {  	(tm) =	ssettm $0x1  }
0x91: {  	s17 =	sld [smem:$0x3FFB];
	_ =	sdelay $0x3  }
0x92: {  	_ =	strace s17  }
0x93: {  	s2 =	sld [smem:$0x3FFC];
	_ =	sdelay $0x3  }
0x94: {  	_ =	strace s2  }
0x95: {  	s2 =	sld [smem:$0x3FFD];
	_ =	sdelay $0x3  }
0x96: {  	_ =	strace s2  }
0x97: {  	_ =	strace $0x8FFFFFFF  }
0x98: {  	s18 =	sld [smem:$0x3FDB];
	_ =	sdelay $0x1  }
0x99: {  	s19 =	simm.s32 $_scs_section_size  }
0x9a: {  	s4 =	simm.s32 $_size__tile_overlayer_lowered;
	s5 =	simm.s32 $_tile_overlayer_lowered  }
0x9b: {  	s22 =	simm.s32 $0x1BFF;
	s21 =	sshll.u32 s5, $0x1;
	s2 =	sadd.s32 s19, s18  }
0x9c: {  	s6 =	simm.s32 $0x0;
	s20 =	sshll.u32 s4, $0x1;
	s4 =	sadd.s32 s21, s2  }
0x9d: {  	[timem:s6], [sflag:s22] =	dma.local [hbm:s4], s20  }
0x9e: {  	_ =	swait.ge [sflag:s22], s20  }
0x9f: {  	s3 =	ssub.s32 $0x0, s20;
	[sflag:s22] =	ssyncset.done $0x0  }
0xa0: {  	[sflag:s22] =	ssyncadd.s32 s3;
	_ =	sdelay $0x1  }
0xa1: {  	s23 =	simm.s32 $0x1B8B  }
0xa2: {  	_ =	swait.ge [sflag:s23], $0x1  }
0xa3: {  	[sflag:s23] =	ssyncset.done $0x0  }
0xa4: {  	s25 =	simm.s32 $0x1B8E;
	s24 =	sld [smem:$0x3FFE];
	[sflag:s23] =	ssyncadd.s32 $0xFFFFFFFF  }
0xa5: {  	s26 =	simm.s32 $execute0_lowered;
	[smem:$0x3FD2] =	sst s25  }
0xa6: {  	s4 =	sshll.u32 s26, $0x1;
	_ =	strace $0x80000046;
	[dreg:$0x1] =	wrdreg $0xFFFFFFFF  }
0xa7: {  	s28 =	simm.s32 $_size_execute0_lowered;
	s2 =	sadd.s32 s2, s4;
	[dreg:$0x0] =	wrdreg $0x0  }
0xa8: {  	s4 =	sshll.u32 s28, $0x1;
	[dreg:$0x2] =	wrdreg s2  }
0xa9: {  	[dreg:$0x3] =	wrdreg s4  }
0xaa: {  	[dreg:$0x4] =	wrdreg $0xC0  }
0xab: {  	_ =	task [dreg:s6], $0x5FFFF  }
0xac: {  	[dreg:$0x1] =	wrdreg $0xFFFFFFFF  }
0xad: {  	[dreg:$0x0] =	wrdreg $0x60  }
0xae: {  	[dreg:$0x2] =	wrdreg s24  }
0xaf: {  	[dreg:$0x3] =	wrdreg $0x9  }
0xb0: {  	_ =	task.clear_ibuf [dreg:s6], $0x4FFFF;
	_ =	strace $0x90000046  }
0xb1: {  	s29 =	simm.s32 $0x9;
	_ =	strace $0x80000048  }
0xb2: {  	_ =	swait.ge [sflag:s29], $0x1  }
0xb3: {  	[sflag:s29] =	ssyncadd.s32 $0xFFFFFFFF  }
0xb4: {  	_ =	strace $0x90000048  }
0xb5: {  	_ =	sfence  }
0xb6: {  	s30 =	sld [smem:$0x0];
	_ =	sdelay $0x2  }
0xb7: {  	s31 =	sshll.u32 s1, $0xD;
	s1 =	sshrl.u32 s1, $0x2  }
0xb8: {  	s3 =	sand.u32 $0x4000, s31;
	s1 =	sadd.s32 s1, s30  }
0xb9: {  	s0 =	sor.u32 s3, s0;
	s1 =	sshll.u32 s1, $0x11  }
0xba: {  	s0 =	sor.u32 s1, s0  }
0xbb: {  	s0 =	sadd.s32 $0x8F2B, s0  }
0xbc: {  	[sflag:s0] =	ssyncadd.remote.s32 $0x1  }
0xbd: {  	_ =	sfence.sel $0xFFFF  }
0xbe: {  	[dreg:$0x0] =	wrdreg $0xFFFFFFFF;
	(pc) =	sbr.abs _section_cstart, $3  }
0xbf: {  	[dreg:$0x1] =	wrdreg $0xFFFFFFFF  }
0xc0: {  	_ =	task.clear_ibuf [dreg:s6], $0x2FFFF;
	_ =	strace $0x9FFFFFFF  }
0xc1: {  	(tm) =	ssettm $0x7FFFFFFF  }
tec
execute0_lowered:
.L_overlay_start_1:
0x0: {  	(tag) =	ssettag $0x1  }
0x1: {  	s0 =	srdreg.scid;
	s9 =	stileid.u32  }
0x2: {  	s4 =	rddreg [dreg:$0x0];
	s2 =	simm.s32 $0x0;
	s21 =	simm.s32 $0x7400  }
0x3: {  	s22 =	simm.s32 $0x7C00;
	s23 =	simm.s32 $0x8400;
	s28 =	simm.s32 $0xA400  }
0x4: {  	s29 =	simm.s32 $0xAC00;
	s30 =	simm.s32 $0xB400;
	s31 =	simm.s32 $0xBC00  }
0x5: {  	s10 =	simm.s32 $0xE400;
	s11 =	simm.s32 $0xEC00;
	s12 =	simm.s32 $0xF400  }
0x6: {  	s13 =	simm.s32 $0xFC00;
	s14 =	simm.s32 $0x10400;
	s15 =	simm.s32 $0x10C00  }
0x7: {  	s16 =	simm.s32 $0x1;
	s17 =	simm.s32 $0x2;
	s19 =	simm.s32 $0x0  }
0x8: {  	s0 =	sand.u32 $0x1, s0;
	s1 =	sshll.u32 s9, $0x1;
	s5 =	smul.u32 $0x50, s9  }
0x9: {  	[smem:$0x7FF] =	sst s2;
	s3 =	sadd.s32 $0x3DE00, s4;
	s9 =	smul.u32 $0x50000, s9  }
0xa: {  	s1 =	sor.u32 s0, s1;
	s6 =	smul.u32 $0x28, s0;
	s7 =	ssub.s32 $0x2, s0  }
0xb: {  	_ =	strace $0x80000047;
	s1 =	smul.u32 $0x280, s1;
	s8 =	sshrl.u32 s7, $0x1  }
0xc: {  	s0 =	smul.u32 $0x28000, s0;
	s5 =	sadd.s32 s6, s5;
	s24 =	ssub.s32 s7, s8  }
0xd: {  	s8 =	simm.s32 $0x3;
	s1 =	sadd.s32 s1, s4;
	s4 =	sadd.s32 $0x8C000, s4  }
0xe: {  	s5 =	sshll.u32 s5, $0xC;
	s26 =	smax.u32 s24, $0x1;
	s24 =	simm.s32 $0x8C00  }
.Ltmp0:
0xf: {  	s1 =	sadd.s32 $0x38E00, s1;
	s25 =	sadd.s32 s9, s4;
	(pc) =	sbr.rel .LBB2_1-.Ltmp0, $4  }
0x10: {  	s4 =	sadd.s32 s5, s4;
	[dreg:$0x3] =	wrdreg s26;
	s9 =	simm.s32 $0x1400  }
0x11: {  	v2 =	vlaneseq.u32;
	s26 =	simm.s32 $0x9C00;
	s5 =	simm.s32 $0xDC00;
	[dreg:$0x2] =	wrdreg s1  }
0x12: {  	vm0 =	vmmov $0xffff;
	v1 =	vshrl.u32 v2, $0x3;
	s6 =	sadd.s32 s0, s25;
	s7 =	sadd.s32 $0x1000, s4;
	s25 =	simm.s32 $0x9400  }
0x13: {  	v0 =	vand.u32 $0x7, v2;
	v2 =	vor.u32 $0x8, v2;
	v1 =	vmul.u32 $0x8, v1;
	s1 =	simm.s32 $0xC400;
	s0 =	simm.s32 $0xCC00;
	s4 =	simm.s32 $0xD400  }
.LBB2_5:
0x14: {  	s19 =	rddreg [dreg:$0x4]  }
0x15: {  	s18 =	rddreg [dreg:$0x3];
	s19 =	sadd.s32 $0x1, s19  }
0x16: {  	p0 =	sne.s32 s19, s18  }
.Ltmp1:
0x17: {  	_ = 	snop;
	(pc) =	sbr.rel @!p0 .LBB2_6-.Ltmp1, $1  }
0x18: {  	_ =	sdelay $0x3  }
.LBB2_1:
0x19: {  	[dreg:$0x4] =	wrdreg s19  }
0x1a: {  	s18 =	rddreg [dreg:$0x2]  }
0x1b: {  	[tilespmem:s2], [sflag:$0x3] =	stream.linear.gather [hbm4b:s18+s2], $0x1400, $0x38;
	[tilespmem:$0x11400] =	vst v63  }
0x1c: {  	_ =	swait.ge [sflag:s8], $0x1400  }
0x1d: {  	[sflag:s8] =	ssyncset.done $0x0  }
0x1e: {  	[sflag:s8] =	ssyncadd.s32 $0xFFFFEC00  }
0x1f: {  	v3 =	vld [tilespmem:$0x0];
	_ =	sdelay $0x4  }
0x20: {  	v4 =	vshll.u32 v3, $0x1  }
0x21: {  	v3 =	vand.u32 $0x7, v3;
	v4 =	vand.u32 $0xFFFFFFF0, v4  }
0x22: {  	v3 =	vor.u32 v3, v4  }
0x23: {  	v4 =	vperm.xlane v3, v0;
	_ =	sdelay $0x1  }
0x24: {  	v3 =	vperm.xlane v3, v2;
	v4 =	vadd.s32 v1, v4;
	_ =	sdelay $0x1  }
0x25: {  	v3 =	vadd.s32 v1, v3;
	_ =	sdelay $0x2  }
0x26: {  	[tilespmem:s9], [sflag:$0x1] =	stream.indirect_vreg.gather [hbm4b:s3+s2], $0x80, v4, vm0, $0xb8;
	[tilespmem:$0x11400] =	vst v63  }
0x27: {  	s20 =	simm.s32 $0x1C00  }
0x28: {  	[tilespmem:s20], [sflag:$0x1] =	stream.indirect_vreg.gather [hbm4b:s3+s2], $0x80, v3, vm0, $0xb8;
	[tilespmem:$0x11400] =	vst v63  }
0x29: {  	v3 =	vld [tilespmem:$0x10];
	_ =	sdelay $0x4  }
0x2a: {  	v57 =	vshll.u32 v3, $0x1  }
0x2b: {  	v3 =	vand.u32 $0x7, v3;
	v4 =	vand.u32 $0xFFFFFFF0, v57  }
0x2c: {  	v3 =	vor.u32 v3, v4  }
0x2d: {  	v4 =	vperm.xlane v3, v0;
	_ =	sdelay $0x1  }
0x2e: {  	v3 =	vperm.xlane v3, v2;
	v4 =	vadd.s32 v1, v4;
	_ =	sdelay $0x1  }
0x2f: {  	v3 =	vadd.s32 v1, v3;
	_ =	sdelay $0x1  }
0x30: {  	s19 =	simm.s32 $0x2400  }
0x31: {  	[tilespmem:s19], [sflag:$0x1] =	stream.indirect_vreg.gather [hbm4b:s3+s2], $0x80, v4, vm0, $0xb8;
	[tilespmem:$0x11400] =	vst v63  }
0x32: {  	s20 =	simm.s32 $0x2C00  }
0x33: {  	[tilespmem:s20], [sflag:$0x1] =	stream.indirect_vreg.gather [hbm4b:s3+s2], $0x80, v3, vm0, $0xb8;
	[tilespmem:$0x11400] =	vst v63  }
0x34: {  	v3 =	vld [tilespmem:$0x20];
	_ =	sdelay $0x4  }
0x35: {  	v58 =	vshll.u32 v3, $0x1  }
0x36: {  	v3 =	vand.u32 $0x7, v3;
	v4 =	vand.u32 $0xFFFFFFF0, v58  }
0x37: {  	v3 =	vor.u32 v3, v4  }
0x38: {  	v4 =	vperm.xlane v3, v0;
	_ =	sdelay $0x1  }
0x39: {  	v3 =	vperm.xlane v3, v2;
	v4 =	vadd.s32 v1, v4;
	_ =	sdelay $0x1  }
0x3a: {  	v3 =	vadd.s32 v1, v3;
	_ =	sdelay $0x1  }
0x3b: {  	s19 =	simm.s32 $0x3400  }
0x3c: {  	[tilespmem:s19], [sflag:$0x1] =	stream.indirect_vreg.gather [hbm4b:s3+s2], $0x80, v4, vm0, $0xb8;
	[tilespmem:$0x11400] =	vst v63  }
0x3d: {  	s20 =	simm.s32 $0x3C00  }
0x3e: {  	[tilespmem:s20], [sflag:$0x1] =	stream.indirect_vreg.gather [hbm4b:s3+s2], $0x80, v3, vm0, $0xb8;
	[tilespmem:$0x11400] =	vst v63  }
0x3f: {  	v3 =	vld [tilespmem:$0x30];
	_ =	sdelay $0x4  }
0x40: {  	v59 =	vshll.u32 v3, $0x1  }
0x41: {  	v3 =	vand.u32 $0x7, v3;
	v4 =	vand.u32 $0xFFFFFFF0, v59  }
0x42: {  	v3 =	vor.u32 v3, v4  }
0x43: {  	v4 =	vperm.xlane v3, v0;
	_ =	sdelay $0x1  }
0x44: {  	v3 =	vperm.xlane v3, v2;
	v4 =	vadd.s32 v1, v4;
	_ =	sdelay $0x1  }
0x45: {  	v3 =	vadd.s32 v1, v3;
	_ =	sdelay $0x1  }
0x46: {  	s19 =	simm.s32 $0x4400  }
0x47: {  	[tilespmem:s19], [sflag:$0x1] =	stream.indirect_vreg.gather [hbm4b:s3+s2], $0x80, v4, vm0, $0xb8;
	[tilespmem:$0x11400] =	vst v63  }
0x48: {  	s20 =	simm.s32 $0x4C00  }
0x49: {  	[tilespmem:s20], [sflag:$0x1] =	stream.indirect_vreg.gather [hbm4b:s3+s2], $0x80, v3, vm0, $0xb8;
	[tilespmem:$0x11400] =	vst v63  }
0x4a: {  	v3 =	vld [tilespmem:$0x40];
	_ =	sdelay $0x4  }
0x4b: {  	v60 =	vshll.u32 v3, $0x1  }
0x4c: {  	v3 =	vand.u32 $0x7, v3;
	v4 =	vand.u32 $0xFFFFFFF0, v60  }
0x4d: {  	v3 =	vor.u32 v3, v4  }
0x4e: {  	v4 =	vperm.xlane v3, v0;
	_ =	sdelay $0x1  }
0x4f: {  	v3 =	vperm.xlane v3, v2;
	v4 =	vadd.s32 v1, v4;
	_ =	sdelay $0x1  }
0x50: {  	v3 =	vadd.s32 v1, v3;
	_ =	sdelay $0x1  }
0x51: {  	s19 =	simm.s32 $0x5400  }
0x52: {  	[tilespmem:s19], [sflag:$0x1] =	stream.indirect_vreg.gather [hbm4b:s3+s2], $0x80, v4, vm0, $0xb8;
	[tilespmem:$0x11400] =	vst v63  }
0x53: {  	s20 =	simm.s32 $0x5C00  }
0x54: {  	[tilespmem:s20], [sflag:$0x1] =	stream.indirect_vreg.gather [hbm4b:s3+s2], $0x80, v3, vm0, $0xb8;
	[tilespmem:$0x11400] =	vst v63  }
0x55: {  	v3 =	vld [tilespmem:$0x50];
	_ =	sdelay $0x4  }
0x56: {  	v61 =	vshll.u32 v3, $0x1  }
0x57: {  	v3 =	vand.u32 $0x7, v3;
	v4 =	vand.u32 $0xFFFFFFF0, v61  }
0x58: {  	v3 =	vor.u32 v3, v4  }
0x59: {  	v4 =	vperm.xlane v3, v0;
	_ =	sdelay $0x1  }
0x5a: {  	v3 =	vperm.xlane v3, v2;
	v4 =	vadd.s32 v1, v4;
	_ =	sdelay $0x1  }
0x5b: {  	v3 =	vadd.s32 v1, v3;
	_ =	sdelay $0x1  }
0x5c: {  	s19 =	simm.s32 $0x6400  }
0x5d: {  	[tilespmem:s19], [sflag:$0x1] =	stream.indirect_vreg.gather [hbm4b:s3+s2], $0x80, v4, vm0, $0xb8;
	[tilespmem:$0x11400] =	vst v63  }
0x5e: {  	s20 =	simm.s32 $0x6C00  }
0x5f: {  	[tilespmem:s20], [sflag:$0x1] =	stream.indirect_vreg.gather [hbm4b:s3+s2], $0x80, v3, vm0, $0xb8;
	[tilespmem:$0x11400] =	vst v63  }
0x60: {  	v3 =	vld [tilespmem:$0x60];
	_ =	sdelay $0x4  }
0x61: {  	v62 =	vshll.u32 v3, $0x1  }
0x62: {  	v3 =	vand.u32 $0x7, v3;
	v4 =	vand.u32 $0xFFFFFFF0, v62  }
0x63: {  	v3 =	vor.u32 v3, v4  }
0x64: {  	v4 =	vperm.xlane v3, v0;
	_ =	sdelay $0x1  }
0x65: {  	v3 =	vperm.xlane v3, v2;
	v4 =	vadd.s32 v1, v4;
	_ =	sdelay $0x1  }
0x66: {  	v3 =	vadd.s32 v1, v3;
	_ =	sdelay $0x2  }
0x67: {  	[tilespmem:s21], [sflag:$0x1] =	stream.indirect_vreg.gather [hbm4b:s3+s2], $0x80, v4, vm0, $0xb8;
	[tilespmem:$0x11400] =	vst v63  }
0x68: {  	_ = 	snop  }
0x69: {  	[tilespmem:s22], [sflag:$0x1] =	stream.indirect_vreg.gather [hbm4b:s3+s2], $0x80, v3, vm0, $0xb8;
	[tilespmem:$0x11400] =	vst v63  }
0x6a: {  	v3 =	vld [tilespmem:$0x70];
	_ =	sdelay $0x4  }
0x6b: {  	v63 =	vshll.u32 v3, $0x1  }
0x6c: {  	v3 =	vand.u32 $0x7, v3;
	v4 =	vand.u32 $0xFFFFFFF0, v63  }
0x6d: {  	v3 =	vor.u32 v3, v4  }
0x6e: {  	v4 =	vperm.xlane v3, v0;
	_ =	sdelay $0x1  }
0x6f: {  	v3 =	vperm.xlane v3, v2;
	v4 =	vadd.s32 v1, v4;
	_ =	sdelay $0x1  }
0x70: {  	v3 =	vadd.s32 v1, v3  }
.Ltmp2:
0x71: {  	_ = 	snop;
	(pc) =	sbr.rel .LBB2_2-.Ltmp2, $4  }
0x72: {  	_ = 	snop  }
0x73: {  	[tilespmem:s23], [sflag:$0x1] =	stream.indirect_vreg.gather [hbm4b:s3+s2], $0x80, v4, vm0, $0xb8;
	[tilespmem:$0x11400] =	vst v63  }
0x74: {  	s18 =	simm.s32 $0xC0;
	s19 =	simm.s32 $0x0  }
0x75: {  	[tilespmem:s24], [sflag:$0x1] =	stream.indirect_vreg.gather [hbm4b:s3+s2], $0x80, v3, vm0, $0xb8;
	[tilespmem:$0x11400] =	vst v63  }
.LBB2_4:
0x76: {  	_ =	swait.ge [sflag:s17], $0x8000;
	s20 =	sadd.s32 s19, s7;
	s19 =	sadd.s32 $0x2000, s19  }
0x77: {  	[sflag:s17] =	ssyncset.done $0x0;
	p0 =	sne.s32 s19, $0x28000  }
.Ltmp3:
0x78: {  	[sflag:s17] =	ssyncadd.s32 $0xFFFF8000;
	(pc) =	sbr.rel @!p0 .LBB2_5-.Ltmp3, $4  }
0x79: {  	[hbm4b:s20+s2] =	stream.linear.scatter [tilespmem:s25], [sflag:$0x3], $0x8000, $0x38;
	[tilespmem:$0x11400] =	vst v63  }
0x7a: {  	_ =	swait.ge [sflag:s8], $0x8000  }
0x7b: {  	[sflag:s8] =	ssyncset.done $0x0  }
0x7c: {  	s18 =	sadd.s32 $0x100, s18;
	[sflag:s8] =	ssyncadd.s32 $0xFFFF8000  }
.LBB2_2:
0x7d: {  	v3 =	vld [tilespmem:s18+$0xFFFFFFC0];
	_ =	sdelay $0x4  }
0x7e: {  	v4 =	vshll.u32 v3, $0x1  }
0x7f: {  	v3 =	vand.u32 $0x7, v3;
	v4 =	vand.u32 $0xFFFFFFF0, v4  }
0x80: {  	v3 =	vor.u32 v3, v4  }
0x81: {  	v4 =	vperm.xlane v3, v0;
	_ =	sdelay $0x1  }
0x82: {  	v3 =	vperm.xlane v3, v2;
	v4 =	vadd.s32 v1, v4;
	_ =	sdelay $0x1  }
0x83: {  	v3 =	vadd.s32 v1, v3;
	_ =	sdelay $0x2  }
0x84: {  	[tilespmem:s25], [sflag:$0x2] =	stream.indirect_vreg.gather [hbm4b:s3+s2], $0x80, v4, vm0, $0xb8;
	[tilespmem:$0x11400] =	vst v63  }
0x85: {  	_ = 	snop  }
0x86: {  	[tilespmem:s26], [sflag:$0x2] =	stream.indirect_vreg.gather [hbm4b:s3+s2], $0x80, v3, vm0, $0xb8;
	[tilespmem:$0x11400] =	vst v63  }
0x87: {  	v3 =	vld [tilespmem:s18+$0xFFFFFFD0];
	_ =	sdelay $0x4  }
0x88: {  	v57 =	vshll.u32 v3, $0x1  }
0x89: {  	v3 =	vand.u32 $0x7, v3;
	v4 =	vand.u32 $0xFFFFFFF0, v57  }
0x8a: {  	v3 =	vor.u32 v3, v4  }
0x8b: {  	v4 =	vperm.xlane v3, v0;
	_ =	sdelay $0x1  }
0x8c: {  	v3 =	vperm.xlane v3, v2;
	v4 =	vadd.s32 v1, v4;
	_ =	sdelay $0x1  }
0x8d: {  	v3 =	vadd.s32 v1, v3;
	_ =	sdelay $0x2  }
0x8e: {  	[tilespmem:s28], [sflag:$0x2] =	stream.indirect_vreg.gather [hbm4b:s3+s2], $0x80, v4, vm0, $0xb8;
	[tilespmem:$0x11400] =	vst v63  }
0x8f: {  	_ = 	snop  }
0x90: {  	[tilespmem:s29], [sflag:$0x2] =	stream.indirect_vreg.gather [hbm4b:s3+s2], $0x80, v3, vm0, $0xb8;
	[tilespmem:$0x11400] =	vst v63  }
0x91: {  	v3 =	vld [tilespmem:s18+$0xFFFFFFE0];
	_ =	sdelay $0x4  }
0x92: {  	v58 =	vshll.u32 v3, $0x1  }
0x93: {  	v3 =	vand.u32 $0x7, v3;
	v4 =	vand.u32 $0xFFFFFFF0, v58  }
0x94: {  	v3 =	vor.u32 v3, v4  }
0x95: {  	v4 =	vperm.xlane v3, v0;
	_ =	sdelay $0x1  }
0x96: {  	v3 =	vperm.xlane v3, v2;
	v4 =	vadd.s32 v1, v4;
	_ =	sdelay $0x1  }
0x97: {  	v3 =	vadd.s32 v1, v3;
	_ =	sdelay $0x2  }
0x98: {  	[tilespmem:s30], [sflag:$0x2] =	stream.indirect_vreg.gather [hbm4b:s3+s2], $0x80, v4, vm0, $0xb8;
	[tilespmem:$0x11400] =	vst v63  }
0x99: {  	_ = 	snop  }
0x9a: {  	[tilespmem:s31], [sflag:$0x2] =	stream.indirect_vreg.gather [hbm4b:s3+s2], $0x80, v3, vm0, $0xb8;
	[tilespmem:$0x11400] =	vst v63  }
0x9b: {  	v3 =	vld [tilespmem:s18+$0xFFFFFFF0];
	_ =	sdelay $0x4  }
0x9c: {  	v59 =	vshll.u32 v3, $0x1  }
0x9d: {  	v3 =	vand.u32 $0x7, v3;
	v4 =	vand.u32 $0xFFFFFFF0, v59  }
0x9e: {  	v3 =	vor.u32 v3, v4  }
0x9f: {  	v4 =	vperm.xlane v3, v0;
	_ =	sdelay $0x1  }
0xa0: {  	v3 =	vperm.xlane v3, v2;
	v4 =	vadd.s32 v1, v4;
	_ =	sdelay $0x1  }
0xa1: {  	v3 =	vadd.s32 v1, v3;
	_ =	sdelay $0x2  }
0xa2: {  	[tilespmem:s1], [sflag:$0x2] =	stream.indirect_vreg.gather [hbm4b:s3+s2], $0x80, v4, vm0, $0xb8;
	[tilespmem:$0x11400] =	vst v63  }
0xa3: {  	_ = 	snop  }
0xa4: {  	[tilespmem:s0], [sflag:$0x2] =	stream.indirect_vreg.gather [hbm4b:s3+s2], $0x80, v3, vm0, $0xb8;
	[tilespmem:$0x11400] =	vst v63  }
0xa5: {  	v3 =	vld [tilespmem:s18+$0x0];
	_ =	sdelay $0x4  }
0xa6: {  	v60 =	vshll.u32 v3, $0x1  }
0xa7: {  	v3 =	vand.u32 $0x7, v3;
	v4 =	vand.u32 $0xFFFFFFF0, v60  }
0xa8: {  	v3 =	vor.u32 v3, v4  }
0xa9: {  	v4 =	vperm.xlane v3, v0;
	_ =	sdelay $0x1  }
0xaa: {  	v3 =	vperm.xlane v3, v2;
	v4 =	vadd.s32 v1, v4;
	_ =	sdelay $0x1  }
0xab: {  	v3 =	vadd.s32 v1, v3;
	_ =	sdelay $0x2  }
0xac: {  	[tilespmem:s4], [sflag:$0x2] =	stream.indirect_vreg.gather [hbm4b:s3+s2], $0x80, v4, vm0, $0xb8;
	[tilespmem:$0x11400] =	vst v63  }
0xad: {  	_ = 	snop  }
0xae: {  	[tilespmem:s5], [sflag:$0x2] =	stream.indirect_vreg.gather [hbm4b:s3+s2], $0x80, v3, vm0, $0xb8;
	[tilespmem:$0x11400] =	vst v63  }
0xaf: {  	v3 =	vld [tilespmem:s18+$0x10];
	_ =	sdelay $0x4  }
0xb0: {  	v61 =	vshll.u32 v3, $0x1  }
0xb1: {  	v3 =	vand.u32 $0x7, v3;
	v4 =	vand.u32 $0xFFFFFFF0, v61  }
0xb2: {  	v3 =	vor.u32 v3, v4  }
0xb3: {  	v4 =	vperm.xlane v3, v0;
	_ =	sdelay $0x1  }
0xb4: {  	v3 =	vperm.xlane v3, v2;
	v4 =	vadd.s32 v1, v4;
	_ =	sdelay $0x1  }
0xb5: {  	v3 =	vadd.s32 v1, v3;
	_ =	sdelay $0x2  }
0xb6: {  	[tilespmem:s10], [sflag:$0x2] =	stream.indirect_vreg.gather [hbm4b:s3+s2], $0x80, v4, vm0, $0xb8;
	[tilespmem:$0x11400] =	vst v63  }
0xb7: {  	_ = 	snop  }
0xb8: {  	[tilespmem:s11], [sflag:$0x2] =	stream.indirect_vreg.gather [hbm4b:s3+s2], $0x80, v3, vm0, $0xb8;
	[tilespmem:$0x11400] =	vst v63  }
0xb9: {  	v3 =	vld [tilespmem:s18+$0x20];
	_ =	sdelay $0x4  }
0xba: {  	v62 =	vshll.u32 v3, $0x1  }
0xbb: {  	v3 =	vand.u32 $0x7, v3;
	v4 =	vand.u32 $0xFFFFFFF0, v62  }
0xbc: {  	v3 =	vor.u32 v3, v4  }
0xbd: {  	v4 =	vperm.xlane v3, v0;
	_ =	sdelay $0x1  }
0xbe: {  	v3 =	vperm.xlane v3, v2;
	v4 =	vadd.s32 v1, v4;
	_ =	sdelay $0x1  }
0xbf: {  	v3 =	vadd.s32 v1, v3;
	_ =	sdelay $0x2  }
0xc0: {  	[tilespmem:s12], [sflag:$0x2] =	stream.indirect_vreg.gather [hbm4b:s3+s2], $0x80, v4, vm0, $0xb8;
	[tilespmem:$0x11400] =	vst v63  }
0xc1: {  	_ = 	snop  }
0xc2: {  	[tilespmem:s13], [sflag:$0x2] =	stream.indirect_vreg.gather [hbm4b:s3+s2], $0x80, v3, vm0, $0xb8;
	[tilespmem:$0x11400] =	vst v63  }
0xc3: {  	v3 =	vld [tilespmem:s18+$0x30];
	_ =	sdelay $0x4  }
0xc4: {  	v63 =	vshll.u32 v3, $0x1  }
0xc5: {  	v3 =	vand.u32 $0x7, v3;
	v4 =	vand.u32 $0xFFFFFFF0, v63  }
0xc6: {  	v3 =	vor.u32 v3, v4  }
0xc7: {  	v4 =	vperm.xlane v3, v0;
	_ =	sdelay $0x1  }
0xc8: {  	v3 =	vperm.xlane v3, v2;
	v4 =	vadd.s32 v1, v4;
	_ =	sdelay $0x1  }
0xc9: {  	v3 =	vadd.s32 v1, v3;
	_ =	sdelay $0x2  }
0xca: {  	[tilespmem:s14], [sflag:$0x2] =	stream.indirect_vreg.gather [hbm4b:s3+s2], $0x80, v4, vm0, $0xb8;
	[tilespmem:$0x11400] =	vst v63  }
0xcb: {  	_ = 	snop  }
0xcc: {  	[tilespmem:s15], [sflag:$0x2] =	stream.indirect_vreg.gather [hbm4b:s3+s2], $0x80, v3, vm0, $0xb8;
	[tilespmem:$0x11400] =	vst v63  }
0xcd: {  	_ =	swait.ge [sflag:s16], $0x8000  }
0xce: {  	p0 =	seq.s32 s19, $0x26000;
	[sflag:s16] =	ssyncset.done $0x0  }
.Ltmp4:
0xcf: {  	s20 =	sadd.s32 s19, s6;
	[sflag:s16] =	ssyncadd.s32 $0xFFFF8000;
	(pc) =	sbr.rel @p0 .LBB2_4-.Ltmp4, $4  }
0xd0: {  	[hbm4b:s20+s2] =	stream.linear.scatter [tilespmem:s9], [sflag:$0x3], $0x8000, $0x38;
	[tilespmem:$0x11400] =	vst v63  }
0xd1: {  	_ =	swait.ge [sflag:s8], $0x8000  }
0xd2: {  	[sflag:s8] =	ssyncset.done $0x0  }
0xd3: {  	[sflag:s8] =	ssyncadd.s32 $0xFFFF8000  }
0xd4: {  	v3 =	vld [tilespmem:s18+$0x40];
	_ =	sdelay $0x4  }
0xd5: {  	v4 =	vshll.u32 v3, $0x1  }
0xd6: {  	v3 =	vand.u32 $0x7, v3;
	v4 =	vand.u32 $0xFFFFFFF0, v4  }
0xd7: {  	v3 =	vor.u32 v3, v4  }
0xd8: {  	v4 =	vperm.xlane v3, v0;
	_ =	sdelay $0x1  }
0xd9: {  	v3 =	vperm.xlane v3, v2;
	v4 =	vadd.s32 v1, v4;
	_ =	sdelay $0x1  }
0xda: {  	v3 =	vadd.s32 v1, v3;
	_ =	sdelay $0x2  }
0xdb: {  	[tilespmem:s9], [sflag:$0x1] =	stream.indirect_vreg.gather [hbm4b:s3+s2], $0x80, v4, vm0, $0xb8;
	[tilespmem:$0x11400] =	vst v63  }
0xdc: {  	s20 =	simm.s32 $0x1C00  }
0xdd: {  	[tilespmem:s20], [sflag:$0x1] =	stream.indirect_vreg.gather [hbm4b:s3+s2], $0x80, v3, vm0, $0xb8;
	[tilespmem:$0x11400] =	vst v63  }
0xde: {  	v3 =	vld [tilespmem:s18+$0x50];
	_ =	sdelay $0x4  }
0xdf: {  	v57 =	vshll.u32 v3, $0x1  }
0xe0: {  	v3 =	vand.u32 $0x7, v3;
	v4 =	vand.u32 $0xFFFFFFF0, v57  }
0xe1: {  	v3 =	vor.u32 v3, v4  }
0xe2: {  	v4 =	vperm.xlane v3, v0;
	_ =	sdelay $0x1  }
0xe3: {  	v3 =	vperm.xlane v3, v2;
	v4 =	vadd.s32 v1, v4;
	_ =	sdelay $0x1  }
0xe4: {  	v3 =	vadd.s32 v1, v3;
	_ =	sdelay $0x1  }
0xe5: {  	s20 =	simm.s32 $0x2400  }
0xe6: {  	[tilespmem:s20], [sflag:$0x1] =	stream.indirect_vreg.gather [hbm4b:s3+s2], $0x80, v4, vm0, $0xb8;
	[tilespmem:$0x11400] =	vst v63  }
0xe7: {  	s20 =	simm.s32 $0x2C00  }
0xe8: {  	[tilespmem:s20], [sflag:$0x1] =	stream.indirect_vreg.gather [hbm4b:s3+s2], $0x80, v3, vm0, $0xb8;
	[tilespmem:$0x11400] =	vst v63  }
0xe9: {  	v3 =	vld [tilespmem:s18+$0x60];
	_ =	sdelay $0x4  }
0xea: {  	v58 =	vshll.u32 v3, $0x1  }
0xeb: {  	v3 =	vand.u32 $0x7, v3;
	v4 =	vand.u32 $0xFFFFFFF0, v58  }
0xec: {  	v3 =	vor.u32 v3, v4  }
0xed: {  	v4 =	vperm.xlane v3, v0;
	_ =	sdelay $0x1  }
0xee: {  	v3 =	vperm.xlane v3, v2;
	v4 =	vadd.s32 v1, v4;
	_ =	sdelay $0x1  }
0xef: {  	v3 =	vadd.s32 v1, v3;
	_ =	sdelay $0x1  }
0xf0: {  	s20 =	simm.s32 $0x3400  }
0xf1: {  	[tilespmem:s20], [sflag:$0x1] =	stream.indirect_vreg.gather [hbm4b:s3+s2], $0x80, v4, vm0, $0xb8;
	[tilespmem:$0x11400] =	vst v63  }
0xf2: {  	s20 =	simm.s32 $0x3C00  }
0xf3: {  	[tilespmem:s20], [sflag:$0x1] =	stream.indirect_vreg.gather [hbm4b:s3+s2], $0x80, v3, vm0, $0xb8;
	[tilespmem:$0x11400] =	vst v63  }
0xf4: {  	v3 =	vld [tilespmem:s18+$0x70];
	_ =	sdelay $0x4  }
0xf5: {  	v59 =	vshll.u32 v3, $0x1  }
0xf6: {  	v3 =	vand.u32 $0x7, v3;
	v4 =	vand.u32 $0xFFFFFFF0, v59  }
0xf7: {  	v3 =	vor.u32 v3, v4  }
0xf8: {  	v4 =	vperm.xlane v3, v0;
	_ =	sdelay $0x1  }
0xf9: {  	v3 =	vperm.xlane v3, v2;
	v4 =	vadd.s32 v1, v4;
	_ =	sdelay $0x1  }
0xfa: {  	v3 =	vadd.s32 v1, v3;
	_ =	sdelay $0x1  }
0xfb: {  	s20 =	simm.s32 $0x4400  }
0xfc: {  	[tilespmem:s20], [sflag:$0x1] =	stream.indirect_vreg.gather [hbm4b:s3+s2], $0x80, v4, vm0, $0xb8;
	[tilespmem:$0x11400] =	vst v63  }
0xfd: {  	s20 =	simm.s32 $0x4C00  }
0xfe: {  	[tilespmem:s20], [sflag:$0x1] =	stream.indirect_vreg.gather [hbm4b:s3+s2], $0x80, v3, vm0, $0xb8;
	[tilespmem:$0x11400] =	vst v63  }
0xff: {  	v3 =	vld [tilespmem:s18+$0x80];
	_ =	sdelay $0x4  }
0x100: {  	v60 =	vshll.u32 v3, $0x1  }
0x101: {  	v3 =	vand.u32 $0x7, v3;
	v4 =	vand.u32 $0xFFFFFFF0, v60  }
0x102: {  	v3 =	vor.u32 v3, v4  }
0x103: {  	v4 =	vperm.xlane v3, v0;
	_ =	sdelay $0x1  }
0x104: {  	v3 =	vperm.xlane v3, v2;
	v4 =	vadd.s32 v1, v4;
	_ =	sdelay $0x1  }
0x105: {  	v3 =	vadd.s32 v1, v3;
	_ =	sdelay $0x1  }
0x106: {  	s20 =	simm.s32 $0x5400  }
0x107: {  	[tilespmem:s20], [sflag:$0x1] =	stream.indirect_vreg.gather [hbm4b:s3+s2], $0x80, v4, vm0, $0xb8;
	[tilespmem:$0x11400] =	vst v63  }
0x108: {  	s20 =	simm.s32 $0x5C00  }
0x109: {  	[tilespmem:s20], [sflag:$0x1] =	stream.indirect_vreg.gather [hbm4b:s3+s2], $0x80, v3, vm0, $0xb8;
	[tilespmem:$0x11400] =	vst v63  }
0x10a: {  	v3 =	vld [tilespmem:s18+$0x90];
	_ =	sdelay $0x4  }
0x10b: {  	v61 =	vshll.u32 v3, $0x1  }
0x10c: {  	v3 =	vand.u32 $0x7, v3;
	v4 =	vand.u32 $0xFFFFFFF0, v61  }
0x10d: {  	v3 =	vor.u32 v3, v4  }
0x10e: {  	v4 =	vperm.xlane v3, v0;
	_ =	sdelay $0x1  }
0x10f: {  	v3 =	vperm.xlane v3, v2;
	v4 =	vadd.s32 v1, v4;
	_ =	sdelay $0x1  }
0x110: {  	v3 =	vadd.s32 v1, v3;
	_ =	sdelay $0x1  }
0x111: {  	s20 =	simm.s32 $0x6400  }
0x112: {  	[tilespmem:s20], [sflag:$0x1] =	stream.indirect_vreg.gather [hbm4b:s3+s2], $0x80, v4, vm0, $0xb8;
	[tilespmem:$0x11400] =	vst v63  }
0x113: {  	s20 =	simm.s32 $0x6C00  }
0x114: {  	[tilespmem:s20], [sflag:$0x1] =	stream.indirect_vreg.gather [hbm4b:s3+s2], $0x80, v3, vm0, $0xb8;
	[tilespmem:$0x11400] =	vst v63  }
0x115: {  	v3 =	vld [tilespmem:s18+$0xA0];
	_ =	sdelay $0x4  }
0x116: {  	v62 =	vshll.u32 v3, $0x1  }
0x117: {  	v3 =	vand.u32 $0x7, v3;
	v4 =	vand.u32 $0xFFFFFFF0, v62  }
0x118: {  	v3 =	vor.u32 v3, v4  }
0x119: {  	v4 =	vperm.xlane v3, v0;
	_ =	sdelay $0x1  }
0x11a: {  	v3 =	vperm.xlane v3, v2;
	v4 =	vadd.s32 v1, v4;
	_ =	sdelay $0x1  }
0x11b: {  	v3 =	vadd.s32 v1, v3;
	_ =	sdelay $0x2  }
0x11c: {  	[tilespmem:s21], [sflag:$0x1] =	stream.indirect_vreg.gather [hbm4b:s3+s2], $0x80, v4, vm0, $0xb8;
	[tilespmem:$0x11400] =	vst v63  }
0x11d: {  	_ = 	snop  }
0x11e: {  	[tilespmem:s22], [sflag:$0x1] =	stream.indirect_vreg.gather [hbm4b:s3+s2], $0x80, v3, vm0, $0xb8;
	[tilespmem:$0x11400] =	vst v63  }
0x11f: {  	v3 =	vld [tilespmem:s18+$0xB0];
	_ =	sdelay $0x4  }
0x120: {  	v63 =	vshll.u32 v3, $0x1  }
0x121: {  	v3 =	vand.u32 $0x7, v3;
	v4 =	vand.u32 $0xFFFFFFF0, v63  }
0x122: {  	v3 =	vor.u32 v3, v4  }
0x123: {  	v4 =	vperm.xlane v3, v0;
	_ =	sdelay $0x1  }
0x124: {  	v3 =	vperm.xlane v3, v2;
	v4 =	vadd.s32 v1, v4;
	_ =	sdelay $0x1  }
0x125: {  	v3 =	vadd.s32 v1, v3  }
.Ltmp5:
0x126: {  	_ = 	snop;
	(pc) =	sbr.rel .LBB2_4-.Ltmp5, $4  }
0x127: {  	_ = 	snop  }
0x128: {  	[tilespmem:s23], [sflag:$0x1] =	stream.indirect_vreg.gather [hbm4b:s3+s2], $0x80, v4, vm0, $0xb8;
	[tilespmem:$0x11400] =	vst v63  }
0x129: {  	_ = 	snop  }
0x12a: {  	[tilespmem:s24], [sflag:$0x1] =	stream.indirect_vreg.gather [hbm4b:s3+s2], $0x80, v3, vm0, $0xb8;
	[tilespmem:$0x11400] =	vst v63  }
.LBB2_6:
0x12b: {  	_ =	sfence.sel $0x180000  }
0x12c: {  	[bflag:$0x0] =	sbarrier.arrive $0xFFFF  }
0x12d: {  	_ =	strace $0x90000047  }
0x12e: {  	s0 =	stileid.u32;
	[bflag:$0x2] =	sbarrier.arrive $0xFFFF  }
0x12f: {  	p0 =	sne.s32 s0, $0x0;
	s0 =	rddreg [dreg:$0x1]  }
0x130: {  	s0 =	sadd.s32 @!p0 $0x100000, s0  }
0x131: {  	[sflag:s0] =	ssyncadd.tile.s32 @!p0 $0x1;
	_ =	shalt  }
.Lfunc_end2:
_tile_overlayer_lowered:
.L_overlay_start_2:
0x132: {  	(tag) =	ssettag $0x2  }
0x133: {  	s0 =	rddreg [dreg:$0x0];
	s2 =	stileid.u32  }
0x134: {  	s1 =	rddreg [dreg:$0x1];
	p0 =	sne.s32 s2, $0x0  }
0x135: {  	s3 =	rddreg [dreg:$0x2];
	[bflag:$0x3] =	sbarrier.arrive $0xFFFF;
	s2 =	simm.s32 @!p0 $0x1C03  }
0x136: {  	[timem:s3], [sflag:s2] =	dma.local @!p0 [hbm:s0], s1  }
0x137: {  	s0 =	simm.s32 @!p0 $0x3  }
0x138: {  	_ =	swait.ge @!p0 [sflag:s0], s1  }
0x139: {  	s1 =	ssub.s32 @!p0 $0x0, s1;
	[sflag:s0] =	ssyncset.done @!p0 $0x0  }
0x13a: {  	[sflag:s0] =	ssyncadd.s32 @!p0 s1  }
0x13b: {  	[bflag:$0x3] =	sbarrier.arrive $0xFFFF  }
0x13c: {  	_ =	shalt  }

// kernel: kernel.14.cloned.1.call-start
scs
__scs_entry_jumppad:
0x0: {  	(pc) =	sbr.rel $0x88, $3  }
0x1: {  	(tag) =	ssettag $0x0;
	lr =	simm.s32 $0x1  }
0x2: {  	[smem:$0x3F41] =	sst lr;
	_ =	strace $0xD0000000  }
0x3: {  	_ = 	snop  }
0x4: {  	_ = 	snop  }
0x5: {  	_ = 	snop  }
0x6: {  	_ = 	snop  }
0x7: {  	_ = 	snop  }
__scs_overlays_trampoline_lowered:
0x8: {  	[smem:$0x3F50] =	sst s0  }
0x9: {  	[smem:$0x3F51] =	sst s1  }
0xa: {  	[smem:$0x3F52] =	sst s2  }
0xb: {  	[smem:$0x3F53] =	sst s3  }
0xc: {  	[smem:$0x3F54] =	sst s4  }
0xd: {  	[smem:$0x3F55] =	sst s5  }
0xe: {  	[smem:$0x3F56] =	sst s6  }
0xf: {  	[smem:$0x3F57] =	sst s7  }
0x10: {  	[smem:$0x3F58] =	sst s8  }
0x11: {  	[smem:$0x3F59] =	sst s9;
	s0 =	simm.s32 @!p0 $0x0  }
0x12: {  	s1 =	sld [smem:$0x3F3F];
	s0 =	simm.s32 @p0 $0x1  }
0x13: {  	[smem:$0x3F5A] =	sst s0;
	s0 =	simm.s32 @!p1 $0x0  }
0x14: {  	s2 =	sld [smem:$0x3F3E];
	s0 =	simm.s32 @p1 $0x1  }
0x15: {  	[smem:$0x3F5B] =	sst s0;
	s0 =	simm.s32 @!p2 $0x0  }
0x16: {  	s3 =	sld [smem:$0x3FDB];
	s0 =	simm.s32 @p2 $0x1  }
0x17: {  	s4 =	simm.s32 $0x1BF5;
	[smem:$0x3F5D] =	sst s0  }
0x18: {  	s0 =	sld [smem:$0x3F40];
	_ =	swait.ge [sflag:s4], $0x0  }
0x19: {  	s7 =	sld [smem:$0x3F41]  }
0x1a: {  	s8 =	sadd.s32 $0xFFFFE003, lr  }
0x1b: {  	s9 =	sadd.s32 $0xFFFFFEF7, lr;
	s5 =	simm.s32 $0xFFFFFFFF;
	p2 =	slt.u32 s8, $0xFFFFF086  }
0x1c: {  	p1 =	slt.u32 s9, $0xF7A;
	s5 =	simm.s32 @!p2 $0x0  }
0x1d: {  	s5 =	simm.s32 @p1 $0x1;
	p0 =	seq.s32 s7, s2  }
0x1e: {  	s7 =	smul.u32 @!p0 $0xF7A, s2;
	p2 =	seq.s32 @!p0 s5, $0x0  }
0x1f: {  	s9 =	smul.u32 $0xF7A, s1;
	s8 =	simm.s32 @!p0 $0x1BF5;
	p2 =	por !p2, p0  }
0x20: {  	[sflag:s8] =	ssyncset.s32 @!p0 $0xFFFFF086;
	s6 =	sadd.s32 @!p0 s3, s7;
	s7 =	simm.s32 @!p0 $0x108  }
0x21: {  	s3 =	sadd.s32 s3, s9;
	s6 =	sadd.s32 @!p0 $0x88, s6;
	s7 =	simm.s32 @p2 $0x1082  }
0x22: {  	[simem:s7], [sflag:s8] =	dma.local @!p0 [hbm:s6], $0xF7A  }
0x23: {  	s9 =	sor.u32 $0xD0000000, s2;
	s6 =	simm.s32 $0x108;
	_ =	swait.ge @!p0 [sflag:s8], $0x0  }
0x24: {  	s3 =	sadd.s32 $0x88, s3;
	s6 =	simm.s32 @!p1 $0x1082;
	[sflag:s4] =	ssyncset.s32 $0xFFFFF086  }
0x25: {  	[simem:s6], [sflag:s4] =	dma.local [hbm:s3], $0xF7A  }
0x26: {  	[smem:$0x3F41] =	sst s1;
	(tag) =	ssettag s2;
	_ =	strace s9  }
0x27: {  	s1 =	sld [smem:$0x3F51]  }
0x28: {  	s2 =	sld [smem:$0x3F52]  }
0x29: {  	s4 =	sld [smem:$0x3F54]  }
0x2a: {  	p0 =	seq.s32 s5, $0x0;
	s5 =	sld [smem:$0x3F55]  }
0x2b: {  	s6 =	sld [smem:$0x3F56]  }
0x2c: {  	s7 =	sld [smem:$0x3F57]  }
0x2d: {  	s3 =	simm.s32 $0x108;
	s8 =	sld [smem:$0x3F58]  }
0x2e: {  	s3 =	simm.s32 @!p0 $0x1082;
	s9 =	sld [smem:$0x3F59]  }
0x2f: {  	lr =	sadd.s32 s0, s3;
	s0 =	sld [smem:$0x3F50]  }
0x30: {  	s3 =	sld [smem:$0x3F53]  }
0x31: {  	[smem:$0x3F5C] =	sst s10  }
0x32: {  	s10 =	sld [smem:$0x3F5A];
	_ =	sdelay $0x3  }
0x33: {  	p0 =	seq.s32 s10, $0x1;
	s10 =	sld [smem:$0x3F5C];
	_ =	sdelay $0x3  }
0x34: {  	[smem:$0x3F5C] =	sst s10  }
0x35: {  	s10 =	sld [smem:$0x3F5B];
	_ =	sdelay $0x3  }
0x36: {  	p1 =	seq.s32 s10, $0x1;
	s10 =	sld [smem:$0x3F5C];
	_ =	sdelay $0x3  }
0x37: {  	[smem:$0x3F5C] =	sst s10  }
0x38: {  	s10 =	sld [smem:$0x3F5D]  }
0x39: {  	_ = 	snop;
	(pc) =	sbr.ind lr, $3  }
0x3a: {  	_ = 	snop  }
0x3b: {  	_ = 	snop  }
0x3c: {  	p2 =	seq.s32 s10, $0x1;
	s10 =	sld [smem:$0x3F5C]  }
0x3d: {  	_ =	shalt  }
0x3e: {  	_ =	shalt  }
0x3f: {  	_ =	shalt  }
0x40: {  	_ =	shalt  }
0x41: {  	_ =	shalt  }
0x42: {  	_ =	shalt  }
0x43: {  	_ =	shalt  }
0x44: {  	_ =	shalt  }
0x45: {  	_ =	shalt  }
0x46: {  	_ =	shalt  }
0x47: {  	_ =	shalt  }
0x48: {  	_ =	shalt  }
0x49: {  	_ =	shalt  }
0x4a: {  	_ =	shalt  }
0x4b: {  	_ =	shalt  }
0x4c: {  	_ =	shalt  }
0x4d: {  	_ =	shalt  }
0x4e: {  	_ =	shalt  }
0x4f: {  	_ =	shalt  }
0x50: {  	_ =	shalt  }
0x51: {  	_ =	shalt  }
0x52: {  	_ =	shalt  }
0x53: {  	_ =	shalt  }
0x54: {  	_ =	shalt  }
0x55: {  	_ =	shalt  }
0x56: {  	_ =	shalt  }
0x57: {  	_ =	shalt  }
0x58: {  	_ =	shalt  }
0x59: {  	_ =	shalt  }
0x5a: {  	_ =	shalt  }
0x5b: {  	_ =	shalt  }
0x5c: {  	_ =	shalt  }
0x5d: {  	_ =	shalt  }
0x5e: {  	_ =	shalt  }
0x5f: {  	_ =	shalt  }
0x60: {  	_ =	shalt  }
0x61: {  	_ =	shalt  }
0x62: {  	_ =	shalt  }
0x63: {  	_ =	shalt  }
0x64: {  	_ =	shalt  }
0x65: {  	_ =	shalt  }
0x66: {  	_ =	shalt  }
0x67: {  	_ =	shalt  }
0x68: {  	_ =	shalt  }
0x69: {  	_ =	shalt  }
0x6a: {  	_ =	shalt  }
0x6b: {  	_ =	shalt  }
0x6c: {  	_ =	shalt  }
0x6d: {  	_ =	shalt  }
0x6e: {  	_ =	shalt  }
0x6f: {  	_ =	shalt  }
0x70: {  	_ =	shalt  }
0x71: {  	_ =	shalt  }
0x72: {  	_ =	shalt  }
0x73: {  	_ =	shalt  }
0x74: {  	_ =	shalt  }
0x75: {  	_ =	shalt  }
0x76: {  	_ =	shalt  }
0x77: {  	_ =	shalt  }
0x78: {  	_ =	shalt  }
0x79: {  	_ =	shalt  }
0x7a: {  	_ =	shalt  }
0x7b: {  	_ =	shalt  }
0x7c: {  	_ =	shalt  }
0x7d: {  	_ =	shalt  }
0x7e: {  	_ =	shalt  }
0x7f: {  	_ =	shalt  }
0x80: {  	_ =	shalt  }
0x81: {  	_ =	shalt  }
0x82: {  	_ =	shalt  }
0x83: {  	_ =	shalt  }
0x84: {  	_ =	shalt  }
0x85: {  	_ =	shalt  }
0x86: {  	_ =	shalt  }
0x87: {  	_ =	shalt  }
.Lfunc_end0:
.L_simem_size_0:
called_computation.1_lowered:
.L_overlay_start_0:
0x88: {  	s2 =	sld [smem:$0x3FD9]  }
0x89: {  	s3 =	sld [smem:$0x3FFE];
	_ =	sdelay $0x1  }
0x8a: {  	s1 =	srdreg.scid  }
0x8b: {  	s0 =	sand.u32 $0x1, s1  }
0x8c: {  	s14 =	sshll.u32 s0, $0xA;
	s2 =	sadd.s32 s3, s2  }
0x8d: {  	s2 =	sadd.s32 s2, s14  }
0x8e: {  	[smem:$0x3F68] =	sst s2  }
0x8f: {  	_ = 	snop  }
0x90: {  	s2 =	sld [smem:$0x3FD0];
	_ =	sdelay $0x2  }
0x91: {  	s15 =	simm.s32 $0xA;
	s4 =	simm.s32 $0x10  }
0x92: {  	[smem:s4], [sflag:s15] =	dma.local [hbm:s2], $0x1  }
0x93: {  	_ =	swait.eq [sflag:s15], $0x1  }
0x94: {  	[sflag:s15] =	ssyncset.done $0x0  }
0x95: {  	[sflag:s15] =	ssyncadd.s32 $0xFFFFFFFF  }
0x96: {  	s16 =	sld [smem:$0x11];
	(tm) =	ssettm $0x1  }
0x97: {  	s17 =	sld [smem:$0x3FFB];
	_ =	sdelay $0x3  }
0x98: {  	_ =	strace s17  }
0x99: {  	s3 =	sld [smem:$0x3FFC];
	_ =	sdelay $0x3  }
0x9a: {  	_ =	strace s3  }
0x9b: {  	s3 =	sld [smem:$0x3FFD];
	_ =	sdelay $0x3  }
0x9c: {  	_ =	strace s3  }
0x9d: {  	_ =	strace $0x8FFFFFFF  }
0x9e: {  	s18 =	sld [smem:$0x3FDB];
	_ =	sdelay $0x1  }
0x9f: {  	s19 =	simm.s32 $_scs_section_size  }
0xa0: {  	s5 =	simm.s32 $_size__tile_overlayer_lowered;
	s6 =	simm.s32 $_tile_overlayer_lowered  }
0xa1: {  	s22 =	simm.s32 $0x1BFF;
	s21 =	sshll.u32 s6, $0x1;
	s3 =	sadd.s32 s19, s18  }
0xa2: {  	s7 =	simm.s32 $0x0;
	s20 =	sshll.u32 s5, $0x1;
	s5 =	sadd.s32 s21, s3  }
0xa3: {  	[timem:s7], [sflag:s22] =	dma.local [hbm:s5], s20  }
0xa4: {  	_ =	swait.ge [sflag:s22], s20  }
0xa5: {  	s4 =	ssub.s32 $0x0, s20;
	[sflag:s22] =	ssyncset.done $0x0  }
0xa6: {  	[sflag:s22] =	ssyncadd.s32 s4;
	_ =	sdelay $0x1  }
0xa7: {  	s23 =	simm.s32 $0x1B8B  }
0xa8: {  	_ =	swait.ge [sflag:s23], $0x1  }
0xa9: {  	[sflag:s23] =	ssyncset.done $0x0  }
0xaa: {  	s25 =	simm.s32 $0x1B8E;
	s24 =	sld [smem:$0x3FFE];
	[sflag:s23] =	ssyncadd.s32 $0xFFFFFFFF  }
0xab: {  	s26 =	simm.s32 $execute0_lowered;
	[smem:$0x3FD2] =	sst s25  }
0xac: {  	s5 =	sshll.u32 s26, $0x1;
	_ =	strace $0x80000049;
	[dreg:$0x1] =	wrdreg $0xFFFFFFFF  }
0xad: {  	s28 =	simm.s32 $_size_execute0_lowered;
	s3 =	sadd.s32 s3, s5;
	[dreg:$0x0] =	wrdreg $0x0  }
0xae: {  	s5 =	sshll.u32 s28, $0x1;
	[dreg:$0x2] =	wrdreg s3  }
0xaf: {  	[dreg:$0x3] =	wrdreg s5  }
0xb0: {  	[dreg:$0x4] =	wrdreg $0xC0  }
0xb1: {  	_ =	task [dreg:s7], $0x5FFFF  }
0xb2: {  	[dreg:$0x1] =	wrdreg $0xFFFFFFFF  }
0xb3: {  	[dreg:$0x0] =	wrdreg $0x60  }
0xb4: {  	[dreg:$0x2] =	wrdreg s16  }
0xb5: {  	[dreg:$0x3] =	wrdreg s24  }
0xb6: {  	[dreg:$0x4] =	wrdreg $0x9  }
0xb7: {  	_ =	task.clear_ibuf [dreg:s7], $0x5FFFF;
	_ =	strace $0x90000049  }
0xb8: {  	s29 =	simm.s32 $0x9;
	_ =	strace $0x8000004B  }
0xb9: {  	_ =	swait.ge [sflag:s29], $0x1  }
0xba: {  	[sflag:s29] =	ssyncadd.s32 $0xFFFFFFFF  }
0xbb: {  	_ =	strace $0x9000004B  }
0xbc: {  	_ =	sfence  }
0xbd: {  	s30 =	sld [smem:$0x0];
	_ =	sdelay $0x2  }
0xbe: {  	s31 =	sshll.u32 s1, $0xD;
	s1 =	sshrl.u32 s1, $0x2  }
0xbf: {  	s3 =	sand.u32 $0x4000, s31;
	s1 =	sadd.s32 s1, s30  }
0xc0: {  	s0 =	sor.u32 s3, s0;
	s1 =	sshll.u32 s1, $0x11  }
0xc1: {  	s0 =	sor.u32 s1, s0  }
0xc2: {  	s0 =	sadd.s32 $0x8F2B, s0  }
0xc3: {  	[sflag:s0] =	ssyncadd.remote.s32 $0x1  }
0xc4: {  	_ =	sfence.sel $0xFFFF  }
0xc5: {  	[dreg:$0x0] =	wrdreg $0xFFFFFFFF;
	(pc) =	sbr.abs _section_cstart, $3  }
0xc6: {  	[dreg:$0x1] =	wrdreg $0xFFFFFFFF  }
0xc7: {  	_ =	task.clear_ibuf [dreg:s7], $0x2FFFF;
	_ =	strace $0x9FFFFFFF  }
0xc8: {  	(tm) =	ssettm $0x7FFFFFFF  }
0xc9: {  	_ =	shalt  }
tec
execute0_lowered:
.L_overlay_start_1:
0x0: {  	(tag) =	ssettag $0x1  }
0x1: {  	s2 =	rddreg [dreg:$0x0];
	s1 =	srdreg.scid  }
0x2: {  	s0 =	stileid.u32;
	s4 =	rddreg [dreg:$0x1];
	s3 =	simm.s32 $0x0  }
0x3: {  	s13 =	simm.s32 $0x5400;
	s14 =	simm.s32 $0x1;
	s15 =	simm.s32 $0x2  }
0x4: {  	s16 =	simm.s32 $0x1380;
	s17 =	simm.s32 $0x0;
	s9 =	smul.u32 $0x50, s0  }
0x5: {  	s7 =	sand.u32 $0x1, s1;
	s1 =	rddreg [dreg:$0x2];
	s29 =	smul.u32 $0x28000, s0  }
0x6: {  	s5 =	sshll.u32 s0, $0x1;
	[smem:$0x7FF] =	sst s3;
	s11 =	smul.u32 $0x28, s7  }
0x7: {  	s12 =	sadd.s32 $0x3DE00, s4;
	s5 =	sor.u32 s7, s5;
	s30 =	smul.u32 $0x14000, s7  }
0x8: {  	_ =	strace $0x8000004A;
	s8 =	ssub.s32 $0x2, s7;
	s6 =	smul.u32 $0x280, s5  }
0x9: {  	s10 =	sshrl.u32 s8, $0x1;
	s25 =	smul.u32 $0x14000, s5;
	s31 =	sadd.s32 s29, s12  }
0xa: {  	s8 =	ssub.s32 s8, s10;
	s26 =	sadd.s32 s11, s9;
	s10 =	simm.s32 $0x3  }
0xb: {  	s11 =	simm.s32 $0x1400;
	s6 =	sadd.s32 s6, s4;
	s5 =	smax.u32 s8, $0x1  }
0xc: {  	s28 =	sadd.s32 s12, s25;
	s9 =	sshll.u32 s26, $0xB;
	s4 =	sadd.s32 $0x38E00, s6  }
0xd: {  	s6 =	sadd.s32 $0x13000, s28;
	s9 =	sadd.s32 s9, s12;
	s7 =	sadd.s32 $0x13800, s28  }
0xe: {  	s12 =	simm.s32 $0x80;
	s8 =	sadd.s32 $0x800, s9;
	s9 =	sadd.s32 s30, s31  }
.LBB2_1:
0xf: {  	[tilespmem:s3], [sflag:$0x3] =	stream.linear.gather [hbm4b:s4+s3], $0x1400, $0x38;
	[tilespmem:$0x9400] =	vst v63  }
0x10: {  	_ =	swait.ge [sflag:s10], $0x1400  }
0x11: {  	[sflag:s10] =	ssyncset.done $0x0  }
0x12: {  	[sflag:s10] =	ssyncadd.s32 $0xFFFFEC00  }
0x13: {  	[tilespmem:s11], [sflag:$0x1] =	stream.indirect.gather [hbm4b:s2+s12], $0x80, s3, s12, $0xb8;
	[tilespmem:$0x9400] =	vst v63  }
0x14: {  	_ = 	snop  }
0x15: {  	[tilespmem:s13], [sflag:$0x2] =	stream.indirect.gather [hbm4b:s2+s12], $0x80, s12, s12, $0xb8;
	[tilespmem:$0x9400] =	vst v63  }
0x16: {  	_ =	swait.ge [sflag:s14], $0x4000  }
0x17: {  	[sflag:s14] =	ssyncset.done $0x0  }
0x18: {  	s18 =	sadd.s32 $0x0, s9;
	[sflag:s14] =	ssyncadd.s32 $0xFFFFC000  }
0x19: {  	[hbm4b:s18+s3] =	stream.linear.scatter [tilespmem:s11], [sflag:$0x3], $0x4000, $0x38;
	[tilespmem:$0x9400] =	vst v63  }
0x1a: {  	_ =	swait.ge [sflag:s10], $0x4000  }
0x1b: {  	[sflag:s10] =	ssyncset.done $0x0  }
0x1c: {  	s30 =	simm.s32 $0x100;
	[sflag:s10] =	ssyncadd.s32 $0xFFFFC000  }
0x1d: {  	[tilespmem:s11], [sflag:$0x1] =	stream.indirect.gather [hbm4b:s2+s12], $0x80, s30, s12, $0xb8;
	[tilespmem:$0x9400] =	vst v63  }
0x1e: {  	_ =	swait.ge [sflag:s15], $0x4000  }
0x1f: {  	[sflag:s15] =	ssyncset.done $0x0  }
0x20: {  	s31 =	sadd.s32 $0x0, s8;
	[sflag:s15] =	ssyncadd.s32 $0xFFFFC000  }
0x21: {  	[hbm4b:s31+s3] =	stream.linear.scatter [tilespmem:s13], [sflag:$0x3], $0x4000, $0x38;
	[tilespmem:$0x9400] =	vst v63  }
0x22: {  	_ =	swait.ge [sflag:s10], $0x4000  }
0x23: {  	s19 =	simm.s32 $0x80;
	s18 =	simm.s32 $0x1000;
	[sflag:s10] =	ssyncset.done $0x0  }
.LBB2_2:
0x24: {  	p0 =	sne.s32 s18, $0x12000;
	[sflag:s10] =	ssyncadd.s32 $0xFFFFC000;
	s19 =	sadd.s32 $0x100, s19  }
0x25: {  	[tilespmem:s13], [sflag:$0x2] =	stream.indirect.gather [hbm4b:s2+s12], $0x80, s19, s12, $0xb8;
	[tilespmem:$0x9400] =	vst v63  }
0x26: {  	s20 =	smov.u32 s18;
	s18 =	sadd.s32 $0x1000, s18;
	_ =	swait.ge [sflag:s14], $0x4000  }
0x27: {  	[sflag:s14] =	ssyncset.done $0x0  }
0x28: {  	s21 =	sadd.s32 s20, s9;
	[sflag:s14] =	ssyncadd.s32 $0xFFFFC000  }
0x29: {  	[hbm4b:s21+s3] =	stream.linear.scatter [tilespmem:s11], [sflag:$0x3], $0x4000, $0x38;
	[tilespmem:$0x9400] =	vst v63  }
0x2a: {  	_ =	swait.ge [sflag:s10], $0x4000  }
0x2b: {  	[sflag:s10] =	ssyncset.done $0x0  }
0x2c: {  	s21 =	sadd.s32 $0x80, s19;
	[sflag:s10] =	ssyncadd.s32 $0xFFFFC000  }
0x2d: {  	[tilespmem:s11], [sflag:$0x1] =	stream.indirect.gather [hbm4b:s2+s12], $0x80, s21, s12, $0xb8;
	[tilespmem:$0x9400] =	vst v63  }
0x2e: {  	_ =	swait.ge [sflag:s15], $0x4000  }
.Ltmp0:
0x2f: {  	[sflag:s15] =	ssyncset.done $0x0;
	(pc) =	sbr.rel @p0 .LBB2_2-.Ltmp0, $4  }
0x30: {  	s20 =	sadd.s32 s20, s8;
	[sflag:s15] =	ssyncadd.s32 $0xFFFFC000  }
0x31: {  	[hbm4b:s20+s3] =	stream.linear.scatter [tilespmem:s13], [sflag:$0x3], $0x4000, $0x38;
	[tilespmem:$0x9400] =	vst v63  }
0x32: {  	_ =	swait.ge [sflag:s10], $0x4000  }
0x33: {  	[sflag:s10] =	ssyncset.done $0x0  }
0x34: {  	[sflag:s10] =	ssyncadd.s32 $0xFFFFC000  }
0x35: {  	[tilespmem:s13], [sflag:$0x2] =	stream.indirect.gather [hbm4b:s2+s12], $0x80, s16, s12, $0xb8;
	[tilespmem:$0x9400] =	vst v63  }
0x36: {  	_ =	swait.ge [sflag:s14], $0x4000  }
0x37: {  	[sflag:s14] =	ssyncset.done $0x0  }
0x38: {  	[sflag:s14] =	ssyncadd.s32 $0xFFFFC000  }
0x39: {  	[hbm4b:s6+s3] =	stream.linear.scatter [tilespmem:s11], [sflag:$0x3], $0x4000, $0x38;
	[tilespmem:$0x9400] =	vst v63  }
0x3a: {  	_ =	swait.ge [sflag:s10], $0x4000  }
0x3b: {  	[sflag:s10] =	ssyncset.done $0x0  }
0x3c: {  	[sflag:s10] =	ssyncadd.s32 $0xFFFFC000  }
0x3d: {  	s17 =	sadd.s32 $0x1, s17;
	_ =	swait.ge [sflag:s15], $0x4000  }
0x3e: {  	p0 =	sne.s32 s17, s5;
	[sflag:s15] =	ssyncset.done $0x0  }
.Ltmp1:
0x3f: {  	[sflag:s15] =	ssyncadd.s32 $0xFFFFC000;
	(pc) =	sbr.rel @p0 .LBB2_1-.Ltmp1, $4  }
0x40: {  	[hbm4b:s7+s3] =	stream.linear.scatter [tilespmem:s13], [sflag:$0x3], $0x4000, $0x38;
	[tilespmem:$0x9400] =	vst v63  }
0x41: {  	_ =	swait.ge [sflag:s10], $0x4000  }
0x42: {  	[sflag:s10] =	ssyncset.done $0x0  }
0x43: {  	[sflag:s10] =	ssyncadd.s32 $0xFFFFC000  }
0x44: {  	_ =	sfence.sel $0x180000  }
0x45: {  	[bflag:$0x0] =	sbarrier.arrive $0xFFFF  }
0x46: {  	p0 =	sne.s32 s0, $0x0;
	_ =	strace $0x9000004A  }
0x47: {  	s0 =	sadd.s32 @!p0 $0x100000, s1;
	[bflag:$0x2] =	sbarrier.arrive $0xFFFF  }
0x48: {  	[sflag:s0] =	ssyncadd.tile.s32 @!p0 $0x1;
	_ =	shalt  }
.Lfunc_end2:
_tile_overlayer_lowered:
.L_overlay_start_2:
0x49: {  	(tag) =	ssettag $0x2  }
0x4a: {  	s0 =	rddreg [dreg:$0x0];
	s2 =	stileid.u32  }
0x4b: {  	s1 =	rddreg [dreg:$0x1];
	p0 =	sne.s32 s2, $0x0  }
0x4c: {  	s3 =	rddreg [dreg:$0x2];
	[bflag:$0x3] =	sbarrier.arrive $0xFFFF;
	s2 =	simm.s32 @!p0 $0x1C03  }
0x4d: {  	[timem:s3], [sflag:s2] =	dma.local @!p0 [hbm:s0], s1  }
0x4e: {  	s0 =	simm.s32 @!p0 $0x3  }
0x4f: {  	_ =	swait.ge @!p0 [sflag:s0], s1  }
0x50: {  	s1 =	ssub.s32 @!p0 $0x0, s1;
	[sflag:s0] =	ssyncset.done @!p0 $0x0  }
0x51: {  	[sflag:s0] =	ssyncadd.s32 @!p0 s1  }
0x52: {  	[bflag:$0x3] =	sbarrier.arrive $0xFFFF  }
0x53: {  	_ =	shalt  }

// kernel: kernel.17.cloned.1.call-start
scs
__scs_entry_jumppad:
0x0: {  	(pc) =	sbr.rel $0x88, $3  }
0x1: {  	(tag) =	ssettag $0x0;
	lr =	simm.s32 $0x1  }
0x2: {  	[smem:$0x3F41] =	sst lr;
	_ =	strace $0xD0000000  }
0x3: {  	_ = 	snop  }
0x4: {  	_ = 	snop  }
0x5: {  	_ = 	snop  }
0x6: {  	_ = 	snop  }
0x7: {  	_ = 	snop  }
__scs_overlays_trampoline_lowered:
0x8: {  	[smem:$0x3F50] =	sst s0  }
0x9: {  	[smem:$0x3F51] =	sst s1  }
0xa: {  	[smem:$0x3F52] =	sst s2  }
0xb: {  	[smem:$0x3F53] =	sst s3  }
0xc: {  	[smem:$0x3F54] =	sst s4  }
0xd: {  	[smem:$0x3F55] =	sst s5  }
0xe: {  	[smem:$0x3F56] =	sst s6  }
0xf: {  	[smem:$0x3F57] =	sst s7  }
0x10: {  	[smem:$0x3F58] =	sst s8  }
0x11: {  	[smem:$0x3F59] =	sst s9;
	s0 =	simm.s32 @!p0 $0x0  }
0x12: {  	s1 =	sld [smem:$0x3F3F];
	s0 =	simm.s32 @p0 $0x1  }
0x13: {  	[smem:$0x3F5A] =	sst s0;
	s0 =	simm.s32 @!p1 $0x0  }
0x14: {  	s2 =	sld [smem:$0x3F3E];
	s0 =	simm.s32 @p1 $0x1  }
0x15: {  	[smem:$0x3F5B] =	sst s0;
	s0 =	simm.s32 @!p2 $0x0  }
0x16: {  	s3 =	sld [smem:$0x3FDB];
	s0 =	simm.s32 @p2 $0x1  }
0x17: {  	s4 =	simm.s32 $0x1BF5;
	[smem:$0x3F5D] =	sst s0  }
0x18: {  	s0 =	sld [smem:$0x3F40];
	_ =	swait.ge [sflag:s4], $0x0  }
0x19: {  	s7 =	sld [smem:$0x3F41]  }
0x1a: {  	s8 =	sadd.s32 $0xFFFFE003, lr  }
0x1b: {  	s9 =	sadd.s32 $0xFFFFFEF7, lr;
	s5 =	simm.s32 $0xFFFFFFFF;
	p2 =	slt.u32 s8, $0xFFFFF086  }
0x1c: {  	p1 =	slt.u32 s9, $0xF7A;
	s5 =	simm.s32 @!p2 $0x0  }
0x1d: {  	s5 =	simm.s32 @p1 $0x1;
	p0 =	seq.s32 s7, s2  }
0x1e: {  	s7 =	smul.u32 @!p0 $0xF7A, s2;
	p2 =	seq.s32 @!p0 s5, $0x0  }
0x1f: {  	s9 =	smul.u32 $0xF7A, s1;
	s8 =	simm.s32 @!p0 $0x1BF5;
	p2 =	por !p2, p0  }
0x20: {  	[sflag:s8] =	ssyncset.s32 @!p0 $0xFFFFF086;
	s6 =	sadd.s32 @!p0 s3, s7;
	s7 =	simm.s32 @!p0 $0x108  }
0x21: {  	s3 =	sadd.s32 s3, s9;
	s6 =	sadd.s32 @!p0 $0x88, s6;
	s7 =	simm.s32 @p2 $0x1082  }
0x22: {  	[simem:s7], [sflag:s8] =	dma.local @!p0 [hbm:s6], $0xF7A  }
0x23: {  	s9 =	sor.u32 $0xD0000000, s2;
	s6 =	simm.s32 $0x108;
	_ =	swait.ge @!p0 [sflag:s8], $0x0  }
0x24: {  	s3 =	sadd.s32 $0x88, s3;
	s6 =	simm.s32 @!p1 $0x1082;
	[sflag:s4] =	ssyncset.s32 $0xFFFFF086  }
0x25: {  	[simem:s6], [sflag:s4] =	dma.local [hbm:s3], $0xF7A  }
0x26: {  	[smem:$0x3F41] =	sst s1;
	(tag) =	ssettag s2;
	_ =	strace s9  }
0x27: {  	s1 =	sld [smem:$0x3F51]  }
0x28: {  	s2 =	sld [smem:$0x3F52]  }
0x29: {  	s4 =	sld [smem:$0x3F54]  }
0x2a: {  	p0 =	seq.s32 s5, $0x0;
	s5 =	sld [smem:$0x3F55]  }
0x2b: {  	s6 =	sld [smem:$0x3F56]  }
0x2c: {  	s7 =	sld [smem:$0x3F57]  }
0x2d: {  	s3 =	simm.s32 $0x108;
	s8 =	sld [smem:$0x3F58]  }
0x2e: {  	s3 =	simm.s32 @!p0 $0x1082;
	s9 =	sld [smem:$0x3F59]  }
0x2f: {  	lr =	sadd.s32 s0, s3;
	s0 =	sld [smem:$0x3F50]  }
0x30: {  	s3 =	sld [smem:$0x3F53]  }
0x31: {  	[smem:$0x3F5C] =	sst s10  }
0x32: {  	s10 =	sld [smem:$0x3F5A];
	_ =	sdelay $0x3  }
0x33: {  	p0 =	seq.s32 s10, $0x1;
	s10 =	sld [smem:$0x3F5C];
	_ =	sdelay $0x3  }
0x34: {  	[smem:$0x3F5C] =	sst s10  }
0x35: {  	s10 =	sld [smem:$0x3F5B];
	_ =	sdelay $0x3  }
0x36: {  	p1 =	seq.s32 s10, $0x1;
	s10 =	sld [smem:$0x3F5C];
	_ =	sdelay $0x3  }
0x37: {  	[smem:$0x3F5C] =	sst s10  }
0x38: {  	s10 =	sld [smem:$0x3F5D]  }
0x39: {  	_ = 	snop;
	(pc) =	sbr.ind lr, $3  }
0x3a: {  	_ = 	snop  }
0x3b: {  	_ = 	snop  }
0x3c: {  	p2 =	seq.s32 s10, $0x1;
	s10 =	sld [smem:$0x3F5C]  }
0x3d: {  	_ =	shalt  }
0x3e: {  	_ =	shalt  }
0x3f: {  	_ =	shalt  }
0x40: {  	_ =	shalt  }
0x41: {  	_ =	shalt  }
0x42: {  	_ =	shalt  }
0x43: {  	_ =	shalt  }
0x44: {  	_ =	shalt  }
0x45: {  	_ =	shalt  }
0x46: {  	_ =	shalt  }
0x47: {  	_ =	shalt  }
0x48: {  	_ =	shalt  }
0x49: {  	_ =	shalt  }
0x4a: {  	_ =	shalt  }
0x4b: {  	_ =	shalt  }
0x4c: {  	_ =	shalt  }
0x4d: {  	_ =	shalt  }
0x4e: {  	_ =	shalt  }
0x4f: {  	_ =	shalt  }
0x50: {  	_ =	shalt  }
0x51: {  	_ =	shalt  }
0x52: {  	_ =	shalt  }
0x53: {  	_ =	shalt  }
0x54: {  	_ =	shalt  }
0x55: {  	_ =	shalt  }
0x56: {  	_ =	shalt  }
0x57: {  	_ =	shalt  }
0x58: {  	_ =	shalt  }
0x59: {  	_ =	shalt  }
0x5a: {  	_ =	shalt  }
0x5b: {  	_ =	shalt  }
0x5c: {  	_ =	shalt  }
0x5d: {  	_ =	shalt  }
0x5e: {  	_ =	shalt  }
0x5f: {  	_ =	shalt  }
0x60: {  	_ =	shalt  }
0x61: {  	_ =	shalt  }
0x62: {  	_ =	shalt  }
0x63: {  	_ =	shalt  }
0x64: {  	_ =	shalt  }
0x65: {  	_ =	shalt  }
0x66: {  	_ =	shalt  }
0x67: {  	_ =	shalt  }
0x68: {  	_ =	shalt  }
0x69: {  	_ =	shalt  }
0x6a: {  	_ =	shalt  }
0x6b: {  	_ =	shalt  }
0x6c: {  	_ =	shalt  }
0x6d: {  	_ =	shalt  }
0x6e: {  	_ =	shalt  }
0x6f: {  	_ =	shalt  }
0x70: {  	_ =	shalt  }
0x71: {  	_ =	shalt  }
0x72: {  	_ =	shalt  }
0x73: {  	_ =	shalt  }
0x74: {  	_ =	shalt  }
0x75: {  	_ =	shalt  }
0x76: {  	_ =	shalt  }
0x77: {  	_ =	shalt  }
0x78: {  	_ =	shalt  }
0x79: {  	_ =	shalt  }
0x7a: {  	_ =	shalt  }
0x7b: {  	_ =	shalt  }
0x7c: {  	_ =	shalt  }
0x7d: {  	_ =	shalt  }
0x7e: {  	_ =	shalt  }
0x7f: {  	_ =	shalt  }
0x80: {  	_ =	shalt  }
0x81: {  	_ =	shalt  }
0x82: {  	_ =	shalt  }
0x83: {  	_ =	shalt  }
0x84: {  	_ =	shalt  }
0x85: {  	_ =	shalt  }
0x86: {  	_ =	shalt  }
0x87: {  	_ =	shalt  }
.Lfunc_end0:
.L_simem_size_0:
called_computation.2_lowered:
.L_overlay_start_0:
0x88: {  	s2 =	sld [smem:$0x3FD9]  }
0x89: {  	s3 =	sld [smem:$0x3FFE];
	_ =	sdelay $0x1  }
0x8a: {  	s1 =	srdreg.scid  }
0x8b: {  	s0 =	sand.u32 $0x1, s1  }
0x8c: {  	s16 =	sshll.u32 s0, $0xA;
	s2 =	sadd.s32 s3, s2  }
0x8d: {  	s2 =	sadd.s32 s2, s16  }
0x8e: {  	[smem:$0x3F68] =	sst s2  }
0x8f: {  	_ = 	snop  }
0x90: {  	(tm) =	ssettm $0x1  }
0x91: {  	s17 =	sld [smem:$0x3FFB];
	_ =	sdelay $0x3  }
0x92: {  	_ =	strace s17  }
0x93: {  	s2 =	sld [smem:$0x3FFC];
	_ =	sdelay $0x3  }
0x94: {  	_ =	strace s2  }
0x95: {  	s2 =	sld [smem:$0x3FFD];
	_ =	sdelay $0x3  }
0x96: {  	_ =	strace s2  }
0x97: {  	_ =	strace $0x8FFFFFFF  }
0x98: {  	s18 =	sld [smem:$0x3FDB];
	_ =	sdelay $0x1  }
0x99: {  	s19 =	simm.s32 $_scs_section_size  }
0x9a: {  	s4 =	simm.s32 $_size__tile_overlayer_lowered;
	s5 =	simm.s32 $_tile_overlayer_lowered  }
0x9b: {  	s22 =	simm.s32 $0x1BFF;
	s21 =	sshll.u32 s5, $0x1;
	s2 =	sadd.s32 s19, s18  }
0x9c: {  	s6 =	simm.s32 $0x0;
	s20 =	sshll.u32 s4, $0x1;
	s4 =	sadd.s32 s21, s2  }
0x9d: {  	[timem:s6], [sflag:s22] =	dma.local [hbm:s4], s20  }
0x9e: {  	_ =	swait.ge [sflag:s22], s20  }
0x9f: {  	s3 =	ssub.s32 $0x0, s20;
	[sflag:s22] =	ssyncset.done $0x0  }
0xa0: {  	[sflag:s22] =	ssyncadd.s32 s3;
	_ =	sdelay $0x1  }
0xa1: {  	s23 =	simm.s32 $0x1B8B  }
0xa2: {  	_ =	swait.ge [sflag:s23], $0x1  }
0xa3: {  	[sflag:s23] =	ssyncset.done $0x0  }
0xa4: {  	s25 =	simm.s32 $0x1B8E;
	s24 =	sld [smem:$0x3FFE];
	[sflag:s23] =	ssyncadd.s32 $0xFFFFFFFF  }
0xa5: {  	s26 =	simm.s32 $execute0_lowered;
	[smem:$0x3FD2] =	sst s25  }
0xa6: {  	s4 =	sshll.u32 s26, $0x1;
	_ =	strace $0x8000004C;
	[dreg:$0x1] =	wrdreg $0xFFFFFFFF  }
0xa7: {  	s28 =	simm.s32 $_size_execute0_lowered;
	s2 =	sadd.s32 s2, s4;
	[dreg:$0x0] =	wrdreg $0x0  }
0xa8: {  	s4 =	sshll.u32 s28, $0x1;
	[dreg:$0x2] =	wrdreg s2  }
0xa9: {  	[dreg:$0x3] =	wrdreg s4  }
0xaa: {  	[dreg:$0x4] =	wrdreg $0xC0  }
0xab: {  	_ =	task [dreg:s6], $0x5FFFF  }
0xac: {  	[dreg:$0x1] =	wrdreg $0xFFFFFFFF  }
0xad: {  	[dreg:$0x0] =	wrdreg $0x60  }
0xae: {  	[dreg:$0x2] =	wrdreg s24  }
0xaf: {  	[dreg:$0x3] =	wrdreg $0x9  }
0xb0: {  	_ =	task.clear_ibuf [dreg:s6], $0x4FFFF;
	_ =	strace $0x9000004C  }
0xb1: {  	s29 =	simm.s32 $0x9;
	_ =	strace $0x8000004E  }
0xb2: {  	_ =	swait.ge [sflag:s29], $0x1  }
0xb3: {  	[sflag:s29] =	ssyncadd.s32 $0xFFFFFFFF  }
0xb4: {  	_ =	strace $0x9000004E  }
0xb5: {  	_ =	sfence  }
0xb6: {  	s30 =	sld [smem:$0x0];
	_ =	sdelay $0x2  }
0xb7: {  	s31 =	sshll.u32 s1, $0xD;
	s1 =	sshrl.u32 s1, $0x2  }
0xb8: {  	s3 =	sand.u32 $0x4000, s31;
	s1 =	sadd.s32 s1, s30  }
0xb9: {  	s0 =	sor.u32 s3, s0;
	s1 =	sshll.u32 s1, $0x11  }
0xba: {  	s0 =	sor.u32 s1, s0  }
0xbb: {  	s0 =	sadd.s32 $0x8F2B, s0  }
0xbc: {  	[sflag:s0] =	ssyncadd.remote.s32 $0x1  }
0xbd: {  	_ =	sfence.sel $0xFFFF  }
0xbe: {  	[dreg:$0x0] =	wrdreg $0xFFFFFFFF;
	(pc) =	sbr.abs _section_cstart, $3  }
0xbf: {  	[dreg:$0x1] =	wrdreg $0xFFFFFFFF  }
0xc0: {  	_ =	task.clear_ibuf [dreg:s6], $0x2FFFF;
	_ =	strace $0x9FFFFFFF  }
0xc1: {  	(tm) =	ssettm $0x7FFFFFFF  }
tec
execute0_lowered:
.L_overlay_start_1:
0x0: {  	(tag) =	ssettag $0x1  }
0x1: {  	s0 =	srdreg.scid;
	s9 =	stileid.u32  }
0x2: {  	s4 =	rddreg [dreg:$0x0];
	s2 =	simm.s32 $0x0;
	s21 =	simm.s32 $0x7400  }
0x3: {  	s22 =	simm.s32 $0x7C00;
	s23 =	simm.s32 $0x8400;
	s28 =	simm.s32 $0xA400  }
0x4: {  	s29 =	simm.s32 $0xAC00;
	s30 =	simm.s32 $0xB400;
	s31 =	simm.s32 $0xBC00  }
0x5: {  	s10 =	simm.s32 $0xE400;
	s11 =	simm.s32 $0xEC00;
	s12 =	simm.s32 $0xF400  }
0x6: {  	s13 =	simm.s32 $0xFC00;
	s14 =	simm.s32 $0x10400;
	s15 =	simm.s32 $0x10C00  }
0x7: {  	s16 =	simm.s32 $0x1;
	s17 =	simm.s32 $0x2;
	s19 =	simm.s32 $0x0  }
0x8: {  	s0 =	sand.u32 $0x1, s0;
	s1 =	sshll.u32 s9, $0x1;
	s5 =	smul.u32 $0x50, s9  }
0x9: {  	[smem:$0x7FF] =	sst s2;
	s3 =	sadd.s32 $0x65000, s4;
	s9 =	smul.u32 $0x50000, s9  }
0xa: {  	s1 =	sor.u32 s0, s1;
	s6 =	smul.u32 $0x28, s0;
	s7 =	ssub.s32 $0x2, s0  }
0xb: {  	_ =	strace $0x8000004D;
	s1 =	smul.u32 $0x280, s1;
	s8 =	sshrl.u32 s7, $0x1  }
0xc: {  	s0 =	smul.u32 $0x28000, s0;
	s5 =	sadd.s32 s6, s5;
	s24 =	ssub.s32 s7, s8  }
0xd: {  	s8 =	simm.s32 $0x3;
	s1 =	sadd.s32 s1, s4;
	s4 =	sadd.s32 $0xB3200, s4  }
0xe: {  	s5 =	sshll.u32 s5, $0xC;
	s26 =	smax.u32 s24, $0x1;
	s24 =	simm.s32 $0x8C00  }
.Ltmp0:
0xf: {  	s1 =	sadd.s32 $0x38E00, s1;
	s25 =	sadd.s32 s9, s4;
	(pc) =	sbr.rel .LBB2_1-.Ltmp0, $4  }
0x10: {  	s4 =	sadd.s32 s5, s4;
	[dreg:$0x3] =	wrdreg s26;
	s9 =	simm.s32 $0x1400  }
0x11: {  	v2 =	vlaneseq.u32;
	s26 =	simm.s32 $0x9C00;
	s5 =	simm.s32 $0xDC00;
	[dreg:$0x2] =	wrdreg s1  }
0x12: {  	vm0 =	vmmov $0xffff;
	v1 =	vshrl.u32 v2, $0x3;
	s6 =	sadd.s32 s0, s25;
	s7 =	sadd.s32 $0x1000, s4;
	s25 =	simm.s32 $0x9400  }
0x13: {  	v0 =	vand.u32 $0x7, v2;
	v2 =	vor.u32 $0x8, v2;
	v1 =	vmul.u32 $0x8, v1;
	s1 =	simm.s32 $0xC400;
	s0 =	simm.s32 $0xCC00;
	s4 =	simm.s32 $0xD400  }
.LBB2_5:
0x14: {  	s19 =	rddreg [dreg:$0x4]  }
0x15: {  	s18 =	rddreg [dreg:$0x3];
	s19 =	sadd.s32 $0x1, s19  }
0x16: {  	p0 =	sne.s32 s19, s18  }
.Ltmp1:
0x17: {  	_ = 	snop;
	(pc) =	sbr.rel @!p0 .LBB2_6-.Ltmp1, $1  }
0x18: {  	_ =	sdelay $0x3  }
.LBB2_1:
0x19: {  	[dreg:$0x4] =	wrdreg s19  }
0x1a: {  	s18 =	rddreg [dreg:$0x2]  }
0x1b: {  	[tilespmem:s2], [sflag:$0x3] =	stream.linear.gather [hbm4b:s18+s2], $0x1400, $0x38;
	[tilespmem:$0x11400] =	vst v63  }
0x1c: {  	_ =	swait.ge [sflag:s8], $0x1400  }
0x1d: {  	[sflag:s8] =	ssyncset.done $0x0  }
0x1e: {  	[sflag:s8] =	ssyncadd.s32 $0xFFFFEC00  }
0x1f: {  	v3 =	vld [tilespmem:$0x0];
	_ =	sdelay $0x4  }
0x20: {  	v4 =	vshll.u32 v3, $0x1  }
0x21: {  	v3 =	vand.u32 $0x7, v3;
	v4 =	vand.u32 $0xFFFFFFF0, v4  }
0x22: {  	v3 =	vor.u32 v3, v4  }
0x23: {  	v4 =	vperm.xlane v3, v0;
	_ =	sdelay $0x1  }
0x24: {  	v3 =	vperm.xlane v3, v2;
	v4 =	vadd.s32 v1, v4;
	_ =	sdelay $0x1  }
0x25: {  	v3 =	vadd.s32 v1, v3;
	_ =	sdelay $0x2  }
0x26: {  	[tilespmem:s9], [sflag:$0x1] =	stream.indirect_vreg.gather [hbm4b:s3+s2], $0x80, v4, vm0, $0xb8;
	[tilespmem:$0x11400] =	vst v63  }
0x27: {  	s20 =	simm.s32 $0x1C00  }
0x28: {  	[tilespmem:s20], [sflag:$0x1] =	stream.indirect_vreg.gather [hbm4b:s3+s2], $0x80, v3, vm0, $0xb8;
	[tilespmem:$0x11400] =	vst v63  }
0x29: {  	v3 =	vld [tilespmem:$0x10];
	_ =	sdelay $0x4  }
0x2a: {  	v57 =	vshll.u32 v3, $0x1  }
0x2b: {  	v3 =	vand.u32 $0x7, v3;
	v4 =	vand.u32 $0xFFFFFFF0, v57  }
0x2c: {  	v3 =	vor.u32 v3, v4  }
0x2d: {  	v4 =	vperm.xlane v3, v0;
	_ =	sdelay $0x1  }
0x2e: {  	v3 =	vperm.xlane v3, v2;
	v4 =	vadd.s32 v1, v4;
	_ =	sdelay $0x1  }
0x2f: {  	v3 =	vadd.s32 v1, v3;
	_ =	sdelay $0x1  }
0x30: {  	s19 =	simm.s32 $0x2400  }
0x31: {  	[tilespmem:s19], [sflag:$0x1] =	stream.indirect_vreg.gather [hbm4b:s3+s2], $0x80, v4, vm0, $0xb8;
	[tilespmem:$0x11400] =	vst v63  }
0x32: {  	s20 =	simm.s32 $0x2C00  }
0x33: {  	[tilespmem:s20], [sflag:$0x1] =	stream.indirect_vreg.gather [hbm4b:s3+s2], $0x80, v3, vm0, $0xb8;
	[tilespmem:$0x11400] =	vst v63  }
0x34: {  	v3 =	vld [tilespmem:$0x20];
	_ =	sdelay $0x4  }
0x35: {  	v58 =	vshll.u32 v3, $0x1  }
0x36: {  	v3 =	vand.u32 $0x7, v3;
	v4 =	vand.u32 $0xFFFFFFF0, v58  }
0x37: {  	v3 =	vor.u32 v3, v4  }
0x38: {  	v4 =	vperm.xlane v3, v0;
	_ =	sdelay $0x1  }
0x39: {  	v3 =	vperm.xlane v3, v2;
	v4 =	vadd.s32 v1, v4;
	_ =	sdelay $0x1  }
0x3a: {  	v3 =	vadd.s32 v1, v3;
	_ =	sdelay $0x1  }
0x3b: {  	s19 =	simm.s32 $0x3400  }
0x3c: {  	[tilespmem:s19], [sflag:$0x1] =	stream.indirect_vreg.gather [hbm4b:s3+s2], $0x80, v4, vm0, $0xb8;
	[tilespmem:$0x11400] =	vst v63  }
0x3d: {  	s20 =	simm.s32 $0x3C00  }
0x3e: {  	[tilespmem:s20], [sflag:$0x1] =	stream.indirect_vreg.gather [hbm4b:s3+s2], $0x80, v3, vm0, $0xb8;
	[tilespmem:$0x11400] =	vst v63  }
0x3f: {  	v3 =	vld [tilespmem:$0x30];
	_ =	sdelay $0x4  }
0x40: {  	v59 =	vshll.u32 v3, $0x1  }
0x41: {  	v3 =	vand.u32 $0x7, v3;
	v4 =	vand.u32 $0xFFFFFFF0, v59  }
0x42: {  	v3 =	vor.u32 v3, v4  }
0x43: {  	v4 =	vperm.xlane v3, v0;
	_ =	sdelay $0x1  }
0x44: {  	v3 =	vperm.xlane v3, v2;
	v4 =	vadd.s32 v1, v4;
	_ =	sdelay $0x1  }
0x45: {  	v3 =	vadd.s32 v1, v3;
	_ =	sdelay $0x1  }
0x46: {  	s19 =	simm.s32 $0x4400  }
0x47: {  	[tilespmem:s19], [sflag:$0x1] =	stream.indirect_vreg.gather [hbm4b:s3+s2], $0x80, v4, vm0, $0xb8;
	[tilespmem:$0x11400] =	vst v63  }
0x48: {  	s20 =	simm.s32 $0x4C00  }
0x49: {  	[tilespmem:s20], [sflag:$0x1] =	stream.indirect_vreg.gather [hbm4b:s3+s2], $0x80, v3, vm0, $0xb8;
	[tilespmem:$0x11400] =	vst v63  }
0x4a: {  	v3 =	vld [tilespmem:$0x40];
	_ =	sdelay $0x4  }
0x4b: {  	v60 =	vshll.u32 v3, $0x1  }
0x4c: {  	v3 =	vand.u32 $0x7, v3;
	v4 =	vand.u32 $0xFFFFFFF0, v60  }
0x4d: {  	v3 =	vor.u32 v3, v4  }
0x4e: {  	v4 =	vperm.xlane v3, v0;
	_ =	sdelay $0x1  }
0x4f: {  	v3 =	vperm.xlane v3, v2;
	v4 =	vadd.s32 v1, v4;
	_ =	sdelay $0x1  }
0x50: {  	v3 =	vadd.s32 v1, v3;
	_ =	sdelay $0x1  }
0x51: {  	s19 =	simm.s32 $0x5400  }
0x52: {  	[tilespmem:s19], [sflag:$0x1] =	stream.indirect_vreg.gather [hbm4b:s3+s2], $0x80, v4, vm0, $0xb8;
	[tilespmem:$0x11400] =	vst v63  }
0x53: {  	s20 =	simm.s32 $0x5C00  }
0x54: {  	[tilespmem:s20], [sflag:$0x1] =	stream.indirect_vreg.gather [hbm4b:s3+s2], $0x80, v3, vm0, $0xb8;
	[tilespmem:$0x11400] =	vst v63  }
0x55: {  	v3 =	vld [tilespmem:$0x50];
	_ =	sdelay $0x4  }
0x56: {  	v61 =	vshll.u32 v3, $0x1  }
0x57: {  	v3 =	vand.u32 $0x7, v3;
	v4 =	vand.u32 $0xFFFFFFF0, v61  }
0x58: {  	v3 =	vor.u32 v3, v4  }
0x59: {  	v4 =	vperm.xlane v3, v0;
	_ =	sdelay $0x1  }
0x5a: {  	v3 =	vperm.xlane v3, v2;
	v4 =	vadd.s32 v1, v4;
	_ =	sdelay $0x1  }
0x5b: {  	v3 =	vadd.s32 v1, v3;
	_ =	sdelay $0x1  }
0x5c: {  	s19 =	simm.s32 $0x6400  }
0x5d: {  	[tilespmem:s19], [sflag:$0x1] =	stream.indirect_vreg.gather [hbm4b:s3+s2], $0x80, v4, vm0, $0xb8;
	[tilespmem:$0x11400] =	vst v63  }
0x5e: {  	s20 =	simm.s32 $0x6C00  }
0x5f: {  	[tilespmem:s20], [sflag:$0x1] =	stream.indirect_vreg.gather [hbm4b:s3+s2], $0x80, v3, vm0, $0xb8;
	[tilespmem:$0x11400] =	vst v63  }
0x60: {  	v3 =	vld [tilespmem:$0x60];
	_ =	sdelay $0x4  }
0x61: {  	v62 =	vshll.u32 v3, $0x1  }
0x62: {  	v3 =	vand.u32 $0x7, v3;
	v4 =	vand.u32 $0xFFFFFFF0, v62  }
0x63: {  	v3 =	vor.u32 v3, v4  }
0x64: {  	v4 =	vperm.xlane v3, v0;
	_ =	sdelay $0x1  }
0x65: {  	v3 =	vperm.xlane v3, v2;
	v4 =	vadd.s32 v1, v4;
	_ =	sdelay $0x1  }
0x66: {  	v3 =	vadd.s32 v1, v3;
	_ =	sdelay $0x2  }
0x67: {  	[tilespmem:s21], [sflag:$0x1] =	stream.indirect_vreg.gather [hbm4b:s3+s2], $0x80, v4, vm0, $0xb8;
	[tilespmem:$0x11400] =	vst v63  }
0x68: {  	_ = 	snop  }
0x69: {  	[tilespmem:s22], [sflag:$0x1] =	stream.indirect_vreg.gather [hbm4b:s3+s2], $0x80, v3, vm0, $0xb8;
	[tilespmem:$0x11400] =	vst v63  }
0x6a: {  	v3 =	vld [tilespmem:$0x70];
	_ =	sdelay $0x4  }
0x6b: {  	v63 =	vshll.u32 v3, $0x1  }
0x6c: {  	v3 =	vand.u32 $0x7, v3;
	v4 =	vand.u32 $0xFFFFFFF0, v63  }
0x6d: {  	v3 =	vor.u32 v3, v4  }
0x6e: {  	v4 =	vperm.xlane v3, v0;
	_ =	sdelay $0x1  }
0x6f: {  	v3 =	vperm.xlane v3, v2;
	v4 =	vadd.s32 v1, v4;
	_ =	sdelay $0x1  }
0x70: {  	v3 =	vadd.s32 v1, v3  }
.Ltmp2:
0x71: {  	_ = 	snop;
	(pc) =	sbr.rel .LBB2_2-.Ltmp2, $4  }
0x72: {  	_ = 	snop  }
0x73: {  	[tilespmem:s23], [sflag:$0x1] =	stream.indirect_vreg.gather [hbm4b:s3+s2], $0x80, v4, vm0, $0xb8;
	[tilespmem:$0x11400] =	vst v63  }
0x74: {  	s18 =	simm.s32 $0xC0;
	s19 =	simm.s32 $0x0  }
0x75: {  	[tilespmem:s24], [sflag:$0x1] =	stream.indirect_vreg.gather [hbm4b:s3+s2], $0x80, v3, vm0, $0xb8;
	[tilespmem:$0x11400] =	vst v63  }
.LBB2_4:
0x76: {  	_ =	swait.ge [sflag:s17], $0x8000;
	s20 =	sadd.s32 s19, s7;
	s19 =	sadd.s32 $0x2000, s19  }
0x77: {  	[sflag:s17] =	ssyncset.done $0x0;
	p0 =	sne.s32 s19, $0x28000  }
.Ltmp3:
0x78: {  	[sflag:s17] =	ssyncadd.s32 $0xFFFF8000;
	(pc) =	sbr.rel @!p0 .LBB2_5-.Ltmp3, $4  }
0x79: {  	[hbm4b:s20+s2] =	stream.linear.scatter [tilespmem:s25], [sflag:$0x3], $0x8000, $0x38;
	[tilespmem:$0x11400] =	vst v63  }
0x7a: {  	_ =	swait.ge [sflag:s8], $0x8000  }
0x7b: {  	[sflag:s8] =	ssyncset.done $0x0  }
0x7c: {  	s18 =	sadd.s32 $0x100, s18;
	[sflag:s8] =	ssyncadd.s32 $0xFFFF8000  }
.LBB2_2:
0x7d: {  	v3 =	vld [tilespmem:s18+$0xFFFFFFC0];
	_ =	sdelay $0x4  }
0x7e: {  	v4 =	vshll.u32 v3, $0x1  }
0x7f: {  	v3 =	vand.u32 $0x7, v3;
	v4 =	vand.u32 $0xFFFFFFF0, v4  }
0x80: {  	v3 =	vor.u32 v3, v4  }
0x81: {  	v4 =	vperm.xlane v3, v0;
	_ =	sdelay $0x1  }
0x82: {  	v3 =	vperm.xlane v3, v2;
	v4 =	vadd.s32 v1, v4;
	_ =	sdelay $0x1  }
0x83: {  	v3 =	vadd.s32 v1, v3;
	_ =	sdelay $0x2  }
0x84: {  	[tilespmem:s25], [sflag:$0x2] =	stream.indirect_vreg.gather [hbm4b:s3+s2], $0x80, v4, vm0, $0xb8;
	[tilespmem:$0x11400] =	vst v63  }
0x85: {  	_ = 	snop  }
0x86: {  	[tilespmem:s26], [sflag:$0x2] =	stream.indirect_vreg.gather [hbm4b:s3+s2], $0x80, v3, vm0, $0xb8;
	[tilespmem:$0x11400] =	vst v63  }
0x87: {  	v3 =	vld [tilespmem:s18+$0xFFFFFFD0];
	_ =	sdelay $0x4  }
0x88: {  	v57 =	vshll.u32 v3, $0x1  }
0x89: {  	v3 =	vand.u32 $0x7, v3;
	v4 =	vand.u32 $0xFFFFFFF0, v57  }
0x8a: {  	v3 =	vor.u32 v3, v4  }
0x8b: {  	v4 =	vperm.xlane v3, v0;
	_ =	sdelay $0x1  }
0x8c: {  	v3 =	vperm.xlane v3, v2;
	v4 =	vadd.s32 v1, v4;
	_ =	sdelay $0x1  }
0x8d: {  	v3 =	vadd.s32 v1, v3;
	_ =	sdelay $0x2  }
0x8e: {  	[tilespmem:s28], [sflag:$0x2] =	stream.indirect_vreg.gather [hbm4b:s3+s2], $0x80, v4, vm0, $0xb8;
	[tilespmem:$0x11400] =	vst v63  }
0x8f: {  	_ = 	snop  }
0x90: {  	[tilespmem:s29], [sflag:$0x2] =	stream.indirect_vreg.gather [hbm4b:s3+s2], $0x80, v3, vm0, $0xb8;
	[tilespmem:$0x11400] =	vst v63  }
0x91: {  	v3 =	vld [tilespmem:s18+$0xFFFFFFE0];
	_ =	sdelay $0x4  }
0x92: {  	v58 =	vshll.u32 v3, $0x1  }
0x93: {  	v3 =	vand.u32 $0x7, v3;
	v4 =	vand.u32 $0xFFFFFFF0, v58  }
0x94: {  	v3 =	vor.u32 v3, v4  }
0x95: {  	v4 =	vperm.xlane v3, v0;
	_ =	sdelay $0x1  }
0x96: {  	v3 =	vperm.xlane v3, v2;
	v4 =	vadd.s32 v1, v4;
	_ =	sdelay $0x1  }
0x97: {  	v3 =	vadd.s32 v1, v3;
	_ =	sdelay $0x2  }
0x98: {  	[tilespmem:s30], [sflag:$0x2] =	stream.indirect_vreg.gather [hbm4b:s3+s2], $0x80, v4, vm0, $0xb8;
	[tilespmem:$0x11400] =	vst v63  }
0x99: {  	_ = 	snop  }
0x9a: {  	[tilespmem:s31], [sflag:$0x2] =	stream.indirect_vreg.gather [hbm4b:s3+s2], $0x80, v3, vm0, $0xb8;
	[tilespmem:$0x11400] =	vst v63  }
0x9b: {  	v3 =	vld [tilespmem:s18+$0xFFFFFFF0];
	_ =	sdelay $0x4  }
0x9c: {  	v59 =	vshll.u32 v3, $0x1  }
0x9d: {  	v3 =	vand.u32 $0x7, v3;
	v4 =	vand.u32 $0xFFFFFFF0, v59  }
0x9e: {  	v3 =	vor.u32 v3, v4  }
0x9f: {  	v4 =	vperm.xlane v3, v0;
	_ =	sdelay $0x1  }
0xa0: {  	v3 =	vperm.xlane v3, v2;
	v4 =	vadd.s32 v1, v4;
	_ =	sdelay $0x1  }
0xa1: {  	v3 =	vadd.s32 v1, v3;
	_ =	sdelay $0x2  }
0xa2: {  	[tilespmem:s1], [sflag:$0x2] =	stream.indirect_vreg.gather [hbm4b:s3+s2], $0x80, v4, vm0, $0xb8;
	[tilespmem:$0x11400] =	vst v63  }
0xa3: {  	_ = 	snop  }
0xa4: {  	[tilespmem:s0], [sflag:$0x2] =	stream.indirect_vreg.gather [hbm4b:s3+s2], $0x80, v3, vm0, $0xb8;
	[tilespmem:$0x11400] =	vst v63  }
0xa5: {  	v3 =	vld [tilespmem:s18+$0x0];
	_ =	sdelay $0x4  }
0xa6: {  	v60 =	vshll.u32 v3, $0x1  }
0xa7: {  	v3 =	vand.u32 $0x7, v3;
	v4 =	vand.u32 $0xFFFFFFF0, v60  }
0xa8: {  	v3 =	vor.u32 v3, v4  }
0xa9: {  	v4 =	vperm.xlane v3, v0;
	_ =	sdelay $0x1  }
0xaa: {  	v3 =	vperm.xlane v3, v2;
	v4 =	vadd.s32 v1, v4;
	_ =	sdelay $0x1  }
0xab: {  	v3 =	vadd.s32 v1, v3;
	_ =	sdelay $0x2  }
0xac: {  	[tilespmem:s4], [sflag:$0x2] =	stream.indirect_vreg.gather [hbm4b:s3+s2], $0x80, v4, vm0, $0xb8;
	[tilespmem:$0x11400] =	vst v63  }
0xad: {  	_ = 	snop  }
0xae: {  	[tilespmem:s5], [sflag:$0x2] =	stream.indirect_vreg.gather [hbm4b:s3+s2], $0x80, v3, vm0, $0xb8;
	[tilespmem:$0x11400] =	vst v63  }
0xaf: {  	v3 =	vld [tilespmem:s18+$0x10];
	_ =	sdelay $0x4  }
0xb0: {  	v61 =	vshll.u32 v3, $0x1  }
0xb1: {  	v3 =	vand.u32 $0x7, v3;
	v4 =	vand.u32 $0xFFFFFFF0, v61  }
0xb2: {  	v3 =	vor.u32 v3, v4  }
0xb3: {  	v4 =	vperm.xlane v3, v0;
	_ =	sdelay $0x1  }
0xb4: {  	v3 =	vperm.xlane v3, v2;
	v4 =	vadd.s32 v1, v4;
	_ =	sdelay $0x1  }
0xb5: {  	v3 =	vadd.s32 v1, v3;
	_ =	sdelay $0x2  }
0xb6: {  	[tilespmem:s10], [sflag:$0x2] =	stream.indirect_vreg.gather [hbm4b:s3+s2], $0x80, v4, vm0, $0xb8;
	[tilespmem:$0x11400] =	vst v63  }
0xb7: {  	_ = 	snop  }
0xb8: {  	[tilespmem:s11], [sflag:$0x2] =	stream.indirect_vreg.gather [hbm4b:s3+s2], $0x80, v3, vm0, $0xb8;
	[tilespmem:$0x11400] =	vst v63  }
0xb9: {  	v3 =	vld [tilespmem:s18+$0x20];
	_ =	sdelay $0x4  }
0xba: {  	v62 =	vshll.u32 v3, $0x1  }
0xbb: {  	v3 =	vand.u32 $0x7, v3;
	v4 =	vand.u32 $0xFFFFFFF0, v62  }
0xbc: {  	v3 =	vor.u32 v3, v4  }
0xbd: {  	v4 =	vperm.xlane v3, v0;
	_ =	sdelay $0x1  }
0xbe: {  	v3 =	vperm.xlane v3, v2;
	v4 =	vadd.s32 v1, v4;
	_ =	sdelay $0x1  }
0xbf: {  	v3 =	vadd.s32 v1, v3;
	_ =	sdelay $0x2  }
0xc0: {  	[tilespmem:s12], [sflag:$0x2] =	stream.indirect_vreg.gather [hbm4b:s3+s2], $0x80, v4, vm0, $0xb8;
	[tilespmem:$0x11400] =	vst v63  }
0xc1: {  	_ = 	snop  }
0xc2: {  	[tilespmem:s13], [sflag:$0x2] =	stream.indirect_vreg.gather [hbm4b:s3+s2], $0x80, v3, vm0, $0xb8;
	[tilespmem:$0x11400] =	vst v63  }
0xc3: {  	v3 =	vld [tilespmem:s18+$0x30];
	_ =	sdelay $0x4  }
0xc4: {  	v63 =	vshll.u32 v3, $0x1  }
0xc5: {  	v3 =	vand.u32 $0x7, v3;
	v4 =	vand.u32 $0xFFFFFFF0, v63  }
0xc6: {  	v3 =	vor.u32 v3, v4  }
0xc7: {  	v4 =	vperm.xlane v3, v0;
	_ =	sdelay $0x1  }
0xc8: {  	v3 =	vperm.xlane v3, v2;
	v4 =	vadd.s32 v1, v4;
	_ =	sdelay $0x1  }
0xc9: {  	v3 =	vadd.s32 v1, v3;
	_ =	sdelay $0x2  }
0xca: {  	[tilespmem:s14], [sflag:$0x2] =	stream.indirect_vreg.gather [hbm4b:s3+s2], $0x80, v4, vm0, $0xb8;
	[tilespmem:$0x11400] =	vst v63  }
0xcb: {  	_ = 	snop  }
0xcc: {  	[tilespmem:s15], [sflag:$0x2] =	stream.indirect_vreg.gather [hbm4b:s3+s2], $0x80, v3, vm0, $0xb8;
	[tilespmem:$0x11400] =	vst v63  }
0xcd: {  	_ =	swait.ge [sflag:s16], $0x8000  }
0xce: {  	p0 =	seq.s32 s19, $0x26000;
	[sflag:s16] =	ssyncset.done $0x0  }
.Ltmp4:
0xcf: {  	s20 =	sadd.s32 s19, s6;
	[sflag:s16] =	ssyncadd.s32 $0xFFFF8000;
	(pc) =	sbr.rel @p0 .LBB2_4-.Ltmp4, $4  }
0xd0: {  	[hbm4b:s20+s2] =	stream.linear.scatter [tilespmem:s9], [sflag:$0x3], $0x8000, $0x38;
	[tilespmem:$0x11400] =	vst v63  }
0xd1: {  	_ =	swait.ge [sflag:s8], $0x8000  }
0xd2: {  	[sflag:s8] =	ssyncset.done $0x0  }
0xd3: {  	[sflag:s8] =	ssyncadd.s32 $0xFFFF8000  }
0xd4: {  	v3 =	vld [tilespmem:s18+$0x40];
	_ =	sdelay $0x4  }
0xd5: {  	v4 =	vshll.u32 v3, $0x1  }
0xd6: {  	v3 =	vand.u32 $0x7, v3;
	v4 =	vand.u32 $0xFFFFFFF0, v4  }
0xd7: {  	v3 =	vor.u32 v3, v4  }
0xd8: {  	v4 =	vperm.xlane v3, v0;
	_ =	sdelay $0x1  }
0xd9: {  	v3 =	vperm.xlane v3, v2;
	v4 =	vadd.s32 v1, v4;
	_ =	sdelay $0x1  }
0xda: {  	v3 =	vadd.s32 v1, v3;
	_ =	sdelay $0x2  }
0xdb: {  	[tilespmem:s9], [sflag:$0x1] =	stream.indirect_vreg.gather [hbm4b:s3+s2], $0x80, v4, vm0, $0xb8;
	[tilespmem:$0x11400] =	vst v63  }
0xdc: {  	s20 =	simm.s32 $0x1C00  }
0xdd: {  	[tilespmem:s20], [sflag:$0x1] =	stream.indirect_vreg.gather [hbm4b:s3+s2], $0x80, v3, vm0, $0xb8;
	[tilespmem:$0x11400] =	vst v63  }
0xde: {  	v3 =	vld [tilespmem:s18+$0x50];
	_ =	sdelay $0x4  }
0xdf: {  	v57 =	vshll.u32 v3, $0x1  }
0xe0: {  	v3 =	vand.u32 $0x7, v3;
	v4 =	vand.u32 $0xFFFFFFF0, v57  }
0xe1: {  	v3 =	vor.u32 v3, v4  }
0xe2: {  	v4 =	vperm.xlane v3, v0;
	_ =	sdelay $0x1  }
0xe3: {  	v3 =	vperm.xlane v3, v2;
	v4 =	vadd.s32 v1, v4;
	_ =	sdelay $0x1  }
0xe4: {  	v3 =	vadd.s32 v1, v3;
	_ =	sdelay $0x1  }
0xe5: {  	s20 =	simm.s32 $0x2400  }
0xe6: {  	[tilespmem:s20], [sflag:$0x1] =	stream.indirect_vreg.gather [hbm4b:s3+s2], $0x80, v4, vm0, $0xb8;
	[tilespmem:$0x11400] =	vst v63  }
0xe7: {  	s20 =	simm.s32 $0x2C00  }
0xe8: {  	[tilespmem:s20], [sflag:$0x1] =	stream.indirect_vreg.gather [hbm4b:s3+s2], $0x80, v3, vm0, $0xb8;
	[tilespmem:$0x11400] =	vst v63  }
0xe9: {  	v3 =	vld [tilespmem:s18+$0x60];
	_ =	sdelay $0x4  }
0xea: {  	v58 =	vshll.u32 v3, $0x1  }
0xeb: {  	v3 =	vand.u32 $0x7, v3;
	v4 =	vand.u32 $0xFFFFFFF0, v58  }
0xec: {  	v3 =	vor.u32 v3, v4  }
0xed: {  	v4 =	vperm.xlane v3, v0;
	_ =	sdelay $0x1  }
0xee: {  	v3 =	vperm.xlane v3, v2;
	v4 =	vadd.s32 v1, v4;
	_ =	sdelay $0x1  }
0xef: {  	v3 =	vadd.s32 v1, v3;
	_ =	sdelay $0x1  }
0xf0: {  	s20 =	simm.s32 $0x3400  }
0xf1: {  	[tilespmem:s20], [sflag:$0x1] =	stream.indirect_vreg.gather [hbm4b:s3+s2], $0x80, v4, vm0, $0xb8;
	[tilespmem:$0x11400] =	vst v63  }
0xf2: {  	s20 =	simm.s32 $0x3C00  }
0xf3: {  	[tilespmem:s20], [sflag:$0x1] =	stream.indirect_vreg.gather [hbm4b:s3+s2], $0x80, v3, vm0, $0xb8;
	[tilespmem:$0x11400] =	vst v63  }
0xf4: {  	v3 =	vld [tilespmem:s18+$0x70];
	_ =	sdelay $0x4  }
0xf5: {  	v59 =	vshll.u32 v3, $0x1  }
0xf6: {  	v3 =	vand.u32 $0x7, v3;
	v4 =	vand.u32 $0xFFFFFFF0, v59  }
0xf7: {  	v3 =	vor.u32 v3, v4  }
0xf8: {  	v4 =	vperm.xlane v3, v0;
	_ =	sdelay $0x1  }
0xf9: {  	v3 =	vperm.xlane v3, v2;
	v4 =	vadd.s32 v1, v4;
	_ =	sdelay $0x1  }
0xfa: {  	v3 =	vadd.s32 v1, v3;
	_ =	sdelay $0x1  }
0xfb: {  	s20 =	simm.s32 $0x4400  }
0xfc: {  	[tilespmem:s20], [sflag:$0x1] =	stream.indirect_vreg.gather [hbm4b:s3+s2], $0x80, v4, vm0, $0xb8;
	[tilespmem:$0x11400] =	vst v63  }
0xfd: {  	s20 =	simm.s32 $0x4C00  }
0xfe: {  	[tilespmem:s20], [sflag:$0x1] =	stream.indirect_vreg.gather [hbm4b:s3+s2], $0x80, v3, vm0, $0xb8;
	[tilespmem:$0x11400] =	vst v63  }
0xff: {  	v3 =	vld [tilespmem:s18+$0x80];
	_ =	sdelay $0x4  }
0x100: {  	v60 =	vshll.u32 v3, $0x1  }
0x101: {  	v3 =	vand.u32 $0x7, v3;
	v4 =	vand.u32 $0xFFFFFFF0, v60  }
0x102: {  	v3 =	vor.u32 v3, v4  }
0x103: {  	v4 =	vperm.xlane v3, v0;
	_ =	sdelay $0x1  }
0x104: {  	v3 =	vperm.xlane v3, v2;
	v4 =	vadd.s32 v1, v4;
	_ =	sdelay $0x1  }
0x105: {  	v3 =	vadd.s32 v1, v3;
	_ =	sdelay $0x1  }
0x106: {  	s20 =	simm.s32 $0x5400  }
0x107: {  	[tilespmem:s20], [sflag:$0x1] =	stream.indirect_vreg.gather [hbm4b:s3+s2], $0x80, v4, vm0, $0xb8;
	[tilespmem:$0x11400] =	vst v63  }
0x108: {  	s20 =	simm.s32 $0x5C00  }
0x109: {  	[tilespmem:s20], [sflag:$0x1] =	stream.indirect_vreg.gather [hbm4b:s3+s2], $0x80, v3, vm0, $0xb8;
	[tilespmem:$0x11400] =	vst v63  }
0x10a: {  	v3 =	vld [tilespmem:s18+$0x90];
	_ =	sdelay $0x4  }
0x10b: {  	v61 =	vshll.u32 v3, $0x1  }
0x10c: {  	v3 =	vand.u32 $0x7, v3;
	v4 =	vand.u32 $0xFFFFFFF0, v61  }
0x10d: {  	v3 =	vor.u32 v3, v4  }
0x10e: {  	v4 =	vperm.xlane v3, v0;
	_ =	sdelay $0x1  }
0x10f: {  	v3 =	vperm.xlane v3, v2;
	v4 =	vadd.s32 v1, v4;
	_ =	sdelay $0x1  }
0x110: {  	v3 =	vadd.s32 v1, v3;
	_ =	sdelay $0x1  }
0x111: {  	s20 =	simm.s32 $0x6400  }
0x112: {  	[tilespmem:s20], [sflag:$0x1] =	stream.indirect_vreg.gather [hbm4b:s3+s2], $0x80, v4, vm0, $0xb8;
	[tilespmem:$0x11400] =	vst v63  }
0x113: {  	s20 =	simm.s32 $0x6C00  }
0x114: {  	[tilespmem:s20], [sflag:$0x1] =	stream.indirect_vreg.gather [hbm4b:s3+s2], $0x80, v3, vm0, $0xb8;
	[tilespmem:$0x11400] =	vst v63  }
0x115: {  	v3 =	vld [tilespmem:s18+$0xA0];
	_ =	sdelay $0x4  }
0x116: {  	v62 =	vshll.u32 v3, $0x1  }
0x117: {  	v3 =	vand.u32 $0x7, v3;
	v4 =	vand.u32 $0xFFFFFFF0, v62  }
0x118: {  	v3 =	vor.u32 v3, v4  }
0x119: {  	v4 =	vperm.xlane v3, v0;
	_ =	sdelay $0x1  }
0x11a: {  	v3 =	vperm.xlane v3, v2;
	v4 =	vadd.s32 v1, v4;
	_ =	sdelay $0x1  }
0x11b: {  	v3 =	vadd.s32 v1, v3;
	_ =	sdelay $0x2  }
0x11c: {  	[tilespmem:s21], [sflag:$0x1] =	stream.indirect_vreg.gather [hbm4b:s3+s2], $0x80, v4, vm0, $0xb8;
	[tilespmem:$0x11400] =	vst v63  }
0x11d: {  	_ = 	snop  }
0x11e: {  	[tilespmem:s22], [sflag:$0x1] =	stream.indirect_vreg.gather [hbm4b:s3+s2], $0x80, v3, vm0, $0xb8;
	[tilespmem:$0x11400] =	vst v63  }
0x11f: {  	v3 =	vld [tilespmem:s18+$0xB0];
	_ =	sdelay $0x4  }
0x120: {  	v63 =	vshll.u32 v3, $0x1  }
0x121: {  	v3 =	vand.u32 $0x7, v3;
	v4 =	vand.u32 $0xFFFFFFF0, v63  }
0x122: {  	v3 =	vor.u32 v3, v4  }
0x123: {  	v4 =	vperm.xlane v3, v0;
	_ =	sdelay $0x1  }
0x124: {  	v3 =	vperm.xlane v3, v2;
	v4 =	vadd.s32 v1, v4;
	_ =	sdelay $0x1  }
0x125: {  	v3 =	vadd.s32 v1, v3  }
.Ltmp5:
0x126: {  	_ = 	snop;
	(pc) =	sbr.rel .LBB2_4-.Ltmp5, $4  }
0x127: {  	_ = 	snop  }
0x128: {  	[tilespmem:s23], [sflag:$0x1] =	stream.indirect_vreg.gather [hbm4b:s3+s2], $0x80, v4, vm0, $0xb8;
	[tilespmem:$0x11400] =	vst v63  }
0x129: {  	_ = 	snop  }
0x12a: {  	[tilespmem:s24], [sflag:$0x1] =	stream.indirect_vreg.gather [hbm4b:s3+s2], $0x80, v3, vm0, $0xb8;
	[tilespmem:$0x11400] =	vst v63  }
.LBB2_6:
0x12b: {  	_ =	sfence.sel $0x180000  }
0x12c: {  	[bflag:$0x0] =	sbarrier.arrive $0xFFFF  }
0x12d: {  	_ =	strace $0x9000004D  }
0x12e: {  	s0 =	stileid.u32;
	[bflag:$0x2] =	sbarrier.arrive $0xFFFF  }
0x12f: {  	p0 =	sne.s32 s0, $0x0;
	s0 =	rddreg [dreg:$0x1]  }
0x130: {  	s0 =	sadd.s32 @!p0 $0x100000, s0  }
0x131: {  	[sflag:s0] =	ssyncadd.tile.s32 @!p0 $0x1;
	_ =	shalt  }
.Lfunc_end2:
_tile_overlayer_lowered:
.L_overlay_start_2:
0x132: {  	(tag) =	ssettag $0x2  }
0x133: {  	s0 =	rddreg [dreg:$0x0];
	s2 =	stileid.u32  }
0x134: {  	s1 =	rddreg [dreg:$0x1];
	p0 =	sne.s32 s2, $0x0  }
0x135: {  	s3 =	rddreg [dreg:$0x2];
	[bflag:$0x3] =	sbarrier.arrive $0xFFFF;
	s2 =	simm.s32 @!p0 $0x1C03  }
0x136: {  	[timem:s3], [sflag:s2] =	dma.local @!p0 [hbm:s0], s1  }
0x137: {  	s0 =	simm.s32 @!p0 $0x3  }
0x138: {  	_ =	swait.ge @!p0 [sflag:s0], s1  }
0x139: {  	s1 =	ssub.s32 @!p0 $0x0, s1;
	[sflag:s0] =	ssyncset.done @!p0 $0x0  }
0x13a: {  	[sflag:s0] =	ssyncadd.s32 @!p0 s1  }
0x13b: {  	[bflag:$0x3] =	sbarrier.arrive $0xFFFF  }
0x13c: {  	_ =	shalt  }

// kernel: kernel.20.cloned.1.call-start
scs
__scs_entry_jumppad:
0x0: {  	(pc) =	sbr.rel $0x88, $3  }
0x1: {  	(tag) =	ssettag $0x0;
	lr =	simm.s32 $0x1  }
0x2: {  	[smem:$0x3F41] =	sst lr;
	_ =	strace $0xD0000000  }
0x3: {  	_ = 	snop  }
0x4: {  	_ = 	snop  }
0x5: {  	_ = 	snop  }
0x6: {  	_ = 	snop  }
0x7: {  	_ = 	snop  }
__scs_overlays_trampoline_lowered:
0x8: {  	[smem:$0x3F50] =	sst s0  }
0x9: {  	[smem:$0x3F51] =	sst s1  }
0xa: {  	[smem:$0x3F52] =	sst s2  }
0xb: {  	[smem:$0x3F53] =	sst s3  }
0xc: {  	[smem:$0x3F54] =	sst s4  }
0xd: {  	[smem:$0x3F55] =	sst s5  }
0xe: {  	[smem:$0x3F56] =	sst s6  }
0xf: {  	[smem:$0x3F57] =	sst s7  }
0x10: {  	[smem:$0x3F58] =	sst s8  }
0x11: {  	[smem:$0x3F59] =	sst s9;
	s0 =	simm.s32 @!p0 $0x0  }
0x12: {  	s1 =	sld [smem:$0x3F3F];
	s0 =	simm.s32 @p0 $0x1  }
0x13: {  	[smem:$0x3F5A] =	sst s0;
	s0 =	simm.s32 @!p1 $0x0  }
0x14: {  	s2 =	sld [smem:$0x3F3E];
	s0 =	simm.s32 @p1 $0x1  }
0x15: {  	[smem:$0x3F5B] =	sst s0;
	s0 =	simm.s32 @!p2 $0x0  }
0x16: {  	s3 =	sld [smem:$0x3FDB];
	s0 =	simm.s32 @p2 $0x1  }
0x17: {  	s4 =	simm.s32 $0x1BF5;
	[smem:$0x3F5D] =	sst s0  }
0x18: {  	s0 =	sld [smem:$0x3F40];
	_ =	swait.ge [sflag:s4], $0x0  }
0x19: {  	s7 =	sld [smem:$0x3F41]  }
0x1a: {  	s8 =	sadd.s32 $0xFFFFE003, lr  }
0x1b: {  	s9 =	sadd.s32 $0xFFFFFEF7, lr;
	s5 =	simm.s32 $0xFFFFFFFF;
	p2 =	slt.u32 s8, $0xFFFFF086  }
0x1c: {  	p1 =	slt.u32 s9, $0xF7A;
	s5 =	simm.s32 @!p2 $0x0  }
0x1d: {  	s5 =	simm.s32 @p1 $0x1;
	p0 =	seq.s32 s7, s2  }
0x1e: {  	s7 =	smul.u32 @!p0 $0xF7A, s2;
	p2 =	seq.s32 @!p0 s5, $0x0  }
0x1f: {  	s9 =	smul.u32 $0xF7A, s1;
	s8 =	simm.s32 @!p0 $0x1BF5;
	p2 =	por !p2, p0  }
0x20: {  	[sflag:s8] =	ssyncset.s32 @!p0 $0xFFFFF086;
	s6 =	sadd.s32 @!p0 s3, s7;
	s7 =	simm.s32 @!p0 $0x108  }
0x21: {  	s3 =	sadd.s32 s3, s9;
	s6 =	sadd.s32 @!p0 $0x88, s6;
	s7 =	simm.s32 @p2 $0x1082  }
0x22: {  	[simem:s7], [sflag:s8] =	dma.local @!p0 [hbm:s6], $0xF7A  }
0x23: {  	s9 =	sor.u32 $0xD0000000, s2;
	s6 =	simm.s32 $0x108;
	_ =	swait.ge @!p0 [sflag:s8], $0x0  }
0x24: {  	s3 =	sadd.s32 $0x88, s3;
	s6 =	simm.s32 @!p1 $0x1082;
	[sflag:s4] =	ssyncset.s32 $0xFFFFF086  }
0x25: {  	[simem:s6], [sflag:s4] =	dma.local [hbm:s3], $0xF7A  }
0x26: {  	[smem:$0x3F41] =	sst s1;
	(tag) =	ssettag s2;
	_ =	strace s9  }
0x27: {  	s1 =	sld [smem:$0x3F51]  }
0x28: {  	s2 =	sld [smem:$0x3F52]  }
0x29: {  	s4 =	sld [smem:$0x3F54]  }
0x2a: {  	p0 =	seq.s32 s5, $0x0;
	s5 =	sld [smem:$0x3F55]  }
0x2b: {  	s6 =	sld [smem:$0x3F56]  }
0x2c: {  	s7 =	sld [smem:$0x3F57]  }
0x2d: {  	s3 =	simm.s32 $0x108;
	s8 =	sld [smem:$0x3F58]  }
0x2e: {  	s3 =	simm.s32 @!p0 $0x1082;
	s9 =	sld [smem:$0x3F59]  }
0x2f: {  	lr =	sadd.s32 s0, s3;
	s0 =	sld [smem:$0x3F50]  }
0x30: {  	s3 =	sld [smem:$0x3F53]  }
0x31: {  	[smem:$0x3F5C] =	sst s10  }
0x32: {  	s10 =	sld [smem:$0x3F5A];
	_ =	sdelay $0x3  }
0x33: {  	p0 =	seq.s32 s10, $0x1;
	s10 =	sld [smem:$0x3F5C];
	_ =	sdelay $0x3  }
0x34: {  	[smem:$0x3F5C] =	sst s10  }
0x35: {  	s10 =	sld [smem:$0x3F5B];
	_ =	sdelay $0x3  }
0x36: {  	p1 =	seq.s32 s10, $0x1;
	s10 =	sld [smem:$0x3F5C];
	_ =	sdelay $0x3  }
0x37: {  	[smem:$0x3F5C] =	sst s10  }
0x38: {  	s10 =	sld [smem:$0x3F5D]  }
0x39: {  	_ = 	snop;
	(pc) =	sbr.ind lr, $3  }
0x3a: {  	_ = 	snop  }
0x3b: {  	_ = 	snop  }
0x3c: {  	p2 =	seq.s32 s10, $0x1;
	s10 =	sld [smem:$0x3F5C]  }
0x3d: {  	_ =	shalt  }
0x3e: {  	_ =	shalt  }
0x3f: {  	_ =	shalt  }
0x40: {  	_ =	shalt  }
0x41: {  	_ =	shalt  }
0x42: {  	_ =	shalt  }
0x43: {  	_ =	shalt  }
0x44: {  	_ =	shalt  }
0x45: {  	_ =	shalt  }
0x46: {  	_ =	shalt  }
0x47: {  	_ =	shalt  }
0x48: {  	_ =	shalt  }
0x49: {  	_ =	shalt  }
0x4a: {  	_ =	shalt  }
0x4b: {  	_ =	shalt  }
0x4c: {  	_ =	shalt  }
0x4d: {  	_ =	shalt  }
0x4e: {  	_ =	shalt  }
0x4f: {  	_ =	shalt  }
0x50: {  	_ =	shalt  }
0x51: {  	_ =	shalt  }
0x52: {  	_ =	shalt  }
0x53: {  	_ =	shalt  }
0x54: {  	_ =	shalt  }
0x55: {  	_ =	shalt  }
0x56: {  	_ =	shalt  }
0x57: {  	_ =	shalt  }
0x58: {  	_ =	shalt  }
0x59: {  	_ =	shalt  }
0x5a: {  	_ =	shalt  }
0x5b: {  	_ =	shalt  }
0x5c: {  	_ =	shalt  }
0x5d: {  	_ =	shalt  }
0x5e: {  	_ =	shalt  }
0x5f: {  	_ =	shalt  }
0x60: {  	_ =	shalt  }
0x61: {  	_ =	shalt  }
0x62: {  	_ =	shalt  }
0x63: {  	_ =	shalt  }
0x64: {  	_ =	shalt  }
0x65: {  	_ =	shalt  }
0x66: {  	_ =	shalt  }
0x67: {  	_ =	shalt  }
0x68: {  	_ =	shalt  }
0x69: {  	_ =	shalt  }
0x6a: {  	_ =	shalt  }
0x6b: {  	_ =	shalt  }
0x6c: {  	_ =	shalt  }
0x6d: {  	_ =	shalt  }
0x6e: {  	_ =	shalt  }
0x6f: {  	_ =	shalt  }
0x70: {  	_ =	shalt  }
0x71: {  	_ =	shalt  }
0x72: {  	_ =	shalt  }
0x73: {  	_ =	shalt  }
0x74: {  	_ =	shalt  }
0x75: {  	_ =	shalt  }
0x76: {  	_ =	shalt  }
0x77: {  	_ =	shalt  }
0x78: {  	_ =	shalt  }
0x79: {  	_ =	shalt  }
0x7a: {  	_ =	shalt  }
0x7b: {  	_ =	shalt  }
0x7c: {  	_ =	shalt  }
0x7d: {  	_ =	shalt  }
0x7e: {  	_ =	shalt  }
0x7f: {  	_ =	shalt  }
0x80: {  	_ =	shalt  }
0x81: {  	_ =	shalt  }
0x82: {  	_ =	shalt  }
0x83: {  	_ =	shalt  }
0x84: {  	_ =	shalt  }
0x85: {  	_ =	shalt  }
0x86: {  	_ =	shalt  }
0x87: {  	_ =	shalt  }
.Lfunc_end0:
.L_simem_size_0:
called_computation.3_lowered:
.L_overlay_start_0:
0x88: {  	s2 =	sld [smem:$0x3FD9]  }
0x89: {  	s3 =	sld [smem:$0x3FFE];
	_ =	sdelay $0x1  }
0x8a: {  	s1 =	srdreg.scid  }
0x8b: {  	s0 =	sand.u32 $0x1, s1  }
0x8c: {  	s14 =	sshll.u32 s0, $0xA;
	s2 =	sadd.s32 s3, s2  }
0x8d: {  	s2 =	sadd.s32 s2, s14  }
0x8e: {  	[smem:$0x3F68] =	sst s2  }
0x8f: {  	_ = 	snop  }
0x90: {  	s2 =	sld [smem:$0x3FD0];
	_ =	sdelay $0x2  }
0x91: {  	s15 =	simm.s32 $0xA;
	s4 =	simm.s32 $0x10  }
0x92: {  	[smem:s4], [sflag:s15] =	dma.local [hbm:s2], $0x1  }
0x93: {  	_ =	swait.eq [sflag:s15], $0x1  }
0x94: {  	[sflag:s15] =	ssyncset.done $0x0  }
0x95: {  	[sflag:s15] =	ssyncadd.s32 $0xFFFFFFFF  }
0x96: {  	s16 =	sld [smem:$0x11];
	(tm) =	ssettm $0x1  }
0x97: {  	s17 =	sld [smem:$0x3FFB];
	_ =	sdelay $0x3  }
0x98: {  	_ =	strace s17  }
0x99: {  	s3 =	sld [smem:$0x3FFC];
	_ =	sdelay $0x3  }
0x9a: {  	_ =	strace s3  }
0x9b: {  	s3 =	sld [smem:$0x3FFD];
	_ =	sdelay $0x3  }
0x9c: {  	_ =	strace s3  }
0x9d: {  	_ =	strace $0x8FFFFFFF  }
0x9e: {  	s18 =	sld [smem:$0x3FDB];
	_ =	sdelay $0x1  }
0x9f: {  	s19 =	simm.s32 $_scs_section_size  }
0xa0: {  	s5 =	simm.s32 $_size__tile_overlayer_lowered;
	s6 =	simm.s32 $_tile_overlayer_lowered  }
0xa1: {  	s22 =	simm.s32 $0x1BFF;
	s21 =	sshll.u32 s6, $0x1;
	s3 =	sadd.s32 s19, s18  }
0xa2: {  	s7 =	simm.s32 $0x0;
	s20 =	sshll.u32 s5, $0x1;
	s5 =	sadd.s32 s21, s3  }
0xa3: {  	[timem:s7], [sflag:s22] =	dma.local [hbm:s5], s20  }
0xa4: {  	_ =	swait.ge [sflag:s22], s20  }
0xa5: {  	s4 =	ssub.s32 $0x0, s20;
	[sflag:s22] =	ssyncset.done $0x0  }
0xa6: {  	[sflag:s22] =	ssyncadd.s32 s4;
	_ =	sdelay $0x1  }
0xa7: {  	s23 =	simm.s32 $0x1B8B  }
0xa8: {  	_ =	swait.ge [sflag:s23], $0x1  }
0xa9: {  	[sflag:s23] =	ssyncset.done $0x0  }
0xaa: {  	s25 =	simm.s32 $0x1B8E;
	s24 =	sld [smem:$0x3FFE];
	[sflag:s23] =	ssyncadd.s32 $0xFFFFFFFF  }
0xab: {  	s26 =	simm.s32 $execute0_lowered;
	[smem:$0x3FD2] =	sst s25  }
0xac: {  	s5 =	sshll.u32 s26, $0x1;
	_ =	strace $0x8000004F;
	[dreg:$0x1] =	wrdreg $0xFFFFFFFF  }
0xad: {  	s28 =	simm.s32 $_size_execute0_lowered;
	s3 =	sadd.s32 s3, s5;
	[dreg:$0x0] =	wrdreg $0x0  }
0xae: {  	s5 =	sshll.u32 s28, $0x1;
	[dreg:$0x2] =	wrdreg s3  }
0xaf: {  	[dreg:$0x3] =	wrdreg s5  }
0xb0: {  	[dreg:$0x4] =	wrdreg $0xC0  }
0xb1: {  	_ =	task [dreg:s7], $0x5FFFF  }
0xb2: {  	[dreg:$0x1] =	wrdreg $0xFFFFFFFF  }
0xb3: {  	[dreg:$0x0] =	wrdreg $0x60  }
0xb4: {  	[dreg:$0x2] =	wrdreg s16  }
0xb5: {  	[dreg:$0x3] =	wrdreg s24  }
0xb6: {  	[dreg:$0x4] =	wrdreg $0x9  }
0xb7: {  	_ =	task.clear_ibuf [dreg:s7], $0x5FFFF;
	_ =	strace $0x9000004F  }
0xb8: {  	s29 =	simm.s32 $0x9;
	_ =	strace $0x80000051  }
0xb9: {  	_ =	swait.ge [sflag:s29], $0x1  }
0xba: {  	[sflag:s29] =	ssyncadd.s32 $0xFFFFFFFF  }
0xbb: {  	_ =	strace $0x90000051  }
0xbc: {  	_ =	sfence  }
0xbd: {  	s30 =	sld [smem:$0x0];
	_ =	sdelay $0x2  }
0xbe: {  	s31 =	sshll.u32 s1, $0xD;
	s1 =	sshrl.u32 s1, $0x2  }
0xbf: {  	s3 =	sand.u32 $0x4000, s31;
	s1 =	sadd.s32 s1, s30  }
0xc0: {  	s0 =	sor.u32 s3, s0;
	s1 =	sshll.u32 s1, $0x11  }
0xc1: {  	s0 =	sor.u32 s1, s0  }
0xc2: {  	s0 =	sadd.s32 $0x8F2B, s0  }
0xc3: {  	[sflag:s0] =	ssyncadd.remote.s32 $0x1  }
0xc4: {  	_ =	sfence.sel $0xFFFF  }
0xc5: {  	[dreg:$0x0] =	wrdreg $0xFFFFFFFF;
	(pc) =	sbr.abs _section_cstart, $3  }
0xc6: {  	[dreg:$0x1] =	wrdreg $0xFFFFFFFF  }
0xc7: {  	_ =	task.clear_ibuf [dreg:s7], $0x2FFFF;
	_ =	strace $0x9FFFFFFF  }
0xc8: {  	(tm) =	ssettm $0x7FFFFFFF  }
0xc9: {  	_ =	shalt  }
tec
execute0_lowered:
.L_overlay_start_1:
0x0: {  	(tag) =	ssettag $0x1  }
0x1: {  	s2 =	rddreg [dreg:$0x0];
	s1 =	srdreg.scid  }
0x2: {  	s0 =	stileid.u32;
	s4 =	rddreg [dreg:$0x1];
	s3 =	simm.s32 $0x0  }
0x3: {  	s13 =	simm.s32 $0x5400;
	s14 =	simm.s32 $0x1;
	s15 =	simm.s32 $0x2  }
0x4: {  	s16 =	simm.s32 $0x1380;
	s17 =	simm.s32 $0x0;
	s9 =	smul.u32 $0x50, s0  }
0x5: {  	s7 =	sand.u32 $0x1, s1;
	s1 =	rddreg [dreg:$0x2];
	s29 =	smul.u32 $0x28000, s0  }
0x6: {  	s5 =	sshll.u32 s0, $0x1;
	[smem:$0x7FF] =	sst s3;
	s11 =	smul.u32 $0x28, s7  }
0x7: {  	s12 =	sadd.s32 $0x3DE00, s4;
	s5 =	sor.u32 s7, s5;
	s30 =	smul.u32 $0x14000, s7  }
0x8: {  	_ =	strace $0x80000050;
	s8 =	ssub.s32 $0x2, s7;
	s6 =	smul.u32 $0x280, s5  }
0x9: {  	s10 =	sshrl.u32 s8, $0x1;
	s25 =	smul.u32 $0x14000, s5;
	s31 =	sadd.s32 s29, s12  }
0xa: {  	s8 =	ssub.s32 s8, s10;
	s26 =	sadd.s32 s11, s9;
	s10 =	simm.s32 $0x3  }
0xb: {  	s11 =	simm.s32 $0x1400;
	s6 =	sadd.s32 s6, s4;
	s5 =	smax.u32 s8, $0x1  }
0xc: {  	s28 =	sadd.s32 s12, s25;
	s9 =	sshll.u32 s26, $0xB;
	s4 =	sadd.s32 $0x38E00, s6  }
0xd: {  	s6 =	sadd.s32 $0x13000, s28;
	s9 =	sadd.s32 s9, s12;
	s7 =	sadd.s32 $0x13800, s28  }
0xe: {  	s12 =	simm.s32 $0x80;
	s8 =	sadd.s32 $0x800, s9;
	s9 =	sadd.s32 s30, s31  }
.LBB2_1:
0xf: {  	[tilespmem:s3], [sflag:$0x3] =	stream.linear.gather [hbm4b:s4+s3], $0x1400, $0x38;
	[tilespmem:$0x9400] =	vst v63  }
0x10: {  	_ =	swait.ge [sflag:s10], $0x1400  }
0x11: {  	[sflag:s10] =	ssyncset.done $0x0  }
0x12: {  	[sflag:s10] =	ssyncadd.s32 $0xFFFFEC00  }
0x13: {  	[tilespmem:s11], [sflag:$0x1] =	stream.indirect.gather [hbm4b:s2+s12], $0x80, s3, s12, $0xb8;
	[tilespmem:$0x9400] =	vst v63  }
0x14: {  	_ = 	snop  }
0x15: {  	[tilespmem:s13], [sflag:$0x2] =	stream.indirect.gather [hbm4b:s2+s12], $0x80, s12, s12, $0xb8;
	[tilespmem:$0x9400] =	vst v63  }
0x16: {  	_ =	swait.ge [sflag:s14], $0x4000  }
0x17: {  	[sflag:s14] =	ssyncset.done $0x0  }
0x18: {  	s18 =	sadd.s32 $0x0, s9;
	[sflag:s14] =	ssyncadd.s32 $0xFFFFC000  }
0x19: {  	[hbm4b:s18+s3] =	stream.linear.scatter [tilespmem:s11], [sflag:$0x3], $0x4000, $0x38;
	[tilespmem:$0x9400] =	vst v63  }
0x1a: {  	_ =	swait.ge [sflag:s10], $0x4000  }
0x1b: {  	[sflag:s10] =	ssyncset.done $0x0  }
0x1c: {  	s30 =	simm.s32 $0x100;
	[sflag:s10] =	ssyncadd.s32 $0xFFFFC000  }
0x1d: {  	[tilespmem:s11], [sflag:$0x1] =	stream.indirect.gather [hbm4b:s2+s12], $0x80, s30, s12, $0xb8;
	[tilespmem:$0x9400] =	vst v63  }
0x1e: {  	_ =	swait.ge [sflag:s15], $0x4000  }
0x1f: {  	[sflag:s15] =	ssyncset.done $0x0  }
0x20: {  	s31 =	sadd.s32 $0x0, s8;
	[sflag:s15] =	ssyncadd.s32 $0xFFFFC000  }
0x21: {  	[hbm4b:s31+s3] =	stream.linear.scatter [tilespmem:s13], [sflag:$0x3], $0x4000, $0x38;
	[tilespmem:$0x9400] =	vst v63  }
0x22: {  	_ =	swait.ge [sflag:s10], $0x4000  }
0x23: {  	s19 =	simm.s32 $0x80;
	s18 =	simm.s32 $0x1000;
	[sflag:s10] =	ssyncset.done $0x0  }
.LBB2_2:
0x24: {  	p0 =	sne.s32 s18, $0x12000;
	[sflag:s10] =	ssyncadd.s32 $0xFFFFC000;
	s19 =	sadd.s32 $0x100, s19  }
0x25: {  	[tilespmem:s13], [sflag:$0x2] =	stream.indirect.gather [hbm4b:s2+s12], $0x80, s19, s12, $0xb8;
	[tilespmem:$0x9400] =	vst v63  }
0x26: {  	s20 =	smov.u32 s18;
	s18 =	sadd.s32 $0x1000, s18;
	_ =	swait.ge [sflag:s14], $0x4000  }
0x27: {  	[sflag:s14] =	ssyncset.done $0x0  }
0x28: {  	s21 =	sadd.s32 s20, s9;
	[sflag:s14] =	ssyncadd.s32 $0xFFFFC000  }
0x29: {  	[hbm4b:s21+s3] =	stream.linear.scatter [tilespmem:s11], [sflag:$0x3], $0x4000, $0x38;
	[tilespmem:$0x9400] =	vst v63  }
0x2a: {  	_ =	swait.ge [sflag:s10], $0x4000  }
0x2b: {  	[sflag:s10] =	ssyncset.done $0x0  }
0x2c: {  	s21 =	sadd.s32 $0x80, s19;
	[sflag:s10] =	ssyncadd.s32 $0xFFFFC000  }
0x2d: {  	[tilespmem:s11], [sflag:$0x1] =	stream.indirect.gather [hbm4b:s2+s12], $0x80, s21, s12, $0xb8;
	[tilespmem:$0x9400] =	vst v63  }
0x2e: {  	_ =	swait.ge [sflag:s15], $0x4000  }
.Ltmp0:
0x2f: {  	[sflag:s15] =	ssyncset.done $0x0;
	(pc) =	sbr.rel @p0 .LBB2_2-.Ltmp0, $4  }
0x30: {  	s20 =	sadd.s32 s20, s8;
	[sflag:s15] =	ssyncadd.s32 $0xFFFFC000  }
0x31: {  	[hbm4b:s20+s3] =	stream.linear.scatter [tilespmem:s13], [sflag:$0x3], $0x4000, $0x38;
	[tilespmem:$0x9400] =	vst v63  }
0x32: {  	_ =	swait.ge [sflag:s10], $0x4000  }
0x33: {  	[sflag:s10] =	ssyncset.done $0x0  }
0x34: {  	[sflag:s10] =	ssyncadd.s32 $0xFFFFC000  }
0x35: {  	[tilespmem:s13], [sflag:$0x2] =	stream.indirect.gather [hbm4b:s2+s12], $0x80, s16, s12, $0xb8;
	[tilespmem:$0x9400] =	vst v63  }
0x36: {  	_ =	swait.ge [sflag:s14], $0x4000  }
0x37: {  	[sflag:s14] =	ssyncset.done $0x0  }
0x38: {  	[sflag:s14] =	ssyncadd.s32 $0xFFFFC000  }
0x39: {  	[hbm4b:s6+s3] =	stream.linear.scatter [tilespmem:s11], [sflag:$0x3], $0x4000, $0x38;
	[tilespmem:$0x9400] =	vst v63  }
0x3a: {  	_ =	swait.ge [sflag:s10], $0x4000  }
0x3b: {  	[sflag:s10] =	ssyncset.done $0x0  }
0x3c: {  	[sflag:s10] =	ssyncadd.s32 $0xFFFFC000  }
0x3d: {  	s17 =	sadd.s32 $0x1, s17;
	_ =	swait.ge [sflag:s15], $0x4000  }
0x3e: {  	p0 =	sne.s32 s17, s5;
	[sflag:s15] =	ssyncset.done $0x0  }
.Ltmp1:
0x3f: {  	[sflag:s15] =	ssyncadd.s32 $0xFFFFC000;
	(pc) =	sbr.rel @p0 .LBB2_1-.Ltmp1, $4  }
0x40: {  	[hbm4b:s7+s3] =	stream.linear.scatter [tilespmem:s13], [sflag:$0x3], $0x4000, $0x38;
	[tilespmem:$0x9400] =	vst v63  }
0x41: {  	_ =	swait.ge [sflag:s10], $0x4000  }
0x42: {  	[sflag:s10] =	ssyncset.done $0x0  }
0x43: {  	[sflag:s10] =	ssyncadd.s32 $0xFFFFC000  }
0x44: {  	_ =	sfence.sel $0x180000  }
0x45: {  	[bflag:$0x0] =	sbarrier.arrive $0xFFFF  }
0x46: {  	p0 =	sne.s32 s0, $0x0;
	_ =	strace $0x90000050  }
0x47: {  	s0 =	sadd.s32 @!p0 $0x100000, s1;
	[bflag:$0x2] =	sbarrier.arrive $0xFFFF  }
0x48: {  	[sflag:s0] =	ssyncadd.tile.s32 @!p0 $0x1;
	_ =	shalt  }
.Lfunc_end2:
_tile_overlayer_lowered:
.L_overlay_start_2:
0x49: {  	(tag) =	ssettag $0x2  }
0x4a: {  	s0 =	rddreg [dreg:$0x0];
	s2 =	stileid.u32  }
0x4b: {  	s1 =	rddreg [dreg:$0x1];
	p0 =	sne.s32 s2, $0x0  }
0x4c: {  	s3 =	rddreg [dreg:$0x2];
	[bflag:$0x3] =	sbarrier.arrive $0xFFFF;
	s2 =	simm.s32 @!p0 $0x1C03  }
0x4d: {  	[timem:s3], [sflag:s2] =	dma.local @!p0 [hbm:s0], s1  }
0x4e: {  	s0 =	simm.s32 @!p0 $0x3  }
0x4f: {  	_ =	swait.ge @!p0 [sflag:s0], s1  }
0x50: {  	s1 =	ssub.s32 @!p0 $0x0, s1;
	[sflag:s0] =	ssyncset.done @!p0 $0x0  }
0x51: {  	[sflag:s0] =	ssyncadd.s32 @!p0 s1  }
0x52: {  	[bflag:$0x3] =	sbarrier.arrive $0xFFFF  }
0x53: {  	_ =	shalt  }

</sc_bundles>
